<compile_context>
chip_gen: v7x
topology: tpu7x:2x2x1
jax: 0.10.2.dev20260603
libtpu: 0.0.44.dev20260713+nightly
codegen_flags: <defaults>
</compile_context>

<pallas_src>
import functools

import jax
import jax.numpy as jnp
import numpy as np
from jax import lax
from jax.experimental import pallas as pl
from jax.experimental.pallas import tpu as pltpu
from jax.experimental.pallas import tpu_sc as plsc

_B = 64
_LF = 1025
_D = 192
_KP = 513
_SH = 24
_DT = _D // _SH
_NG = 32
_IPAD = 640


def _threefry_bits(k1, k2, n):
    x0 = np.zeros(n, np.uint32)
    x1 = np.arange(n, dtype=np.uint32)
    rotations = [(13, 15, 26, 6), (17, 29, 16, 24)]
    ks = [np.uint32(k1), np.uint32(k2),
          np.uint32(k1) ^ np.uint32(k2) ^ np.uint32(0x1BD11BDA)]

    def rounds(x0, x1, rs):
        for r in rs:
            x0 = (x0 + x1).astype(np.uint32)
            x1 = ((x1 << np.uint32(r)) | (x1 >> np.uint32(32 - r))).astype(
                np.uint32) ^ x0
        return x0, x1

    x0 = (x0 + ks[0]).astype(np.uint32)
    x1 = (x1 + ks[1]).astype(np.uint32)
    add = [(ks[1], ks[2], 1), (ks[2], ks[0], 2), (ks[0], ks[1], 3),
           (ks[1], ks[2], 4), (ks[2], ks[0], 5)]
    for i, (a0, a1, c) in enumerate(add):
        x0, x1 = rounds(x0, x1, rotations[i % 2])
        x0 = (x0 + a0).astype(np.uint32)
        x1 = (x1 + a1 + np.uint32(c)).astype(np.uint32)
    return x0 ^ x1


def _tok_indices_np():
    vals = (_threefry_bits(0, 42, _B * (_LF - 1)) >> np.uint32(9))
    vals = vals.reshape(_B, _LF - 1)
    keep = np.argsort(-vals.astype(np.int64), axis=1, kind="stable")
    keep = keep[:, : _KP - 1].astype(np.int32)
    tok = np.zeros((_B, _IPAD), np.int32)
    tok[:, 1:_KP] = keep + 1
    return tok.reshape(_B * _IPAD)


_TOK = _tok_indices_np()


@functools.lru_cache(maxsize=1)
def _build():
    mesh = plsc.VectorSubcoreMesh(core_axis_name="c", subcore_axis_name="s")

    @functools.partial(
        pl.kernel,
        mesh=mesh,
        compiler_params=pltpu.CompilerParams(
            use_tc_tiling_on_sc=True, needs_layout_passes=False
        ),
        out_type=jax.ShapeDtypeStruct((_B, _D, _KP), jnp.float32),
        scratch_types=[
            pltpu.VMEM((_IPAD,), jnp.int32),
            pltpu.VMEM((_SH, _LF), jnp.float32),
            pltpu.VMEM((_SH, _LF), jnp.float32),
            pltpu.VMEM((_SH, _KP), jnp.float32),
            pltpu.VMEM((_SH, _KP), jnp.float32),
            pltpu.SemaphoreType.DMA,
            pltpu.SemaphoreType.DMA,
            pltpu.SemaphoreType.DMA,
            pltpu.SemaphoreType.DMA,
        ],
    )
    def gather_kernel(
        x_hbm, tok_hbm, out_hbm,
        idx_v, slab_a, slab_b, oslab_a, oslab_b, s_ia, s_ib, s_oa, s_ob,
    ):
        wid = lax.axis_index("s") * 2 + lax.axis_index("c")
        lane = lax.iota(jnp.int32, 16)
        mask0 = lane == 0

        def in_copy(b, dt, slab, sem):
            r0 = pl.multiple_of(dt * _SH, 8)
            return pltpu.make_async_copy(x_hbm.at[b, pl.ds(r0, _SH), :], slab, sem)

        def out_copy(b, dt, oslab, sem):
            r0 = pl.multiple_of(dt * _SH, 8)
            return pltpu.make_async_copy(oslab, out_hbm.at[b, pl.ds(r0, _SH), :], sem)

        def compute(slab, oslab):
            @plsc.parallel_loop(0, _NG, step=1, unroll=2)
            def _(g):
                j0 = pl.multiple_of(g * 16, 16)
                tok_vec = idx_v[pl.ds(j0, 16)]
                for s in range(_SH):
                    svec = jnp.full((16,), s, jnp.int32)
                    vals = plsc.load_gather(slab, [svec, tok_vec])
                    oslab[s, pl.ds(j0, 16)] = vals
            tok_tail = idx_v[pl.ds(_KP - 1, 16)]
            l_tail = jnp.full((16,), _KP - 1, jnp.int32)
            for s in range(_SH):
                svec = jnp.full((16,), s, jnp.int32)
                vals = plsc.load_gather(slab, [svec, tok_tail])
                plsc.store_scatter(oslab, [svec, l_tail], vals, mask=mask0)

        for bb in range(2):
            b = wid * 2 + bb
            pltpu.sync_copy(tok_hbm.at[pl.ds(b * _IPAD, _IPAD)], idx_v)
            in_copy(b, 0, slab_a, s_ia).start()

            def i_body(i, c):
                dt_a = i * 2
                dt_b = dt_a + 1
                in_copy(b, dt_a, slab_a, s_ia).wait()
                in_copy(b, dt_b, slab_b, s_ib).start()

                @pl.when(i > 0)
                def _():
                    out_copy(b, dt_a - 2, oslab_a, s_oa).wait()

                compute(slab_a, oslab_a)
                out_copy(b, dt_a, oslab_a, s_oa).start()

                in_copy(b, dt_b, slab_b, s_ib).wait()
                nxt = jnp.minimum(dt_b + 1, _DT - 1)
                in_copy(b, nxt, slab_a, s_ia).start()

                @pl.when(i > 0)
                def _():
                    out_copy(b, dt_b - 2, oslab_b, s_ob).wait()

                compute(slab_b, oslab_b)
                out_copy(b, dt_b, oslab_b, s_ob).start()
                return c

            lax.fori_loop(0, _DT // 2, i_body, 0, unroll=False)
            in_copy(b, _DT - 1, slab_a, s_ia).wait()
            out_copy(b, _DT - 2, oslab_a, s_oa).wait()
            out_copy(b, _DT - 1, oslab_b, s_ob).wait()

    return gather_kernel


def kernel(x):
    out_t = _build()(x.transpose(0, 2, 1), _TOK)
    return out_t.transpose(0, 2, 1)

# --- scband reference (transcript-rebuilt; emitter-appended) ---
"""Pipeline reference for scband-patch-dropout-37134287241633 (READ-ONLY COPY).

The authoritative reference and input builder live on the scoring server;
editing this copy changes nothing except your own understanding.
"""

import jax, jax.numpy as jnp
import numpy as np

PROB = 0.5
NUM_PREFIX_TOKENS = 1


def setup_inputs(seed: int = 0) -> dict:
    key = jax.random.key(seed)
    x = jax.random.normal(key, (64, 1025, 192), dtype=jnp.float32)
    return {"x": x}


def reference(x):
    # training-mode PatchDropout with prob=0.5, num_prefix_tokens=1
    prefix_tokens = x[:, :NUM_PREFIX_TOKENS]
    xp = x[:, NUM_PREFIX_TOKENS:]
    B, L = xp.shape[0], xp.shape[1]
    num_keep = max(1, int(L * (1.0 - PROB)))
    # random scores (deterministic key for reproducibility; torch uses torch.randn)
    rand = jax.random.normal(jax.random.key(42), (B, L), dtype=jnp.float32)
    _, keep_indices = jax.lax.top_k(rand, num_keep)  # [B, num_keep]
    # gather along token dimension, broadcast over feature dims
    idx = keep_indices[:, :, None]  # [B, num_keep, 1]
    gathered = jnp.take_along_axis(xp, idx, axis=1)  # [B, num_keep, D]
    out = jnp.concatenate([prefix_tokens, gathered], axis=1)
    return out

if __name__ == "__main__":
    import jax
    _d = setup_inputs()
    print(jax.jit(kernel)(*tuple(_d.values())))

</pallas_src>

<mosaic_0001>
#map = affine_map<(d0, d1) -> (0, 0, 0)>
#map1 = affine_map<(d0, d1) -> (0)>
module attributes {stable_mosaic.version = 14 : i64} {
  func.func @gather_kernel(%arg0: i32, %arg1: i32, %arg2: memref<64x192x1025xf32, #tpu.memory_space<hbm>>, %arg3: memref<40960xi32, #tpu.memory_space<hbm>>, %arg4: memref<64x192x513xf32, #tpu.memory_space<hbm>>, %arg5: memref<640xi32, #tpu.memory_space<vmem>>, %arg6: memref<24x1025xf32, #tpu.memory_space<vmem>>, %arg7: memref<24x1025xf32, #tpu.memory_space<vmem>>, %arg8: memref<24x513xf32, #tpu.memory_space<vmem>>, %arg9: memref<24x513xf32, #tpu.memory_space<vmem>>, %arg10: memref<!tpu.dma_semaphore, #tpu.memory_space<semaphore_mem>>, %arg11: memref<!tpu.dma_semaphore, #tpu.memory_space<semaphore_mem>>, %arg12: memref<!tpu.dma_semaphore, #tpu.memory_space<semaphore_mem>>, %arg13: memref<!tpu.dma_semaphore, #tpu.memory_space<semaphore_mem>>) attributes {dimension_semantics = [#tpu.dimension_semantics<core_parallel>, #tpu.dimension_semantics<subcore_parallel>], iteration_bounds = array<i64: 2, 16>, scalar_prefetch = 0 : i64, scratch_operands = 9 : i64, tpu.core_type = #tpu.core_type<sc_vector_subcore>, window_params = [{transform_indices = #map}, {transform_indices = #map1}, {transform_indices = #map}]} {
    %mul3A = arith.constant 2 : i32
    %mul3A_0 = arith.muli %arg1, %mul3A : i32
    %add3A = arith.addi %mul3A_0, %arg0 : i32
    %iota3A = tpu.iota {dimensions = array<i32: 0>} : vector<16xi32>
    %eq3A = arith.constant 0 : i32
    %eq3A_1 = vector.broadcast %eq3A : i32 to vector<16xi32>
    %eq3A_2 = arith.cmpi eq, %iota3A, %eq3A_1 : vector<16xi32>
    %mul3A_3 = arith.constant 2 : i32
    %mul3A_4 = arith.muli %add3A, %mul3A_3 : i32
    %add3A_5 = arith.constant 0 : i32
    %add3A_6 = arith.addi %mul3A_4, %add3A_5 : i32
    %mul3A_7 = arith.constant 640 : i32
    %mul3A_8 = arith.muli %add3A_6, %mul3A_7 : i32
    "tpu.region"() ({
      %run_scoped3A = tpu.sem_alloc : memref<!tpu.dma_semaphore, #tpu.memory_space<semaphore_mem>>
      %dma_start3A_87 = tpu.memref_slice %arg3[%mul3A_8] : memref<40960xi32, #tpu.memory_space<hbm>> -> memref<640xi32, #tpu.memory_space<hbm>>
      %dma_start3A_88 = tpu.memref_slice %arg3[%mul3A_8] : memref<40960xi32, #tpu.memory_space<hbm>> -> memref<640xi32, #tpu.memory_space<hbm>>
      tpu.enqueue_dma source(%dma_start3A_88 : memref<640xi32, #tpu.memory_space<hbm>>) target(%arg5 : memref<640xi32, #tpu.memory_space<vmem>>) target_semaphore(%run_scoped3A : memref<!tpu.dma_semaphore, #tpu.memory_space<semaphore_mem>>)
      %dma_wait3A_89 = tpu.memref_slice %arg3[%mul3A_8] : memref<40960xi32, #tpu.memory_space<hbm>> -> memref<640xi32, #tpu.memory_space<hbm>>
      %dma_wait3A_90 = tpu.memref_slice %arg3[%mul3A_8] : memref<40960xi32, #tpu.memory_space<hbm>> -> memref<640xi32, #tpu.memory_space<hbm>>
      tpu.wait_dma2 semaphore(%run_scoped3A : memref<!tpu.dma_semaphore, #tpu.memory_space<semaphore_mem>>) src(%dma_wait3A_90 : memref<640xi32, #tpu.memory_space<hbm>>) dst(%arg5 : memref<640xi32, #tpu.memory_space<vmem>>)
      tpu.yield
    }) : () -> ()
    %multiple_of3A = arith.constant 0 : i32
    %multiple_of3A_9 = tpu.assume_multiple %multiple_of3A, 8 : i32
    %dma_start3A = arith.constant 0 : i32
    %dma_start3A_10 = tpu.memref_slice %arg2[%add3A_6, %multiple_of3A_9, %dma_start3A] : memref<64x192x1025xf32, #tpu.memory_space<hbm>> -> memref<1x24x1025xf32, #tpu.memory_space<hbm>>
    %dma_start3A_11 = tpu.memref_squeeze %dma_start3A_10 : memref<1x24x1025xf32, #tpu.memory_space<hbm>> -> memref<24x1025xf32, #tpu.memory_space<hbm>>
    %dma_start3A_12 = arith.constant 0 : i32
    %dma_start3A_13 = tpu.memref_slice %arg2[%add3A_6, %multiple_of3A_9, %dma_start3A_12] : memref<64x192x1025xf32, #tpu.memory_space<hbm>> -> memref<1x24x1025xf32, #tpu.memory_space<hbm>>
    %dma_start3A_14 = tpu.memref_squeeze %dma_start3A_13 : memref<1x24x1025xf32, #tpu.memory_space<hbm>> -> memref<24x1025xf32, #tpu.memory_space<hbm>>
    tpu.enqueue_dma source(%dma_start3A_14 : memref<24x1025xf32, #tpu.memory_space<hbm>>) target(%arg6 : memref<24x1025xf32, #tpu.memory_space<vmem>>) target_semaphore(%arg10 : memref<!tpu.dma_semaphore, #tpu.memory_space<semaphore_mem>>)
    %scan3A = arith.constant 0 : i32
    %scan3A_15 = arith.constant 0 : i32
    %scan3A_16 = arith.constant 4 : i32
    %scan3A_17 = arith.addi %scan3A_15, %scan3A_16 : i32
    %scan3A_18 = arith.constant 1 : i32
    scf.for %scan3A_87 = %scan3A_15 to %scan3A_17 step %scan3A_18  : i32 {
      %mul3A_88 = arith.constant 2 : i32
      %mul3A_89 = arith.muli %scan3A_87, %mul3A_88 : i32
      %add3A_90 = arith.constant 1 : i32
      %add3A_91 = arith.addi %mul3A_89, %add3A_90 : i32
      %mul3A_92 = arith.constant 24 : i32
      %mul3A_93 = arith.muli %mul3A_89, %mul3A_92 : i32
      %multiple_of3A_94 = tpu.assume_multiple %mul3A_93, 8 : i32
      %dma_wait3A_95 = arith.constant 0 : i32
      %dma_wait3A_96 = tpu.memref_slice %arg2[%add3A_6, %multiple_of3A_94, %dma_wait3A_95] : memref<64x192x1025xf32, #tpu.memory_space<hbm>> -> memref<1x24x1025xf32, #tpu.memory_space<hbm>>
      %dma_wait3A_97 = tpu.memref_squeeze %dma_wait3A_96 : memref<1x24x1025xf32, #tpu.memory_space<hbm>> -> memref<24x1025xf32, #tpu.memory_space<hbm>>
      %dma_wait3A_98 = arith.constant 0 : i32
      %dma_wait3A_99 = tpu.memref_slice %arg2[%add3A_6, %multiple_of3A_94, %dma_wait3A_98] : memref<64x192x1025xf32, #tpu.memory_space<hbm>> -> memref<1x24x1025xf32, #tpu.memory_space<hbm>>
      %dma_wait3A_100 = tpu.memref_squeeze %dma_wait3A_99 : memref<1x24x1025xf32, #tpu.memory_space<hbm>> -> memref<24x1025xf32, #tpu.memory_space<hbm>>
      tpu.wait_dma2 semaphore(%arg10 : memref<!tpu.dma_semaphore, #tpu.memory_space<semaphore_mem>>) src(%dma_wait3A_100 : memref<24x1025xf32, #tpu.memory_space<hbm>>) dst(%arg6 : memref<24x1025xf32, #tpu.memory_space<vmem>>)
      %mul3A_101 = arith.constant 24 : i32
      %mul3A_102 = arith.muli %add3A_91, %mul3A_101 : i32
      %multiple_of3A_103 = tpu.assume_multiple %mul3A_102, 8 : i32
      %dma_start3A_104 = arith.constant 0 : i32
      %dma_start3A_105 = tpu.memref_slice %arg2[%add3A_6, %multiple_of3A_103, %dma_start3A_104] : memref<64x192x1025xf32, #tpu.memory_space<hbm>> -> memref<1x24x1025xf32, #tpu.memory_space<hbm>>
      %dma_start3A_106 = tpu.memref_squeeze %dma_start3A_105 : memref<1x24x1025xf32, #tpu.memory_space<hbm>> -> memref<24x1025xf32, #tpu.memory_space<hbm>>
      %dma_start3A_107 = arith.constant 0 : i32
      %dma_start3A_108 = tpu.memref_slice %arg2[%add3A_6, %multiple_of3A_103, %dma_start3A_107] : memref<64x192x1025xf32, #tpu.memory_space<hbm>> -> memref<1x24x1025xf32, #tpu.memory_space<hbm>>
      %dma_start3A_109 = tpu.memref_squeeze %dma_start3A_108 : memref<1x24x1025xf32, #tpu.memory_space<hbm>> -> memref<24x1025xf32, #tpu.memory_space<hbm>>
      tpu.enqueue_dma source(%dma_start3A_109 : memref<24x1025xf32, #tpu.memory_space<hbm>>) target(%arg7 : memref<24x1025xf32, #tpu.memory_space<vmem>>) target_semaphore(%arg11 : memref<!tpu.dma_semaphore, #tpu.memory_space<semaphore_mem>>)
      %gt3A = arith.constant 0 : i32
      %gt3A_110 = arith.cmpi sgt, %scan3A_87, %gt3A : i32
      %convert_element_type3A = arith.extui %gt3A_110 : i1 to i32
      %cond3A = arith.constant 0 : i32
      %cond3A_111 = arith.cmpi ne, %convert_element_type3A, %cond3A : i32
      scf.if %cond3A_111 {
        %sub3A = arith.constant 2 : i32
        %sub3A_310 = arith.subi %mul3A_89, %sub3A : i32
        %mul3A_311 = arith.constant 24 : i32
        %mul3A_312 = arith.muli %sub3A_310, %mul3A_311 : i32
        %multiple_of3A_313 = tpu.assume_multiple %mul3A_312, 8 : i32
        %dma_wait3A_314 = arith.constant 0 : i32
        %dma_wait3A_315 = tpu.memref_slice %arg4[%add3A_6, %multiple_of3A_313, %dma_wait3A_314] : memref<64x192x513xf32, #tpu.memory_space<hbm>> -> memref<1x24x513xf32, #tpu.memory_space<hbm>>
        %dma_wait3A_316 = tpu.memref_squeeze %dma_wait3A_315 : memref<1x24x513xf32, #tpu.memory_space<hbm>> -> memref<24x513xf32, #tpu.memory_space<hbm>>
        %dma_wait3A_317 = arith.constant 0 : i32
        %dma_wait3A_318 = tpu.memref_slice %arg4[%add3A_6, %multiple_of3A_313, %dma_wait3A_317] : memref<64x192x513xf32, #tpu.memory_space<hbm>> -> memref<1x24x513xf32, #tpu.memory_space<hbm>>
        %dma_wait3A_319 = tpu.memref_squeeze %dma_wait3A_318 : memref<1x24x513xf32, #tpu.memory_space<hbm>> -> memref<24x513xf32, #tpu.memory_space<hbm>>
        tpu.wait_dma2 semaphore(%arg12 : memref<!tpu.dma_semaphore, #tpu.memory_space<semaphore_mem>>) src(%arg8 : memref<24x513xf32, #tpu.memory_space<vmem>>) dst(%dma_wait3A_319 : memref<24x513xf32, #tpu.memory_space<hbm>>)
      } else {
      }
      %parallel_loop3A = arith.constant 0 : i32
      %parallel_loop3A_112 = arith.constant 32 : i32
      %parallel_loop3A_113 = arith.constant 1 : i32
      scf.for %parallel_loop3A_310 = %parallel_loop3A to %parallel_loop3A_112 step %parallel_loop3A_113  : i32 {
        %parallel_loop3A_311 = arith.constant 16 : i32
        %parallel_loop3A_312 = arith.muli %parallel_loop3A_310, %parallel_loop3A_311 : i32
        %parallel_loop3A_313 = tpu.assume_multiple %parallel_loop3A_312, 16 : i32
        %parallel_loop3A_314 = arith.index_cast %parallel_loop3A_313 : i32 to index
        %parallel_loop3A_315 = tpu.vector_load %arg5[%parallel_loop3A_314] {strides = array<i32>} : memref<640xi32, #tpu.memory_space<vmem>>, vector<16xi32>,
        %parallel_loop3A_316 = arith.constant 0 : i32
        %parallel_loop3A_317 = vector.broadcast %parallel_loop3A_316 : i32 to vector<16xi32>
        %parallel_loop3A_318 = tpu.vector_load_idx %arg6[%parallel_loop3A_317, %parallel_loop3A_315] : memref<24x1025xf32, #tpu.memory_space<vmem>>[vector<16xi32>, vector<16xi32>], vector<16xf32>,
        %parallel_loop3A_319 = arith.constant 0 : i32
        %parallel_loop3A_320 = arith.index_cast %parallel_loop3A_319 : i32 to index
        %parallel_loop3A_321 = arith.index_cast %parallel_loop3A_313 : i32 to index
        %parallel_loop3A_322 = tpu.vector_load %arg8[%parallel_loop3A_320, %parallel_loop3A_321] {strides = array<i32>} : memref<24x513xf32, #tpu.memory_space<vmem>>, vector<16xf32>,
        tpu.vector_store %arg8[%parallel_loop3A_320, %parallel_loop3A_321], %parallel_loop3A_318 {strides = array<i32>} : memref<24x513xf32, #tpu.memory_space<vmem>>, vector<16xf32>,
        %parallel_loop3A_323 = arith.constant 1 : i32
        %parallel_loop3A_324 = vector.broadcast %parallel_loop3A_323 : i32 to vector<16xi32>
        %parallel_loop3A_325 = tpu.vector_load_idx %arg6[%parallel_loop3A_324, %parallel_loop3A_315] : memref<24x1025xf32, #tpu.memory_space<vmem>>[vector<16xi32>, vector<16xi32>], vector<16xf32>,
        %parallel_loop3A_326 = arith.constant 1 : i32
        %parallel_loop3A_327 = arith.index_cast %parallel_loop3A_326 : i32 to index
        %parallel_loop3A_328 = arith.index_cast %parallel_loop3A_313 : i32 to index
        %parallel_loop3A_329 = tpu.vector_load %arg8[%parallel_loop3A_327, %parallel_loop3A_328] {strides = array<i32>} : memref<24x513xf32, #tpu.memory_space<vmem>>, vector<16xf32>,
        tpu.vector_store %arg8[%parallel_loop3A_327, %parallel_loop3A_328], %parallel_loop3A_325 {strides = array<i32>} : memref<24x513xf32, #tpu.memory_space<vmem>>, vector<16xf32>,
        %parallel_loop3A_330 = arith.constant 2 : i32
        %parallel_loop3A_331 = vector.broadcast %parallel_loop3A_330 : i32 to vector<16xi32>
        %parallel_loop3A_332 = tpu.vector_load_idx %arg6[%parallel_loop3A_331, %parallel_loop3A_315] : memref<24x1025xf32, #tpu.memory_space<vmem>>[vector<16xi32>, vector<16xi32>], vector<16xf32>,
        %parallel_loop3A_333 = arith.constant 2 : i32
        %parallel_loop3A_334 = arith.index_cast %parallel_loop3A_333 : i32 to index
        %parallel_loop3A_335 = arith.index_cast %parallel_loop3A_313 : i32 to index
        %parallel_loop3A_336 = tpu.vector_load %arg8[%parallel_loop3A_334, %parallel_loop3A_335] {strides = array<i32>} : memref<24x513xf32, #tpu.memory_space<vmem>>, vector<16xf32>,
        tpu.vector_store %arg8[%parallel_loop3A_334, %parallel_loop3A_335], %parallel_loop3A_332 {strides = array<i32>} : memref<24x513xf32, #tpu.memory_space<vmem>>, vector<16xf32>,
        %parallel_loop3A_337 = arith.constant 3 : i32
        %parallel_loop3A_338 = vector.broadcast %parallel_loop3A_337 : i32 to vector<16xi32>
        %parallel_loop3A_339 = tpu.vector_load_idx %arg6[%parallel_loop3A_338, %parallel_loop3A_315] : memref<24x1025xf32, #tpu.memory_space<vmem>>[vector<16xi32>, vector<16xi32>], vector<16xf32>,
        %parallel_loop3A_340 = arith.constant 3 : i32
        %parallel_loop3A_341 = arith.index_cast %parallel_loop3A_340 : i32 to index
        %parallel_loop3A_342 = arith.index_cast %parallel_loop3A_313 : i32 to index
        %parallel_loop3A_343 = tpu.vector_load %arg8[%parallel_loop3A_341, %parallel_loop3A_342] {strides = array<i32>} : memref<24x513xf32, #tpu.memory_space<vmem>>, vector<16xf32>,
        tpu.vector_store %arg8[%parallel_loop3A_341, %parallel_loop3A_342], %parallel_loop3A_339 {strides = array<i32>} : memref<24x513xf32, #tpu.memory_space<vmem>>, vector<16xf32>,
        %parallel_loop3A_344 = arith.constant 4 : i32
        %parallel_loop3A_345 = vector.broadcast %parallel_loop3A_344 : i32 to vector<16xi32>
        %parallel_loop3A_346 = tpu.vector_load_idx %arg6[%parallel_loop3A_345, %parallel_loop3A_315] : memref<24x1025xf32, #tpu.memory_space<vmem>>[vector<16xi32>, vector<16xi32>], vector<16xf32>,
        %parallel_loop3A_347 = arith.constant 4 : i32
        %parallel_loop3A_348 = arith.index_cast %parallel_loop3A_347 : i32 to index
        %parallel_loop3A_349 = arith.index_cast %parallel_loop3A_313 : i32 to index
        %parallel_loop3A_350 = tpu.vector_load %arg8[%parallel_loop3A_348, %parallel_loop3A_349] {strides = array<i32>} : memref<24x513xf32, #tpu.memory_space<vmem>>, vector<16xf32>,
        tpu.vector_store %arg8[%parallel_loop3A_348, %parallel_loop3A_349], %parallel_loop3A_346 {strides = array<i32>} : memref<24x513xf32, #tpu.memory_space<vmem>>, vector<16xf32>,
        %parallel_loop3A_351 = arith.constant 5 : i32
        %parallel_loop3A_352 = vector.broadcast %parallel_loop3A_351 : i32 to vector<16xi32>
        %parallel_loop3A_353 = tpu.vector_load_idx %arg6[%parallel_loop3A_352, %parallel_loop3A_315] : memref<24x1025xf32, #tpu.memory_space<vmem>>[vector<16xi32>, vector<16xi32>], vector<16xf32>,
        %parallel_loop3A_354 = arith.constant 5 : i32
        %parallel_loop3A_355 = arith.index_cast %parallel_loop3A_354 : i32 to index
        %parallel_loop3A_356 = arith.index_cast %parallel_loop3A_313 : i32 to index
        %parallel_loop3A_357 = tpu.vector_load %arg8[%parallel_loop3A_355, %parallel_loop3A_356] {strides = array<i32>} : memref<24x513xf32, #tpu.memory_space<vmem>>, vector<16xf32>,
        tpu.vector_store %arg8[%parallel_loop3A_355, %parallel_loop3A_356], %parallel_loop3A_353 {strides = array<i32>} : memref<24x513xf32, #tpu.memory_space<vmem>>, vector<16xf32>,
        %parallel_loop3A_358 = arith.constant 6 : i32
        %parallel_loop3A_359 = vector.broadcast %parallel_loop3A_358 : i32 to vector<16xi32>
        %parallel_loop3A_360 = tpu.vector_load_idx %arg6[%parallel_loop3A_359, %parallel_loop3A_315] : memref<24x1025xf32, #tpu.memory_space<vmem>>[vector<16xi32>, vector<16xi32>], vector<16xf32>,
        %parallel_loop3A_361 = arith.constant 6 : i32
        %parallel_loop3A_362 = arith.index_cast %parallel_loop3A_361 : i32 to index
        %parallel_loop3A_363 = arith.index_cast %parallel_loop3A_313 : i32 to index
        %parallel_loop3A_364 = tpu.vector_load %arg8[%parallel_loop3A_362, %parallel_loop3A_363] {strides = array<i32>} : memref<24x513xf32, #tpu.memory_space<vmem>>, vector<16xf32>,
        tpu.vector_store %arg8[%parallel_loop3A_362, %parallel_loop3A_363], %parallel_loop3A_360 {strides = array<i32>} : memref<24x513xf32, #tpu.memory_space<vmem>>, vector<16xf32>,
        %parallel_loop3A_365 = arith.constant 7 : i32
        %parallel_loop3A_366 = vector.broadcast %parallel_loop3A_365 : i32 to vector<16xi32>
        %parallel_loop3A_367 = tpu.vector_load_idx %arg6[%parallel_loop3A_366, %parallel_loop3A_315] : memref<24x1025xf32, #tpu.memory_space<vmem>>[vector<16xi32>, vector<16xi32>], vector<16xf32>,
        %parallel_loop3A_368 = arith.constant 7 : i32
        %parallel_loop3A_369 = arith.index_cast %parallel_loop3A_368 : i32 to index
        %parallel_loop3A_370 = arith.index_cast %parallel_loop3A_313 : i32 to index
        %parallel_loop3A_371 = tpu.vector_load %arg8[%parallel_loop3A_369, %parallel_loop3A_370] {strides = array<i32>} : memref<24x513xf32, #tpu.memory_space<vmem>>, vector<16xf32>,
        tpu.vector_store %arg8[%parallel_loop3A_369, %parallel_loop3A_370], %parallel_loop3A_367 {strides = array<i32>} : memref<24x513xf32, #tpu.memory_space<vmem>>, vector<16xf32>,
        %parallel_loop3A_372 = arith.constant 8 : i32
        %parallel_loop3A_373 = vector.broadcast %parallel_loop3A_372 : i32 to vector<16xi32>
        %parallel_loop3A_374 = tpu.vector_load_idx %arg6[%parallel_loop3A_373, %parallel_loop3A_315] : memref<24x1025xf32, #tpu.memory_space<vmem>>[vector<16xi32>, vector<16xi32>], vector<16xf32>,
        %parallel_loop3A_375 = arith.constant 8 : i32
        %parallel_loop3A_376 = arith.index_cast %parallel_loop3A_375 : i32 to index
        %parallel_loop3A_377 = arith.index_cast %parallel_loop3A_313 : i32 to index
        %parallel_loop3A_378 = tpu.vector_load %arg8[%parallel_loop3A_376, %parallel_loop3A_377] {strides = array<i32>} : memref<24x513xf32, #tpu.memory_space<vmem>>, vector<16xf32>,
        tpu.vector_store %arg8[%parallel_loop3A_376, %parallel_loop3A_377], %parallel_loop3A_374 {strides = array<i32>} : memref<24x513xf32, #tpu.memory_space<vmem>>, vector<16xf32>,
        %parallel_loop3A_379 = arith.constant 9 : i32
        %parallel_loop3A_380 = vector.broadcast %parallel_loop3A_379 : i32 to vector<16xi32>
        %parallel_loop3A_381 = tpu.vector_load_idx %arg6[%parallel_loop3A_380, %parallel_loop3A_315] : memref<24x1025xf32, #tpu.memory_space<vmem>>[vector<16xi32>, vector<16xi32>], vector<16xf32>,
        %parallel_loop3A_382 = arith.constant 9 : i32
        %parallel_loop3A_383 = arith.index_cast %parallel_loop3A_382 : i32 to index
        %parallel_loop3A_384 = arith.index_cast %parallel_loop3A_313 : i32 to index
        %parallel_loop3A_385 = tpu.vector_load %arg8[%parallel_loop3A_383, %parallel_loop3A_384] {strides = array<i32>} : memref<24x513xf32, #tpu.memory_space<vmem>>, vector<16xf32>,
        tpu.vector_store %arg8[%parallel_loop3A_383, %parallel_loop3A_384], %parallel_loop3A_381 {strides = array<i32>} : memref<24x513xf32, #tpu.memory_space<vmem>>, vector<16xf32>,
        %parallel_loop3A_386 = arith.constant 10 : i32
        %parallel_loop3A_387 = vector.broadcast %parallel_loop3A_386 : i32 to vector<16xi32>
        %parallel_loop3A_388 = tpu.vector_load_idx %arg6[%parallel_loop3A_387, %parallel_loop3A_315] : memref<24x1025xf32, #tpu.memory_space<vmem>>[vector<16xi32>, vector<16xi32>], vector<16xf32>,
        %parallel_loop3A_389 = arith.constant 10 : i32
        %parallel_loop3A_390 = arith.index_cast %parallel_loop3A_389 : i32 to index
        %parallel_loop3A_391 = arith.index_cast %parallel_loop3A_313 : i32 to index
        %parallel_loop3A_392 = tpu.vector_load %arg8[%parallel_loop3A_390, %parallel_loop3A_391] {strides = array<i32>} : memref<24x513xf32, #tpu.memory_space<vmem>>, vector<16xf32>,
        tpu.vector_store %arg8[%parallel_loop3A_390, %parallel_loop3A_391], %parallel_loop3A_388 {strides = array<i32>} : memref<24x513xf32, #tpu.memory_space<vmem>>, vector<16xf32>,
        %parallel_loop3A_393 = arith.constant 11 : i32
        %parallel_loop3A_394 = vector.broadcast %parallel_loop3A_393 : i32 to vector<16xi32>
        %parallel_loop3A_395 = tpu.vector_load_idx %arg6[%parallel_loop3A_394, %parallel_loop3A_315] : memref<24x1025xf32, #tpu.memory_space<vmem>>[vector<16xi32>, vector<16xi32>], vector<16xf32>,
        %parallel_loop3A_396 = arith.constant 11 : i32
        %parallel_loop3A_397 = arith.index_cast %parallel_loop3A_396 : i32 to index
        %parallel_loop3A_398 = arith.index_cast %parallel_loop3A_313 : i32 to index
        %parallel_loop3A_399 = tpu.vector_load %arg8[%parallel_loop3A_397, %parallel_loop3A_398] {strides = array<i32>} : memref<24x513xf32, #tpu.memory_space<vmem>>, vector<16xf32>,
        tpu.vector_store %arg8[%parallel_loop3A_397, %parallel_loop3A_398], %parallel_loop3A_395 {strides = array<i32>} : memref<24x513xf32, #tpu.memory_space<vmem>>, vector<16xf32>,
        %parallel_loop3A_400 = arith.constant 12 : i32
        %parallel_loop3A_401 = vector.broadcast %parallel_loop3A_400 : i32 to vector<16xi32>
        %parallel_loop3A_402 = tpu.vector_load_idx %arg6[%parallel_loop3A_401, %parallel_loop3A_315] : memref<24x1025xf32, #tpu.memory_space<vmem>>[vector<16xi32>, vector<16xi32>], vector<16xf32>,
        %parallel_loop3A_403 = arith.constant 12 : i32
        %parallel_loop3A_404 = arith.index_cast %parallel_loop3A_403 : i32 to index
        %parallel_loop3A_405 = arith.index_cast %parallel_loop3A_313 : i32 to index
        %parallel_loop3A_406 = tpu.vector_load %arg8[%parallel_loop3A_404, %parallel_loop3A_405] {strides = array<i32>} : memref<24x513xf32, #tpu.memory_space<vmem>>, vector<16xf32>,
        tpu.vector_store %arg8[%parallel_loop3A_404, %parallel_loop3A_405], %parallel_loop3A_402 {strides = array<i32>} : memref<24x513xf32, #tpu.memory_space<vmem>>, vector<16xf32>,
        %parallel_loop3A_407 = arith.constant 13 : i32
        %parallel_loop3A_408 = vector.broadcast %parallel_loop3A_407 : i32 to vector<16xi32>
        %parallel_loop3A_409 = tpu.vector_load_idx %arg6[%parallel_loop3A_408, %parallel_loop3A_315] : memref<24x1025xf32, #tpu.memory_space<vmem>>[vector<16xi32>, vector<16xi32>], vector<16xf32>,
        %parallel_loop3A_410 = arith.constant 13 : i32
        %parallel_loop3A_411 = arith.index_cast %parallel_loop3A_410 : i32 to index
        %parallel_loop3A_412 = arith.index_cast %parallel_loop3A_313 : i32 to index
        %parallel_loop3A_413 = tpu.vector_load %arg8[%parallel_loop3A_411, %parallel_loop3A_412] {strides = array<i32>} : memref<24x513xf32, #tpu.memory_space<vmem>>, vector<16xf32>,
        tpu.vector_store %arg8[%parallel_loop3A_411, %parallel_loop3A_412], %parallel_loop3A_409 {strides = array<i32>} : memref<24x513xf32, #tpu.memory_space<vmem>>, vector<16xf32>,
        %parallel_loop3A_414 = arith.constant 14 : i32
        %parallel_loop3A_415 = vector.broadcast %parallel_loop3A_414 : i32 to vector<16xi32>
        %parallel_loop3A_416 = tpu.vector_load_idx %arg6[%parallel_loop3A_415, %parallel_loop3A_315] : memref<24x1025xf32, #tpu.memory_space<vmem>>[vector<16xi32>, vector<16xi32>], vector<16xf32>,
        %parallel_loop3A_417 = arith.constant 14 : i32
        %parallel_loop3A_418 = arith.index_cast %parallel_loop3A_417 : i32 to index
        %parallel_loop3A_419 = arith.index_cast %parallel_loop3A_313 : i32 to index
        %parallel_loop3A_420 = tpu.vector_load %arg8[%parallel_loop3A_418, %parallel_loop3A_419] {strides = array<i32>} : memref<24x513xf32, #tpu.memory_space<vmem>>, vector<16xf32>,
        tpu.vector_store %arg8[%parallel_loop3A_418, %parallel_loop3A_419], %parallel_loop3A_416 {strides = array<i32>} : memref<24x513xf32, #tpu.memory_space<vmem>>, vector<16xf32>,
        %parallel_loop3A_421 = arith.constant 15 : i32
        %parallel_loop3A_422 = vector.broadcast %parallel_loop3A_421 : i32 to vector<16xi32>
        %parallel_loop3A_423 = tpu.vector_load_idx %arg6[%parallel_loop3A_422, %parallel_loop3A_315] : memref<24x1025xf32, #tpu.memory_space<vmem>>[vector<16xi32>, vector<16xi32>], vector<16xf32>,
        %parallel_loop3A_424 = arith.constant 15 : i32
        %parallel_loop3A_425 = arith.index_cast %parallel_loop3A_424 : i32 to index
        %parallel_loop3A_426 = arith.index_cast %parallel_loop3A_313 : i32 to index
        %parallel_loop3A_427 = tpu.vector_load %arg8[%parallel_loop3A_425, %parallel_loop3A_426] {strides = array<i32>} : memref<24x513xf32, #tpu.memory_space<vmem>>, vector<16xf32>,
        tpu.vector_store %arg8[%parallel_loop3A_425, %parallel_loop3A_426], %parallel_loop3A_423 {strides = array<i32>} : memref<24x513xf32, #tpu.memory_space<vmem>>, vector<16xf32>,
        %parallel_loop3A_428 = arith.constant 16 : i32
        %parallel_loop3A_429 = vector.broadcast %parallel_loop3A_428 : i32 to vector<16xi32>
        %parallel_loop3A_430 = tpu.vector_load_idx %arg6[%parallel_loop3A_429, %parallel_loop3A_315] : memref<24x1025xf32, #tpu.memory_space<vmem>>[vector<16xi32>, vector<16xi32>], vector<16xf32>,
        %parallel_loop3A_431 = arith.constant 16 : i32
        %parallel_loop3A_432 = arith.index_cast %parallel_loop3A_431 : i32 to index
        %parallel_loop3A_433 = arith.index_cast %parallel_loop3A_313 : i32 to index
        %parallel_loop3A_434 = tpu.vector_load %arg8[%parallel_loop3A_432, %parallel_loop3A_433] {strides = array<i32>} : memref<24x513xf32, #tpu.memory_space<vmem>>, vector<16xf32>,
        tpu.vector_store %arg8[%parallel_loop3A_432, %parallel_loop3A_433], %parallel_loop3A_430 {strides = array<i32>} : memref<24x513xf32, #tpu.memory_space<vmem>>, vector<16xf32>,
        %parallel_loop3A_435 = arith.constant 17 : i32
        %parallel_loop3A_436 = vector.broadcast %parallel_loop3A_435 : i32 to vector<16xi32>
        %parallel_loop3A_437 = tpu.vector_load_idx %arg6[%parallel_loop3A_436, %parallel_loop3A_315] : memref<24x1025xf32, #tpu.memory_space<vmem>>[vector<16xi32>, vector<16xi32>], vector<16xf32>,
        %parallel_loop3A_438 = arith.constant 17 : i32
        %parallel_loop3A_439 = arith.index_cast %parallel_loop3A_438 : i32 to index
        %parallel_loop3A_440 = arith.index_cast %parallel_loop3A_313 : i32 to index
        %parallel_loop3A_441 = tpu.vector_load %arg8[%parallel_loop3A_439, %parallel_loop3A_440] {strides = array<i32>} : memref<24x513xf32, #tpu.memory_space<vmem>>, vector<16xf32>,
        tpu.vector_store %arg8[%parallel_loop3A_439, %parallel_loop3A_440], %parallel_loop3A_437 {strides = array<i32>} : memref<24x513xf32, #tpu.memory_space<vmem>>, vector<16xf32>,
        %parallel_loop3A_442 = arith.constant 18 : i32
        %parallel_loop3A_443 = vector.broadcast %parallel_loop3A_442 : i32 to vector<16xi32>
        %parallel_loop3A_444 = tpu.vector_load_idx %arg6[%parallel_loop3A_443, %parallel_loop3A_315] : memref<24x1025xf32, #tpu.memory_space<vmem>>[vector<16xi32>, vector<16xi32>], vector<16xf32>,
        %parallel_loop3A_445 = arith.constant 18 : i32
        %parallel_loop3A_446 = arith.index_cast %parallel_loop3A_445 : i32 to index
        %parallel_loop3A_447 = arith.index_cast %parallel_loop3A_313 : i32 to index
        %parallel_loop3A_448 = tpu.vector_load %arg8[%parallel_loop3A_446, %parallel_loop3A_447] {strides = array<i32>} : memref<24x513xf32, #tpu.memory_space<vmem>>, vector<16xf32>,
        tpu.vector_store %arg8[%parallel_loop3A_446, %parallel_loop3A_447], %parallel_loop3A_444 {strides = array<i32>} : memref<24x513xf32, #tpu.memory_space<vmem>>, vector<16xf32>,
        %parallel_loop3A_449 = arith.constant 19 : i32
        %parallel_loop3A_450 = vector.broadcast %parallel_loop3A_449 : i32 to vector<16xi32>
        %parallel_loop3A_451 = tpu.vector_load_idx %arg6[%parallel_loop3A_450, %parallel_loop3A_315] : memref<24x1025xf32, #tpu.memory_space<vmem>>[vector<16xi32>, vector<16xi32>], vector<16xf32>,
        %parallel_loop3A_452 = arith.constant 19 : i32
        %parallel_loop3A_453 = arith.index_cast %parallel_loop3A_452 : i32 to index
        %parallel_loop3A_454 = arith.index_cast %parallel_loop3A_313 : i32 to index
        %parallel_loop3A_455 = tpu.vector_load %arg8[%parallel_loop3A_453, %parallel_loop3A_454] {strides = array<i32>} : memref<24x513xf32, #tpu.memory_space<vmem>>, vector<16xf32>,
        tpu.vector_store %arg8[%parallel_loop3A_453, %parallel_loop3A_454], %parallel_loop3A_451 {strides = array<i32>} : memref<24x513xf32, #tpu.memory_space<vmem>>, vector<16xf32>,
        %parallel_loop3A_456 = arith.constant 20 : i32
        %parallel_loop3A_457 = vector.broadcast %parallel_loop3A_456 : i32 to vector<16xi32>
        %parallel_loop3A_458 = tpu.vector_load_idx %arg6[%parallel_loop3A_457, %parallel_loop3A_315] : memref<24x1025xf32, #tpu.memory_space<vmem>>[vector<16xi32>, vector<16xi32>], vector<16xf32>,
        %parallel_loop3A_459 = arith.constant 20 : i32
        %parallel_loop3A_460 = arith.index_cast %parallel_loop3A_459 : i32 to index
        %parallel_loop3A_461 = arith.index_cast %parallel_loop3A_313 : i32 to index
        %parallel_loop3A_462 = tpu.vector_load %arg8[%parallel_loop3A_460, %parallel_loop3A_461] {strides = array<i32>} : memref<24x513xf32, #tpu.memory_space<vmem>>, vector<16xf32>,
        tpu.vector_store %arg8[%parallel_loop3A_460, %parallel_loop3A_461], %parallel_loop3A_458 {strides = array<i32>} : memref<24x513xf32, #tpu.memory_space<vmem>>, vector<16xf32>,
        %parallel_loop3A_463 = arith.constant 21 : i32
        %parallel_loop3A_464 = vector.broadcast %parallel_loop3A_463 : i32 to vector<16xi32>
        %parallel_loop3A_465 = tpu.vector_load_idx %arg6[%parallel_loop3A_464, %parallel_loop3A_315] : memref<24x1025xf32, #tpu.memory_space<vmem>>[vector<16xi32>, vector<16xi32>], vector<16xf32>,
        %parallel_loop3A_466 = arith.constant 21 : i32
        %parallel_loop3A_467 = arith.index_cast %parallel_loop3A_466 : i32 to index
        %parallel_loop3A_468 = arith.index_cast %parallel_loop3A_313 : i32 to index
        %parallel_loop3A_469 = tpu.vector_load %arg8[%parallel_loop3A_467, %parallel_loop3A_468] {strides = array<i32>} : memref<24x513xf32, #tpu.memory_space<vmem>>, vector<16xf32>,
        tpu.vector_store %arg8[%parallel_loop3A_467, %parallel_loop3A_468], %parallel_loop3A_465 {strides = array<i32>} : memref<24x513xf32, #tpu.memory_space<vmem>>, vector<16xf32>,
        %parallel_loop3A_470 = arith.constant 22 : i32
        %parallel_loop3A_471 = vector.broadcast %parallel_loop3A_470 : i32 to vector<16xi32>
        %parallel_loop3A_472 = tpu.vector_load_idx %arg6[%parallel_loop3A_471, %parallel_loop3A_315] : memref<24x1025xf32, #tpu.memory_space<vmem>>[vector<16xi32>, vector<16xi32>], vector<16xf32>,
        %parallel_loop3A_473 = arith.constant 22 : i32
        %parallel_loop3A_474 = arith.index_cast %parallel_loop3A_473 : i32 to index
        %parallel_loop3A_475 = arith.index_cast %parallel_loop3A_313 : i32 to index
        %parallel_loop3A_476 = tpu.vector_load %arg8[%parallel_loop3A_474, %parallel_loop3A_475] {strides = array<i32>} : memref<24x513xf32, #tpu.memory_space<vmem>>, vector<16xf32>,
        tpu.vector_store %arg8[%parallel_loop3A_474, %parallel_loop3A_475], %parallel_loop3A_472 {strides = array<i32>} : memref<24x513xf32, #tpu.memory_space<vmem>>, vector<16xf32>,
        %parallel_loop3A_477 = arith.constant 23 : i32
        %parallel_loop3A_478 = vector.broadcast %parallel_loop3A_477 : i32 to vector<16xi32>
        %parallel_loop3A_479 = tpu.vector_load_idx %arg6[%parallel_loop3A_478, %parallel_loop3A_315] : memref<24x1025xf32, #tpu.memory_space<vmem>>[vector<16xi32>, vector<16xi32>], vector<16xf32>,
        %parallel_loop3A_480 = arith.constant 23 : i32
        %parallel_loop3A_481 = arith.index_cast %parallel_loop3A_480 : i32 to index
        %parallel_loop3A_482 = arith.index_cast %parallel_loop3A_313 : i32 to index
        %parallel_loop3A_483 = tpu.vector_load %arg8[%parallel_loop3A_481, %parallel_loop3A_482] {strides = array<i32>} : memref<24x513xf32, #tpu.memory_space<vmem>>, vector<16xf32>,
        tpu.vector_store %arg8[%parallel_loop3A_481, %parallel_loop3A_482], %parallel_loop3A_479 {strides = array<i32>} : memref<24x513xf32, #tpu.memory_space<vmem>>, vector<16xf32>,
      } {sc.loop_unroll_factor = 2 : i64, sc.parallel_access}
      %get3A = arith.constant 512 : index
      %get3A_114 = tpu.vector_load %arg5[%get3A] {strides = array<i32>} : memref<640xi32, #tpu.memory_space<vmem>>, vector<16xi32>,
      %broadcast_in_dim3A = arith.constant 512 : i32
      %broadcast_in_dim3A_115 = vector.broadcast %broadcast_in_dim3A : i32 to vector<16xi32>
      %broadcast_in_dim3A_116 = arith.constant 0 : i32
      %broadcast_in_dim3A_117 = vector.broadcast %broadcast_in_dim3A_116 : i32 to vector<16xi32>
      %gather3A = tpu.vector_load_idx %arg6[%broadcast_in_dim3A_117, %get3A_114] : memref<24x1025xf32, #tpu.memory_space<vmem>>[vector<16xi32>, vector<16xi32>], vector<16xf32>,
      tpu.vector_store_idx %arg8[%broadcast_in_dim3A_117, %broadcast_in_dim3A_115], %gather3A masked %eq3A_2 : memref<24x513xf32, #tpu.memory_space<vmem>>[vector<16xi32>, vector<16xi32>], vector<16xf32>, vector<16xi1>
      %broadcast_in_dim3A_118 = arith.constant 1 : i32
      %broadcast_in_dim3A_119 = vector.broadcast %broadcast_in_dim3A_118 : i32 to vector<16xi32>
      %gather3A_120 = tpu.vector_load_idx %arg6[%broadcast_in_dim3A_119, %get3A_114] : memref<24x1025xf32, #tpu.memory_space<vmem>>[vector<16xi32>, vector<16xi32>], vector<16xf32>,
      tpu.vector_store_idx %arg8[%broadcast_in_dim3A_119, %broadcast_in_dim3A_115], %gather3A_120 masked %eq3A_2 : memref<24x513xf32, #tpu.memory_space<vmem>>[vector<16xi32>, vector<16xi32>], vector<16xf32>, vector<16xi1>
      %broadcast_in_dim3A_121 = arith.constant 2 : i32
      %broadcast_in_dim3A_122 = vector.broadcast %broadcast_in_dim3A_121 : i32 to vector<16xi32>
      %gather3A_123 = tpu.vector_load_idx %arg6[%broadcast_in_dim3A_122, %get3A_114] : memref<24x1025xf32, #tpu.memory_space<vmem>>[vector<16xi32>, vector<16xi32>], vector<16xf32>,
      tpu.vector_store_idx %arg8[%broadcast_in_dim3A_122, %broadcast_in_dim3A_115], %gather3A_123 masked %eq3A_2 : memref<24x513xf32, #tpu.memory_space<vmem>>[vector<16xi32>, vector<16xi32>], vector<16xf32>, vector<16xi1>
      %broadcast_in_dim3A_124 = arith.constant 3 : i32
      %broadcast_in_dim3A_125 = vector.broadcast %broadcast_in_dim3A_124 : i32 to vector<16xi32>
      %gather3A_126 = tpu.vector_load_idx %arg6[%broadcast_in_dim3A_125, %get3A_114] : memref<24x1025xf32, #tpu.memory_space<vmem>>[vector<16xi32>, vector<16xi32>], vector<16xf32>,
      tpu.vector_store_idx %arg8[%broadcast_in_dim3A_125, %broadcast_in_dim3A_115], %gather3A_126 masked %eq3A_2 : memref<24x513xf32, #tpu.memory_space<vmem>>[vector<16xi32>, vector<16xi32>], vector<16xf32>, vector<16xi1>
      %broadcast_in_dim3A_127 = arith.constant 4 : i32
      %broadcast_in_dim3A_128 = vector.broadcast %broadcast_in_dim3A_127 : i32 to vector<16xi32>
      %gather3A_129 = tpu.vector_load_idx %arg6[%broadcast_in_dim3A_128, %get3A_114] : memref<24x1025xf32, #tpu.memory_space<vmem>>[vector<16xi32>, vector<16xi32>], vector<16xf32>,
      tpu.vector_store_idx %arg8[%broadcast_in_dim3A_128, %broadcast_in_dim3A_115], %gather3A_129 masked %eq3A_2 : memref<24x513xf32, #tpu.memory_space<vmem>>[vector<16xi32>, vector<16xi32>], vector<16xf32>, vector<16xi1>
      %broadcast_in_dim3A_130 = arith.constant 5 : i32
      %broadcast_in_dim3A_131 = vector.broadcast %broadcast_in_dim3A_130 : i32 to vector<16xi32>
      %gather3A_132 = tpu.vector_load_idx %arg6[%broadcast_in_dim3A_131, %get3A_114] : memref<24x1025xf32, #tpu.memory_space<vmem>>[vector<16xi32>, vector<16xi32>], vector<16xf32>,
      tpu.vector_store_idx %arg8[%broadcast_in_dim3A_131, %broadcast_in_dim3A_115], %gather3A_132 masked %eq3A_2 : memref<24x513xf32, #tpu.memory_space<vmem>>[vector<16xi32>, vector<16xi32>], vector<16xf32>, vector<16xi1>
      %broadcast_in_dim3A_133 = arith.constant 6 : i32
      %broadcast_in_dim3A_134 = vector.broadcast %broadcast_in_dim3A_133 : i32 to vector<16xi32>
      %gather3A_135 = tpu.vector_load_idx %arg6[%broadcast_in_dim3A_134, %get3A_114] : memref<24x1025xf32, #tpu.memory_space<vmem>>[vector<16xi32>, vector<16xi32>], vector<16xf32>,
      tpu.vector_store_idx %arg8[%broadcast_in_dim3A_134, %broadcast_in_dim3A_115], %gather3A_135 masked %eq3A_2 : memref<24x513xf32, #tpu.memory_space<vmem>>[vector<16xi32>, vector<16xi32>], vector<16xf32>, vector<16xi1>
      %broadcast_in_dim3A_136 = arith.constant 7 : i32
      %broadcast_in_dim3A_137 = vector.broadcast %broadcast_in_dim3A_136 : i32 to vector<16xi32>
      %gather3A_138 = tpu.vector_load_idx %arg6[%broadcast_in_dim3A_137, %get3A_114] : memref<24x1025xf32, #tpu.memory_space<vmem>>[vector<16xi32>, vector<16xi32>], vector<16xf32>,
      tpu.vector_store_idx %arg8[%broadcast_in_dim3A_137, %broadcast_in_dim3A_115], %gather3A_138 masked %eq3A_2 : memref<24x513xf32, #tpu.memory_space<vmem>>[vector<16xi32>, vector<16xi32>], vector<16xf32>, vector<16xi1>
      %broadcast_in_dim3A_139 = arith.constant 8 : i32
      %broadcast_in_dim3A_140 = vector.broadcast %broadcast_in_dim3A_139 : i32 to vector<16xi32>
      %gather3A_141 = tpu.vector_load_idx %arg6[%broadcast_in_dim3A_140, %get3A_114] : memref<24x1025xf32, #tpu.memory_space<vmem>>[vector<16xi32>, vector<16xi32>], vector<16xf32>,
      tpu.vector_store_idx %arg8[%broadcast_in_dim3A_140, %broadcast_in_dim3A_115], %gather3A_141 masked %eq3A_2 : memref<24x513xf32, #tpu.memory_space<vmem>>[vector<16xi32>, vector<16xi32>], vector<16xf32>, vector<16xi1>
      %broadcast_in_dim3A_142 = arith.constant 9 : i32
      %broadcast_in_dim3A_143 = vector.broadcast %broadcast_in_dim3A_142 : i32 to vector<16xi32>
      %gather3A_144 = tpu.vector_load_idx %arg6[%broadcast_in_dim3A_143, %get3A_114] : memref<24x1025xf32, #tpu.memory_space<vmem>>[vector<16xi32>, vector<16xi32>], vector<16xf32>,
      tpu.vector_store_idx %arg8[%broadcast_in_dim3A_143, %broadcast_in_dim3A_115], %gather3A_144 masked %eq3A_2 : memref<24x513xf32, #tpu.memory_space<vmem>>[vector<16xi32>, vector<16xi32>], vector<16xf32>, vector<16xi1>
      %broadcast_in_dim3A_145 = arith.constant 10 : i32
      %broadcast_in_dim3A_146 = vector.broadcast %broadcast_in_dim3A_145 : i32 to vector<16xi32>
      %gather3A_147 = tpu.vector_load_idx %arg6[%broadcast_in_dim3A_146, %get3A_114] : memref<24x1025xf32, #tpu.memory_space<vmem>>[vector<16xi32>, vector<16xi32>], vector<16xf32>,
      tpu.vector_store_idx %arg8[%broadcast_in_dim3A_146, %broadcast_in_dim3A_115], %gather3A_147 masked %eq3A_2 : memref<24x513xf32, #tpu.memory_space<vmem>>[vector<16xi32>, vector<16xi32>], vector<16xf32>, vector<16xi1>
      %broadcast_in_dim3A_148 = arith.constant 11 : i32
      %broadcast_in_dim3A_149 = vector.broadcast %broadcast_in_dim3A_148 : i32 to vector<16xi32>
      %gather3A_150 = tpu.vector_load_idx %arg6[%broadcast_in_dim3A_149, %get3A_114] : memref<24x1025xf32, #tpu.memory_space<vmem>>[vector<16xi32>, vector<16xi32>], vector<16xf32>,
      tpu.vector_store_idx %arg8[%broadcast_in_dim3A_149, %broadcast_in_dim3A_115], %gather3A_150 masked %eq3A_2 : memref<24x513xf32, #tpu.memory_space<vmem>>[vector<16xi32>, vector<16xi32>], vector<16xf32>, vector<16xi1>
      %broadcast_in_dim3A_151 = arith.constant 12 : i32
      %broadcast_in_dim3A_152 = vector.broadcast %broadcast_in_dim3A_151 : i32 to vector<16xi32>
      %gather3A_153 = tpu.vector_load_idx %arg6[%broadcast_in_dim3A_152, %get3A_114] : memref<24x1025xf32, #tpu.memory_space<vmem>>[vector<16xi32>, vector<16xi32>], vector<16xf32>,
      tpu.vector_store_idx %arg8[%broadcast_in_dim3A_152, %broadcast_in_dim3A_115], %gather3A_153 masked %eq3A_2 : memref<24x513xf32, #tpu.memory_space<vmem>>[vector<16xi32>, vector<16xi32>], vector<16xf32>, vector<16xi1>
      %broadcast_in_dim3A_154 = arith.constant 13 : i32
      %broadcast_in_dim3A_155 = vector.broadcast %broadcast_in_dim3A_154 : i32 to vector<16xi32>
      %gather3A_156 = tpu.vector_load_idx %arg6[%broadcast_in_dim3A_155, %get3A_114] : memref<24x1025xf32, #tpu.memory_space<vmem>>[vector<16xi32>, vector<16xi32>], vector<16xf32>,
      tpu.vector_store_idx %arg8[%broadcast_in_dim3A_155, %broadcast_in_dim3A_115], %gather3A_156 masked %eq3A_2 : memref<24x513xf32, #tpu.memory_space<vmem>>[vector<16xi32>, vector<16xi32>], vector<16xf32>, vector<16xi1>
      %broadcast_in_dim3A_157 = arith.constant 14 : i32
      %broadcast_in_dim3A_158 = vector.broadcast %broadcast_in_dim3A_157 : i32 to vector<16xi32>
      %gather3A_159 = tpu.vector_load_idx %arg6[%broadcast_in_dim3A_158, %get3A_114] : memref<24x1025xf32, #tpu.memory_space<vmem>>[vector<16xi32>, vector<16xi32>], vector<16xf32>,
      tpu.vector_store_idx %arg8[%broadcast_in_dim3A_158, %broadcast_in_dim3A_115], %gather3A_159 masked %eq3A_2 : memref<24x513xf32, #tpu.memory_space<vmem>>[vector<16xi32>, vector<16xi32>], vector<16xf32>, vector<16xi1>
      %broadcast_in_dim3A_160 = arith.constant 15 : i32
      %broadcast_in_dim3A_161 = vector.broadcast %broadcast_in_dim3A_160 : i32 to vector<16xi32>
      %gather3A_162 = tpu.vector_load_idx %arg6[%broadcast_in_dim3A_161, %get3A_114] : memref<24x1025xf32, #tpu.memory_space<vmem>>[vector<16xi32>, vector<16xi32>], vector<16xf32>,
      tpu.vector_store_idx %arg8[%broadcast_in_dim3A_161, %broadcast_in_dim3A_115], %gather3A_162 masked %eq3A_2 : memref<24x513xf32, #tpu.memory_space<vmem>>[vector<16xi32>, vector<16xi32>], vector<16xf32>, vector<16xi1>
      %broadcast_in_dim3A_163 = arith.constant 16 : i32
      %broadcast_in_dim3A_164 = vector.broadcast %broadcast_in_dim3A_163 : i32 to vector<16xi32>
      %gather3A_165 = tpu.vector_load_idx %arg6[%broadcast_in_dim3A_164, %get3A_114] : memref<24x1025xf32, #tpu.memory_space<vmem>>[vector<16xi32>, vector<16xi32>], vector<16xf32>,
      tpu.vector_store_idx %arg8[%broadcast_in_dim3A_164, %broadcast_in_dim3A_115], %gather3A_165 masked %eq3A_2 : memref<24x513xf32, #tpu.memory_space<vmem>>[vector<16xi32>, vector<16xi32>], vector<16xf32>, vector<16xi1>
      %broadcast_in_dim3A_166 = arith.constant 17 : i32
      %broadcast_in_dim3A_167 = vector.broadcast %broadcast_in_dim3A_166 : i32 to vector<16xi32>
      %gather3A_168 = tpu.vector_load_idx %arg6[%broadcast_in_dim3A_167, %get3A_114] : memref<24x1025xf32, #tpu.memory_space<vmem>>[vector<16xi32>, vector<16xi32>], vector<16xf32>,
      tpu.vector_store_idx %arg8[%broadcast_in_dim3A_167, %broadcast_in_dim3A_115], %gather3A_168 masked %eq3A_2 : memref<24x513xf32, #tpu.memory_space<vmem>>[vector<16xi32>, vector<16xi32>], vector<16xf32>, vector<16xi1>
      %broadcast_in_dim3A_169 = arith.constant 18 : i32
      %broadcast_in_dim3A_170 = vector.broadcast %broadcast_in_dim3A_169 : i32 to vector<16xi32>
      %gather3A_171 = tpu.vector_load_idx %arg6[%broadcast_in_dim3A_170, %get3A_114] : memref<24x1025xf32, #tpu.memory_space<vmem>>[vector<16xi32>, vector<16xi32>], vector<16xf32>,
      tpu.vector_store_idx %arg8[%broadcast_in_dim3A_170, %broadcast_in_dim3A_115], %gather3A_171 masked %eq3A_2 : memref<24x513xf32, #tpu.memory_space<vmem>>[vector<16xi32>, vector<16xi32>], vector<16xf32>, vector<16xi1>
      %broadcast_in_dim3A_172 = arith.constant 19 : i32
      %broadcast_in_dim3A_173 = vector.broadcast %broadcast_in_dim3A_172 : i32 to vector<16xi32>
      %gather3A_174 = tpu.vector_load_idx %arg6[%broadcast_in_dim3A_173, %get3A_114] : memref<24x1025xf32, #tpu.memory_space<vmem>>[vector<16xi32>, vector<16xi32>], vector<16xf32>,
      tpu.vector_store_idx %arg8[%broadcast_in_dim3A_173, %broadcast_in_dim3A_115], %gather3A_174 masked %eq3A_2 : memref<24x513xf32, #tpu.memory_space<vmem>>[vector<16xi32>, vector<16xi32>], vector<16xf32>, vector<16xi1>
      %broadcast_in_dim3A_175 = arith.constant 20 : i32
      %broadcast_in_dim3A_176 = vector.broadcast %broadcast_in_dim3A_175 : i32 to vector<16xi32>
      %gather3A_177 = tpu.vector_load_idx %arg6[%broadcast_in_dim3A_176, %get3A_114] : memref<24x1025xf32, #tpu.memory_space<vmem>>[vector<16xi32>, vector<16xi32>], vector<16xf32>,
      tpu.vector_store_idx %arg8[%broadcast_in_dim3A_176, %broadcast_in_dim3A_115], %gather3A_177 masked %eq3A_2 : memref<24x513xf32, #tpu.memory_space<vmem>>[vector<16xi32>, vector<16xi32>], vector<16xf32>, vector<16xi1>
      %broadcast_in_dim3A_178 = arith.constant 21 : i32
      %broadcast_in_dim3A_179 = vector.broadcast %broadcast_in_dim3A_178 : i32 to vector<16xi32>
      %gather3A_180 = tpu.vector_load_idx %arg6[%broadcast_in_dim3A_179, %get3A_114] : memref<24x1025xf32, #tpu.memory_space<vmem>>[vector<16xi32>, vector<16xi32>], vector<16xf32>,
      tpu.vector_store_idx %arg8[%broadcast_in_dim3A_179, %broadcast_in_dim3A_115], %gather3A_180 masked %eq3A_2 : memref<24x513xf32, #tpu.memory_space<vmem>>[vector<16xi32>, vector<16xi32>], vector<16xf32>, vector<16xi1>
      %broadcast_in_dim3A_181 = arith.constant 22 : i32
      %broadcast_in_dim3A_182 = vector.broadcast %broadcast_in_dim3A_181 : i32 to vector<16xi32>
      %gather3A_183 = tpu.vector_load_idx %arg6[%broadcast_in_dim3A_182, %get3A_114] : memref<24x1025xf32, #tpu.memory_space<vmem>>[vector<16xi32>, vector<16xi32>], vector<16xf32>,
      tpu.vector_store_idx %arg8[%broadcast_in_dim3A_182, %broadcast_in_dim3A_115], %gather3A_183 masked %eq3A_2 : memref<24x513xf32, #tpu.memory_space<vmem>>[vector<16xi32>, vector<16xi32>], vector<16xf32>, vector<16xi1>
      %broadcast_in_dim3A_184 = arith.constant 23 : i32
      %broadcast_in_dim3A_185 = vector.broadcast %broadcast_in_dim3A_184 : i32 to vector<16xi32>
      %gather3A_186 = tpu.vector_load_idx %arg6[%broadcast_in_dim3A_185, %get3A_114] : memref<24x1025xf32, #tpu.memory_space<vmem>>[vector<16xi32>, vector<16xi32>], vector<16xf32>,
      tpu.vector_store_idx %arg8[%broadcast_in_dim3A_185, %broadcast_in_dim3A_115], %gather3A_186 masked %eq3A_2 : memref<24x513xf32, #tpu.memory_space<vmem>>[vector<16xi32>, vector<16xi32>], vector<16xf32>, vector<16xi1>
      %mul3A_187 = arith.constant 24 : i32
      %mul3A_188 = arith.muli %mul3A_89, %mul3A_187 : i32
      %multiple_of3A_189 = tpu.assume_multiple %mul3A_188, 8 : i32
      %dma_start3A_190 = arith.constant 0 : i32
      %dma_start3A_191 = tpu.memref_slice %arg4[%add3A_6, %multiple_of3A_189, %dma_start3A_190] : memref<64x192x513xf32, #tpu.memory_space<hbm>> -> memref<1x24x513xf32, #tpu.memory_space<hbm>>
      %dma_start3A_192 = tpu.memref_squeeze %dma_start3A_191 : memref<1x24x513xf32, #tpu.memory_space<hbm>> -> memref<24x513xf32, #tpu.memory_space<hbm>>
      %dma_start3A_193 = arith.constant 0 : i32
      %dma_start3A_194 = tpu.memref_slice %arg4[%add3A_6, %multiple_of3A_189, %dma_start3A_193] : memref<64x192x513xf32, #tpu.memory_space<hbm>> -> memref<1x24x513xf32, #tpu.memory_space<hbm>>
      %dma_start3A_195 = tpu.memref_squeeze %dma_start3A_194 : memref<1x24x513xf32, #tpu.memory_space<hbm>> -> memref<24x513xf32, #tpu.memory_space<hbm>>
      tpu.enqueue_dma source(%arg8 : memref<24x513xf32, #tpu.memory_space<vmem>>) target(%dma_start3A_195 : memref<24x513xf32, #tpu.memory_space<hbm>>) target_semaphore(%arg12 : memref<!tpu.dma_semaphore, #tpu.memory_space<semaphore_mem>>)
      %mul3A_196 = arith.constant 24 : i32
      %mul3A_197 = arith.muli %add3A_91, %mul3A_196 : i32
      %multiple_of3A_198 = tpu.assume_multiple %mul3A_197, 8 : i32
      %dma_wait3A_199 = arith.constant 0 : i32
      %dma_wait3A_200 = tpu.memref_slice %arg2[%add3A_6, %multiple_of3A_198, %dma_wait3A_199] : memref<64x192x1025xf32, #tpu.memory_space<hbm>> -> memref<1x24x1025xf32, #tpu.memory_space<hbm>>
      %dma_wait3A_201 = tpu.memref_squeeze %dma_wait3A_200 : memref<1x24x1025xf32, #tpu.memory_space<hbm>> -> memref<24x1025xf32, #tpu.memory_space<hbm>>
      %dma_wait3A_202 = arith.constant 0 : i32
      %dma_wait3A_203 = tpu.memref_slice %arg2[%add3A_6, %multiple_of3A_198, %dma_wait3A_202] : memref<64x192x1025xf32, #tpu.memory_space<hbm>> -> memref<1x24x1025xf32, #tpu.memory_space<hbm>>
      %dma_wait3A_204 = tpu.memref_squeeze %dma_wait3A_203 : memref<1x24x1025xf32, #tpu.memory_space<hbm>> -> memref<24x1025xf32, #tpu.memory_space<hbm>>
      tpu.wait_dma2 semaphore(%arg11 : memref<!tpu.dma_semaphore, #tpu.memory_space<semaphore_mem>>) src(%dma_wait3A_204 : memref<24x1025xf32, #tpu.memory_space<hbm>>) dst(%arg7 : memref<24x1025xf32, #tpu.memory_space<vmem>>)
      %add3A_205 = arith.constant 1 : i32
      %add3A_206 = arith.addi %add3A_91, %add3A_205 : i32
      %min3A = arith.constant 7 : i32
      %min3A_207 = arith.minsi %add3A_206, %min3A : i32
      %mul3A_208 = arith.constant 24 : i32
      %mul3A_209 = arith.muli %min3A_207, %mul3A_208 : i32
      %multiple_of3A_210 = tpu.assume_multiple %mul3A_209, 8 : i32
      %dma_start3A_211 = arith.constant 0 : i32
      %dma_start3A_212 = tpu.memref_slice %arg2[%add3A_6, %multiple_of3A_210, %dma_start3A_211] : memref<64x192x1025xf32, #tpu.memory_space<hbm>> -> memref<1x24x1025xf32, #tpu.memory_space<hbm>>
      %dma_start3A_213 = tpu.memref_squeeze %dma_start3A_212 : memref<1x24x1025xf32, #tpu.memory_space<hbm>> -> memref<24x1025xf32, #tpu.memory_space<hbm>>
      %dma_start3A_214 = arith.constant 0 : i32
      %dma_start3A_215 = tpu.memref_slice %arg2[%add3A_6, %multiple_of3A_210, %dma_start3A_214] : memref<64x192x1025xf32, #tpu.memory_space<hbm>> -> memref<1x24x1025xf32, #tpu.memory_space<hbm>>
      %dma_start3A_216 = tpu.memref_squeeze %dma_start3A_215 : memref<1x24x1025xf32, #tpu.memory_space<hbm>> -> memref<24x1025xf32, #tpu.memory_space<hbm>>
      tpu.enqueue_dma source(%dma_start3A_216 : memref<24x1025xf32, #tpu.memory_space<hbm>>) target(%arg6 : memref<24x1025xf32, #tpu.memory_space<vmem>>) target_semaphore(%arg10 : memref<!tpu.dma_semaphore, #tpu.memory_space<semaphore_mem>>)
      %gt3A_217 = arith.constant 0 : i32
      %gt3A_218 = arith.cmpi sgt, %scan3A_87, %gt3A_217 : i32
      %convert_element_type3A_219 = arith.extui %gt3A_218 : i1 to i32
      %cond3A_220 = arith.constant 0 : i32
      %cond3A_221 = arith.cmpi ne, %convert_element_type3A_219, %cond3A_220 : i32
      scf.if %cond3A_221 {
        %sub3A = arith.constant 2 : i32
        %sub3A_310 = arith.subi %add3A_91, %sub3A : i32
        %mul3A_311 = arith.constant 24 : i32
        %mul3A_312 = arith.muli %sub3A_310, %mul3A_311 : i32
        %multiple_of3A_313 = tpu.assume_multiple %mul3A_312, 8 : i32
        %dma_wait3A_314 = arith.constant 0 : i32
        %dma_wait3A_315 = tpu.memref_slice %arg4[%add3A_6, %multiple_of3A_313, %dma_wait3A_314] : memref<64x192x513xf32, #tpu.memory_space<hbm>> -> memref<1x24x513xf32, #tpu.memory_space<hbm>>
        %dma_wait3A_316 = tpu.memref_squeeze %dma_wait3A_315 : memref<1x24x513xf32, #tpu.memory_space<hbm>> -> memref<24x513xf32, #tpu.memory_space<hbm>>
        %dma_wait3A_317 = arith.constant 0 : i32
        %dma_wait3A_318 = tpu.memref_slice %arg4[%add3A_6, %multiple_of3A_313, %dma_wait3A_317] : memref<64x192x513xf32, #tpu.memory_space<hbm>> -> memref<1x24x513xf32, #tpu.memory_space<hbm>>
        %dma_wait3A_319 = tpu.memref_squeeze %dma_wait3A_318 : memref<1x24x513xf32, #tpu.memory_space<hbm>> -> memref<24x513xf32, #tpu.memory_space<hbm>>
        tpu.wait_dma2 semaphore(%arg13 : memref<!tpu.dma_semaphore, #tpu.memory_space<semaphore_mem>>) src(%arg9 : memref<24x513xf32, #tpu.memory_space<vmem>>) dst(%dma_wait3A_319 : memref<24x513xf32, #tpu.memory_space<hbm>>)
      } else {
      }
      %parallel_loop3A_222 = arith.constant 0 : i32
      %parallel_loop3A_223 = arith.constant 32 : i32
      %parallel_loop3A_224 = arith.constant 1 : i32
      scf.for %parallel_loop3A_310 = %parallel_loop3A_222 to %parallel_loop3A_223 step %parallel_loop3A_224  : i32 {
        %parallel_loop3A_311 = arith.constant 16 : i32
        %parallel_loop3A_312 = arith.muli %parallel_loop3A_310, %parallel_loop3A_311 : i32
        %parallel_loop3A_313 = tpu.assume_multiple %parallel_loop3A_312, 16 : i32
        %parallel_loop3A_314 = arith.index_cast %parallel_loop3A_313 : i32 to index
        %parallel_loop3A_315 = tpu.vector_load %arg5[%parallel_loop3A_314] {strides = array<i32>} : memref<640xi32, #tpu.memory_space<vmem>>, vector<16xi32>,
        %parallel_loop3A_316 = arith.constant 0 : i32
        %parallel_loop3A_317 = vector.broadcast %parallel_loop3A_316 : i32 to vector<16xi32>
        %parallel_loop3A_318 = tpu.vector_load_idx %arg7[%parallel_loop3A_317, %parallel_loop3A_315] : memref<24x1025xf32, #tpu.memory_space<vmem>>[vector<16xi32>, vector<16xi32>], vector<16xf32>,
        %parallel_loop3A_319 = arith.constant 0 : i32
        %parallel_loop3A_320 = arith.index_cast %parallel_loop3A_319 : i32 to index
        %parallel_loop3A_321 = arith.index_cast %parallel_loop3A_313 : i32 to index
        %parallel_loop3A_322 = tpu.vector_load %arg9[%parallel_loop3A_320, %parallel_loop3A_321] {strides = array<i32>} : memref<24x513xf32, #tpu.memory_space<vmem>>, vector<16xf32>,
        tpu.vector_store %arg9[%parallel_loop3A_320, %parallel_loop3A_321], %parallel_loop3A_318 {strides = array<i32>} : memref<24x513xf32, #tpu.memory_space<vmem>>, vector<16xf32>,
        %parallel_loop3A_323 = arith.constant 1 : i32
        %parallel_loop3A_324 = vector.broadcast %parallel_loop3A_323 : i32 to vector<16xi32>
        %parallel_loop3A_325 = tpu.vector_load_idx %arg7[%parallel_loop3A_324, %parallel_loop3A_315] : memref<24x1025xf32, #tpu.memory_space<vmem>>[vector<16xi32>, vector<16xi32>], vector<16xf32>,
        %parallel_loop3A_326 = arith.constant 1 : i32
        %parallel_loop3A_327 = arith.index_cast %parallel_loop3A_326 : i32 to index
        %parallel_loop3A_328 = arith.index_cast %parallel_loop3A_313 : i32 to index
        %parallel_loop3A_329 = tpu.vector_load %arg9[%parallel_loop3A_327, %parallel_loop3A_328] {strides = array<i32>} : memref<24x513xf32, #tpu.memory_space<vmem>>, vector<16xf32>,
        tpu.vector_store %arg9[%parallel_loop3A_327, %parallel_loop3A_328], %parallel_loop3A_325 {strides = array<i32>} : memref<24x513xf32, #tpu.memory_space<vmem>>, vector<16xf32>,
        %parallel_loop3A_330 = arith.constant 2 : i32
        %parallel_loop3A_331 = vector.broadcast %parallel_loop3A_330 : i32 to vector<16xi32>
        %parallel_loop3A_332 = tpu.vector_load_idx %arg7[%parallel_loop3A_331, %parallel_loop3A_315] : memref<24x1025xf32, #tpu.memory_space<vmem>>[vector<16xi32>, vector<16xi32>], vector<16xf32>,
        %parallel_loop3A_333 = arith.constant 2 : i32
        %parallel_loop3A_334 = arith.index_cast %parallel_loop3A_333 : i32 to index
        %parallel_loop3A_335 = arith.index_cast %parallel_loop3A_313 : i32 to index
        %parallel_loop3A_336 = tpu.vector_load %arg9[%parallel_loop3A_334, %parallel_loop3A_335] {strides = array<i32>} : memref<24x513xf32, #tpu.memory_space<vmem>>, vector<16xf32>,
        tpu.vector_store %arg9[%parallel_loop3A_334, %parallel_loop3A_335], %parallel_loop3A_332 {strides = array<i32>} : memref<24x513xf32, #tpu.memory_space<vmem>>, vector<16xf32>,
        %parallel_loop3A_337 = arith.constant 3 : i32
        %parallel_loop3A_338 = vector.broadcast %parallel_loop3A_337 : i32 to vector<16xi32>
        %parallel_loop3A_339 = tpu.vector_load_idx %arg7[%parallel_loop3A_338, %parallel_loop3A_315] : memref<24x1025xf32, #tpu.memory_space<vmem>>[vector<16xi32>, vector<16xi32>], vector<16xf32>,
        %parallel_loop3A_340 = arith.constant 3 : i32
        %parallel_loop3A_341 = arith.index_cast %parallel_loop3A_340 : i32 to index
        %parallel_loop3A_342 = arith.index_cast %parallel_loop3A_313 : i32 to index
        %parallel_loop3A_343 = tpu.vector_load %arg9[%parallel_loop3A_341, %parallel_loop3A_342] {strides = array<i32>} : memref<24x513xf32, #tpu.memory_space<vmem>>, vector<16xf32>,
        tpu.vector_store %arg9[%parallel_loop3A_341, %parallel_loop3A_342], %parallel_loop3A_339 {strides = array<i32>} : memref<24x513xf32, #tpu.memory_space<vmem>>, vector<16xf32>,
        %parallel_loop3A_344 = arith.constant 4 : i32
        %parallel_loop3A_345 = vector.broadcast %parallel_loop3A_344 : i32 to vector<16xi32>
        %parallel_loop3A_346 = tpu.vector_load_idx %arg7[%parallel_loop3A_345, %parallel_loop3A_315] : memref<24x1025xf32, #tpu.memory_space<vmem>>[vector<16xi32>, vector<16xi32>], vector<16xf32>,
        %parallel_loop3A_347 = arith.constant 4 : i32
        %parallel_loop3A_348 = arith.index_cast %parallel_loop3A_347 : i32 to index
        %parallel_loop3A_349 = arith.index_cast %parallel_loop3A_313 : i32 to index
        %parallel_loop3A_350 = tpu.vector_load %arg9[%parallel_loop3A_348, %parallel_loop3A_349] {strides = array<i32>} : memref<24x513xf32, #tpu.memory_space<vmem>>, vector<16xf32>,
        tpu.vector_store %arg9[%parallel_loop3A_348, %parallel_loop3A_349], %parallel_loop3A_346 {strides = array<i32>} : memref<24x513xf32, #tpu.memory_space<vmem>>, vector<16xf32>,
        %parallel_loop3A_351 = arith.constant 5 : i32
        %parallel_loop3A_352 = vector.broadcast %parallel_loop3A_351 : i32 to vector<16xi32>
        %parallel_loop3A_353 = tpu.vector_load_idx %arg7[%parallel_loop3A_352, %parallel_loop3A_315] : memref<24x1025xf32, #tpu.memory_space<vmem>>[vector<16xi32>, vector<16xi32>], vector<16xf32>,
        %parallel_loop3A_354 = arith.constant 5 : i32
        %parallel_loop3A_355 = arith.index_cast %parallel_loop3A_354 : i32 to index
        %parallel_loop3A_356 = arith.index_cast %parallel_loop3A_313 : i32 to index
        %parallel_loop3A_357 = tpu.vector_load %arg9[%parallel_loop3A_355, %parallel_loop3A_356] {strides = array<i32>} : memref<24x513xf32, #tpu.memory_space<vmem>>, vector<16xf32>,
        tpu.vector_store %arg9[%parallel_loop3A_355, %parallel_loop3A_356], %parallel_loop3A_353 {strides = array<i32>} : memref<24x513xf32, #tpu.memory_space<vmem>>, vector<16xf32>,
        %parallel_loop3A_358 = arith.constant 6 : i32
        %parallel_loop3A_359 = vector.broadcast %parallel_loop3A_358 : i32 to vector<16xi32>
        %parallel_loop3A_360 = tpu.vector_load_idx %arg7[%parallel_loop3A_359, %parallel_loop3A_315] : memref<24x1025xf32, #tpu.memory_space<vmem>>[vector<16xi32>, vector<16xi32>], vector<16xf32>,
        %parallel_loop3A_361 = arith.constant 6 : i32
        %parallel_loop3A_362 = arith.index_cast %parallel_loop3A_361 : i32 to index
        %parallel_loop3A_363 = arith.index_cast %parallel_loop3A_313 : i32 to index
        %parallel_loop3A_364 = tpu.vector_load %arg9[%parallel_loop3A_362, %parallel_loop3A_363] {strides = array<i32>} : memref<24x513xf32, #tpu.memory_space<vmem>>, vector<16xf32>,
        tpu.vector_store %arg9[%parallel_loop3A_362, %parallel_loop3A_363], %parallel_loop3A_360 {strides = array<i32>} : memref<24x513xf32, #tpu.memory_space<vmem>>, vector<16xf32>,
        %parallel_loop3A_365 = arith.constant 7 : i32
        %parallel_loop3A_366 = vector.broadcast %parallel_loop3A_365 : i32 to vector<16xi32>
        %parallel_loop3A_367 = tpu.vector_load_idx %arg7[%parallel_loop3A_366, %parallel_loop3A_315] : memref<24x1025xf32, #tpu.memory_space<vmem>>[vector<16xi32>, vector<16xi32>], vector<16xf32>,
        %parallel_loop3A_368 = arith.constant 7 : i32
        %parallel_loop3A_369 = arith.index_cast %parallel_loop3A_368 : i32 to index
        %parallel_loop3A_370 = arith.index_cast %parallel_loop3A_313 : i32 to index
        %parallel_loop3A_371 = tpu.vector_load %arg9[%parallel_loop3A_369, %parallel_loop3A_370] {strides = array<i32>} : memref<24x513xf32, #tpu.memory_space<vmem>>, vector<16xf32>,
        tpu.vector_store %arg9[%parallel_loop3A_369, %parallel_loop3A_370], %parallel_loop3A_367 {strides = array<i32>} : memref<24x513xf32, #tpu.memory_space<vmem>>, vector<16xf32>,
        %parallel_loop3A_372 = arith.constant 8 : i32
        %parallel_loop3A_373 = vector.broadcast %parallel_loop3A_372 : i32 to vector<16xi32>
        %parallel_loop3A_374 = tpu.vector_load_idx %arg7[%parallel_loop3A_373, %parallel_loop3A_315] : memref<24x1025xf32, #tpu.memory_space<vmem>>[vector<16xi32>, vector<16xi32>], vector<16xf32>,
        %parallel_loop3A_375 = arith.constant 8 : i32
        %parallel_loop3A_376 = arith.index_cast %parallel_loop3A_375 : i32 to index
        %parallel_loop3A_377 = arith.index_cast %parallel_loop3A_313 : i32 to index
        %parallel_loop3A_378 = tpu.vector_load %arg9[%parallel_loop3A_376, %parallel_loop3A_377] {strides = array<i32>} : memref<24x513xf32, #tpu.memory_space<vmem>>, vector<16xf32>,
        tpu.vector_store %arg9[%parallel_loop3A_376, %parallel_loop3A_377], %parallel_loop3A_374 {strides = array<i32>} : memref<24x513xf32, #tpu.memory_space<vmem>>, vector<16xf32>,
        %parallel_loop3A_379 = arith.constant 9 : i32
        %parallel_loop3A_380 = vector.broadcast %parallel_loop3A_379 : i32 to vector<16xi32>
        %parallel_loop3A_381 = tpu.vector_load_idx %arg7[%parallel_loop3A_380, %parallel_loop3A_315] : memref<24x1025xf32, #tpu.memory_space<vmem>>[vector<16xi32>, vector<16xi32>], vector<16xf32>,
        %parallel_loop3A_382 = arith.constant 9 : i32
        %parallel_loop3A_383 = arith.index_cast %parallel_loop3A_382 : i32 to index
        %parallel_loop3A_384 = arith.index_cast %parallel_loop3A_313 : i32 to index
        %parallel_loop3A_385 = tpu.vector_load %arg9[%parallel_loop3A_383, %parallel_loop3A_384] {strides = array<i32>} : memref<24x513xf32, #tpu.memory_space<vmem>>, vector<16xf32>,
        tpu.vector_store %arg9[%parallel_loop3A_383, %parallel_loop3A_384], %parallel_loop3A_381 {strides = array<i32>} : memref<24x513xf32, #tpu.memory_space<vmem>>, vector<16xf32>,
        %parallel_loop3A_386 = arith.constant 10 : i32
        %parallel_loop3A_387 = vector.broadcast %parallel_loop3A_386 : i32 to vector<16xi32>
        %parallel_loop3A_388 = tpu.vector_load_idx %arg7[%parallel_loop3A_387, %parallel_loop3A_315] : memref<24x1025xf32, #tpu.memory_space<vmem>>[vector<16xi32>, vector<16xi32>], vector<16xf32>,
        %parallel_loop3A_389 = arith.constant 10 : i32
        %parallel_loop3A_390 = arith.index_cast %parallel_loop3A_389 : i32 to index
        %parallel_loop3A_391 = arith.index_cast %parallel_loop3A_313 : i32 to index
        %parallel_loop3A_392 = tpu.vector_load %arg9[%parallel_loop3A_390, %parallel_loop3A_391] {strides = array<i32>} : memref<24x513xf32, #tpu.memory_space<vmem>>, vector<16xf32>,
        tpu.vector_store %arg9[%parallel_loop3A_390, %parallel_loop3A_391], %parallel_loop3A_388 {strides = array<i32>} : memref<24x513xf32, #tpu.memory_space<vmem>>, vector<16xf32>,
        %parallel_loop3A_393 = arith.constant 11 : i32
        %parallel_loop3A_394 = vector.broadcast %parallel_loop3A_393 : i32 to vector<16xi32>
        %parallel_loop3A_395 = tpu.vector_load_idx %arg7[%parallel_loop3A_394, %parallel_loop3A_315] : memref<24x1025xf32, #tpu.memory_space<vmem>>[vector<16xi32>, vector<16xi32>], vector<16xf32>,
        %parallel_loop3A_396 = arith.constant 11 : i32
        %parallel_loop3A_397 = arith.index_cast %parallel_loop3A_396 : i32 to index
        %parallel_loop3A_398 = arith.index_cast %parallel_loop3A_313 : i32 to index
        %parallel_loop3A_399 = tpu.vector_load %arg9[%parallel_loop3A_397, %parallel_loop3A_398] {strides = array<i32>} : memref<24x513xf32, #tpu.memory_space<vmem>>, vector<16xf32>,
        tpu.vector_store %arg9[%parallel_loop3A_397, %parallel_loop3A_398], %parallel_loop3A_395 {strides = array<i32>} : memref<24x513xf32, #tpu.memory_space<vmem>>, vector<16xf32>,
        %parallel_loop3A_400 = arith.constant 12 : i32
        %parallel_loop3A_401 = vector.broadcast %parallel_loop3A_400 : i32 to vector<16xi32>
        %parallel_loop3A_402 = tpu.vector_load_idx %arg7[%parallel_loop3A_401, %parallel_loop3A_315] : memref<24x1025xf32, #tpu.memory_space<vmem>>[vector<16xi32>, vector<16xi32>], vector<16xf32>,
        %parallel_loop3A_403 = arith.constant 12 : i32
        %parallel_loop3A_404 = arith.index_cast %parallel_loop3A_403 : i32 to index
        %parallel_loop3A_405 = arith.index_cast %parallel_loop3A_313 : i32 to index
        %parallel_loop3A_406 = tpu.vector_load %arg9[%parallel_loop3A_404, %parallel_loop3A_405] {strides = array<i32>} : memref<24x513xf32, #tpu.memory_space<vmem>>, vector<16xf32>,
        tpu.vector_store %arg9[%parallel_loop3A_404, %parallel_loop3A_405], %parallel_loop3A_402 {strides = array<i32>} : memref<24x513xf32, #tpu.memory_space<vmem>>, vector<16xf32>,
        %parallel_loop3A_407 = arith.constant 13 : i32
        %parallel_loop3A_408 = vector.broadcast %parallel_loop3A_407 : i32 to vector<16xi32>
        %parallel_loop3A_409 = tpu.vector_load_idx %arg7[%parallel_loop3A_408, %parallel_loop3A_315] : memref<24x1025xf32, #tpu.memory_space<vmem>>[vector<16xi32>, vector<16xi32>], vector<16xf32>,
        %parallel_loop3A_410 = arith.constant 13 : i32
        %parallel_loop3A_411 = arith.index_cast %parallel_loop3A_410 : i32 to index
        %parallel_loop3A_412 = arith.index_cast %parallel_loop3A_313 : i32 to index
        %parallel_loop3A_413 = tpu.vector_load %arg9[%parallel_loop3A_411, %parallel_loop3A_412] {strides = array<i32>} : memref<24x513xf32, #tpu.memory_space<vmem>>, vector<16xf32>,
        tpu.vector_store %arg9[%parallel_loop3A_411, %parallel_loop3A_412], %parallel_loop3A_409 {strides = array<i32>} : memref<24x513xf32, #tpu.memory_space<vmem>>, vector<16xf32>,
        %parallel_loop3A_414 = arith.constant 14 : i32
        %parallel_loop3A_415 = vector.broadcast %parallel_loop3A_414 : i32 to vector<16xi32>
        %parallel_loop3A_416 = tpu.vector_load_idx %arg7[%parallel_loop3A_415, %parallel_loop3A_315] : memref<24x1025xf32, #tpu.memory_space<vmem>>[vector<16xi32>, vector<16xi32>], vector<16xf32>,
        %parallel_loop3A_417 = arith.constant 14 : i32
        %parallel_loop3A_418 = arith.index_cast %parallel_loop3A_417 : i32 to index
        %parallel_loop3A_419 = arith.index_cast %parallel_loop3A_313 : i32 to index
        %parallel_loop3A_420 = tpu.vector_load %arg9[%parallel_loop3A_418, %parallel_loop3A_419] {strides = array<i32>} : memref<24x513xf32, #tpu.memory_space<vmem>>, vector<16xf32>,
        tpu.vector_store %arg9[%parallel_loop3A_418, %parallel_loop3A_419], %parallel_loop3A_416 {strides = array<i32>} : memref<24x513xf32, #tpu.memory_space<vmem>>, vector<16xf32>,
        %parallel_loop3A_421 = arith.constant 15 : i32
        %parallel_loop3A_422 = vector.broadcast %parallel_loop3A_421 : i32 to vector<16xi32>
        %parallel_loop3A_423 = tpu.vector_load_idx %arg7[%parallel_loop3A_422, %parallel_loop3A_315] : memref<24x1025xf32, #tpu.memory_space<vmem>>[vector<16xi32>, vector<16xi32>], vector<16xf32>,
        %parallel_loop3A_424 = arith.constant 15 : i32
        %parallel_loop3A_425 = arith.index_cast %parallel_loop3A_424 : i32 to index
        %parallel_loop3A_426 = arith.index_cast %parallel_loop3A_313 : i32 to index
        %parallel_loop3A_427 = tpu.vector_load %arg9[%parallel_loop3A_425, %parallel_loop3A_426] {strides = array<i32>} : memref<24x513xf32, #tpu.memory_space<vmem>>, vector<16xf32>,
        tpu.vector_store %arg9[%parallel_loop3A_425, %parallel_loop3A_426], %parallel_loop3A_423 {strides = array<i32>} : memref<24x513xf32, #tpu.memory_space<vmem>>, vector<16xf32>,
        %parallel_loop3A_428 = arith.constant 16 : i32
        %parallel_loop3A_429 = vector.broadcast %parallel_loop3A_428 : i32 to vector<16xi32>
        %parallel_loop3A_430 = tpu.vector_load_idx %arg7[%parallel_loop3A_429, %parallel_loop3A_315] : memref<24x1025xf32, #tpu.memory_space<vmem>>[vector<16xi32>, vector<16xi32>], vector<16xf32>,
        %parallel_loop3A_431 = arith.constant 16 : i32
        %parallel_loop3A_432 = arith.index_cast %parallel_loop3A_431 : i32 to index
        %parallel_loop3A_433 = arith.index_cast %parallel_loop3A_313 : i32 to index
        %parallel_loop3A_434 = tpu.vector_load %arg9[%parallel_loop3A_432, %parallel_loop3A_433] {strides = array<i32>} : memref<24x513xf32, #tpu.memory_space<vmem>>, vector<16xf32>,
        tpu.vector_store %arg9[%parallel_loop3A_432, %parallel_loop3A_433], %parallel_loop3A_430 {strides = array<i32>} : memref<24x513xf32, #tpu.memory_space<vmem>>, vector<16xf32>,
        %parallel_loop3A_435 = arith.constant 17 : i32
        %parallel_loop3A_436 = vector.broadcast %parallel_loop3A_435 : i32 to vector<16xi32>
        %parallel_loop3A_437 = tpu.vector_load_idx %arg7[%parallel_loop3A_436, %parallel_loop3A_315] : memref<24x1025xf32, #tpu.memory_space<vmem>>[vector<16xi32>, vector<16xi32>], vector<16xf32>,
        %parallel_loop3A_438 = arith.constant 17 : i32
        %parallel_loop3A_439 = arith.index_cast %parallel_loop3A_438 : i32 to index
        %parallel_loop3A_440 = arith.index_cast %parallel_loop3A_313 : i32 to index
        %parallel_loop3A_441 = tpu.vector_load %arg9[%parallel_loop3A_439, %parallel_loop3A_440] {strides = array<i32>} : memref<24x513xf32, #tpu.memory_space<vmem>>, vector<16xf32>,
        tpu.vector_store %arg9[%parallel_loop3A_439, %parallel_loop3A_440], %parallel_loop3A_437 {strides = array<i32>} : memref<24x513xf32, #tpu.memory_space<vmem>>, vector<16xf32>,
        %parallel_loop3A_442 = arith.constant 18 : i32
        %parallel_loop3A_443 = vector.broadcast %parallel_loop3A_442 : i32 to vector<16xi32>
        %parallel_loop3A_444 = tpu.vector_load_idx %arg7[%parallel_loop3A_443, %parallel_loop3A_315] : memref<24x1025xf32, #tpu.memory_space<vmem>>[vector<16xi32>, vector<16xi32>], vector<16xf32>,
        %parallel_loop3A_445 = arith.constant 18 : i32
        %parallel_loop3A_446 = arith.index_cast %parallel_loop3A_445 : i32 to index
        %parallel_loop3A_447 = arith.index_cast %parallel_loop3A_313 : i32 to index
        %parallel_loop3A_448 = tpu.vector_load %arg9[%parallel_loop3A_446, %parallel_loop3A_447] {strides = array<i32>} : memref<24x513xf32, #tpu.memory_space<vmem>>, vector<16xf32>,
        tpu.vector_store %arg9[%parallel_loop3A_446, %parallel_loop3A_447], %parallel_loop3A_444 {strides = array<i32>} : memref<24x513xf32, #tpu.memory_space<vmem>>, vector<16xf32>,
        %parallel_loop3A_449 = arith.constant 19 : i32
        %parallel_loop3A_450 = vector.broadcast %parallel_loop3A_449 : i32 to vector<16xi32>
        %parallel_loop3A_451 = tpu.vector_load_idx %arg7[%parallel_loop3A_450, %parallel_loop3A_315] : memref<24x1025xf32, #tpu.memory_space<vmem>>[vector<16xi32>, vector<16xi32>], vector<16xf32>,
        %parallel_loop3A_452 = arith.constant 19 : i32
        %parallel_loop3A_453 = arith.index_cast %parallel_loop3A_452 : i32 to index
        %parallel_loop3A_454 = arith.index_cast %parallel_loop3A_313 : i32 to index
        %parallel_loop3A_455 = tpu.vector_load %arg9[%parallel_loop3A_453, %parallel_loop3A_454] {strides = array<i32>} : memref<24x513xf32, #tpu.memory_space<vmem>>, vector<16xf32>,
        tpu.vector_store %arg9[%parallel_loop3A_453, %parallel_loop3A_454], %parallel_loop3A_451 {strides = array<i32>} : memref<24x513xf32, #tpu.memory_space<vmem>>, vector<16xf32>,
        %parallel_loop3A_456 = arith.constant 20 : i32
        %parallel_loop3A_457 = vector.broadcast %parallel_loop3A_456 : i32 to vector<16xi32>
        %parallel_loop3A_458 = tpu.vector_load_idx %arg7[%parallel_loop3A_457, %parallel_loop3A_315] : memref<24x1025xf32, #tpu.memory_space<vmem>>[vector<16xi32>, vector<16xi32>], vector<16xf32>,
        %parallel_loop3A_459 = arith.constant 20 : i32
        %parallel_loop3A_460 = arith.index_cast %parallel_loop3A_459 : i32 to index
        %parallel_loop3A_461 = arith.index_cast %parallel_loop3A_313 : i32 to index
        %parallel_loop3A_462 = tpu.vector_load %arg9[%parallel_loop3A_460, %parallel_loop3A_461] {strides = array<i32>} : memref<24x513xf32, #tpu.memory_space<vmem>>, vector<16xf32>,
        tpu.vector_store %arg9[%parallel_loop3A_460, %parallel_loop3A_461], %parallel_loop3A_458 {strides = array<i32>} : memref<24x513xf32, #tpu.memory_space<vmem>>, vector<16xf32>,
        %parallel_loop3A_463 = arith.constant 21 : i32
        %parallel_loop3A_464 = vector.broadcast %parallel_loop3A_463 : i32 to vector<16xi32>
        %parallel_loop3A_465 = tpu.vector_load_idx %arg7[%parallel_loop3A_464, %parallel_loop3A_315] : memref<24x1025xf32, #tpu.memory_space<vmem>>[vector<16xi32>, vector<16xi32>], vector<16xf32>,
        %parallel_loop3A_466 = arith.constant 21 : i32
        %parallel_loop3A_467 = arith.index_cast %parallel_loop3A_466 : i32 to index
        %parallel_loop3A_468 = arith.index_cast %parallel_loop3A_313 : i32 to index
        %parallel_loop3A_469 = tpu.vector_load %arg9[%parallel_loop3A_467, %parallel_loop3A_468] {strides = array<i32>} : memref<24x513xf32, #tpu.memory_space<vmem>>, vector<16xf32>,
        tpu.vector_store %arg9[%parallel_loop3A_467, %parallel_loop3A_468], %parallel_loop3A_465 {strides = array<i32>} : memref<24x513xf32, #tpu.memory_space<vmem>>, vector<16xf32>,
        %parallel_loop3A_470 = arith.constant 22 : i32
        %parallel_loop3A_471 = vector.broadcast %parallel_loop3A_470 : i32 to vector<16xi32>
        %parallel_loop3A_472 = tpu.vector_load_idx %arg7[%parallel_loop3A_471, %parallel_loop3A_315] : memref<24x1025xf32, #tpu.memory_space<vmem>>[vector<16xi32>, vector<16xi32>], vector<16xf32>,
        %parallel_loop3A_473 = arith.constant 22 : i32
        %parallel_loop3A_474 = arith.index_cast %parallel_loop3A_473 : i32 to index
        %parallel_loop3A_475 = arith.index_cast %parallel_loop3A_313 : i32 to index
        %parallel_loop3A_476 = tpu.vector_load %arg9[%parallel_loop3A_474, %parallel_loop3A_475] {strides = array<i32>} : memref<24x513xf32, #tpu.memory_space<vmem>>, vector<16xf32>,
        tpu.vector_store %arg9[%parallel_loop3A_474, %parallel_loop3A_475], %parallel_loop3A_472 {strides = array<i32>} : memref<24x513xf32, #tpu.memory_space<vmem>>, vector<16xf32>,
        %parallel_loop3A_477 = arith.constant 23 : i32
        %parallel_loop3A_478 = vector.broadcast %parallel_loop3A_477 : i32 to vector<16xi32>
        %parallel_loop3A_479 = tpu.vector_load_idx %arg7[%parallel_loop3A_478, %parallel_loop3A_315] : memref<24x1025xf32, #tpu.memory_space<vmem>>[vector<16xi32>, vector<16xi32>], vector<16xf32>,
        %parallel_loop3A_480 = arith.constant 23 : i32
        %parallel_loop3A_481 = arith.index_cast %parallel_loop3A_480 : i32 to index
        %parallel_loop3A_482 = arith.index_cast %parallel_loop3A_313 : i32 to index
        %parallel_loop3A_483 = tpu.vector_load %arg9[%parallel_loop3A_481, %parallel_loop3A_482] {strides = array<i32>} : memref<24x513xf32, #tpu.memory_space<vmem>>, vector<16xf32>,
        tpu.vector_store %arg9[%parallel_loop3A_481, %parallel_loop3A_482], %parallel_loop3A_479 {strides = array<i32>} : memref<24x513xf32, #tpu.memory_space<vmem>>, vector<16xf32>,
      } {sc.loop_unroll_factor = 2 : i64, sc.parallel_access}
      %get3A_225 = arith.constant 512 : index
      %get3A_226 = tpu.vector_load %arg5[%get3A_225] {strides = array<i32>} : memref<640xi32, #tpu.memory_space<vmem>>, vector<16xi32>,
      %broadcast_in_dim3A_227 = arith.constant 512 : i32
      %broadcast_in_dim3A_228 = vector.broadcast %broadcast_in_dim3A_227 : i32 to vector<16xi32>
      %broadcast_in_dim3A_229 = arith.constant 0 : i32
      %broadcast_in_dim3A_230 = vector.broadcast %broadcast_in_dim3A_229 : i32 to vector<16xi32>
      %gather3A_231 = tpu.vector_load_idx %arg7[%broadcast_in_dim3A_230, %get3A_226] : memref<24x1025xf32, #tpu.memory_space<vmem>>[vector<16xi32>, vector<16xi32>], vector<16xf32>,
      tpu.vector_store_idx %arg9[%broadcast_in_dim3A_230, %broadcast_in_dim3A_228], %gather3A_231 masked %eq3A_2 : memref<24x513xf32, #tpu.memory_space<vmem>>[vector<16xi32>, vector<16xi32>], vector<16xf32>, vector<16xi1>
      %broadcast_in_dim3A_232 = arith.constant 1 : i32
      %broadcast_in_dim3A_233 = vector.broadcast %broadcast_in_dim3A_232 : i32 to vector<16xi32>
      %gather3A_234 = tpu.vector_load_idx %arg7[%broadcast_in_dim3A_233, %get3A_226] : memref<24x1025xf32, #tpu.memory_space<vmem>>[vector<16xi32>, vector<16xi32>], vector<16xf32>,
      tpu.vector_store_idx %arg9[%broadcast_in_dim3A_233, %broadcast_in_dim3A_228], %gather3A_234 masked %eq3A_2 : memref<24x513xf32, #tpu.memory_space<vmem>>[vector<16xi32>, vector<16xi32>], vector<16xf32>, vector<16xi1>
      %broadcast_in_dim3A_235 = arith.constant 2 : i32
      %broadcast_in_dim3A_236 = vector.broadcast %broadcast_in_dim3A_235 : i32 to vector<16xi32>
      %gather3A_237 = tpu.vector_load_idx %arg7[%broadcast_in_dim3A_236, %get3A_226] : memref<24x1025xf32, #tpu.memory_space<vmem>>[vector<16xi32>, vector<16xi32>], vector<16xf32>,
      tpu.vector_store_idx %arg9[%broadcast_in_dim3A_236, %broadcast_in_dim3A_228], %gather3A_237 masked %eq3A_2 : memref<24x513xf32, #tpu.memory_space<vmem>>[vector<16xi32>, vector<16xi32>], vector<16xf32>, vector<16xi1>
      %broadcast_in_dim3A_238 = arith.constant 3 : i32
      %broadcast_in_dim3A_239 = vector.broadcast %broadcast_in_dim3A_238 : i32 to vector<16xi32>
      %gather3A_240 = tpu.vector_load_idx %arg7[%broadcast_in_dim3A_239, %get3A_226] : memref<24x1025xf32, #tpu.memory_space<vmem>>[vector<16xi32>, vector<16xi32>], vector<16xf32>,
      tpu.vector_store_idx %arg9[%broadcast_in_dim3A_239, %broadcast_in_dim3A_228], %gather3A_240 masked %eq3A_2 : memref<24x513xf32, #tpu.memory_space<vmem>>[vector<16xi32>, vector<16xi32>], vector<16xf32>, vector<16xi1>
      %broadcast_in_dim3A_241 = arith.constant 4 : i32
      %broadcast_in_dim3A_242 = vector.broadcast %broadcast_in_dim3A_241 : i32 to vector<16xi32>
      %gather3A_243 = tpu.vector_load_idx %arg7[%broadcast_in_dim3A_242, %get3A_226] : memref<24x1025xf32, #tpu.memory_space<vmem>>[vector<16xi32>, vector<16xi32>], vector<16xf32>,
      tpu.vector_store_idx %arg9[%broadcast_in_dim3A_242, %broadcast_in_dim3A_228], %gather3A_243 masked %eq3A_2 : memref<24x513xf32, #tpu.memory_space<vmem>>[vector<16xi32>, vector<16xi32>], vector<16xf32>, vector<16xi1>
      %broadcast_in_dim3A_244 = arith.constant 5 : i32
      %broadcast_in_dim3A_245 = vector.broadcast %broadcast_in_dim3A_244 : i32 to vector<16xi32>
      %gather3A_246 = tpu.vector_load_idx %arg7[%broadcast_in_dim3A_245, %get3A_226] : memref<24x1025xf32, #tpu.memory_space<vmem>>[vector<16xi32>, vector<16xi32>], vector<16xf32>,
      tpu.vector_store_idx %arg9[%broadcast_in_dim3A_245, %broadcast_in_dim3A_228], %gather3A_246 masked %eq3A_2 : memref<24x513xf32, #tpu.memory_space<vmem>>[vector<16xi32>, vector<16xi32>], vector<16xf32>, vector<16xi1>
      %broadcast_in_dim3A_247 = arith.constant 6 : i32
      %broadcast_in_dim3A_248 = vector.broadcast %broadcast_in_dim3A_247 : i32 to vector<16xi32>
      %gather3A_249 = tpu.vector_load_idx %arg7[%broadcast_in_dim3A_248, %get3A_226] : memref<24x1025xf32, #tpu.memory_space<vmem>>[vector<16xi32>, vector<16xi32>], vector<16xf32>,
      tpu.vector_store_idx %arg9[%broadcast_in_dim3A_248, %broadcast_in_dim3A_228], %gather3A_249 masked %eq3A_2 : memref<24x513xf32, #tpu.memory_space<vmem>>[vector<16xi32>, vector<16xi32>], vector<16xf32>, vector<16xi1>
      %broadcast_in_dim3A_250 = arith.constant 7 : i32
      %broadcast_in_dim3A_251 = vector.broadcast %broadcast_in_dim3A_250 : i32 to vector<16xi32>
      %gather3A_252 = tpu.vector_load_idx %arg7[%broadcast_in_dim3A_251, %get3A_226] : memref<24x1025xf32, #tpu.memory_space<vmem>>[vector<16xi32>, vector<16xi32>], vector<16xf32>,
      tpu.vector_store_idx %arg9[%broadcast_in_dim3A_251, %broadcast_in_dim3A_228], %gather3A_252 masked %eq3A_2 : memref<24x513xf32, #tpu.memory_space<vmem>>[vector<16xi32>, vector<16xi32>], vector<16xf32>, vector<16xi1>
      %broadcast_in_dim3A_253 = arith.constant 8 : i32
      %broadcast_in_dim3A_254 = vector.broadcast %broadcast_in_dim3A_253 : i32 to vector<16xi32>
      %gather3A_255 = tpu.vector_load_idx %arg7[%broadcast_in_dim3A_254, %get3A_226] : memref<24x1025xf32, #tpu.memory_space<vmem>>[vector<16xi32>, vector<16xi32>], vector<16xf32>,
      tpu.vector_store_idx %arg9[%broadcast_in_dim3A_254, %broadcast_in_dim3A_228], %gather3A_255 masked %eq3A_2 : memref<24x513xf32, #tpu.memory_space<vmem>>[vector<16xi32>, vector<16xi32>], vector<16xf32>, vector<16xi1>
      %broadcast_in_dim3A_256 = arith.constant 9 : i32
      %broadcast_in_dim3A_257 = vector.broadcast %broadcast_in_dim3A_256 : i32 to vector<16xi32>
      %gather3A_258 = tpu.vector_load_idx %arg7[%broadcast_in_dim3A_257, %get3A_226] : memref<24x1025xf32, #tpu.memory_space<vmem>>[vector<16xi32>, vector<16xi32>], vector<16xf32>,
      tpu.vector_store_idx %arg9[%broadcast_in_dim3A_257, %broadcast_in_dim3A_228], %gather3A_258 masked %eq3A_2 : memref<24x513xf32, #tpu.memory_space<vmem>>[vector<16xi32>, vector<16xi32>], vector<16xf32>, vector<16xi1>
      %broadcast_in_dim3A_259 = arith.constant 10 : i32
      %broadcast_in_dim3A_260 = vector.broadcast %broadcast_in_dim3A_259 : i32 to vector<16xi32>
      %gather3A_261 = tpu.vector_load_idx %arg7[%broadcast_in_dim3A_260, %get3A_226] : memref<24x1025xf32, #tpu.memory_space<vmem>>[vector<16xi32>, vector<16xi32>], vector<16xf32>,
      tpu.vector_store_idx %arg9[%broadcast_in_dim3A_260, %broadcast_in_dim3A_228], %gather3A_261 masked %eq3A_2 : memref<24x513xf32, #tpu.memory_space<vmem>>[vector<16xi32>, vector<16xi32>], vector<16xf32>, vector<16xi1>
      %broadcast_in_dim3A_262 = arith.constant 11 : i32
      %broadcast_in_dim3A_263 = vector.broadcast %broadcast_in_dim3A_262 : i32 to vector<16xi32>
      %gather3A_264 = tpu.vector_load_idx %arg7[%broadcast_in_dim3A_263, %get3A_226] : memref<24x1025xf32, #tpu.memory_space<vmem>>[vector<16xi32>, vector<16xi32>], vector<16xf32>,
      tpu.vector_store_idx %arg9[%broadcast_in_dim3A_263, %broadcast_in_dim3A_228], %gather3A_264 masked %eq3A_2 : memref<24x513xf32, #tpu.memory_space<vmem>>[vector<16xi32>, vector<16xi32>], vector<16xf32>, vector<16xi1>
      %broadcast_in_dim3A_265 = arith.constant 12 : i32
      %broadcast_in_dim3A_266 = vector.broadcast %broadcast_in_dim3A_265 : i32 to vector<16xi32>
      %gather3A_267 = tpu.vector_load_idx %arg7[%broadcast_in_dim3A_266, %get3A_226] : memref<24x1025xf32, #tpu.memory_space<vmem>>[vector<16xi32>, vector<16xi32>], vector<16xf32>,
      tpu.vector_store_idx %arg9[%broadcast_in_dim3A_266, %broadcast_in_dim3A_228], %gather3A_267 masked %eq3A_2 : memref<24x513xf32, #tpu.memory_space<vmem>>[vector<16xi32>, vector<16xi32>], vector<16xf32>, vector<16xi1>
      %broadcast_in_dim3A_268 = arith.constant 13 : i32
      %broadcast_in_dim3A_269 = vector.broadcast %broadcast_in_dim3A_268 : i32 to vector<16xi32>
      %gather3A_270 = tpu.vector_load_idx %arg7[%broadcast_in_dim3A_269, %get3A_226] : memref<24x1025xf32, #tpu.memory_space<vmem>>[vector<16xi32>, vector<16xi32>], vector<16xf32>,
      tpu.vector_store_idx %arg9[%broadcast_in_dim3A_269, %broadcast_in_dim3A_228], %gather3A_270 masked %eq3A_2 : memref<24x513xf32, #tpu.memory_space<vmem>>[vector<16xi32>, vector<16xi32>], vector<16xf32>, vector<16xi1>
      %broadcast_in_dim3A_271 = arith.constant 14 : i32
      %broadcast_in_dim3A_272 = vector.broadcast %broadcast_in_dim3A_271 : i32 to vector<16xi32>
      %gather3A_273 = tpu.vector_load_idx %arg7[%broadcast_in_dim3A_272, %get3A_226] : memref<24x1025xf32, #tpu.memory_space<vmem>>[vector<16xi32>, vector<16xi32>], vector<16xf32>,
      tpu.vector_store_idx %arg9[%broadcast_in_dim3A_272, %broadcast_in_dim3A_228], %gather3A_273 masked %eq3A_2 : memref<24x513xf32, #tpu.memory_space<vmem>>[vector<16xi32>, vector<16xi32>], vector<16xf32>, vector<16xi1>
      %broadcast_in_dim3A_274 = arith.constant 15 : i32
      %broadcast_in_dim3A_275 = vector.broadcast %broadcast_in_dim3A_274 : i32 to vector<16xi32>
      %gather3A_276 = tpu.vector_load_idx %arg7[%broadcast_in_dim3A_275, %get3A_226] : memref<24x1025xf32, #tpu.memory_space<vmem>>[vector<16xi32>, vector<16xi32>], vector<16xf32>,
      tpu.vector_store_idx %arg9[%broadcast_in_dim3A_275, %broadcast_in_dim3A_228], %gather3A_276 masked %eq3A_2 : memref<24x513xf32, #tpu.memory_space<vmem>>[vector<16xi32>, vector<16xi32>], vector<16xf32>, vector<16xi1>
      %broadcast_in_dim3A_277 = arith.constant 16 : i32
      %broadcast_in_dim3A_278 = vector.broadcast %broadcast_in_dim3A_277 : i32 to vector<16xi32>
      %gather3A_279 = tpu.vector_load_idx %arg7[%broadcast_in_dim3A_278, %get3A_226] : memref<24x1025xf32, #tpu.memory_space<vmem>>[vector<16xi32>, vector<16xi32>], vector<16xf32>,
      tpu.vector_store_idx %arg9[%broadcast_in_dim3A_278, %broadcast_in_dim3A_228], %gather3A_279 masked %eq3A_2 : memref<24x513xf32, #tpu.memory_space<vmem>>[vector<16xi32>, vector<16xi32>], vector<16xf32>, vector<16xi1>
      %broadcast_in_dim3A_280 = arith.constant 17 : i32
      %broadcast_in_dim3A_281 = vector.broadcast %broadcast_in_dim3A_280 : i32 to vector<16xi32>
      %gather3A_282 = tpu.vector_load_idx %arg7[%broadcast_in_dim3A_281, %get3A_226] : memref<24x1025xf32, #tpu.memory_space<vmem>>[vector<16xi32>, vector<16xi32>], vector<16xf32>,
      tpu.vector_store_idx %arg9[%broadcast_in_dim3A_281, %broadcast_in_dim3A_228], %gather3A_282 masked %eq3A_2 : memref<24x513xf32, #tpu.memory_space<vmem>>[vector<16xi32>, vector<16xi32>], vector<16xf32>, vector<16xi1>
      %broadcast_in_dim3A_283 = arith.constant 18 : i32
      %broadcast_in_dim3A_284 = vector.broadcast %broadcast_in_dim3A_283 : i32 to vector<16xi32>
      %gather3A_285 = tpu.vector_load_idx %arg7[%broadcast_in_dim3A_284, %get3A_226] : memref<24x1025xf32, #tpu.memory_space<vmem>>[vector<16xi32>, vector<16xi32>], vector<16xf32>,
      tpu.vector_store_idx %arg9[%broadcast_in_dim3A_284, %broadcast_in_dim3A_228], %gather3A_285 masked %eq3A_2 : memref<24x513xf32, #tpu.memory_space<vmem>>[vector<16xi32>, vector<16xi32>], vector<16xf32>, vector<16xi1>
      %broadcast_in_dim3A_286 = arith.constant 19 : i32
      %broadcast_in_dim3A_287 = vector.broadcast %broadcast_in_dim3A_286 : i32 to vector<16xi32>
      %gather3A_288 = tpu.vector_load_idx %arg7[%broadcast_in_dim3A_287, %get3A_226] : memref<24x1025xf32, #tpu.memory_space<vmem>>[vector<16xi32>, vector<16xi32>], vector<16xf32>,
      tpu.vector_store_idx %arg9[%broadcast_in_dim3A_287, %broadcast_in_dim3A_228], %gather3A_288 masked %eq3A_2 : memref<24x513xf32, #tpu.memory_space<vmem>>[vector<16xi32>, vector<16xi32>], vector<16xf32>, vector<16xi1>
      %broadcast_in_dim3A_289 = arith.constant 20 : i32
      %broadcast_in_dim3A_290 = vector.broadcast %broadcast_in_dim3A_289 : i32 to vector<16xi32>
      %gather3A_291 = tpu.vector_load_idx %arg7[%broadcast_in_dim3A_290, %get3A_226] : memref<24x1025xf32, #tpu.memory_space<vmem>>[vector<16xi32>, vector<16xi32>], vector<16xf32>,
      tpu.vector_store_idx %arg9[%broadcast_in_dim3A_290, %broadcast_in_dim3A_228], %gather3A_291 masked %eq3A_2 : memref<24x513xf32, #tpu.memory_space<vmem>>[vector<16xi32>, vector<16xi32>], vector<16xf32>, vector<16xi1>
      %broadcast_in_dim3A_292 = arith.constant 21 : i32
      %broadcast_in_dim3A_293 = vector.broadcast %broadcast_in_dim3A_292 : i32 to vector<16xi32>
      %gather3A_294 = tpu.vector_load_idx %arg7[%broadcast_in_dim3A_293, %get3A_226] : memref<24x1025xf32, #tpu.memory_space<vmem>>[vector<16xi32>, vector<16xi32>], vector<16xf32>,
      tpu.vector_store_idx %arg9[%broadcast_in_dim3A_293, %broadcast_in_dim3A_228], %gather3A_294 masked %eq3A_2 : memref<24x513xf32, #tpu.memory_space<vmem>>[vector<16xi32>, vector<16xi32>], vector<16xf32>, vector<16xi1>
      %broadcast_in_dim3A_295 = arith.constant 22 : i32
      %broadcast_in_dim3A_296 = vector.broadcast %broadcast_in_dim3A_295 : i32 to vector<16xi32>
      %gather3A_297 = tpu.vector_load_idx %arg7[%broadcast_in_dim3A_296, %get3A_226] : memref<24x1025xf32, #tpu.memory_space<vmem>>[vector<16xi32>, vector<16xi32>], vector<16xf32>,
      tpu.vector_store_idx %arg9[%broadcast_in_dim3A_296, %broadcast_in_dim3A_228], %gather3A_297 masked %eq3A_2 : memref<24x513xf32, #tpu.memory_space<vmem>>[vector<16xi32>, vector<16xi32>], vector<16xf32>, vector<16xi1>
      %broadcast_in_dim3A_298 = arith.constant 23 : i32
      %broadcast_in_dim3A_299 = vector.broadcast %broadcast_in_dim3A_298 : i32 to vector<16xi32>
      %gather3A_300 = tpu.vector_load_idx %arg7[%broadcast_in_dim3A_299, %get3A_226] : memref<24x1025xf32, #tpu.memory_space<vmem>>[vector<16xi32>, vector<16xi32>], vector<16xf32>,
      tpu.vector_store_idx %arg9[%broadcast_in_dim3A_299, %broadcast_in_dim3A_228], %gather3A_300 masked %eq3A_2 : memref<24x513xf32, #tpu.memory_space<vmem>>[vector<16xi32>, vector<16xi32>], vector<16xf32>, vector<16xi1>
      %mul3A_301 = arith.constant 24 : i32
      %mul3A_302 = arith.muli %add3A_91, %mul3A_301 : i32
      %multiple_of3A_303 = tpu.assume_multiple %mul3A_302, 8 : i32
      %dma_start3A_304 = arith.constant 0 : i32
      %dma_start3A_305 = tpu.memref_slice %arg4[%add3A_6, %multiple_of3A_303, %dma_start3A_304] : memref<64x192x513xf32, #tpu.memory_space<hbm>> -> memref<1x24x513xf32, #tpu.memory_space<hbm>>
      %dma_start3A_306 = tpu.memref_squeeze %dma_start3A_305 : memref<1x24x513xf32, #tpu.memory_space<hbm>> -> memref<24x513xf32, #tpu.memory_space<hbm>>
      %dma_start3A_307 = arith.constant 0 : i32
      %dma_start3A_308 = tpu.memref_slice %arg4[%add3A_6, %multiple_of3A_303, %dma_start3A_307] : memref<64x192x513xf32, #tpu.memory_space<hbm>> -> memref<1x24x513xf32, #tpu.memory_space<hbm>>
      %dma_start3A_309 = tpu.memref_squeeze %dma_start3A_308 : memref<1x24x513xf32, #tpu.memory_space<hbm>> -> memref<24x513xf32, #tpu.memory_space<hbm>>
      tpu.enqueue_dma source(%arg9 : memref<24x513xf32, #tpu.memory_space<vmem>>) target(%dma_start3A_309 : memref<24x513xf32, #tpu.memory_space<hbm>>) target_semaphore(%arg13 : memref<!tpu.dma_semaphore, #tpu.memory_space<semaphore_mem>>)
    }
    %scan3A_19 = arith.constant 4 : i32
    %multiple_of3A_20 = arith.constant 168 : i32
    %multiple_of3A_21 = tpu.assume_multiple %multiple_of3A_20, 8 : i32
    %dma_wait3A = arith.constant 0 : i32
    %dma_wait3A_22 = tpu.memref_slice %arg2[%add3A_6, %multiple_of3A_21, %dma_wait3A] : memref<64x192x1025xf32, #tpu.memory_space<hbm>> -> memref<1x24x1025xf32, #tpu.memory_space<hbm>>
    %dma_wait3A_23 = tpu.memref_squeeze %dma_wait3A_22 : memref<1x24x1025xf32, #tpu.memory_space<hbm>> -> memref<24x1025xf32, #tpu.memory_space<hbm>>
    %dma_wait3A_24 = arith.constant 0 : i32
    %dma_wait3A_25 = tpu.memref_slice %arg2[%add3A_6, %multiple_of3A_21, %dma_wait3A_24] : memref<64x192x1025xf32, #tpu.memory_space<hbm>> -> memref<1x24x1025xf32, #tpu.memory_space<hbm>>
    %dma_wait3A_26 = tpu.memref_squeeze %dma_wait3A_25 : memref<1x24x1025xf32, #tpu.memory_space<hbm>> -> memref<24x1025xf32, #tpu.memory_space<hbm>>
    tpu.wait_dma2 semaphore(%arg10 : memref<!tpu.dma_semaphore, #tpu.memory_space<semaphore_mem>>) src(%dma_wait3A_26 : memref<24x1025xf32, #tpu.memory_space<hbm>>) dst(%arg6 : memref<24x1025xf32, #tpu.memory_space<vmem>>)
    %multiple_of3A_27 = arith.constant 144 : i32
    %multiple_of3A_28 = tpu.assume_multiple %multiple_of3A_27, 8 : i32
    %dma_wait3A_29 = arith.constant 0 : i32
    %dma_wait3A_30 = tpu.memref_slice %arg4[%add3A_6, %multiple_of3A_28, %dma_wait3A_29] : memref<64x192x513xf32, #tpu.memory_space<hbm>> -> memref<1x24x513xf32, #tpu.memory_space<hbm>>
    %dma_wait3A_31 = tpu.memref_squeeze %dma_wait3A_30 : memref<1x24x513xf32, #tpu.memory_space<hbm>> -> memref<24x513xf32, #tpu.memory_space<hbm>>
    %dma_wait3A_32 = arith.constant 0 : i32
    %dma_wait3A_33 = tpu.memref_slice %arg4[%add3A_6, %multiple_of3A_28, %dma_wait3A_32] : memref<64x192x513xf32, #tpu.memory_space<hbm>> -> memref<1x24x513xf32, #tpu.memory_space<hbm>>
    %dma_wait3A_34 = tpu.memref_squeeze %dma_wait3A_33 : memref<1x24x513xf32, #tpu.memory_space<hbm>> -> memref<24x513xf32, #tpu.memory_space<hbm>>
    tpu.wait_dma2 semaphore(%arg12 : memref<!tpu.dma_semaphore, #tpu.memory_space<semaphore_mem>>) src(%arg8 : memref<24x513xf32, #tpu.memory_space<vmem>>) dst(%dma_wait3A_34 : memref<24x513xf32, #tpu.memory_space<hbm>>)
    %multiple_of3A_35 = arith.constant 168 : i32
    %multiple_of3A_36 = tpu.assume_multiple %multiple_of3A_35, 8 : i32
    %dma_wait3A_37 = arith.constant 0 : i32
    %dma_wait3A_38 = tpu.memref_slice %arg4[%add3A_6, %multiple_of3A_36, %dma_wait3A_37] : memref<64x192x513xf32, #tpu.memory_space<hbm>> -> memref<1x24x513xf32, #tpu.memory_space<hbm>>
    %dma_wait3A_39 = tpu.memref_squeeze %dma_wait3A_38 : memref<1x24x513xf32, #tpu.memory_space<hbm>> -> memref<24x513xf32, #tpu.memory_space<hbm>>
    %dma_wait3A_40 = arith.constant 0 : i32
    %dma_wait3A_41 = tpu.memref_slice %arg4[%add3A_6, %multiple_of3A_36, %dma_wait3A_40] : memref<64x192x513xf32, #tpu.memory_space<hbm>> -> memref<1x24x513xf32, #tpu.memory_space<hbm>>
    %dma_wait3A_42 = tpu.memref_squeeze %dma_wait3A_41 : memref<1x24x513xf32, #tpu.memory_space<hbm>> -> memref<24x513xf32, #tpu.memory_space<hbm>>
    tpu.wait_dma2 semaphore(%arg13 : memref<!tpu.dma_semaphore, #tpu.memory_space<semaphore_mem>>) src(%arg9 : memref<24x513xf32, #tpu.memory_space<vmem>>) dst(%dma_wait3A_42 : memref<24x513xf32, #tpu.memory_space<hbm>>)
    %mul3A_43 = arith.constant 2 : i32
    %mul3A_44 = arith.muli %add3A, %mul3A_43 : i32
    %add3A_45 = arith.constant 1 : i32
    %add3A_46 = arith.addi %mul3A_44, %add3A_45 : i32
    %mul3A_47 = arith.constant 640 : i32
    %mul3A_48 = arith.muli %add3A_46, %mul3A_47 : i32
    "tpu.region"() ({
      %run_scoped3A = tpu.sem_alloc : memref<!tpu.dma_semaphore, #tpu.memory_space<semaphore_mem>>
      %dma_start3A_87 = tpu.memref_slice %arg3[%mul3A_48] : memref<40960xi32, #tpu.memory_space<hbm>> -> memref<640xi32, #tpu.memory_space<hbm>>
      %dma_start3A_88 = tpu.memref_slice %arg3[%mul3A_48] : memref<40960xi32, #tpu.memory_space<hbm>> -> memref<640xi32, #tpu.memory_space<hbm>>
      tpu.enqueue_dma source(%dma_start3A_88 : memref<640xi32, #tpu.memory_space<hbm>>) target(%arg5 : memref<640xi32, #tpu.memory_space<vmem>>) target_semaphore(%run_scoped3A : memref<!tpu.dma_semaphore, #tpu.memory_space<semaphore_mem>>)
      %dma_wait3A_89 = tpu.memref_slice %arg3[%mul3A_48] : memref<40960xi32, #tpu.memory_space<hbm>> -> memref<640xi32, #tpu.memory_space<hbm>>
      %dma_wait3A_90 = tpu.memref_slice %arg3[%mul3A_48] : memref<40960xi32, #tpu.memory_space<hbm>> -> memref<640xi32, #tpu.memory_space<hbm>>
      tpu.wait_dma2 semaphore(%run_scoped3A : memref<!tpu.dma_semaphore, #tpu.memory_space<semaphore_mem>>) src(%dma_wait3A_90 : memref<640xi32, #tpu.memory_space<hbm>>) dst(%arg5 : memref<640xi32, #tpu.memory_space<vmem>>)
      tpu.yield
    }) : () -> ()
    %multiple_of3A_49 = arith.constant 0 : i32
    %multiple_of3A_50 = tpu.assume_multiple %multiple_of3A_49, 8 : i32
    %dma_start3A_51 = arith.constant 0 : i32
    %dma_start3A_52 = tpu.memref_slice %arg2[%add3A_46, %multiple_of3A_50, %dma_start3A_51] : memref<64x192x1025xf32, #tpu.memory_space<hbm>> -> memref<1x24x1025xf32, #tpu.memory_space<hbm>>
    %dma_start3A_53 = tpu.memref_squeeze %dma_start3A_52 : memref<1x24x1025xf32, #tpu.memory_space<hbm>> -> memref<24x1025xf32, #tpu.memory_space<hbm>>
    %dma_start3A_54 = arith.constant 0 : i32
    %dma_start3A_55 = tpu.memref_slice %arg2[%add3A_46, %multiple_of3A_50, %dma_start3A_54] : memref<64x192x1025xf32, #tpu.memory_space<hbm>> -> memref<1x24x1025xf32, #tpu.memory_space<hbm>>
    %dma_start3A_56 = tpu.memref_squeeze %dma_start3A_55 : memref<1x24x1025xf32, #tpu.memory_space<hbm>> -> memref<24x1025xf32, #tpu.memory_space<hbm>>
    tpu.enqueue_dma source(%dma_start3A_56 : memref<24x1025xf32, #tpu.memory_space<hbm>>) target(%arg6 : memref<24x1025xf32, #tpu.memory_space<vmem>>) target_semaphore(%arg10 : memref<!tpu.dma_semaphore, #tpu.memory_space<semaphore_mem>>)
    %scan3A_57 = arith.constant 0 : i32
    %scan3A_58 = arith.constant 0 : i32
    %scan3A_59 = arith.constant 4 : i32
    %scan3A_60 = arith.addi %scan3A_58, %scan3A_59 : i32
    %scan3A_61 = arith.constant 1 : i32
    scf.for %scan3A_87 = %scan3A_58 to %scan3A_60 step %scan3A_61  : i32 {
      %mul3A_88 = arith.constant 2 : i32
      %mul3A_89 = arith.muli %scan3A_87, %mul3A_88 : i32
      %add3A_90 = arith.constant 1 : i32
      %add3A_91 = arith.addi %mul3A_89, %add3A_90 : i32
      %mul3A_92 = arith.constant 24 : i32
      %mul3A_93 = arith.muli %mul3A_89, %mul3A_92 : i32
      %multiple_of3A_94 = tpu.assume_multiple %mul3A_93, 8 : i32
      %dma_wait3A_95 = arith.constant 0 : i32
      %dma_wait3A_96 = tpu.memref_slice %arg2[%add3A_46, %multiple_of3A_94, %dma_wait3A_95] : memref<64x192x1025xf32, #tpu.memory_space<hbm>> -> memref<1x24x1025xf32, #tpu.memory_space<hbm>>
      %dma_wait3A_97 = tpu.memref_squeeze %dma_wait3A_96 : memref<1x24x1025xf32, #tpu.memory_space<hbm>> -> memref<24x1025xf32, #tpu.memory_space<hbm>>
      %dma_wait3A_98 = arith.constant 0 : i32
      %dma_wait3A_99 = tpu.memref_slice %arg2[%add3A_46, %multiple_of3A_94, %dma_wait3A_98] : memref<64x192x1025xf32, #tpu.memory_space<hbm>> -> memref<1x24x1025xf32, #tpu.memory_space<hbm>>
      %dma_wait3A_100 = tpu.memref_squeeze %dma_wait3A_99 : memref<1x24x1025xf32, #tpu.memory_space<hbm>> -> memref<24x1025xf32, #tpu.memory_space<hbm>>
      tpu.wait_dma2 semaphore(%arg10 : memref<!tpu.dma_semaphore, #tpu.memory_space<semaphore_mem>>) src(%dma_wait3A_100 : memref<24x1025xf32, #tpu.memory_space<hbm>>) dst(%arg6 : memref<24x1025xf32, #tpu.memory_space<vmem>>)
      %mul3A_101 = arith.constant 24 : i32
      %mul3A_102 = arith.muli %add3A_91, %mul3A_101 : i32
      %multiple_of3A_103 = tpu.assume_multiple %mul3A_102, 8 : i32
      %dma_start3A_104 = arith.constant 0 : i32
      %dma_start3A_105 = tpu.memref_slice %arg2[%add3A_46, %multiple_of3A_103, %dma_start3A_104] : memref<64x192x1025xf32, #tpu.memory_space<hbm>> -> memref<1x24x1025xf32, #tpu.memory_space<hbm>>
      %dma_start3A_106 = tpu.memref_squeeze %dma_start3A_105 : memref<1x24x1025xf32, #tpu.memory_space<hbm>> -> memref<24x1025xf32, #tpu.memory_space<hbm>>
      %dma_start3A_107 = arith.constant 0 : i32
      %dma_start3A_108 = tpu.memref_slice %arg2[%add3A_46, %multiple_of3A_103, %dma_start3A_107] : memref<64x192x1025xf32, #tpu.memory_space<hbm>> -> memref<1x24x1025xf32, #tpu.memory_space<hbm>>
      %dma_start3A_109 = tpu.memref_squeeze %dma_start3A_108 : memref<1x24x1025xf32, #tpu.memory_space<hbm>> -> memref<24x1025xf32, #tpu.memory_space<hbm>>
      tpu.enqueue_dma source(%dma_start3A_109 : memref<24x1025xf32, #tpu.memory_space<hbm>>) target(%arg7 : memref<24x1025xf32, #tpu.memory_space<vmem>>) target_semaphore(%arg11 : memref<!tpu.dma_semaphore, #tpu.memory_space<semaphore_mem>>)
      %gt3A = arith.constant 0 : i32
      %gt3A_110 = arith.cmpi sgt, %scan3A_87, %gt3A : i32
      %convert_element_type3A = arith.extui %gt3A_110 : i1 to i32
      %cond3A = arith.constant 0 : i32
      %cond3A_111 = arith.cmpi ne, %convert_element_type3A, %cond3A : i32
      scf.if %cond3A_111 {
        %sub3A = arith.constant 2 : i32
        %sub3A_310 = arith.subi %mul3A_89, %sub3A : i32
        %mul3A_311 = arith.constant 24 : i32
        %mul3A_312 = arith.muli %sub3A_310, %mul3A_311 : i32
        %multiple_of3A_313 = tpu.assume_multiple %mul3A_312, 8 : i32
        %dma_wait3A_314 = arith.constant 0 : i32
        %dma_wait3A_315 = tpu.memref_slice %arg4[%add3A_46, %multiple_of3A_313, %dma_wait3A_314] : memref<64x192x513xf32, #tpu.memory_space<hbm>> -> memref<1x24x513xf32, #tpu.memory_space<hbm>>
        %dma_wait3A_316 = tpu.memref_squeeze %dma_wait3A_315 : memref<1x24x513xf32, #tpu.memory_space<hbm>> -> memref<24x513xf32, #tpu.memory_space<hbm>>
        %dma_wait3A_317 = arith.constant 0 : i32
        %dma_wait3A_318 = tpu.memref_slice %arg4[%add3A_46, %multiple_of3A_313, %dma_wait3A_317] : memref<64x192x513xf32, #tpu.memory_space<hbm>> -> memref<1x24x513xf32, #tpu.memory_space<hbm>>
        %dma_wait3A_319 = tpu.memref_squeeze %dma_wait3A_318 : memref<1x24x513xf32, #tpu.memory_space<hbm>> -> memref<24x513xf32, #tpu.memory_space<hbm>>
        tpu.wait_dma2 semaphore(%arg12 : memref<!tpu.dma_semaphore, #tpu.memory_space<semaphore_mem>>) src(%arg8 : memref<24x513xf32, #tpu.memory_space<vmem>>) dst(%dma_wait3A_319 : memref<24x513xf32, #tpu.memory_space<hbm>>)
      } else {
      }
      %parallel_loop3A = arith.constant 0 : i32
      %parallel_loop3A_112 = arith.constant 32 : i32
      %parallel_loop3A_113 = arith.constant 1 : i32
      scf.for %parallel_loop3A_310 = %parallel_loop3A to %parallel_loop3A_112 step %parallel_loop3A_113  : i32 {
        %parallel_loop3A_311 = arith.constant 16 : i32
        %parallel_loop3A_312 = arith.muli %parallel_loop3A_310, %parallel_loop3A_311 : i32
        %parallel_loop3A_313 = tpu.assume_multiple %parallel_loop3A_312, 16 : i32
        %parallel_loop3A_314 = arith.index_cast %parallel_loop3A_313 : i32 to index
        %parallel_loop3A_315 = tpu.vector_load %arg5[%parallel_loop3A_314] {strides = array<i32>} : memref<640xi32, #tpu.memory_space<vmem>>, vector<16xi32>,
        %parallel_loop3A_316 = arith.constant 0 : i32
        %parallel_loop3A_317 = vector.broadcast %parallel_loop3A_316 : i32 to vector<16xi32>
        %parallel_loop3A_318 = tpu.vector_load_idx %arg6[%parallel_loop3A_317, %parallel_loop3A_315] : memref<24x1025xf32, #tpu.memory_space<vmem>>[vector<16xi32>, vector<16xi32>], vector<16xf32>,
        %parallel_loop3A_319 = arith.constant 0 : i32
        %parallel_loop3A_320 = arith.index_cast %parallel_loop3A_319 : i32 to index
        %parallel_loop3A_321 = arith.index_cast %parallel_loop3A_313 : i32 to index
        %parallel_loop3A_322 = tpu.vector_load %arg8[%parallel_loop3A_320, %parallel_loop3A_321] {strides = array<i32>} : memref<24x513xf32, #tpu.memory_space<vmem>>, vector<16xf32>,
        tpu.vector_store %arg8[%parallel_loop3A_320, %parallel_loop3A_321], %parallel_loop3A_318 {strides = array<i32>} : memref<24x513xf32, #tpu.memory_space<vmem>>, vector<16xf32>,
        %parallel_loop3A_323 = arith.constant 1 : i32
        %parallel_loop3A_324 = vector.broadcast %parallel_loop3A_323 : i32 to vector<16xi32>
        %parallel_loop3A_325 = tpu.vector_load_idx %arg6[%parallel_loop3A_324, %parallel_loop3A_315] : memref<24x1025xf32, #tpu.memory_space<vmem>>[vector<16xi32>, vector<16xi32>], vector<16xf32>,
        %parallel_loop3A_326 = arith.constant 1 : i32
        %parallel_loop3A_327 = arith.index_cast %parallel_loop3A_326 : i32 to index
        %parallel_loop3A_328 = arith.index_cast %parallel_loop3A_313 : i32 to index
        %parallel_loop3A_329 = tpu.vector_load %arg8[%parallel_loop3A_327, %parallel_loop3A_328] {strides = array<i32>} : memref<24x513xf32, #tpu.memory_space<vmem>>, vector<16xf32>,
        tpu.vector_store %arg8[%parallel_loop3A_327, %parallel_loop3A_328], %parallel_loop3A_325 {strides = array<i32>} : memref<24x513xf32, #tpu.memory_space<vmem>>, vector<16xf32>,
        %parallel_loop3A_330 = arith.constant 2 : i32
        %parallel_loop3A_331 = vector.broadcast %parallel_loop3A_330 : i32 to vector<16xi32>
        %parallel_loop3A_332 = tpu.vector_load_idx %arg6[%parallel_loop3A_331, %parallel_loop3A_315] : memref<24x1025xf32, #tpu.memory_space<vmem>>[vector<16xi32>, vector<16xi32>], vector<16xf32>,
        %parallel_loop3A_333 = arith.constant 2 : i32
        %parallel_loop3A_334 = arith.index_cast %parallel_loop3A_333 : i32 to index
        %parallel_loop3A_335 = arith.index_cast %parallel_loop3A_313 : i32 to index
        %parallel_loop3A_336 = tpu.vector_load %arg8[%parallel_loop3A_334, %parallel_loop3A_335] {strides = array<i32>} : memref<24x513xf32, #tpu.memory_space<vmem>>, vector<16xf32>,
        tpu.vector_store %arg8[%parallel_loop3A_334, %parallel_loop3A_335], %parallel_loop3A_332 {strides = array<i32>} : memref<24x513xf32, #tpu.memory_space<vmem>>, vector<16xf32>,
        %parallel_loop3A_337 = arith.constant 3 : i32
        %parallel_loop3A_338 = vector.broadcast %parallel_loop3A_337 : i32 to vector<16xi32>
        %parallel_loop3A_339 = tpu.vector_load_idx %arg6[%parallel_loop3A_338, %parallel_loop3A_315] : memref<24x1025xf32, #tpu.memory_space<vmem>>[vector<16xi32>, vector<16xi32>], vector<16xf32>,
        %parallel_loop3A_340 = arith.constant 3 : i32
        %parallel_loop3A_341 = arith.index_cast %parallel_loop3A_340 : i32 to index
        %parallel_loop3A_342 = arith.index_cast %parallel_loop3A_313 : i32 to index
        %parallel_loop3A_343 = tpu.vector_load %arg8[%parallel_loop3A_341, %parallel_loop3A_342] {strides = array<i32>} : memref<24x513xf32, #tpu.memory_space<vmem>>, vector<16xf32>,
        tpu.vector_store %arg8[%parallel_loop3A_341, %parallel_loop3A_342], %parallel_loop3A_339 {strides = array<i32>} : memref<24x513xf32, #tpu.memory_space<vmem>>, vector<16xf32>,
        %parallel_loop3A_344 = arith.constant 4 : i32
        %parallel_loop3A_345 = vector.broadcast %parallel_loop3A_344 : i32 to vector<16xi32>
        %parallel_loop3A_346 = tpu.vector_load_idx %arg6[%parallel_loop3A_345, %parallel_loop3A_315] : memref<24x1025xf32, #tpu.memory_space<vmem>>[vector<16xi32>, vector<16xi32>], vector<16xf32>,
        %parallel_loop3A_347 = arith.constant 4 : i32
        %parallel_loop3A_348 = arith.index_cast %parallel_loop3A_347 : i32 to index
        %parallel_loop3A_349 = arith.index_cast %parallel_loop3A_313 : i32 to index
        %parallel_loop3A_350 = tpu.vector_load %arg8[%parallel_loop3A_348, %parallel_loop3A_349] {strides = array<i32>} : memref<24x513xf32, #tpu.memory_space<vmem>>, vector<16xf32>,
        tpu.vector_store %arg8[%parallel_loop3A_348, %parallel_loop3A_349], %parallel_loop3A_346 {strides = array<i32>} : memref<24x513xf32, #tpu.memory_space<vmem>>, vector<16xf32>,
        %parallel_loop3A_351 = arith.constant 5 : i32
        %parallel_loop3A_352 = vector.broadcast %parallel_loop3A_351 : i32 to vector<16xi32>
        %parallel_loop3A_353 = tpu.vector_load_idx %arg6[%parallel_loop3A_352, %parallel_loop3A_315] : memref<24x1025xf32, #tpu.memory_space<vmem>>[vector<16xi32>, vector<16xi32>], vector<16xf32>,
        %parallel_loop3A_354 = arith.constant 5 : i32
        %parallel_loop3A_355 = arith.index_cast %parallel_loop3A_354 : i32 to index
        %parallel_loop3A_356 = arith.index_cast %parallel_loop3A_313 : i32 to index
        %parallel_loop3A_357 = tpu.vector_load %arg8[%parallel_loop3A_355, %parallel_loop3A_356] {strides = array<i32>} : memref<24x513xf32, #tpu.memory_space<vmem>>, vector<16xf32>,
        tpu.vector_store %arg8[%parallel_loop3A_355, %parallel_loop3A_356], %parallel_loop3A_353 {strides = array<i32>} : memref<24x513xf32, #tpu.memory_space<vmem>>, vector<16xf32>,
        %parallel_loop3A_358 = arith.constant 6 : i32
        %parallel_loop3A_359 = vector.broadcast %parallel_loop3A_358 : i32 to vector<16xi32>
        %parallel_loop3A_360 = tpu.vector_load_idx %arg6[%parallel_loop3A_359, %parallel_loop3A_315] : memref<24x1025xf32, #tpu.memory_space<vmem>>[vector<16xi32>, vector<16xi32>], vector<16xf32>,
        %parallel_loop3A_361 = arith.constant 6 : i32
        %parallel_loop3A_362 = arith.index_cast %parallel_loop3A_361 : i32 to index
        %parallel_loop3A_363 = arith.index_cast %parallel_loop3A_313 : i32 to index
        %parallel_loop3A_364 = tpu.vector_load %arg8[%parallel_loop3A_362, %parallel_loop3A_363] {strides = array<i32>} : memref<24x513xf32, #tpu.memory_space<vmem>>, vector<16xf32>,
        tpu.vector_store %arg8[%parallel_loop3A_362, %parallel_loop3A_363], %parallel_loop3A_360 {strides = array<i32>} : memref<24x513xf32, #tpu.memory_space<vmem>>, vector<16xf32>,
        %parallel_loop3A_365 = arith.constant 7 : i32
        %parallel_loop3A_366 = vector.broadcast %parallel_loop3A_365 : i32 to vector<16xi32>
        %parallel_loop3A_367 = tpu.vector_load_idx %arg6[%parallel_loop3A_366, %parallel_loop3A_315] : memref<24x1025xf32, #tpu.memory_space<vmem>>[vector<16xi32>, vector<16xi32>], vector<16xf32>,
        %parallel_loop3A_368 = arith.constant 7 : i32
        %parallel_loop3A_369 = arith.index_cast %parallel_loop3A_368 : i32 to index
        %parallel_loop3A_370 = arith.index_cast %parallel_loop3A_313 : i32 to index
        %parallel_loop3A_371 = tpu.vector_load %arg8[%parallel_loop3A_369, %parallel_loop3A_370] {strides = array<i32>} : memref<24x513xf32, #tpu.memory_space<vmem>>, vector<16xf32>,
        tpu.vector_store %arg8[%parallel_loop3A_369, %parallel_loop3A_370], %parallel_loop3A_367 {strides = array<i32>} : memref<24x513xf32, #tpu.memory_space<vmem>>, vector<16xf32>,
        %parallel_loop3A_372 = arith.constant 8 : i32
        %parallel_loop3A_373 = vector.broadcast %parallel_loop3A_372 : i32 to vector<16xi32>
        %parallel_loop3A_374 = tpu.vector_load_idx %arg6[%parallel_loop3A_373, %parallel_loop3A_315] : memref<24x1025xf32, #tpu.memory_space<vmem>>[vector<16xi32>, vector<16xi32>], vector<16xf32>,
        %parallel_loop3A_375 = arith.constant 8 : i32
        %parallel_loop3A_376 = arith.index_cast %parallel_loop3A_375 : i32 to index
        %parallel_loop3A_377 = arith.index_cast %parallel_loop3A_313 : i32 to index
        %parallel_loop3A_378 = tpu.vector_load %arg8[%parallel_loop3A_376, %parallel_loop3A_377] {strides = array<i32>} : memref<24x513xf32, #tpu.memory_space<vmem>>, vector<16xf32>,
        tpu.vector_store %arg8[%parallel_loop3A_376, %parallel_loop3A_377], %parallel_loop3A_374 {strides = array<i32>} : memref<24x513xf32, #tpu.memory_space<vmem>>, vector<16xf32>,
        %parallel_loop3A_379 = arith.constant 9 : i32
        %parallel_loop3A_380 = vector.broadcast %parallel_loop3A_379 : i32 to vector<16xi32>
        %parallel_loop3A_381 = tpu.vector_load_idx %arg6[%parallel_loop3A_380, %parallel_loop3A_315] : memref<24x1025xf32, #tpu.memory_space<vmem>>[vector<16xi32>, vector<16xi32>], vector<16xf32>,
        %parallel_loop3A_382 = arith.constant 9 : i32
        %parallel_loop3A_383 = arith.index_cast %parallel_loop3A_382 : i32 to index
        %parallel_loop3A_384 = arith.index_cast %parallel_loop3A_313 : i32 to index
        %parallel_loop3A_385 = tpu.vector_load %arg8[%parallel_loop3A_383, %parallel_loop3A_384] {strides = array<i32>} : memref<24x513xf32, #tpu.memory_space<vmem>>, vector<16xf32>,
        tpu.vector_store %arg8[%parallel_loop3A_383, %parallel_loop3A_384], %parallel_loop3A_381 {strides = array<i32>} : memref<24x513xf32, #tpu.memory_space<vmem>>, vector<16xf32>,
        %parallel_loop3A_386 = arith.constant 10 : i32
        %parallel_loop3A_387 = vector.broadcast %parallel_loop3A_386 : i32 to vector<16xi32>
        %parallel_loop3A_388 = tpu.vector_load_idx %arg6[%parallel_loop3A_387, %parallel_loop3A_315] : memref<24x1025xf32, #tpu.memory_space<vmem>>[vector<16xi32>, vector<16xi32>], vector<16xf32>,
        %parallel_loop3A_389 = arith.constant 10 : i32
        %parallel_loop3A_390 = arith.index_cast %parallel_loop3A_389 : i32 to index
        %parallel_loop3A_391 = arith.index_cast %parallel_loop3A_313 : i32 to index
        %parallel_loop3A_392 = tpu.vector_load %arg8[%parallel_loop3A_390, %parallel_loop3A_391] {strides = array<i32>} : memref<24x513xf32, #tpu.memory_space<vmem>>, vector<16xf32>,
        tpu.vector_store %arg8[%parallel_loop3A_390, %parallel_loop3A_391], %parallel_loop3A_388 {strides = array<i32>} : memref<24x513xf32, #tpu.memory_space<vmem>>, vector<16xf32>,
        %parallel_loop3A_393 = arith.constant 11 : i32
        %parallel_loop3A_394 = vector.broadcast %parallel_loop3A_393 : i32 to vector<16xi32>
        %parallel_loop3A_395 = tpu.vector_load_idx %arg6[%parallel_loop3A_394, %parallel_loop3A_315] : memref<24x1025xf32, #tpu.memory_space<vmem>>[vector<16xi32>, vector<16xi32>], vector<16xf32>,
        %parallel_loop3A_396 = arith.constant 11 : i32
        %parallel_loop3A_397 = arith.index_cast %parallel_loop3A_396 : i32 to index
        %parallel_loop3A_398 = arith.index_cast %parallel_loop3A_313 : i32 to index
        %parallel_loop3A_399 = tpu.vector_load %arg8[%parallel_loop3A_397, %parallel_loop3A_398] {strides = array<i32>} : memref<24x513xf32, #tpu.memory_space<vmem>>, vector<16xf32>,
        tpu.vector_store %arg8[%parallel_loop3A_397, %parallel_loop3A_398], %parallel_loop3A_395 {strides = array<i32>} : memref<24x513xf32, #tpu.memory_space<vmem>>, vector<16xf32>,
        %parallel_loop3A_400 = arith.constant 12 : i32
        %parallel_loop3A_401 = vector.broadcast %parallel_loop3A_400 : i32 to vector<16xi32>
        %parallel_loop3A_402 = tpu.vector_load_idx %arg6[%parallel_loop3A_401, %parallel_loop3A_315] : memref<24x1025xf32, #tpu.memory_space<vmem>>[vector<16xi32>, vector<16xi32>], vector<16xf32>,
        %parallel_loop3A_403 = arith.constant 12 : i32
        %parallel_loop3A_404 = arith.index_cast %parallel_loop3A_403 : i32 to index
        %parallel_loop3A_405 = arith.index_cast %parallel_loop3A_313 : i32 to index
        %parallel_loop3A_406 = tpu.vector_load %arg8[%parallel_loop3A_404, %parallel_loop3A_405] {strides = array<i32>} : memref<24x513xf32, #tpu.memory_space<vmem>>, vector<16xf32>,
        tpu.vector_store %arg8[%parallel_loop3A_404, %parallel_loop3A_405], %parallel_loop3A_402 {strides = array<i32>} : memref<24x513xf32, #tpu.memory_space<vmem>>, vector<16xf32>,
        %parallel_loop3A_407 = arith.constant 13 : i32
        %parallel_loop3A_408 = vector.broadcast %parallel_loop3A_407 : i32 to vector<16xi32>
        %parallel_loop3A_409 = tpu.vector_load_idx %arg6[%parallel_loop3A_408, %parallel_loop3A_315] : memref<24x1025xf32, #tpu.memory_space<vmem>>[vector<16xi32>, vector<16xi32>], vector<16xf32>,
        %parallel_loop3A_410 = arith.constant 13 : i32
        %parallel_loop3A_411 = arith.index_cast %parallel_loop3A_410 : i32 to index
        %parallel_loop3A_412 = arith.index_cast %parallel_loop3A_313 : i32 to index
        %parallel_loop3A_413 = tpu.vector_load %arg8[%parallel_loop3A_411, %parallel_loop3A_412] {strides = array<i32>} : memref<24x513xf32, #tpu.memory_space<vmem>>, vector<16xf32>,
        tpu.vector_store %arg8[%parallel_loop3A_411, %parallel_loop3A_412], %parallel_loop3A_409 {strides = array<i32>} : memref<24x513xf32, #tpu.memory_space<vmem>>, vector<16xf32>,
        %parallel_loop3A_414 = arith.constant 14 : i32
        %parallel_loop3A_415 = vector.broadcast %parallel_loop3A_414 : i32 to vector<16xi32>
        %parallel_loop3A_416 = tpu.vector_load_idx %arg6[%parallel_loop3A_415, %parallel_loop3A_315] : memref<24x1025xf32, #tpu.memory_space<vmem>>[vector<16xi32>, vector<16xi32>], vector<16xf32>,
        %parallel_loop3A_417 = arith.constant 14 : i32
        %parallel_loop3A_418 = arith.index_cast %parallel_loop3A_417 : i32 to index
        %parallel_loop3A_419 = arith.index_cast %parallel_loop3A_313 : i32 to index
        %parallel_loop3A_420 = tpu.vector_load %arg8[%parallel_loop3A_418, %parallel_loop3A_419] {strides = array<i32>} : memref<24x513xf32, #tpu.memory_space<vmem>>, vector<16xf32>,
        tpu.vector_store %arg8[%parallel_loop3A_418, %parallel_loop3A_419], %parallel_loop3A_416 {strides = array<i32>} : memref<24x513xf32, #tpu.memory_space<vmem>>, vector<16xf32>,
        %parallel_loop3A_421 = arith.constant 15 : i32
        %parallel_loop3A_422 = vector.broadcast %parallel_loop3A_421 : i32 to vector<16xi32>
        %parallel_loop3A_423 = tpu.vector_load_idx %arg6[%parallel_loop3A_422, %parallel_loop3A_315] : memref<24x1025xf32, #tpu.memory_space<vmem>>[vector<16xi32>, vector<16xi32>], vector<16xf32>,
        %parallel_loop3A_424 = arith.constant 15 : i32
        %parallel_loop3A_425 = arith.index_cast %parallel_loop3A_424 : i32 to index
        %parallel_loop3A_426 = arith.index_cast %parallel_loop3A_313 : i32 to index
        %parallel_loop3A_427 = tpu.vector_load %arg8[%parallel_loop3A_425, %parallel_loop3A_426] {strides = array<i32>} : memref<24x513xf32, #tpu.memory_space<vmem>>, vector<16xf32>,
        tpu.vector_store %arg8[%parallel_loop3A_425, %parallel_loop3A_426], %parallel_loop3A_423 {strides = array<i32>} : memref<24x513xf32, #tpu.memory_space<vmem>>, vector<16xf32>,
        %parallel_loop3A_428 = arith.constant 16 : i32
        %parallel_loop3A_429 = vector.broadcast %parallel_loop3A_428 : i32 to vector<16xi32>
        %parallel_loop3A_430 = tpu.vector_load_idx %arg6[%parallel_loop3A_429, %parallel_loop3A_315] : memref<24x1025xf32, #tpu.memory_space<vmem>>[vector<16xi32>, vector<16xi32>], vector<16xf32>,
        %parallel_loop3A_431 = arith.constant 16 : i32
        %parallel_loop3A_432 = arith.index_cast %parallel_loop3A_431 : i32 to index
        %parallel_loop3A_433 = arith.index_cast %parallel_loop3A_313 : i32 to index
        %parallel_loop3A_434 = tpu.vector_load %arg8[%parallel_loop3A_432, %parallel_loop3A_433] {strides = array<i32>} : memref<24x513xf32, #tpu.memory_space<vmem>>, vector<16xf32>,
        tpu.vector_store %arg8[%parallel_loop3A_432, %parallel_loop3A_433], %parallel_loop3A_430 {strides = array<i32>} : memref<24x513xf32, #tpu.memory_space<vmem>>, vector<16xf32>,
        %parallel_loop3A_435 = arith.constant 17 : i32
        %parallel_loop3A_436 = vector.broadcast %parallel_loop3A_435 : i32 to vector<16xi32>
        %parallel_loop3A_437 = tpu.vector_load_idx %arg6[%parallel_loop3A_436, %parallel_loop3A_315] : memref<24x1025xf32, #tpu.memory_space<vmem>>[vector<16xi32>, vector<16xi32>], vector<16xf32>,
        %parallel_loop3A_438 = arith.constant 17 : i32
        %parallel_loop3A_439 = arith.index_cast %parallel_loop3A_438 : i32 to index
        %parallel_loop3A_440 = arith.index_cast %parallel_loop3A_313 : i32 to index
        %parallel_loop3A_441 = tpu.vector_load %arg8[%parallel_loop3A_439, %parallel_loop3A_440] {strides = array<i32>} : memref<24x513xf32, #tpu.memory_space<vmem>>, vector<16xf32>,
        tpu.vector_store %arg8[%parallel_loop3A_439, %parallel_loop3A_440], %parallel_loop3A_437 {strides = array<i32>} : memref<24x513xf32, #tpu.memory_space<vmem>>, vector<16xf32>,
        %parallel_loop3A_442 = arith.constant 18 : i32
        %parallel_loop3A_443 = vector.broadcast %parallel_loop3A_442 : i32 to vector<16xi32>
        %parallel_loop3A_444 = tpu.vector_load_idx %arg6[%parallel_loop3A_443, %parallel_loop3A_315] : memref<24x1025xf32, #tpu.memory_space<vmem>>[vector<16xi32>, vector<16xi32>], vector<16xf32>,
        %parallel_loop3A_445 = arith.constant 18 : i32
        %parallel_loop3A_446 = arith.index_cast %parallel_loop3A_445 : i32 to index
        %parallel_loop3A_447 = arith.index_cast %parallel_loop3A_313 : i32 to index
        %parallel_loop3A_448 = tpu.vector_load %arg8[%parallel_loop3A_446, %parallel_loop3A_447] {strides = array<i32>} : memref<24x513xf32, #tpu.memory_space<vmem>>, vector<16xf32>,
        tpu.vector_store %arg8[%parallel_loop3A_446, %parallel_loop3A_447], %parallel_loop3A_444 {strides = array<i32>} : memref<24x513xf32, #tpu.memory_space<vmem>>, vector<16xf32>,
        %parallel_loop3A_449 = arith.constant 19 : i32
        %parallel_loop3A_450 = vector.broadcast %parallel_loop3A_449 : i32 to vector<16xi32>
        %parallel_loop3A_451 = tpu.vector_load_idx %arg6[%parallel_loop3A_450, %parallel_loop3A_315] : memref<24x1025xf32, #tpu.memory_space<vmem>>[vector<16xi32>, vector<16xi32>], vector<16xf32>,
        %parallel_loop3A_452 = arith.constant 19 : i32
        %parallel_loop3A_453 = arith.index_cast %parallel_loop3A_452 : i32 to index
        %parallel_loop3A_454 = arith.index_cast %parallel_loop3A_313 : i32 to index
        %parallel_loop3A_455 = tpu.vector_load %arg8[%parallel_loop3A_453, %parallel_loop3A_454] {strides = array<i32>} : memref<24x513xf32, #tpu.memory_space<vmem>>, vector<16xf32>,
        tpu.vector_store %arg8[%parallel_loop3A_453, %parallel_loop3A_454], %parallel_loop3A_451 {strides = array<i32>} : memref<24x513xf32, #tpu.memory_space<vmem>>, vector<16xf32>,
        %parallel_loop3A_456 = arith.constant 20 : i32
        %parallel_loop3A_457 = vector.broadcast %parallel_loop3A_456 : i32 to vector<16xi32>
        %parallel_loop3A_458 = tpu.vector_load_idx %arg6[%parallel_loop3A_457, %parallel_loop3A_315] : memref<24x1025xf32, #tpu.memory_space<vmem>>[vector<16xi32>, vector<16xi32>], vector<16xf32>,
        %parallel_loop3A_459 = arith.constant 20 : i32
        %parallel_loop3A_460 = arith.index_cast %parallel_loop3A_459 : i32 to index
        %parallel_loop3A_461 = arith.index_cast %parallel_loop3A_313 : i32 to index
        %parallel_loop3A_462 = tpu.vector_load %arg8[%parallel_loop3A_460, %parallel_loop3A_461] {strides = array<i32>} : memref<24x513xf32, #tpu.memory_space<vmem>>, vector<16xf32>,
        tpu.vector_store %arg8[%parallel_loop3A_460, %parallel_loop3A_461], %parallel_loop3A_458 {strides = array<i32>} : memref<24x513xf32, #tpu.memory_space<vmem>>, vector<16xf32>,
        %parallel_loop3A_463 = arith.constant 21 : i32
        %parallel_loop3A_464 = vector.broadcast %parallel_loop3A_463 : i32 to vector<16xi32>
        %parallel_loop3A_465 = tpu.vector_load_idx %arg6[%parallel_loop3A_464, %parallel_loop3A_315] : memref<24x1025xf32, #tpu.memory_space<vmem>>[vector<16xi32>, vector<16xi32>], vector<16xf32>,
        %parallel_loop3A_466 = arith.constant 21 : i32
        %parallel_loop3A_467 = arith.index_cast %parallel_loop3A_466 : i32 to index
        %parallel_loop3A_468 = arith.index_cast %parallel_loop3A_313 : i32 to index
        %parallel_loop3A_469 = tpu.vector_load %arg8[%parallel_loop3A_467, %parallel_loop3A_468] {strides = array<i32>} : memref<24x513xf32, #tpu.memory_space<vmem>>, vector<16xf32>,
        tpu.vector_store %arg8[%parallel_loop3A_467, %parallel_loop3A_468], %parallel_loop3A_465 {strides = array<i32>} : memref<24x513xf32, #tpu.memory_space<vmem>>, vector<16xf32>,
        %parallel_loop3A_470 = arith.constant 22 : i32
        %parallel_loop3A_471 = vector.broadcast %parallel_loop3A_470 : i32 to vector<16xi32>
        %parallel_loop3A_472 = tpu.vector_load_idx %arg6[%parallel_loop3A_471, %parallel_loop3A_315] : memref<24x1025xf32, #tpu.memory_space<vmem>>[vector<16xi32>, vector<16xi32>], vector<16xf32>,
        %parallel_loop3A_473 = arith.constant 22 : i32
        %parallel_loop3A_474 = arith.index_cast %parallel_loop3A_473 : i32 to index
        %parallel_loop3A_475 = arith.index_cast %parallel_loop3A_313 : i32 to index
        %parallel_loop3A_476 = tpu.vector_load %arg8[%parallel_loop3A_474, %parallel_loop3A_475] {strides = array<i32>} : memref<24x513xf32, #tpu.memory_space<vmem>>, vector<16xf32>,
        tpu.vector_store %arg8[%parallel_loop3A_474, %parallel_loop3A_475], %parallel_loop3A_472 {strides = array<i32>} : memref<24x513xf32, #tpu.memory_space<vmem>>, vector<16xf32>,
        %parallel_loop3A_477 = arith.constant 23 : i32
        %parallel_loop3A_478 = vector.broadcast %parallel_loop3A_477 : i32 to vector<16xi32>
        %parallel_loop3A_479 = tpu.vector_load_idx %arg6[%parallel_loop3A_478, %parallel_loop3A_315] : memref<24x1025xf32, #tpu.memory_space<vmem>>[vector<16xi32>, vector<16xi32>], vector<16xf32>,
        %parallel_loop3A_480 = arith.constant 23 : i32
        %parallel_loop3A_481 = arith.index_cast %parallel_loop3A_480 : i32 to index
        %parallel_loop3A_482 = arith.index_cast %parallel_loop3A_313 : i32 to index
        %parallel_loop3A_483 = tpu.vector_load %arg8[%parallel_loop3A_481, %parallel_loop3A_482] {strides = array<i32>} : memref<24x513xf32, #tpu.memory_space<vmem>>, vector<16xf32>,
        tpu.vector_store %arg8[%parallel_loop3A_481, %parallel_loop3A_482], %parallel_loop3A_479 {strides = array<i32>} : memref<24x513xf32, #tpu.memory_space<vmem>>, vector<16xf32>,
      } {sc.loop_unroll_factor = 2 : i64, sc.parallel_access}
      %get3A = arith.constant 512 : index
      %get3A_114 = tpu.vector_load %arg5[%get3A] {strides = array<i32>} : memref<640xi32, #tpu.memory_space<vmem>>, vector<16xi32>,
      %broadcast_in_dim3A = arith.constant 512 : i32
      %broadcast_in_dim3A_115 = vector.broadcast %broadcast_in_dim3A : i32 to vector<16xi32>
      %broadcast_in_dim3A_116 = arith.constant 0 : i32
      %broadcast_in_dim3A_117 = vector.broadcast %broadcast_in_dim3A_116 : i32 to vector<16xi32>
      %gather3A = tpu.vector_load_idx %arg6[%broadcast_in_dim3A_117, %get3A_114] : memref<24x1025xf32, #tpu.memory_space<vmem>>[vector<16xi32>, vector<16xi32>], vector<16xf32>,
      tpu.vector_store_idx %arg8[%broadcast_in_dim3A_117, %broadcast_in_dim3A_115], %gather3A masked %eq3A_2 : memref<24x513xf32, #tpu.memory_space<vmem>>[vector<16xi32>, vector<16xi32>], vector<16xf32>, vector<16xi1>
      %broadcast_in_dim3A_118 = arith.constant 1 : i32
      %broadcast_in_dim3A_119 = vector.broadcast %broadcast_in_dim3A_118 : i32 to vector<16xi32>
      %gather3A_120 = tpu.vector_load_idx %arg6[%broadcast_in_dim3A_119, %get3A_114] : memref<24x1025xf32, #tpu.memory_space<vmem>>[vector<16xi32>, vector<16xi32>], vector<16xf32>,
      tpu.vector_store_idx %arg8[%broadcast_in_dim3A_119, %broadcast_in_dim3A_115], %gather3A_120 masked %eq3A_2 : memref<24x513xf32, #tpu.memory_space<vmem>>[vector<16xi32>, vector<16xi32>], vector<16xf32>, vector<16xi1>
      %broadcast_in_dim3A_121 = arith.constant 2 : i32
      %broadcast_in_dim3A_122 = vector.broadcast %broadcast_in_dim3A_121 : i32 to vector<16xi32>
      %gather3A_123 = tpu.vector_load_idx %arg6[%broadcast_in_dim3A_122, %get3A_114] : memref<24x1025xf32, #tpu.memory_space<vmem>>[vector<16xi32>, vector<16xi32>], vector<16xf32>,
      tpu.vector_store_idx %arg8[%broadcast_in_dim3A_122, %broadcast_in_dim3A_115], %gather3A_123 masked %eq3A_2 : memref<24x513xf32, #tpu.memory_space<vmem>>[vector<16xi32>, vector<16xi32>], vector<16xf32>, vector<16xi1>
      %broadcast_in_dim3A_124 = arith.constant 3 : i32
      %broadcast_in_dim3A_125 = vector.broadcast %broadcast_in_dim3A_124 : i32 to vector<16xi32>
      %gather3A_126 = tpu.vector_load_idx %arg6[%broadcast_in_dim3A_125, %get3A_114] : memref<24x1025xf32, #tpu.memory_space<vmem>>[vector<16xi32>, vector<16xi32>], vector<16xf32>,
      tpu.vector_store_idx %arg8[%broadcast_in_dim3A_125, %broadcast_in_dim3A_115], %gather3A_126 masked %eq3A_2 : memref<24x513xf32, #tpu.memory_space<vmem>>[vector<16xi32>, vector<16xi32>], vector<16xf32>, vector<16xi1>
      %broadcast_in_dim3A_127 = arith.constant 4 : i32
      %broadcast_in_dim3A_128 = vector.broadcast %broadcast_in_dim3A_127 : i32 to vector<16xi32>
      %gather3A_129 = tpu.vector_load_idx %arg6[%broadcast_in_dim3A_128, %get3A_114] : memref<24x1025xf32, #tpu.memory_space<vmem>>[vector<16xi32>, vector<16xi32>], vector<16xf32>,
      tpu.vector_store_idx %arg8[%broadcast_in_dim3A_128, %broadcast_in_dim3A_115], %gather3A_129 masked %eq3A_2 : memref<24x513xf32, #tpu.memory_space<vmem>>[vector<16xi32>, vector<16xi32>], vector<16xf32>, vector<16xi1>
      %broadcast_in_dim3A_130 = arith.constant 5 : i32
      %broadcast_in_dim3A_131 = vector.broadcast %broadcast_in_dim3A_130 : i32 to vector<16xi32>
      %gather3A_132 = tpu.vector_load_idx %arg6[%broadcast_in_dim3A_131, %get3A_114] : memref<24x1025xf32, #tpu.memory_space<vmem>>[vector<16xi32>, vector<16xi32>], vector<16xf32>,
      tpu.vector_store_idx %arg8[%broadcast_in_dim3A_131, %broadcast_in_dim3A_115], %gather3A_132 masked %eq3A_2 : memref<24x513xf32, #tpu.memory_space<vmem>>[vector<16xi32>, vector<16xi32>], vector<16xf32>, vector<16xi1>
      %broadcast_in_dim3A_133 = arith.constant 6 : i32
      %broadcast_in_dim3A_134 = vector.broadcast %broadcast_in_dim3A_133 : i32 to vector<16xi32>
      %gather3A_135 = tpu.vector_load_idx %arg6[%broadcast_in_dim3A_134, %get3A_114] : memref<24x1025xf32, #tpu.memory_space<vmem>>[vector<16xi32>, vector<16xi32>], vector<16xf32>,
      tpu.vector_store_idx %arg8[%broadcast_in_dim3A_134, %broadcast_in_dim3A_115], %gather3A_135 masked %eq3A_2 : memref<24x513xf32, #tpu.memory_space<vmem>>[vector<16xi32>, vector<16xi32>], vector<16xf32>, vector<16xi1>
      %broadcast_in_dim3A_136 = arith.constant 7 : i32
      %broadcast_in_dim3A_137 = vector.broadcast %broadcast_in_dim3A_136 : i32 to vector<16xi32>
      %gather3A_138 = tpu.vector_load_idx %arg6[%broadcast_in_dim3A_137, %get3A_114] : memref<24x1025xf32, #tpu.memory_space<vmem>>[vector<16xi32>, vector<16xi32>], vector<16xf32>,
      tpu.vector_store_idx %arg8[%broadcast_in_dim3A_137, %broadcast_in_dim3A_115], %gather3A_138 masked %eq3A_2 : memref<24x513xf32, #tpu.memory_space<vmem>>[vector<16xi32>, vector<16xi32>], vector<16xf32>, vector<16xi1>
      %broadcast_in_dim3A_139 = arith.constant 8 : i32
      %broadcast_in_dim3A_140 = vector.broadcast %broadcast_in_dim3A_139 : i32 to vector<16xi32>
      %gather3A_141 = tpu.vector_load_idx %arg6[%broadcast_in_dim3A_140, %get3A_114] : memref<24x1025xf32, #tpu.memory_space<vmem>>[vector<16xi32>, vector<16xi32>], vector<16xf32>,
      tpu.vector_store_idx %arg8[%broadcast_in_dim3A_140, %broadcast_in_dim3A_115], %gather3A_141 masked %eq3A_2 : memref<24x513xf32, #tpu.memory_space<vmem>>[vector<16xi32>, vector<16xi32>], vector<16xf32>, vector<16xi1>
      %broadcast_in_dim3A_142 = arith.constant 9 : i32
      %broadcast_in_dim3A_143 = vector.broadcast %broadcast_in_dim3A_142 : i32 to vector<16xi32>
      %gather3A_144 = tpu.vector_load_idx %arg6[%broadcast_in_dim3A_143, %get3A_114] : memref<24x1025xf32, #tpu.memory_space<vmem>>[vector<16xi32>, vector<16xi32>], vector<16xf32>,
      tpu.vector_store_idx %arg8[%broadcast_in_dim3A_143, %broadcast_in_dim3A_115], %gather3A_144 masked %eq3A_2 : memref<24x513xf32, #tpu.memory_space<vmem>>[vector<16xi32>, vector<16xi32>], vector<16xf32>, vector<16xi1>
      %broadcast_in_dim3A_145 = arith.constant 10 : i32
      %broadcast_in_dim3A_146 = vector.broadcast %broadcast_in_dim3A_145 : i32 to vector<16xi32>
      %gather3A_147 = tpu.vector_load_idx %arg6[%broadcast_in_dim3A_146, %get3A_114] : memref<24x1025xf32, #tpu.memory_space<vmem>>[vector<16xi32>, vector<16xi32>], vector<16xf32>,
      tpu.vector_store_idx %arg8[%broadcast_in_dim3A_146, %broadcast_in_dim3A_115], %gather3A_147 masked %eq3A_2 : memref<24x513xf32, #tpu.memory_space<vmem>>[vector<16xi32>, vector<16xi32>], vector<16xf32>, vector<16xi1>
      %broadcast_in_dim3A_148 = arith.constant 11 : i32
      %broadcast_in_dim3A_149 = vector.broadcast %broadcast_in_dim3A_148 : i32 to vector<16xi32>
      %gather3A_150 = tpu.vector_load_idx %arg6[%broadcast_in_dim3A_149, %get3A_114] : memref<24x1025xf32, #tpu.memory_space<vmem>>[vector<16xi32>, vector<16xi32>], vector<16xf32>,
      tpu.vector_store_idx %arg8[%broadcast_in_dim3A_149, %broadcast_in_dim3A_115], %gather3A_150 masked %eq3A_2 : memref<24x513xf32, #tpu.memory_space<vmem>>[vector<16xi32>, vector<16xi32>], vector<16xf32>, vector<16xi1>
      %broadcast_in_dim3A_151 = arith.constant 12 : i32
      %broadcast_in_dim3A_152 = vector.broadcast %broadcast_in_dim3A_151 : i32 to vector<16xi32>
      %gather3A_153 = tpu.vector_load_idx %arg6[%broadcast_in_dim3A_152, %get3A_114] : memref<24x1025xf32, #tpu.memory_space<vmem>>[vector<16xi32>, vector<16xi32>], vector<16xf32>,
      tpu.vector_store_idx %arg8[%broadcast_in_dim3A_152, %broadcast_in_dim3A_115], %gather3A_153 masked %eq3A_2 : memref<24x513xf32, #tpu.memory_space<vmem>>[vector<16xi32>, vector<16xi32>], vector<16xf32>, vector<16xi1>
      %broadcast_in_dim3A_154 = arith.constant 13 : i32
      %broadcast_in_dim3A_155 = vector.broadcast %broadcast_in_dim3A_154 : i32 to vector<16xi32>
      %gather3A_156 = tpu.vector_load_idx %arg6[%broadcast_in_dim3A_155, %get3A_114] : memref<24x1025xf32, #tpu.memory_space<vmem>>[vector<16xi32>, vector<16xi32>], vector<16xf32>,
      tpu.vector_store_idx %arg8[%broadcast_in_dim3A_155, %broadcast_in_dim3A_115], %gather3A_156 masked %eq3A_2 : memref<24x513xf32, #tpu.memory_space<vmem>>[vector<16xi32>, vector<16xi32>], vector<16xf32>, vector<16xi1>
      %broadcast_in_dim3A_157 = arith.constant 14 : i32
      %broadcast_in_dim3A_158 = vector.broadcast %broadcast_in_dim3A_157 : i32 to vector<16xi32>
      %gather3A_159 = tpu.vector_load_idx %arg6[%broadcast_in_dim3A_158, %get3A_114] : memref<24x1025xf32, #tpu.memory_space<vmem>>[vector<16xi32>, vector<16xi32>], vector<16xf32>,
      tpu.vector_store_idx %arg8[%broadcast_in_dim3A_158, %broadcast_in_dim3A_115], %gather3A_159 masked %eq3A_2 : memref<24x513xf32, #tpu.memory_space<vmem>>[vector<16xi32>, vector<16xi32>], vector<16xf32>, vector<16xi1>
      %broadcast_in_dim3A_160 = arith.constant 15 : i32
      %broadcast_in_dim3A_161 = vector.broadcast %broadcast_in_dim3A_160 : i32 to vector<16xi32>
      %gather3A_162 = tpu.vector_load_idx %arg6[%broadcast_in_dim3A_161, %get3A_114] : memref<24x1025xf32, #tpu.memory_space<vmem>>[vector<16xi32>, vector<16xi32>], vector<16xf32>,
      tpu.vector_store_idx %arg8[%broadcast_in_dim3A_161, %broadcast_in_dim3A_115], %gather3A_162 masked %eq3A_2 : memref<24x513xf32, #tpu.memory_space<vmem>>[vector<16xi32>, vector<16xi32>], vector<16xf32>, vector<16xi1>
      %broadcast_in_dim3A_163 = arith.constant 16 : i32
      %broadcast_in_dim3A_164 = vector.broadcast %broadcast_in_dim3A_163 : i32 to vector<16xi32>
      %gather3A_165 = tpu.vector_load_idx %arg6[%broadcast_in_dim3A_164, %get3A_114] : memref<24x1025xf32, #tpu.memory_space<vmem>>[vector<16xi32>, vector<16xi32>], vector<16xf32>,
      tpu.vector_store_idx %arg8[%broadcast_in_dim3A_164, %broadcast_in_dim3A_115], %gather3A_165 masked %eq3A_2 : memref<24x513xf32, #tpu.memory_space<vmem>>[vector<16xi32>, vector<16xi32>], vector<16xf32>, vector<16xi1>
      %broadcast_in_dim3A_166 = arith.constant 17 : i32
      %broadcast_in_dim3A_167 = vector.broadcast %broadcast_in_dim3A_166 : i32 to vector<16xi32>
      %gather3A_168 = tpu.vector_load_idx %arg6[%broadcast_in_dim3A_167, %get3A_114] : memref<24x1025xf32, #tpu.memory_space<vmem>>[vector<16xi32>, vector<16xi32>], vector<16xf32>,
      tpu.vector_store_idx %arg8[%broadcast_in_dim3A_167, %broadcast_in_dim3A_115], %gather3A_168 masked %eq3A_2 : memref<24x513xf32, #tpu.memory_space<vmem>>[vector<16xi32>, vector<16xi32>], vector<16xf32>, vector<16xi1>
      %broadcast_in_dim3A_169 = arith.constant 18 : i32
      %broadcast_in_dim3A_170 = vector.broadcast %broadcast_in_dim3A_169 : i32 to vector<16xi32>
      %gather3A_171 = tpu.vector_load_idx %arg6[%broadcast_in_dim3A_170, %get3A_114] : memref<24x1025xf32, #tpu.memory_space<vmem>>[vector<16xi32>, vector<16xi32>], vector<16xf32>,
      tpu.vector_store_idx %arg8[%broadcast_in_dim3A_170, %broadcast_in_dim3A_115], %gather3A_171 masked %eq3A_2 : memref<24x513xf32, #tpu.memory_space<vmem>>[vector<16xi32>, vector<16xi32>], vector<16xf32>, vector<16xi1>
      %broadcast_in_dim3A_172 = arith.constant 19 : i32
      %broadcast_in_dim3A_173 = vector.broadcast %broadcast_in_dim3A_172 : i32 to vector<16xi32>
      %gather3A_174 = tpu.vector_load_idx %arg6[%broadcast_in_dim3A_173, %get3A_114] : memref<24x1025xf32, #tpu.memory_space<vmem>>[vector<16xi32>, vector<16xi32>], vector<16xf32>,
      tpu.vector_store_idx %arg8[%broadcast_in_dim3A_173, %broadcast_in_dim3A_115], %gather3A_174 masked %eq3A_2 : memref<24x513xf32, #tpu.memory_space<vmem>>[vector<16xi32>, vector<16xi32>], vector<16xf32>, vector<16xi1>
      %broadcast_in_dim3A_175 = arith.constant 20 : i32
      %broadcast_in_dim3A_176 = vector.broadcast %broadcast_in_dim3A_175 : i32 to vector<16xi32>
      %gather3A_177 = tpu.vector_load_idx %arg6[%broadcast_in_dim3A_176, %get3A_114] : memref<24x1025xf32, #tpu.memory_space<vmem>>[vector<16xi32>, vector<16xi32>], vector<16xf32>,
      tpu.vector_store_idx %arg8[%broadcast_in_dim3A_176, %broadcast_in_dim3A_115], %gather3A_177 masked %eq3A_2 : memref<24x513xf32, #tpu.memory_space<vmem>>[vector<16xi32>, vector<16xi32>], vector<16xf32>, vector<16xi1>
      %broadcast_in_dim3A_178 = arith.constant 21 : i32
      %broadcast_in_dim3A_179 = vector.broadcast %broadcast_in_dim3A_178 : i32 to vector<16xi32>
      %gather3A_180 = tpu.vector_load_idx %arg6[%broadcast_in_dim3A_179, %get3A_114] : memref<24x1025xf32, #tpu.memory_space<vmem>>[vector<16xi32>, vector<16xi32>], vector<16xf32>,
      tpu.vector_store_idx %arg8[%broadcast_in_dim3A_179, %broadcast_in_dim3A_115], %gather3A_180 masked %eq3A_2 : memref<24x513xf32, #tpu.memory_space<vmem>>[vector<16xi32>, vector<16xi32>], vector<16xf32>, vector<16xi1>
      %broadcast_in_dim3A_181 = arith.constant 22 : i32
      %broadcast_in_dim3A_182 = vector.broadcast %broadcast_in_dim3A_181 : i32 to vector<16xi32>
      %gather3A_183 = tpu.vector_load_idx %arg6[%broadcast_in_dim3A_182, %get3A_114] : memref<24x1025xf32, #tpu.memory_space<vmem>>[vector<16xi32>, vector<16xi32>], vector<16xf32>,
      tpu.vector_store_idx %arg8[%broadcast_in_dim3A_182, %broadcast_in_dim3A_115], %gather3A_183 masked %eq3A_2 : memref<24x513xf32, #tpu.memory_space<vmem>>[vector<16xi32>, vector<16xi32>], vector<16xf32>, vector<16xi1>
      %broadcast_in_dim3A_184 = arith.constant 23 : i32
      %broadcast_in_dim3A_185 = vector.broadcast %broadcast_in_dim3A_184 : i32 to vector<16xi32>
      %gather3A_186 = tpu.vector_load_idx %arg6[%broadcast_in_dim3A_185, %get3A_114] : memref<24x1025xf32, #tpu.memory_space<vmem>>[vector<16xi32>, vector<16xi32>], vector<16xf32>,
      tpu.vector_store_idx %arg8[%broadcast_in_dim3A_185, %broadcast_in_dim3A_115], %gather3A_186 masked %eq3A_2 : memref<24x513xf32, #tpu.memory_space<vmem>>[vector<16xi32>, vector<16xi32>], vector<16xf32>, vector<16xi1>
      %mul3A_187 = arith.constant 24 : i32
      %mul3A_188 = arith.muli %mul3A_89, %mul3A_187 : i32
      %multiple_of3A_189 = tpu.assume_multiple %mul3A_188, 8 : i32
      %dma_start3A_190 = arith.constant 0 : i32
      %dma_start3A_191 = tpu.memref_slice %arg4[%add3A_46, %multiple_of3A_189, %dma_start3A_190] : memref<64x192x513xf32, #tpu.memory_space<hbm>> -> memref<1x24x513xf32, #tpu.memory_space<hbm>>
      %dma_start3A_192 = tpu.memref_squeeze %dma_start3A_191 : memref<1x24x513xf32, #tpu.memory_space<hbm>> -> memref<24x513xf32, #tpu.memory_space<hbm>>
      %dma_start3A_193 = arith.constant 0 : i32
      %dma_start3A_194 = tpu.memref_slice %arg4[%add3A_46, %multiple_of3A_189, %dma_start3A_193] : memref<64x192x513xf32, #tpu.memory_space<hbm>> -> memref<1x24x513xf32, #tpu.memory_space<hbm>>
      %dma_start3A_195 = tpu.memref_squeeze %dma_start3A_194 : memref<1x24x513xf32, #tpu.memory_space<hbm>> -> memref<24x513xf32, #tpu.memory_space<hbm>>
      tpu.enqueue_dma source(%arg8 : memref<24x513xf32, #tpu.memory_space<vmem>>) target(%dma_start3A_195 : memref<24x513xf32, #tpu.memory_space<hbm>>) target_semaphore(%arg12 : memref<!tpu.dma_semaphore, #tpu.memory_space<semaphore_mem>>)
      %mul3A_196 = arith.constant 24 : i32
      %mul3A_197 = arith.muli %add3A_91, %mul3A_196 : i32
      %multiple_of3A_198 = tpu.assume_multiple %mul3A_197, 8 : i32
      %dma_wait3A_199 = arith.constant 0 : i32
      %dma_wait3A_200 = tpu.memref_slice %arg2[%add3A_46, %multiple_of3A_198, %dma_wait3A_199] : memref<64x192x1025xf32, #tpu.memory_space<hbm>> -> memref<1x24x1025xf32, #tpu.memory_space<hbm>>
      %dma_wait3A_201 = tpu.memref_squeeze %dma_wait3A_200 : memref<1x24x1025xf32, #tpu.memory_space<hbm>> -> memref<24x1025xf32, #tpu.memory_space<hbm>>
      %dma_wait3A_202 = arith.constant 0 : i32
      %dma_wait3A_203 = tpu.memref_slice %arg2[%add3A_46, %multiple_of3A_198, %dma_wait3A_202] : memref<64x192x1025xf32, #tpu.memory_space<hbm>> -> memref<1x24x1025xf32, #tpu.memory_space<hbm>>
      %dma_wait3A_204 = tpu.memref_squeeze %dma_wait3A_203 : memref<1x24x1025xf32, #tpu.memory_space<hbm>> -> memref<24x1025xf32, #tpu.memory_space<hbm>>
      tpu.wait_dma2 semaphore(%arg11 : memref<!tpu.dma_semaphore, #tpu.memory_space<semaphore_mem>>) src(%dma_wait3A_204 : memref<24x1025xf32, #tpu.memory_space<hbm>>) dst(%arg7 : memref<24x1025xf32, #tpu.memory_space<vmem>>)
      %add3A_205 = arith.constant 1 : i32
      %add3A_206 = arith.addi %add3A_91, %add3A_205 : i32
      %min3A = arith.constant 7 : i32
      %min3A_207 = arith.minsi %add3A_206, %min3A : i32
      %mul3A_208 = arith.constant 24 : i32
      %mul3A_209 = arith.muli %min3A_207, %mul3A_208 : i32
      %multiple_of3A_210 = tpu.assume_multiple %mul3A_209, 8 : i32
      %dma_start3A_211 = arith.constant 0 : i32
      %dma_start3A_212 = tpu.memref_slice %arg2[%add3A_46, %multiple_of3A_210, %dma_start3A_211] : memref<64x192x1025xf32, #tpu.memory_space<hbm>> -> memref<1x24x1025xf32, #tpu.memory_space<hbm>>
      %dma_start3A_213 = tpu.memref_squeeze %dma_start3A_212 : memref<1x24x1025xf32, #tpu.memory_space<hbm>> -> memref<24x1025xf32, #tpu.memory_space<hbm>>
      %dma_start3A_214 = arith.constant 0 : i32
      %dma_start3A_215 = tpu.memref_slice %arg2[%add3A_46, %multiple_of3A_210, %dma_start3A_214] : memref<64x192x1025xf32, #tpu.memory_space<hbm>> -> memref<1x24x1025xf32, #tpu.memory_space<hbm>>
      %dma_start3A_216 = tpu.memref_squeeze %dma_start3A_215 : memref<1x24x1025xf32, #tpu.memory_space<hbm>> -> memref<24x1025xf32, #tpu.memory_space<hbm>>
      tpu.enqueue_dma source(%dma_start3A_216 : memref<24x1025xf32, #tpu.memory_space<hbm>>) target(%arg6 : memref<24x1025xf32, #tpu.memory_space<vmem>>) target_semaphore(%arg10 : memref<!tpu.dma_semaphore, #tpu.memory_space<semaphore_mem>>)
      %gt3A_217 = arith.constant 0 : i32
      %gt3A_218 = arith.cmpi sgt, %scan3A_87, %gt3A_217 : i32
      %convert_element_type3A_219 = arith.extui %gt3A_218 : i1 to i32
      %cond3A_220 = arith.constant 0 : i32
      %cond3A_221 = arith.cmpi ne, %convert_element_type3A_219, %cond3A_220 : i32
      scf.if %cond3A_221 {
        %sub3A = arith.constant 2 : i32
        %sub3A_310 = arith.subi %add3A_91, %sub3A : i32
        %mul3A_311 = arith.constant 24 : i32
        %mul3A_312 = arith.muli %sub3A_310, %mul3A_311 : i32
        %multiple_of3A_313 = tpu.assume_multiple %mul3A_312, 8 : i32
        %dma_wait3A_314 = arith.constant 0 : i32
        %dma_wait3A_315 = tpu.memref_slice %arg4[%add3A_46, %multiple_of3A_313, %dma_wait3A_314] : memref<64x192x513xf32, #tpu.memory_space<hbm>> -> memref<1x24x513xf32, #tpu.memory_space<hbm>>
        %dma_wait3A_316 = tpu.memref_squeeze %dma_wait3A_315 : memref<1x24x513xf32, #tpu.memory_space<hbm>> -> memref<24x513xf32, #tpu.memory_space<hbm>>
        %dma_wait3A_317 = arith.constant 0 : i32
        %dma_wait3A_318 = tpu.memref_slice %arg4[%add3A_46, %multiple_of3A_313, %dma_wait3A_317] : memref<64x192x513xf32, #tpu.memory_space<hbm>> -> memref<1x24x513xf32, #tpu.memory_space<hbm>>
        %dma_wait3A_319 = tpu.memref_squeeze %dma_wait3A_318 : memref<1x24x513xf32, #tpu.memory_space<hbm>> -> memref<24x513xf32, #tpu.memory_space<hbm>>
        tpu.wait_dma2 semaphore(%arg13 : memref<!tpu.dma_semaphore, #tpu.memory_space<semaphore_mem>>) src(%arg9 : memref<24x513xf32, #tpu.memory_space<vmem>>) dst(%dma_wait3A_319 : memref<24x513xf32, #tpu.memory_space<hbm>>)
      } else {
      }
      %parallel_loop3A_222 = arith.constant 0 : i32
      %parallel_loop3A_223 = arith.constant 32 : i32
      %parallel_loop3A_224 = arith.constant 1 : i32
      scf.for %parallel_loop3A_310 = %parallel_loop3A_222 to %parallel_loop3A_223 step %parallel_loop3A_224  : i32 {
        %parallel_loop3A_311 = arith.constant 16 : i32
        %parallel_loop3A_312 = arith.muli %parallel_loop3A_310, %parallel_loop3A_311 : i32
        %parallel_loop3A_313 = tpu.assume_multiple %parallel_loop3A_312, 16 : i32
        %parallel_loop3A_314 = arith.index_cast %parallel_loop3A_313 : i32 to index
        %parallel_loop3A_315 = tpu.vector_load %arg5[%parallel_loop3A_314] {strides = array<i32>} : memref<640xi32, #tpu.memory_space<vmem>>, vector<16xi32>,
        %parallel_loop3A_316 = arith.constant 0 : i32
        %parallel_loop3A_317 = vector.broadcast %parallel_loop3A_316 : i32 to vector<16xi32>
        %parallel_loop3A_318 = tpu.vector_load_idx %arg7[%parallel_loop3A_317, %parallel_loop3A_315] : memref<24x1025xf32, #tpu.memory_space<vmem>>[vector<16xi32>, vector<16xi32>], vector<16xf32>,
        %parallel_loop3A_319 = arith.constant 0 : i32
        %parallel_loop3A_320 = arith.index_cast %parallel_loop3A_319 : i32 to index
        %parallel_loop3A_321 = arith.index_cast %parallel_loop3A_313 : i32 to index
        %parallel_loop3A_322 = tpu.vector_load %arg9[%parallel_loop3A_320, %parallel_loop3A_321] {strides = array<i32>} : memref<24x513xf32, #tpu.memory_space<vmem>>, vector<16xf32>,
        tpu.vector_store %arg9[%parallel_loop3A_320, %parallel_loop3A_321], %parallel_loop3A_318 {strides = array<i32>} : memref<24x513xf32, #tpu.memory_space<vmem>>, vector<16xf32>,
        %parallel_loop3A_323 = arith.constant 1 : i32
        %parallel_loop3A_324 = vector.broadcast %parallel_loop3A_323 : i32 to vector<16xi32>
        %parallel_loop3A_325 = tpu.vector_load_idx %arg7[%parallel_loop3A_324, %parallel_loop3A_315] : memref<24x1025xf32, #tpu.memory_space<vmem>>[vector<16xi32>, vector<16xi32>], vector<16xf32>,
        %parallel_loop3A_326 = arith.constant 1 : i32
        %parallel_loop3A_327 = arith.index_cast %parallel_loop3A_326 : i32 to index
        %parallel_loop3A_328 = arith.index_cast %parallel_loop3A_313 : i32 to index
        %parallel_loop3A_329 = tpu.vector_load %arg9[%parallel_loop3A_327, %parallel_loop3A_328] {strides = array<i32>} : memref<24x513xf32, #tpu.memory_space<vmem>>, vector<16xf32>,
        tpu.vector_store %arg9[%parallel_loop3A_327, %parallel_loop3A_328], %parallel_loop3A_325 {strides = array<i32>} : memref<24x513xf32, #tpu.memory_space<vmem>>, vector<16xf32>,
        %parallel_loop3A_330 = arith.constant 2 : i32
        %parallel_loop3A_331 = vector.broadcast %parallel_loop3A_330 : i32 to vector<16xi32>
        %parallel_loop3A_332 = tpu.vector_load_idx %arg7[%parallel_loop3A_331, %parallel_loop3A_315] : memref<24x1025xf32, #tpu.memory_space<vmem>>[vector<16xi32>, vector<16xi32>], vector<16xf32>,
        %parallel_loop3A_333 = arith.constant 2 : i32
        %parallel_loop3A_334 = arith.index_cast %parallel_loop3A_333 : i32 to index
        %parallel_loop3A_335 = arith.index_cast %parallel_loop3A_313 : i32 to index
        %parallel_loop3A_336 = tpu.vector_load %arg9[%parallel_loop3A_334, %parallel_loop3A_335] {strides = array<i32>} : memref<24x513xf32, #tpu.memory_space<vmem>>, vector<16xf32>,
        tpu.vector_store %arg9[%parallel_loop3A_334, %parallel_loop3A_335], %parallel_loop3A_332 {strides = array<i32>} : memref<24x513xf32, #tpu.memory_space<vmem>>, vector<16xf32>,
        %parallel_loop3A_337 = arith.constant 3 : i32
        %parallel_loop3A_338 = vector.broadcast %parallel_loop3A_337 : i32 to vector<16xi32>
        %parallel_loop3A_339 = tpu.vector_load_idx %arg7[%parallel_loop3A_338, %parallel_loop3A_315] : memref<24x1025xf32, #tpu.memory_space<vmem>>[vector<16xi32>, vector<16xi32>], vector<16xf32>,
        %parallel_loop3A_340 = arith.constant 3 : i32
        %parallel_loop3A_341 = arith.index_cast %parallel_loop3A_340 : i32 to index
        %parallel_loop3A_342 = arith.index_cast %parallel_loop3A_313 : i32 to index
        %parallel_loop3A_343 = tpu.vector_load %arg9[%parallel_loop3A_341, %parallel_loop3A_342] {strides = array<i32>} : memref<24x513xf32, #tpu.memory_space<vmem>>, vector<16xf32>,
        tpu.vector_store %arg9[%parallel_loop3A_341, %parallel_loop3A_342], %parallel_loop3A_339 {strides = array<i32>} : memref<24x513xf32, #tpu.memory_space<vmem>>, vector<16xf32>,
        %parallel_loop3A_344 = arith.constant 4 : i32
        %parallel_loop3A_345 = vector.broadcast %parallel_loop3A_344 : i32 to vector<16xi32>
        %parallel_loop3A_346 = tpu.vector_load_idx %arg7[%parallel_loop3A_345, %parallel_loop3A_315] : memref<24x1025xf32, #tpu.memory_space<vmem>>[vector<16xi32>, vector<16xi32>], vector<16xf32>,
        %parallel_loop3A_347 = arith.constant 4 : i32
        %parallel_loop3A_348 = arith.index_cast %parallel_loop3A_347 : i32 to index
        %parallel_loop3A_349 = arith.index_cast %parallel_loop3A_313 : i32 to index
        %parallel_loop3A_350 = tpu.vector_load %arg9[%parallel_loop3A_348, %parallel_loop3A_349] {strides = array<i32>} : memref<24x513xf32, #tpu.memory_space<vmem>>, vector<16xf32>,
        tpu.vector_store %arg9[%parallel_loop3A_348, %parallel_loop3A_349], %parallel_loop3A_346 {strides = array<i32>} : memref<24x513xf32, #tpu.memory_space<vmem>>, vector<16xf32>,
        %parallel_loop3A_351 = arith.constant 5 : i32
        %parallel_loop3A_352 = vector.broadcast %parallel_loop3A_351 : i32 to vector<16xi32>
        %parallel_loop3A_353 = tpu.vector_load_idx %arg7[%parallel_loop3A_352, %parallel_loop3A_315] : memref<24x1025xf32, #tpu.memory_space<vmem>>[vector<16xi32>, vector<16xi32>], vector<16xf32>,
        %parallel_loop3A_354 = arith.constant 5 : i32
        %parallel_loop3A_355 = arith.index_cast %parallel_loop3A_354 : i32 to index
        %parallel_loop3A_356 = arith.index_cast %parallel_loop3A_313 : i32 to index
        %parallel_loop3A_357 = tpu.vector_load %arg9[%parallel_loop3A_355, %parallel_loop3A_356] {strides = array<i32>} : memref<24x513xf32, #tpu.memory_space<vmem>>, vector<16xf32>,
        tpu.vector_store %arg9[%parallel_loop3A_355, %parallel_loop3A_356], %parallel_loop3A_353 {strides = array<i32>} : memref<24x513xf32, #tpu.memory_space<vmem>>, vector<16xf32>,
        %parallel_loop3A_358 = arith.constant 6 : i32
        %parallel_loop3A_359 = vector.broadcast %parallel_loop3A_358 : i32 to vector<16xi32>
        %parallel_loop3A_360 = tpu.vector_load_idx %arg7[%parallel_loop3A_359, %parallel_loop3A_315] : memref<24x1025xf32, #tpu.memory_space<vmem>>[vector<16xi32>, vector<16xi32>], vector<16xf32>,
        %parallel_loop3A_361 = arith.constant 6 : i32
        %parallel_loop3A_362 = arith.index_cast %parallel_loop3A_361 : i32 to index
        %parallel_loop3A_363 = arith.index_cast %parallel_loop3A_313 : i32 to index
        %parallel_loop3A_364 = tpu.vector_load %arg9[%parallel_loop3A_362, %parallel_loop3A_363] {strides = array<i32>} : memref<24x513xf32, #tpu.memory_space<vmem>>, vector<16xf32>,
        tpu.vector_store %arg9[%parallel_loop3A_362, %parallel_loop3A_363], %parallel_loop3A_360 {strides = array<i32>} : memref<24x513xf32, #tpu.memory_space<vmem>>, vector<16xf32>,
        %parallel_loop3A_365 = arith.constant 7 : i32
        %parallel_loop3A_366 = vector.broadcast %parallel_loop3A_365 : i32 to vector<16xi32>
        %parallel_loop3A_367 = tpu.vector_load_idx %arg7[%parallel_loop3A_366, %parallel_loop3A_315] : memref<24x1025xf32, #tpu.memory_space<vmem>>[vector<16xi32>, vector<16xi32>], vector<16xf32>,
        %parallel_loop3A_368 = arith.constant 7 : i32
        %parallel_loop3A_369 = arith.index_cast %parallel_loop3A_368 : i32 to index
        %parallel_loop3A_370 = arith.index_cast %parallel_loop3A_313 : i32 to index
        %parallel_loop3A_371 = tpu.vector_load %arg9[%parallel_loop3A_369, %parallel_loop3A_370] {strides = array<i32>} : memref<24x513xf32, #tpu.memory_space<vmem>>, vector<16xf32>,
        tpu.vector_store %arg9[%parallel_loop3A_369, %parallel_loop3A_370], %parallel_loop3A_367 {strides = array<i32>} : memref<24x513xf32, #tpu.memory_space<vmem>>, vector<16xf32>,
        %parallel_loop3A_372 = arith.constant 8 : i32
        %parallel_loop3A_373 = vector.broadcast %parallel_loop3A_372 : i32 to vector<16xi32>
        %parallel_loop3A_374 = tpu.vector_load_idx %arg7[%parallel_loop3A_373, %parallel_loop3A_315] : memref<24x1025xf32, #tpu.memory_space<vmem>>[vector<16xi32>, vector<16xi32>], vector<16xf32>,
        %parallel_loop3A_375 = arith.constant 8 : i32
        %parallel_loop3A_376 = arith.index_cast %parallel_loop3A_375 : i32 to index
        %parallel_loop3A_377 = arith.index_cast %parallel_loop3A_313 : i32 to index
        %parallel_loop3A_378 = tpu.vector_load %arg9[%parallel_loop3A_376, %parallel_loop3A_377] {strides = array<i32>} : memref<24x513xf32, #tpu.memory_space<vmem>>, vector<16xf32>,
        tpu.vector_store %arg9[%parallel_loop3A_376, %parallel_loop3A_377], %parallel_loop3A_374 {strides = array<i32>} : memref<24x513xf32, #tpu.memory_space<vmem>>, vector<16xf32>,
        %parallel_loop3A_379 = arith.constant 9 : i32
        %parallel_loop3A_380 = vector.broadcast %parallel_loop3A_379 : i32 to vector<16xi32>
        %parallel_loop3A_381 = tpu.vector_load_idx %arg7[%parallel_loop3A_380, %parallel_loop3A_315] : memref<24x1025xf32, #tpu.memory_space<vmem>>[vector<16xi32>, vector<16xi32>], vector<16xf32>,
        %parallel_loop3A_382 = arith.constant 9 : i32
        %parallel_loop3A_383 = arith.index_cast %parallel_loop3A_382 : i32 to index
        %parallel_loop3A_384 = arith.index_cast %parallel_loop3A_313 : i32 to index
        %parallel_loop3A_385 = tpu.vector_load %arg9[%parallel_loop3A_383, %parallel_loop3A_384] {strides = array<i32>} : memref<24x513xf32, #tpu.memory_space<vmem>>, vector<16xf32>,
        tpu.vector_store %arg9[%parallel_loop3A_383, %parallel_loop3A_384], %parallel_loop3A_381 {strides = array<i32>} : memref<24x513xf32, #tpu.memory_space<vmem>>, vector<16xf32>,
        %parallel_loop3A_386 = arith.constant 10 : i32
        %parallel_loop3A_387 = vector.broadcast %parallel_loop3A_386 : i32 to vector<16xi32>
        %parallel_loop3A_388 = tpu.vector_load_idx %arg7[%parallel_loop3A_387, %parallel_loop3A_315] : memref<24x1025xf32, #tpu.memory_space<vmem>>[vector<16xi32>, vector<16xi32>], vector<16xf32>,
        %parallel_loop3A_389 = arith.constant 10 : i32
        %parallel_loop3A_390 = arith.index_cast %parallel_loop3A_389 : i32 to index
        %parallel_loop3A_391 = arith.index_cast %parallel_loop3A_313 : i32 to index
        %parallel_loop3A_392 = tpu.vector_load %arg9[%parallel_loop3A_390, %parallel_loop3A_391] {strides = array<i32>} : memref<24x513xf32, #tpu.memory_space<vmem>>, vector<16xf32>,
        tpu.vector_store %arg9[%parallel_loop3A_390, %parallel_loop3A_391], %parallel_loop3A_388 {strides = array<i32>} : memref<24x513xf32, #tpu.memory_space<vmem>>, vector<16xf32>,
        %parallel_loop3A_393 = arith.constant 11 : i32
        %parallel_loop3A_394 = vector.broadcast %parallel_loop3A_393 : i32 to vector<16xi32>
        %parallel_loop3A_395 = tpu.vector_load_idx %arg7[%parallel_loop3A_394, %parallel_loop3A_315] : memref<24x1025xf32, #tpu.memory_space<vmem>>[vector<16xi32>, vector<16xi32>], vector<16xf32>,
        %parallel_loop3A_396 = arith.constant 11 : i32
        %parallel_loop3A_397 = arith.index_cast %parallel_loop3A_396 : i32 to index
        %parallel_loop3A_398 = arith.index_cast %parallel_loop3A_313 : i32 to index
        %parallel_loop3A_399 = tpu.vector_load %arg9[%parallel_loop3A_397, %parallel_loop3A_398] {strides = array<i32>} : memref<24x513xf32, #tpu.memory_space<vmem>>, vector<16xf32>,
        tpu.vector_store %arg9[%parallel_loop3A_397, %parallel_loop3A_398], %parallel_loop3A_395 {strides = array<i32>} : memref<24x513xf32, #tpu.memory_space<vmem>>, vector<16xf32>,
        %parallel_loop3A_400 = arith.constant 12 : i32
        %parallel_loop3A_401 = vector.broadcast %parallel_loop3A_400 : i32 to vector<16xi32>
        %parallel_loop3A_402 = tpu.vector_load_idx %arg7[%parallel_loop3A_401, %parallel_loop3A_315] : memref<24x1025xf32, #tpu.memory_space<vmem>>[vector<16xi32>, vector<16xi32>], vector<16xf32>,
        %parallel_loop3A_403 = arith.constant 12 : i32
        %parallel_loop3A_404 = arith.index_cast %parallel_loop3A_403 : i32 to index
        %parallel_loop3A_405 = arith.index_cast %parallel_loop3A_313 : i32 to index
        %parallel_loop3A_406 = tpu.vector_load %arg9[%parallel_loop3A_404, %parallel_loop3A_405] {strides = array<i32>} : memref<24x513xf32, #tpu.memory_space<vmem>>, vector<16xf32>,
        tpu.vector_store %arg9[%parallel_loop3A_404, %parallel_loop3A_405], %parallel_loop3A_402 {strides = array<i32>} : memref<24x513xf32, #tpu.memory_space<vmem>>, vector<16xf32>,
        %parallel_loop3A_407 = arith.constant 13 : i32
        %parallel_loop3A_408 = vector.broadcast %parallel_loop3A_407 : i32 to vector<16xi32>
        %parallel_loop3A_409 = tpu.vector_load_idx %arg7[%parallel_loop3A_408, %parallel_loop3A_315] : memref<24x1025xf32, #tpu.memory_space<vmem>>[vector<16xi32>, vector<16xi32>], vector<16xf32>,
        %parallel_loop3A_410 = arith.constant 13 : i32
        %parallel_loop3A_411 = arith.index_cast %parallel_loop3A_410 : i32 to index
        %parallel_loop3A_412 = arith.index_cast %parallel_loop3A_313 : i32 to index
        %parallel_loop3A_413 = tpu.vector_load %arg9[%parallel_loop3A_411, %parallel_loop3A_412] {strides = array<i32>} : memref<24x513xf32, #tpu.memory_space<vmem>>, vector<16xf32>,
        tpu.vector_store %arg9[%parallel_loop3A_411, %parallel_loop3A_412], %parallel_loop3A_409 {strides = array<i32>} : memref<24x513xf32, #tpu.memory_space<vmem>>, vector<16xf32>,
        %parallel_loop3A_414 = arith.constant 14 : i32
        %parallel_loop3A_415 = vector.broadcast %parallel_loop3A_414 : i32 to vector<16xi32>
        %parallel_loop3A_416 = tpu.vector_load_idx %arg7[%parallel_loop3A_415, %parallel_loop3A_315] : memref<24x1025xf32, #tpu.memory_space<vmem>>[vector<16xi32>, vector<16xi32>], vector<16xf32>,
        %parallel_loop3A_417 = arith.constant 14 : i32
        %parallel_loop3A_418 = arith.index_cast %parallel_loop3A_417 : i32 to index
        %parallel_loop3A_419 = arith.index_cast %parallel_loop3A_313 : i32 to index
        %parallel_loop3A_420 = tpu.vector_load %arg9[%parallel_loop3A_418, %parallel_loop3A_419] {strides = array<i32>} : memref<24x513xf32, #tpu.memory_space<vmem>>, vector<16xf32>,
        tpu.vector_store %arg9[%parallel_loop3A_418, %parallel_loop3A_419], %parallel_loop3A_416 {strides = array<i32>} : memref<24x513xf32, #tpu.memory_space<vmem>>, vector<16xf32>,
        %parallel_loop3A_421 = arith.constant 15 : i32
        %parallel_loop3A_422 = vector.broadcast %parallel_loop3A_421 : i32 to vector<16xi32>
        %parallel_loop3A_423 = tpu.vector_load_idx %arg7[%parallel_loop3A_422, %parallel_loop3A_315] : memref<24x1025xf32, #tpu.memory_space<vmem>>[vector<16xi32>, vector<16xi32>], vector<16xf32>,
        %parallel_loop3A_424 = arith.constant 15 : i32
        %parallel_loop3A_425 = arith.index_cast %parallel_loop3A_424 : i32 to index
        %parallel_loop3A_426 = arith.index_cast %parallel_loop3A_313 : i32 to index
        %parallel_loop3A_427 = tpu.vector_load %arg9[%parallel_loop3A_425, %parallel_loop3A_426] {strides = array<i32>} : memref<24x513xf32, #tpu.memory_space<vmem>>, vector<16xf32>,
        tpu.vector_store %arg9[%parallel_loop3A_425, %parallel_loop3A_426], %parallel_loop3A_423 {strides = array<i32>} : memref<24x513xf32, #tpu.memory_space<vmem>>, vector<16xf32>,
        %parallel_loop3A_428 = arith.constant 16 : i32
        %parallel_loop3A_429 = vector.broadcast %parallel_loop3A_428 : i32 to vector<16xi32>
        %parallel_loop3A_430 = tpu.vector_load_idx %arg7[%parallel_loop3A_429, %parallel_loop3A_315] : memref<24x1025xf32, #tpu.memory_space<vmem>>[vector<16xi32>, vector<16xi32>], vector<16xf32>,
        %parallel_loop3A_431 = arith.constant 16 : i32
        %parallel_loop3A_432 = arith.index_cast %parallel_loop3A_431 : i32 to index
        %parallel_loop3A_433 = arith.index_cast %parallel_loop3A_313 : i32 to index
        %parallel_loop3A_434 = tpu.vector_load %arg9[%parallel_loop3A_432, %parallel_loop3A_433] {strides = array<i32>} : memref<24x513xf32, #tpu.memory_space<vmem>>, vector<16xf32>,
        tpu.vector_store %arg9[%parallel_loop3A_432, %parallel_loop3A_433], %parallel_loop3A_430 {strides = array<i32>} : memref<24x513xf32, #tpu.memory_space<vmem>>, vector<16xf32>,
        %parallel_loop3A_435 = arith.constant 17 : i32
        %parallel_loop3A_436 = vector.broadcast %parallel_loop3A_435 : i32 to vector<16xi32>
        %parallel_loop3A_437 = tpu.vector_load_idx %arg7[%parallel_loop3A_436, %parallel_loop3A_315] : memref<24x1025xf32, #tpu.memory_space<vmem>>[vector<16xi32>, vector<16xi32>], vector<16xf32>,
        %parallel_loop3A_438 = arith.constant 17 : i32
        %parallel_loop3A_439 = arith.index_cast %parallel_loop3A_438 : i32 to index
        %parallel_loop3A_440 = arith.index_cast %parallel_loop3A_313 : i32 to index
        %parallel_loop3A_441 = tpu.vector_load %arg9[%parallel_loop3A_439, %parallel_loop3A_440] {strides = array<i32>} : memref<24x513xf32, #tpu.memory_space<vmem>>, vector<16xf32>,
        tpu.vector_store %arg9[%parallel_loop3A_439, %parallel_loop3A_440], %parallel_loop3A_437 {strides = array<i32>} : memref<24x513xf32, #tpu.memory_space<vmem>>, vector<16xf32>,
        %parallel_loop3A_442 = arith.constant 18 : i32
        %parallel_loop3A_443 = vector.broadcast %parallel_loop3A_442 : i32 to vector<16xi32>
        %parallel_loop3A_444 = tpu.vector_load_idx %arg7[%parallel_loop3A_443, %parallel_loop3A_315] : memref<24x1025xf32, #tpu.memory_space<vmem>>[vector<16xi32>, vector<16xi32>], vector<16xf32>,
        %parallel_loop3A_445 = arith.constant 18 : i32
        %parallel_loop3A_446 = arith.index_cast %parallel_loop3A_445 : i32 to index
        %parallel_loop3A_447 = arith.index_cast %parallel_loop3A_313 : i32 to index
        %parallel_loop3A_448 = tpu.vector_load %arg9[%parallel_loop3A_446, %parallel_loop3A_447] {strides = array<i32>} : memref<24x513xf32, #tpu.memory_space<vmem>>, vector<16xf32>,
        tpu.vector_store %arg9[%parallel_loop3A_446, %parallel_loop3A_447], %parallel_loop3A_444 {strides = array<i32>} : memref<24x513xf32, #tpu.memory_space<vmem>>, vector<16xf32>,
        %parallel_loop3A_449 = arith.constant 19 : i32
        %parallel_loop3A_450 = vector.broadcast %parallel_loop3A_449 : i32 to vector<16xi32>
        %parallel_loop3A_451 = tpu.vector_load_idx %arg7[%parallel_loop3A_450, %parallel_loop3A_315] : memref<24x1025xf32, #tpu.memory_space<vmem>>[vector<16xi32>, vector<16xi32>], vector<16xf32>,
        %parallel_loop3A_452 = arith.constant 19 : i32
        %parallel_loop3A_453 = arith.index_cast %parallel_loop3A_452 : i32 to index
        %parallel_loop3A_454 = arith.index_cast %parallel_loop3A_313 : i32 to index
        %parallel_loop3A_455 = tpu.vector_load %arg9[%parallel_loop3A_453, %parallel_loop3A_454] {strides = array<i32>} : memref<24x513xf32, #tpu.memory_space<vmem>>, vector<16xf32>,
        tpu.vector_store %arg9[%parallel_loop3A_453, %parallel_loop3A_454], %parallel_loop3A_451 {strides = array<i32>} : memref<24x513xf32, #tpu.memory_space<vmem>>, vector<16xf32>,
        %parallel_loop3A_456 = arith.constant 20 : i32
        %parallel_loop3A_457 = vector.broadcast %parallel_loop3A_456 : i32 to vector<16xi32>
        %parallel_loop3A_458 = tpu.vector_load_idx %arg7[%parallel_loop3A_457, %parallel_loop3A_315] : memref<24x1025xf32, #tpu.memory_space<vmem>>[vector<16xi32>, vector<16xi32>], vector<16xf32>,
        %parallel_loop3A_459 = arith.constant 20 : i32
        %parallel_loop3A_460 = arith.index_cast %parallel_loop3A_459 : i32 to index
        %parallel_loop3A_461 = arith.index_cast %parallel_loop3A_313 : i32 to index
        %parallel_loop3A_462 = tpu.vector_load %arg9[%parallel_loop3A_460, %parallel_loop3A_461] {strides = array<i32>} : memref<24x513xf32, #tpu.memory_space<vmem>>, vector<16xf32>,
        tpu.vector_store %arg9[%parallel_loop3A_460, %parallel_loop3A_461], %parallel_loop3A_458 {strides = array<i32>} : memref<24x513xf32, #tpu.memory_space<vmem>>, vector<16xf32>,
        %parallel_loop3A_463 = arith.constant 21 : i32
        %parallel_loop3A_464 = vector.broadcast %parallel_loop3A_463 : i32 to vector<16xi32>
        %parallel_loop3A_465 = tpu.vector_load_idx %arg7[%parallel_loop3A_464, %parallel_loop3A_315] : memref<24x1025xf32, #tpu.memory_space<vmem>>[vector<16xi32>, vector<16xi32>], vector<16xf32>,
        %parallel_loop3A_466 = arith.constant 21 : i32
        %parallel_loop3A_467 = arith.index_cast %parallel_loop3A_466 : i32 to index
        %parallel_loop3A_468 = arith.index_cast %parallel_loop3A_313 : i32 to index
        %parallel_loop3A_469 = tpu.vector_load %arg9[%parallel_loop3A_467, %parallel_loop3A_468] {strides = array<i32>} : memref<24x513xf32, #tpu.memory_space<vmem>>, vector<16xf32>,
        tpu.vector_store %arg9[%parallel_loop3A_467, %parallel_loop3A_468], %parallel_loop3A_465 {strides = array<i32>} : memref<24x513xf32, #tpu.memory_space<vmem>>, vector<16xf32>,
        %parallel_loop3A_470 = arith.constant 22 : i32
        %parallel_loop3A_471 = vector.broadcast %parallel_loop3A_470 : i32 to vector<16xi32>
        %parallel_loop3A_472 = tpu.vector_load_idx %arg7[%parallel_loop3A_471, %parallel_loop3A_315] : memref<24x1025xf32, #tpu.memory_space<vmem>>[vector<16xi32>, vector<16xi32>], vector<16xf32>,
        %parallel_loop3A_473 = arith.constant 22 : i32
        %parallel_loop3A_474 = arith.index_cast %parallel_loop3A_473 : i32 to index
        %parallel_loop3A_475 = arith.index_cast %parallel_loop3A_313 : i32 to index
        %parallel_loop3A_476 = tpu.vector_load %arg9[%parallel_loop3A_474, %parallel_loop3A_475] {strides = array<i32>} : memref<24x513xf32, #tpu.memory_space<vmem>>, vector<16xf32>,
        tpu.vector_store %arg9[%parallel_loop3A_474, %parallel_loop3A_475], %parallel_loop3A_472 {strides = array<i32>} : memref<24x513xf32, #tpu.memory_space<vmem>>, vector<16xf32>,
        %parallel_loop3A_477 = arith.constant 23 : i32
        %parallel_loop3A_478 = vector.broadcast %parallel_loop3A_477 : i32 to vector<16xi32>
        %parallel_loop3A_479 = tpu.vector_load_idx %arg7[%parallel_loop3A_478, %parallel_loop3A_315] : memref<24x1025xf32, #tpu.memory_space<vmem>>[vector<16xi32>, vector<16xi32>], vector<16xf32>,
        %parallel_loop3A_480 = arith.constant 23 : i32
        %parallel_loop3A_481 = arith.index_cast %parallel_loop3A_480 : i32 to index
        %parallel_loop3A_482 = arith.index_cast %parallel_loop3A_313 : i32 to index
        %parallel_loop3A_483 = tpu.vector_load %arg9[%parallel_loop3A_481, %parallel_loop3A_482] {strides = array<i32>} : memref<24x513xf32, #tpu.memory_space<vmem>>, vector<16xf32>,
        tpu.vector_store %arg9[%parallel_loop3A_481, %parallel_loop3A_482], %parallel_loop3A_479 {strides = array<i32>} : memref<24x513xf32, #tpu.memory_space<vmem>>, vector<16xf32>,
      } {sc.loop_unroll_factor = 2 : i64, sc.parallel_access}
      %get3A_225 = arith.constant 512 : index
      %get3A_226 = tpu.vector_load %arg5[%get3A_225] {strides = array<i32>} : memref<640xi32, #tpu.memory_space<vmem>>, vector<16xi32>,
      %broadcast_in_dim3A_227 = arith.constant 512 : i32
      %broadcast_in_dim3A_228 = vector.broadcast %broadcast_in_dim3A_227 : i32 to vector<16xi32>
      %broadcast_in_dim3A_229 = arith.constant 0 : i32
      %broadcast_in_dim3A_230 = vector.broadcast %broadcast_in_dim3A_229 : i32 to vector<16xi32>
      %gather3A_231 = tpu.vector_load_idx %arg7[%broadcast_in_dim3A_230, %get3A_226] : memref<24x1025xf32, #tpu.memory_space<vmem>>[vector<16xi32>, vector<16xi32>], vector<16xf32>,
      tpu.vector_store_idx %arg9[%broadcast_in_dim3A_230, %broadcast_in_dim3A_228], %gather3A_231 masked %eq3A_2 : memref<24x513xf32, #tpu.memory_space<vmem>>[vector<16xi32>, vector<16xi32>], vector<16xf32>, vector<16xi1>
      %broadcast_in_dim3A_232 = arith.constant 1 : i32
      %broadcast_in_dim3A_233 = vector.broadcast %broadcast_in_dim3A_232 : i32 to vector<16xi32>
      %gather3A_234 = tpu.vector_load_idx %arg7[%broadcast_in_dim3A_233, %get3A_226] : memref<24x1025xf32, #tpu.memory_space<vmem>>[vector<16xi32>, vector<16xi32>], vector<16xf32>,
      tpu.vector_store_idx %arg9[%broadcast_in_dim3A_233, %broadcast_in_dim3A_228], %gather3A_234 masked %eq3A_2 : memref<24x513xf32, #tpu.memory_space<vmem>>[vector<16xi32>, vector<16xi32>], vector<16xf32>, vector<16xi1>
      %broadcast_in_dim3A_235 = arith.constant 2 : i32
      %broadcast_in_dim3A_236 = vector.broadcast %broadcast_in_dim3A_235 : i32 to vector<16xi32>
      %gather3A_237 = tpu.vector_load_idx %arg7[%broadcast_in_dim3A_236, %get3A_226] : memref<24x1025xf32, #tpu.memory_space<vmem>>[vector<16xi32>, vector<16xi32>], vector<16xf32>,
      tpu.vector_store_idx %arg9[%broadcast_in_dim3A_236, %broadcast_in_dim3A_228], %gather3A_237 masked %eq3A_2 : memref<24x513xf32, #tpu.memory_space<vmem>>[vector<16xi32>, vector<16xi32>], vector<16xf32>, vector<16xi1>
      %broadcast_in_dim3A_238 = arith.constant 3 : i32
      %broadcast_in_dim3A_239 = vector.broadcast %broadcast_in_dim3A_238 : i32 to vector<16xi32>
      %gather3A_240 = tpu.vector_load_idx %arg7[%broadcast_in_dim3A_239, %get3A_226] : memref<24x1025xf32, #tpu.memory_space<vmem>>[vector<16xi32>, vector<16xi32>], vector<16xf32>,
      tpu.vector_store_idx %arg9[%broadcast_in_dim3A_239, %broadcast_in_dim3A_228], %gather3A_240 masked %eq3A_2 : memref<24x513xf32, #tpu.memory_space<vmem>>[vector<16xi32>, vector<16xi32>], vector<16xf32>, vector<16xi1>
      %broadcast_in_dim3A_241 = arith.constant 4 : i32
      %broadcast_in_dim3A_242 = vector.broadcast %broadcast_in_dim3A_241 : i32 to vector<16xi32>
      %gather3A_243 = tpu.vector_load_idx %arg7[%broadcast_in_dim3A_242, %get3A_226] : memref<24x1025xf32, #tpu.memory_space<vmem>>[vector<16xi32>, vector<16xi32>], vector<16xf32>,
      tpu.vector_store_idx %arg9[%broadcast_in_dim3A_242, %broadcast_in_dim3A_228], %gather3A_243 masked %eq3A_2 : memref<24x513xf32, #tpu.memory_space<vmem>>[vector<16xi32>, vector<16xi32>], vector<16xf32>, vector<16xi1>
      %broadcast_in_dim3A_244 = arith.constant 5 : i32
      %broadcast_in_dim3A_245 = vector.broadcast %broadcast_in_dim3A_244 : i32 to vector<16xi32>
      %gather3A_246 = tpu.vector_load_idx %arg7[%broadcast_in_dim3A_245, %get3A_226] : memref<24x1025xf32, #tpu.memory_space<vmem>>[vector<16xi32>, vector<16xi32>], vector<16xf32>,
      tpu.vector_store_idx %arg9[%broadcast_in_dim3A_245, %broadcast_in_dim3A_228], %gather3A_246 masked %eq3A_2 : memref<24x513xf32, #tpu.memory_space<vmem>>[vector<16xi32>, vector<16xi32>], vector<16xf32>, vector<16xi1>
      %broadcast_in_dim3A_247 = arith.constant 6 : i32
      %broadcast_in_dim3A_248 = vector.broadcast %broadcast_in_dim3A_247 : i32 to vector<16xi32>
      %gather3A_249 = tpu.vector_load_idx %arg7[%broadcast_in_dim3A_248, %get3A_226] : memref<24x1025xf32, #tpu.memory_space<vmem>>[vector<16xi32>, vector<16xi32>], vector<16xf32>,
      tpu.vector_store_idx %arg9[%broadcast_in_dim3A_248, %broadcast_in_dim3A_228], %gather3A_249 masked %eq3A_2 : memref<24x513xf32, #tpu.memory_space<vmem>>[vector<16xi32>, vector<16xi32>], vector<16xf32>, vector<16xi1>
      %broadcast_in_dim3A_250 = arith.constant 7 : i32
      %broadcast_in_dim3A_251 = vector.broadcast %broadcast_in_dim3A_250 : i32 to vector<16xi32>
      %gather3A_252 = tpu.vector_load_idx %arg7[%broadcast_in_dim3A_251, %get3A_226] : memref<24x1025xf32, #tpu.memory_space<vmem>>[vector<16xi32>, vector<16xi32>], vector<16xf32>,
      tpu.vector_store_idx %arg9[%broadcast_in_dim3A_251, %broadcast_in_dim3A_228], %gather3A_252 masked %eq3A_2 : memref<24x513xf32, #tpu.memory_space<vmem>>[vector<16xi32>, vector<16xi32>], vector<16xf32>, vector<16xi1>
      %broadcast_in_dim3A_253 = arith.constant 8 : i32
      %broadcast_in_dim3A_254 = vector.broadcast %broadcast_in_dim3A_253 : i32 to vector<16xi32>
      %gather3A_255 = tpu.vector_load_idx %arg7[%broadcast_in_dim3A_254, %get3A_226] : memref<24x1025xf32, #tpu.memory_space<vmem>>[vector<16xi32>, vector<16xi32>], vector<16xf32>,
      tpu.vector_store_idx %arg9[%broadcast_in_dim3A_254, %broadcast_in_dim3A_228], %gather3A_255 masked %eq3A_2 : memref<24x513xf32, #tpu.memory_space<vmem>>[vector<16xi32>, vector<16xi32>], vector<16xf32>, vector<16xi1>
      %broadcast_in_dim3A_256 = arith.constant 9 : i32
      %broadcast_in_dim3A_257 = vector.broadcast %broadcast_in_dim3A_256 : i32 to vector<16xi32>
      %gather3A_258 = tpu.vector_load_idx %arg7[%broadcast_in_dim3A_257, %get3A_226] : memref<24x1025xf32, #tpu.memory_space<vmem>>[vector<16xi32>, vector<16xi32>], vector<16xf32>,
      tpu.vector_store_idx %arg9[%broadcast_in_dim3A_257, %broadcast_in_dim3A_228], %gather3A_258 masked %eq3A_2 : memref<24x513xf32, #tpu.memory_space<vmem>>[vector<16xi32>, vector<16xi32>], vector<16xf32>, vector<16xi1>
      %broadcast_in_dim3A_259 = arith.constant 10 : i32
      %broadcast_in_dim3A_260 = vector.broadcast %broadcast_in_dim3A_259 : i32 to vector<16xi32>
      %gather3A_261 = tpu.vector_load_idx %arg7[%broadcast_in_dim3A_260, %get3A_226] : memref<24x1025xf32, #tpu.memory_space<vmem>>[vector<16xi32>, vector<16xi32>], vector<16xf32>,
      tpu.vector_store_idx %arg9[%broadcast_in_dim3A_260, %broadcast_in_dim3A_228], %gather3A_261 masked %eq3A_2 : memref<24x513xf32, #tpu.memory_space<vmem>>[vector<16xi32>, vector<16xi32>], vector<16xf32>, vector<16xi1>
      %broadcast_in_dim3A_262 = arith.constant 11 : i32
      %broadcast_in_dim3A_263 = vector.broadcast %broadcast_in_dim3A_262 : i32 to vector<16xi32>
      %gather3A_264 = tpu.vector_load_idx %arg7[%broadcast_in_dim3A_263, %get3A_226] : memref<24x1025xf32, #tpu.memory_space<vmem>>[vector<16xi32>, vector<16xi32>], vector<16xf32>,
      tpu.vector_store_idx %arg9[%broadcast_in_dim3A_263, %broadcast_in_dim3A_228], %gather3A_264 masked %eq3A_2 : memref<24x513xf32, #tpu.memory_space<vmem>>[vector<16xi32>, vector<16xi32>], vector<16xf32>, vector<16xi1>
      %broadcast_in_dim3A_265 = arith.constant 12 : i32
      %broadcast_in_dim3A_266 = vector.broadcast %broadcast_in_dim3A_265 : i32 to vector<16xi32>
      %gather3A_267 = tpu.vector_load_idx %arg7[%broadcast_in_dim3A_266, %get3A_226] : memref<24x1025xf32, #tpu.memory_space<vmem>>[vector<16xi32>, vector<16xi32>], vector<16xf32>,
      tpu.vector_store_idx %arg9[%broadcast_in_dim3A_266, %broadcast_in_dim3A_228], %gather3A_267 masked %eq3A_2 : memref<24x513xf32, #tpu.memory_space<vmem>>[vector<16xi32>, vector<16xi32>], vector<16xf32>, vector<16xi1>
      %broadcast_in_dim3A_268 = arith.constant 13 : i32
      %broadcast_in_dim3A_269 = vector.broadcast %broadcast_in_dim3A_268 : i32 to vector<16xi32>
      %gather3A_270 = tpu.vector_load_idx %arg7[%broadcast_in_dim3A_269, %get3A_226] : memref<24x1025xf32, #tpu.memory_space<vmem>>[vector<16xi32>, vector<16xi32>], vector<16xf32>,
      tpu.vector_store_idx %arg9[%broadcast_in_dim3A_269, %broadcast_in_dim3A_228], %gather3A_270 masked %eq3A_2 : memref<24x513xf32, #tpu.memory_space<vmem>>[vector<16xi32>, vector<16xi32>], vector<16xf32>, vector<16xi1>
      %broadcast_in_dim3A_271 = arith.constant 14 : i32
      %broadcast_in_dim3A_272 = vector.broadcast %broadcast_in_dim3A_271 : i32 to vector<16xi32>
      %gather3A_273 = tpu.vector_load_idx %arg7[%broadcast_in_dim3A_272, %get3A_226] : memref<24x1025xf32, #tpu.memory_space<vmem>>[vector<16xi32>, vector<16xi32>], vector<16xf32>,
      tpu.vector_store_idx %arg9[%broadcast_in_dim3A_272, %broadcast_in_dim3A_228], %gather3A_273 masked %eq3A_2 : memref<24x513xf32, #tpu.memory_space<vmem>>[vector<16xi32>, vector<16xi32>], vector<16xf32>, vector<16xi1>
      %broadcast_in_dim3A_274 = arith.constant 15 : i32
      %broadcast_in_dim3A_275 = vector.broadcast %broadcast_in_dim3A_274 : i32 to vector<16xi32>
      %gather3A_276 = tpu.vector_load_idx %arg7[%broadcast_in_dim3A_275, %get3A_226] : memref<24x1025xf32, #tpu.memory_space<vmem>>[vector<16xi32>, vector<16xi32>], vector<16xf32>,
      tpu.vector_store_idx %arg9[%broadcast_in_dim3A_275, %broadcast_in_dim3A_228], %gather3A_276 masked %eq3A_2 : memref<24x513xf32, #tpu.memory_space<vmem>>[vector<16xi32>, vector<16xi32>], vector<16xf32>, vector<16xi1>
      %broadcast_in_dim3A_277 = arith.constant 16 : i32
      %broadcast_in_dim3A_278 = vector.broadcast %broadcast_in_dim3A_277 : i32 to vector<16xi32>
      %gather3A_279 = tpu.vector_load_idx %arg7[%broadcast_in_dim3A_278, %get3A_226] : memref<24x1025xf32, #tpu.memory_space<vmem>>[vector<16xi32>, vector<16xi32>], vector<16xf32>,
      tpu.vector_store_idx %arg9[%broadcast_in_dim3A_278, %broadcast_in_dim3A_228], %gather3A_279 masked %eq3A_2 : memref<24x513xf32, #tpu.memory_space<vmem>>[vector<16xi32>, vector<16xi32>], vector<16xf32>, vector<16xi1>
      %broadcast_in_dim3A_280 = arith.constant 17 : i32
      %broadcast_in_dim3A_281 = vector.broadcast %broadcast_in_dim3A_280 : i32 to vector<16xi32>
      %gather3A_282 = tpu.vector_load_idx %arg7[%broadcast_in_dim3A_281, %get3A_226] : memref<24x1025xf32, #tpu.memory_space<vmem>>[vector<16xi32>, vector<16xi32>], vector<16xf32>,
      tpu.vector_store_idx %arg9[%broadcast_in_dim3A_281, %broadcast_in_dim3A_228], %gather3A_282 masked %eq3A_2 : memref<24x513xf32, #tpu.memory_space<vmem>>[vector<16xi32>, vector<16xi32>], vector<16xf32>, vector<16xi1>
      %broadcast_in_dim3A_283 = arith.constant 18 : i32
      %broadcast_in_dim3A_284 = vector.broadcast %broadcast_in_dim3A_283 : i32 to vector<16xi32>
      %gather3A_285 = tpu.vector_load_idx %arg7[%broadcast_in_dim3A_284, %get3A_226] : memref<24x1025xf32, #tpu.memory_space<vmem>>[vector<16xi32>, vector<16xi32>], vector<16xf32>,
      tpu.vector_store_idx %arg9[%broadcast_in_dim3A_284, %broadcast_in_dim3A_228], %gather3A_285 masked %eq3A_2 : memref<24x513xf32, #tpu.memory_space<vmem>>[vector<16xi32>, vector<16xi32>], vector<16xf32>, vector<16xi1>
      %broadcast_in_dim3A_286 = arith.constant 19 : i32
      %broadcast_in_dim3A_287 = vector.broadcast %broadcast_in_dim3A_286 : i32 to vector<16xi32>
      %gather3A_288 = tpu.vector_load_idx %arg7[%broadcast_in_dim3A_287, %get3A_226] : memref<24x1025xf32, #tpu.memory_space<vmem>>[vector<16xi32>, vector<16xi32>], vector<16xf32>,
      tpu.vector_store_idx %arg9[%broadcast_in_dim3A_287, %broadcast_in_dim3A_228], %gather3A_288 masked %eq3A_2 : memref<24x513xf32, #tpu.memory_space<vmem>>[vector<16xi32>, vector<16xi32>], vector<16xf32>, vector<16xi1>
      %broadcast_in_dim3A_289 = arith.constant 20 : i32
      %broadcast_in_dim3A_290 = vector.broadcast %broadcast_in_dim3A_289 : i32 to vector<16xi32>
      %gather3A_291 = tpu.vector_load_idx %arg7[%broadcast_in_dim3A_290, %get3A_226] : memref<24x1025xf32, #tpu.memory_space<vmem>>[vector<16xi32>, vector<16xi32>], vector<16xf32>,
      tpu.vector_store_idx %arg9[%broadcast_in_dim3A_290, %broadcast_in_dim3A_228], %gather3A_291 masked %eq3A_2 : memref<24x513xf32, #tpu.memory_space<vmem>>[vector<16xi32>, vector<16xi32>], vector<16xf32>, vector<16xi1>
      %broadcast_in_dim3A_292 = arith.constant 21 : i32
      %broadcast_in_dim3A_293 = vector.broadcast %broadcast_in_dim3A_292 : i32 to vector<16xi32>
      %gather3A_294 = tpu.vector_load_idx %arg7[%broadcast_in_dim3A_293, %get3A_226] : memref<24x1025xf32, #tpu.memory_space<vmem>>[vector<16xi32>, vector<16xi32>], vector<16xf32>,
      tpu.vector_store_idx %arg9[%broadcast_in_dim3A_293, %broadcast_in_dim3A_228], %gather3A_294 masked %eq3A_2 : memref<24x513xf32, #tpu.memory_space<vmem>>[vector<16xi32>, vector<16xi32>], vector<16xf32>, vector<16xi1>
      %broadcast_in_dim3A_295 = arith.constant 22 : i32
      %broadcast_in_dim3A_296 = vector.broadcast %broadcast_in_dim3A_295 : i32 to vector<16xi32>
      %gather3A_297 = tpu.vector_load_idx %arg7[%broadcast_in_dim3A_296, %get3A_226] : memref<24x1025xf32, #tpu.memory_space<vmem>>[vector<16xi32>, vector<16xi32>], vector<16xf32>,
      tpu.vector_store_idx %arg9[%broadcast_in_dim3A_296, %broadcast_in_dim3A_228], %gather3A_297 masked %eq3A_2 : memref<24x513xf32, #tpu.memory_space<vmem>>[vector<16xi32>, vector<16xi32>], vector<16xf32>, vector<16xi1>
      %broadcast_in_dim3A_298 = arith.constant 23 : i32
      %broadcast_in_dim3A_299 = vector.broadcast %broadcast_in_dim3A_298 : i32 to vector<16xi32>
      %gather3A_300 = tpu.vector_load_idx %arg7[%broadcast_in_dim3A_299, %get3A_226] : memref<24x1025xf32, #tpu.memory_space<vmem>>[vector<16xi32>, vector<16xi32>], vector<16xf32>,
      tpu.vector_store_idx %arg9[%broadcast_in_dim3A_299, %broadcast_in_dim3A_228], %gather3A_300 masked %eq3A_2 : memref<24x513xf32, #tpu.memory_space<vmem>>[vector<16xi32>, vector<16xi32>], vector<16xf32>, vector<16xi1>
      %mul3A_301 = arith.constant 24 : i32
      %mul3A_302 = arith.muli %add3A_91, %mul3A_301 : i32
      %multiple_of3A_303 = tpu.assume_multiple %mul3A_302, 8 : i32
      %dma_start3A_304 = arith.constant 0 : i32
      %dma_start3A_305 = tpu.memref_slice %arg4[%add3A_46, %multiple_of3A_303, %dma_start3A_304] : memref<64x192x513xf32, #tpu.memory_space<hbm>> -> memref<1x24x513xf32, #tpu.memory_space<hbm>>
      %dma_start3A_306 = tpu.memref_squeeze %dma_start3A_305 : memref<1x24x513xf32, #tpu.memory_space<hbm>> -> memref<24x513xf32, #tpu.memory_space<hbm>>
      %dma_start3A_307 = arith.constant 0 : i32
      %dma_start3A_308 = tpu.memref_slice %arg4[%add3A_46, %multiple_of3A_303, %dma_start3A_307] : memref<64x192x513xf32, #tpu.memory_space<hbm>> -> memref<1x24x513xf32, #tpu.memory_space<hbm>>
      %dma_start3A_309 = tpu.memref_squeeze %dma_start3A_308 : memref<1x24x513xf32, #tpu.memory_space<hbm>> -> memref<24x513xf32, #tpu.memory_space<hbm>>
      tpu.enqueue_dma source(%arg9 : memref<24x513xf32, #tpu.memory_space<vmem>>) target(%dma_start3A_309 : memref<24x513xf32, #tpu.memory_space<hbm>>) target_semaphore(%arg13 : memref<!tpu.dma_semaphore, #tpu.memory_space<semaphore_mem>>)
    }
    %scan3A_62 = arith.constant 4 : i32
    %multiple_of3A_63 = arith.constant 168 : i32
    %multiple_of3A_64 = tpu.assume_multiple %multiple_of3A_63, 8 : i32
    %dma_wait3A_65 = arith.constant 0 : i32
    %dma_wait3A_66 = tpu.memref_slice %arg2[%add3A_46, %multiple_of3A_64, %dma_wait3A_65] : memref<64x192x1025xf32, #tpu.memory_space<hbm>> -> memref<1x24x1025xf32, #tpu.memory_space<hbm>>
    %dma_wait3A_67 = tpu.memref_squeeze %dma_wait3A_66 : memref<1x24x1025xf32, #tpu.memory_space<hbm>> -> memref<24x1025xf32, #tpu.memory_space<hbm>>
    %dma_wait3A_68 = arith.constant 0 : i32
    %dma_wait3A_69 = tpu.memref_slice %arg2[%add3A_46, %multiple_of3A_64, %dma_wait3A_68] : memref<64x192x1025xf32, #tpu.memory_space<hbm>> -> memref<1x24x1025xf32, #tpu.memory_space<hbm>>
    %dma_wait3A_70 = tpu.memref_squeeze %dma_wait3A_69 : memref<1x24x1025xf32, #tpu.memory_space<hbm>> -> memref<24x1025xf32, #tpu.memory_space<hbm>>
    tpu.wait_dma2 semaphore(%arg10 : memref<!tpu.dma_semaphore, #tpu.memory_space<semaphore_mem>>) src(%dma_wait3A_70 : memref<24x1025xf32, #tpu.memory_space<hbm>>) dst(%arg6 : memref<24x1025xf32, #tpu.memory_space<vmem>>)
    %multiple_of3A_71 = arith.constant 144 : i32
    %multiple_of3A_72 = tpu.assume_multiple %multiple_of3A_71, 8 : i32
    %dma_wait3A_73 = arith.constant 0 : i32
    %dma_wait3A_74 = tpu.memref_slice %arg4[%add3A_46, %multiple_of3A_72, %dma_wait3A_73] : memref<64x192x513xf32, #tpu.memory_space<hbm>> -> memref<1x24x513xf32, #tpu.memory_space<hbm>>
    %dma_wait3A_75 = tpu.memref_squeeze %dma_wait3A_74 : memref<1x24x513xf32, #tpu.memory_space<hbm>> -> memref<24x513xf32, #tpu.memory_space<hbm>>
    %dma_wait3A_76 = arith.constant 0 : i32
    %dma_wait3A_77 = tpu.memref_slice %arg4[%add3A_46, %multiple_of3A_72, %dma_wait3A_76] : memref<64x192x513xf32, #tpu.memory_space<hbm>> -> memref<1x24x513xf32, #tpu.memory_space<hbm>>
    %dma_wait3A_78 = tpu.memref_squeeze %dma_wait3A_77 : memref<1x24x513xf32, #tpu.memory_space<hbm>> -> memref<24x513xf32, #tpu.memory_space<hbm>>
    tpu.wait_dma2 semaphore(%arg12 : memref<!tpu.dma_semaphore, #tpu.memory_space<semaphore_mem>>) src(%arg8 : memref<24x513xf32, #tpu.memory_space<vmem>>) dst(%dma_wait3A_78 : memref<24x513xf32, #tpu.memory_space<hbm>>)
    %multiple_of3A_79 = arith.constant 168 : i32
    %multiple_of3A_80 = tpu.assume_multiple %multiple_of3A_79, 8 : i32
    %dma_wait3A_81 = arith.constant 0 : i32
    %dma_wait3A_82 = tpu.memref_slice %arg4[%add3A_46, %multiple_of3A_80, %dma_wait3A_81] : memref<64x192x513xf32, #tpu.memory_space<hbm>> -> memref<1x24x513xf32, #tpu.memory_space<hbm>>
    %dma_wait3A_83 = tpu.memref_squeeze %dma_wait3A_82 : memref<1x24x513xf32, #tpu.memory_space<hbm>> -> memref<24x513xf32, #tpu.memory_space<hbm>>
    %dma_wait3A_84 = arith.constant 0 : i32
    %dma_wait3A_85 = tpu.memref_slice %arg4[%add3A_46, %multiple_of3A_80, %dma_wait3A_84] : memref<64x192x513xf32, #tpu.memory_space<hbm>> -> memref<1x24x513xf32, #tpu.memory_space<hbm>>
    %dma_wait3A_86 = tpu.memref_squeeze %dma_wait3A_85 : memref<1x24x513xf32, #tpu.memory_space<hbm>> -> memref<24x513xf32, #tpu.memory_space<hbm>>
    tpu.wait_dma2 semaphore(%arg13 : memref<!tpu.dma_semaphore, #tpu.memory_space<semaphore_mem>>) src(%arg9 : memref<24x513xf32, #tpu.memory_space<vmem>>) dst(%dma_wait3A_86 : memref<24x513xf32, #tpu.memory_space<hbm>>)
    return
  }
}

</mosaic_0001>

<sc_bundles>
// kernel: kernel.3.cloned.1.call-start
scs
__scs_entry_jumppad:
0x0: {  	(pc) =	sbr.rel $0x88, $3  }
0x1: {  	(tag) =	ssettag $0x0;
	lr =	simm.s32 $0x1  }
0x2: {  	[smem:$0x3FA0] =	sst lr;
	_ =	strace $0xD0000000  }
0x3: {  	_ = 	snop  }
0x4: {  	_ = 	snop  }
0x5: {  	_ = 	snop  }
0x6: {  	_ = 	snop  }
0x7: {  	_ = 	snop  }
__scs_overlays_trampoline_lowered:
0x8: {  	[smem:$0x3FAF] =	sst s0  }
0x9: {  	[smem:$0x3FB0] =	sst s1  }
0xa: {  	[smem:$0x3FB1] =	sst s2  }
0xb: {  	[smem:$0x3FB2] =	sst s3  }
0xc: {  	[smem:$0x3FB3] =	sst s4  }
0xd: {  	[smem:$0x3FB4] =	sst s5  }
0xe: {  	[smem:$0x3FB5] =	sst s6  }
0xf: {  	[smem:$0x3FB6] =	sst s7  }
0x10: {  	[smem:$0x3FB7] =	sst s8  }
0x11: {  	[smem:$0x3FB8] =	sst s9;
	s0 =	simm.s32 @!p0 $0x0  }
0x12: {  	s1 =	sld [smem:$0x3F9E];
	s0 =	simm.s32 @p0 $0x1  }
0x13: {  	[smem:$0x3FB9] =	sst s0;
	s0 =	simm.s32 @!p1 $0x0  }
0x14: {  	s2 =	sld [smem:$0x3F9D];
	s0 =	simm.s32 @p1 $0x1  }
0x15: {  	[smem:$0x3FBA] =	sst s0;
	s0 =	simm.s32 @!p2 $0x0  }
0x16: {  	s3 =	sld [smem:$0x3FDB];
	s0 =	simm.s32 @p2 $0x1  }
0x17: {  	s4 =	simm.s32 $0x1BF5;
	[smem:$0x3FBC] =	sst s0  }
0x18: {  	s0 =	sld [smem:$0x3F9F];
	_ =	swait.ge [sflag:s4], $0x0  }
0x19: {  	s7 =	sld [smem:$0x3FA0]  }
0x1a: {  	s8 =	sadd.s32 $0xFFFFE003, lr  }
0x1b: {  	s9 =	sadd.s32 $0xFFFFFEF7, lr;
	s5 =	simm.s32 $0xFFFFFFFF;
	p2 =	slt.u32 s8, $0xFFFFF086  }
0x1c: {  	p1 =	slt.u32 s9, $0xF7A;
	s5 =	simm.s32 @!p2 $0x0  }
0x1d: {  	s5 =	simm.s32 @p1 $0x1;
	p0 =	seq.s32 s7, s2  }
0x1e: {  	s7 =	smul.u32 @!p0 $0xF7A, s2;
	p2 =	seq.s32 @!p0 s5, $0x0  }
0x1f: {  	s9 =	smul.u32 $0xF7A, s1;
	s8 =	simm.s32 @!p0 $0x1BF5;
	p2 =	por !p2, p0  }
0x20: {  	[sflag:s8] =	ssyncset.s32 @!p0 $0xFFFFF086;
	s6 =	sadd.s32 @!p0 s3, s7;
	s7 =	simm.s32 @!p0 $0x108  }
0x21: {  	s3 =	sadd.s32 s3, s9;
	s6 =	sadd.s32 @!p0 $0x88, s6;
	s7 =	simm.s32 @p2 $0x1082  }
0x22: {  	[simem:s7], [sflag:s8] =	dma.local @!p0 [hbm:s6], $0xF7A  }
0x23: {  	s9 =	sor.u32 $0xD0000000, s2;
	s6 =	simm.s32 $0x108;
	_ =	swait.ge @!p0 [sflag:s8], $0x0  }
0x24: {  	s3 =	sadd.s32 $0x88, s3;
	s6 =	simm.s32 @!p1 $0x1082;
	[sflag:s4] =	ssyncset.s32 $0xFFFFF086  }
0x25: {  	[simem:s6], [sflag:s4] =	dma.local [hbm:s3], $0xF7A  }
0x26: {  	[smem:$0x3FA0] =	sst s1;
	(tag) =	ssettag s2;
	_ =	strace s9  }
0x27: {  	s1 =	sld [smem:$0x3FB0]  }
0x28: {  	s2 =	sld [smem:$0x3FB1]  }
0x29: {  	s4 =	sld [smem:$0x3FB3]  }
0x2a: {  	p0 =	seq.s32 s5, $0x0;
	s5 =	sld [smem:$0x3FB4]  }
0x2b: {  	s6 =	sld [smem:$0x3FB5]  }
0x2c: {  	s7 =	sld [smem:$0x3FB6]  }
0x2d: {  	s3 =	simm.s32 $0x108;
	s8 =	sld [smem:$0x3FB7]  }
0x2e: {  	s3 =	simm.s32 @!p0 $0x1082;
	s9 =	sld [smem:$0x3FB8]  }
0x2f: {  	lr =	sadd.s32 s0, s3;
	s0 =	sld [smem:$0x3FAF]  }
0x30: {  	s3 =	sld [smem:$0x3FB2]  }
0x31: {  	[smem:$0x3FBB] =	sst s10  }
0x32: {  	s10 =	sld [smem:$0x3FB9];
	_ =	sdelay $0x3  }
0x33: {  	p0 =	seq.s32 s10, $0x1;
	s10 =	sld [smem:$0x3FBB];
	_ =	sdelay $0x3  }
0x34: {  	[smem:$0x3FBB] =	sst s10  }
0x35: {  	s10 =	sld [smem:$0x3FBA];
	_ =	sdelay $0x3  }
0x36: {  	p1 =	seq.s32 s10, $0x1;
	s10 =	sld [smem:$0x3FBB];
	_ =	sdelay $0x3  }
0x37: {  	[smem:$0x3FBB] =	sst s10  }
0x38: {  	s10 =	sld [smem:$0x3FBC]  }
0x39: {  	_ = 	snop;
	(pc) =	sbr.ind lr, $3  }
0x3a: {  	_ = 	snop  }
0x3b: {  	_ = 	snop  }
0x3c: {  	p2 =	seq.s32 s10, $0x1;
	s10 =	sld [smem:$0x3FBB]  }
0x3d: {  	_ =	shalt  }
0x3e: {  	_ =	shalt  }
0x3f: {  	_ =	shalt  }
0x40: {  	_ =	shalt  }
0x41: {  	_ =	shalt  }
0x42: {  	_ =	shalt  }
0x43: {  	_ =	shalt  }
0x44: {  	_ =	shalt  }
0x45: {  	_ =	shalt  }
0x46: {  	_ =	shalt  }
0x47: {  	_ =	shalt  }
0x48: {  	_ =	shalt  }
0x49: {  	_ =	shalt  }
0x4a: {  	_ =	shalt  }
0x4b: {  	_ =	shalt  }
0x4c: {  	_ =	shalt  }
0x4d: {  	_ =	shalt  }
0x4e: {  	_ =	shalt  }
0x4f: {  	_ =	shalt  }
0x50: {  	_ =	shalt  }
0x51: {  	_ =	shalt  }
0x52: {  	_ =	shalt  }
0x53: {  	_ =	shalt  }
0x54: {  	_ =	shalt  }
0x55: {  	_ =	shalt  }
0x56: {  	_ =	shalt  }
0x57: {  	_ =	shalt  }
0x58: {  	_ =	shalt  }
0x59: {  	_ =	shalt  }
0x5a: {  	_ =	shalt  }
0x5b: {  	_ =	shalt  }
0x5c: {  	_ =	shalt  }
0x5d: {  	_ =	shalt  }
0x5e: {  	_ =	shalt  }
0x5f: {  	_ =	shalt  }
0x60: {  	_ =	shalt  }
0x61: {  	_ =	shalt  }
0x62: {  	_ =	shalt  }
0x63: {  	_ =	shalt  }
0x64: {  	_ =	shalt  }
0x65: {  	_ =	shalt  }
0x66: {  	_ =	shalt  }
0x67: {  	_ =	shalt  }
0x68: {  	_ =	shalt  }
0x69: {  	_ =	shalt  }
0x6a: {  	_ =	shalt  }
0x6b: {  	_ =	shalt  }
0x6c: {  	_ =	shalt  }
0x6d: {  	_ =	shalt  }
0x6e: {  	_ =	shalt  }
0x6f: {  	_ =	shalt  }
0x70: {  	_ =	shalt  }
0x71: {  	_ =	shalt  }
0x72: {  	_ =	shalt  }
0x73: {  	_ =	shalt  }
0x74: {  	_ =	shalt  }
0x75: {  	_ =	shalt  }
0x76: {  	_ =	shalt  }
0x77: {  	_ =	shalt  }
0x78: {  	_ =	shalt  }
0x79: {  	_ =	shalt  }
0x7a: {  	_ =	shalt  }
0x7b: {  	_ =	shalt  }
0x7c: {  	_ =	shalt  }
0x7d: {  	_ =	shalt  }
0x7e: {  	_ =	shalt  }
0x7f: {  	_ =	shalt  }
0x80: {  	_ =	shalt  }
0x81: {  	_ =	shalt  }
0x82: {  	_ =	shalt  }
0x83: {  	_ =	shalt  }
0x84: {  	_ =	shalt  }
0x85: {  	_ =	shalt  }
0x86: {  	_ =	shalt  }
0x87: {  	_ =	shalt  }
.Lfunc_end0:
.L_simem_size_0:
called_computation_lowered:
.L_overlay_start_0:
0x88: {  	s2 =	sld [smem:$0x3FD9]  }
0x89: {  	s3 =	sld [smem:$0x3FFE];
	_ =	sdelay $0x1  }
0x8a: {  	s1 =	srdreg.scid  }
0x8b: {  	s0 =	sand.u32 $0x1, s1  }
0x8c: {  	s17 =	sshll.u32 s0, $0xA;
	s2 =	sadd.s32 s3, s2  }
0x8d: {  	s2 =	sadd.s32 s2, s17  }
0x8e: {  	[smem:$0x3FC7] =	sst s2  }
0x8f: {  	_ = 	snop  }
0x90: {  	s2 =	sld [smem:$0x3FC9]  }
0x91: {  	s18 =	sld [smem:$0x3FD0];
	(tm) =	ssettm $0x1  }
0x92: {  	s4 =	sld [smem:$0x3FFB];
	_ =	sdelay $0x3  }
0x93: {  	_ =	strace s4  }
0x94: {  	s4 =	sld [smem:$0x3FFC];
	_ =	sdelay $0x3  }
0x95: {  	_ =	strace s4  }
0x96: {  	s4 =	sld [smem:$0x3FFD];
	_ =	sdelay $0x3  }
0x97: {  	_ =	strace s4  }
0x98: {  	_ =	strace $0x8FFFFFFF  }
0x99: {  	s19 =	sld [smem:$0x3FDB];
	_ =	sdelay $0x1  }
0x9a: {  	s5 =	simm.s32 $_scs_section_size  }
0x9b: {  	s6 =	simm.s32 $_size__tile_overlayer_lowered;
	s7 =	simm.s32 $_tile_overlayer_lowered  }
0x9c: {  	s22 =	simm.s32 $0x1BFF;
	s21 =	sshll.u32 s7, $0x1;
	s4 =	sadd.s32 s5, s19  }
0x9d: {  	s8 =	simm.s32 $0x0;
	s20 =	sshll.u32 s6, $0x1;
	s6 =	sadd.s32 s21, s4  }
0x9e: {  	[timem:s8], [sflag:s22] =	dma.local [hbm:s6], s20  }
0x9f: {  	_ =	swait.ge [sflag:s22], s20  }
0xa0: {  	s5 =	ssub.s32 $0x0, s20;
	[sflag:s22] =	ssyncset.done $0x0  }
0xa1: {  	[sflag:s22] =	ssyncadd.s32 s5;
	_ =	sdelay $0x1  }
0xa2: {  	s23 =	simm.s32 $0x1B8B  }
0xa3: {  	_ =	swait.ge [sflag:s23], $0x1  }
0xa4: {  	[sflag:s23] =	ssyncset.done $0x0  }
0xa5: {  	s25 =	simm.s32 $0x1B8E;
	s24 =	sld [smem:$0x3FFE];
	[sflag:s23] =	ssyncadd.s32 $0xFFFFFFFF  }
0xa6: {  	s26 =	simm.s32 $execute0_lowered;
	[smem:$0x3FD2] =	sst s25  }
0xa7: {  	s6 =	sshll.u32 s26, $0x1;
	_ =	strace $0x80000046;
	[dreg:$0x1] =	wrdreg $0xFFFFFFFF  }
0xa8: {  	s28 =	simm.s32 $_size_execute0_lowered;
	s4 =	sadd.s32 s4, s6;
	[dreg:$0x0] =	wrdreg $0x0  }
0xa9: {  	s6 =	sshll.u32 s28, $0x1;
	[dreg:$0x2] =	wrdreg s4  }
0xaa: {  	[dreg:$0x3] =	wrdreg s6  }
0xab: {  	[dreg:$0x4] =	wrdreg $0xC0  }
0xac: {  	_ =	task [dreg:s8], $0x5FFFF  }
0xad: {  	[dreg:$0x1] =	wrdreg $0xFFFFFFFF  }
0xae: {  	[dreg:$0x0] =	wrdreg $0x60  }
0xaf: {  	[dreg:$0x2] =	wrdreg s2  }
0xb0: {  	[dreg:$0x3] =	wrdreg s24  }
0xb1: {  	[dreg:$0x4] =	wrdreg s18  }
0xb2: {  	[dreg:$0x5] =	wrdreg $0x9  }
0xb3: {  	_ =	task.clear_ibuf [dreg:s8], $0x6FFFF;
	_ =	strace $0x90000046  }
0xb4: {  	s29 =	simm.s32 $0x9;
	_ =	strace $0x80000048  }
0xb5: {  	_ =	swait.ge [sflag:s29], $0x1  }
0xb6: {  	[sflag:s29] =	ssyncadd.s32 $0xFFFFFFFF  }
0xb7: {  	_ =	strace $0x90000048  }
0xb8: {  	_ =	sfence  }
0xb9: {  	s30 =	sld [smem:$0x0];
	_ =	sdelay $0x2  }
0xba: {  	s31 =	sshll.u32 s1, $0xD;
	s1 =	sshrl.u32 s1, $0x2  }
0xbb: {  	s3 =	sand.u32 $0x4000, s31;
	s1 =	sadd.s32 s1, s30  }
0xbc: {  	s0 =	sor.u32 s3, s0;
	s1 =	sshll.u32 s1, $0x11  }
0xbd: {  	s0 =	sor.u32 s1, s0  }
0xbe: {  	s0 =	sadd.s32 $0x8F2B, s0  }
0xbf: {  	[sflag:s0] =	ssyncadd.remote.s32 $0x1  }
0xc0: {  	_ =	sfence.sel $0xFFFF  }
0xc1: {  	[dreg:$0x0] =	wrdreg $0xFFFFFFFF;
	(pc) =	sbr.abs _section_cstart, $3  }
0xc2: {  	[dreg:$0x1] =	wrdreg $0xFFFFFFFF  }
0xc3: {  	_ =	task.clear_ibuf [dreg:s8], $0x2FFFF;
	_ =	strace $0x9FFFFFFF  }
0xc4: {  	(tm) =	ssettm $0x7FFFFFFF  }
0xc5: {  	_ =	shalt  }
tec
execute0_lowered:
.L_overlay_start_1:
0x0: {  	(tag) =	ssettag $0x1  }
0x1: {  	s1 =	srdreg.scid;
	s2 =	stileid.u32  }
0x2: {  	s1 =	sand.u32 $0x1, s1;
	s2 =	sshll.u32 s2, $0x1  }
0x3: {  	s7 =	rddreg [dreg:$0x0];
	s2 =	sor.u32 s1, s2  }
0x4: {  	s0 =	rddreg [dreg:$0x1];
	s8 =	simm.s32 $0x0;
	s3 =	smul.u32 $0xA0, s2  }
0x5: {  	s15 =	simm.s32 $0x280;
	[smem:$0x7FF] =	sst s8;
	s6 =	smul.u32 $0x6C000, s2  }
0x6: {  	s0 =	sadd.s32 $0x400, s0;
	s4 =	sshllo.u32 s2, $0x1;
	s2 =	smul.u32 $0x3C000, s2  }
0x7: {  	_ =	strace $0x80000047;
	s1 =	ssub.s32 $0x2, s1;
	[dreg:$0x4] =	wrdreg s6  }
0x8: {  	v0 =	vimm.s32 $0x1000;
	v1 =	vimm.s32 $0x1080;
	v2 =	vimm.s32 $0x1100;
	s9 =	smul.u32 $0x36000, s4;
	s3 =	sadd.s32 s0, s3;
	[dreg:$0x8] =	wrdreg s2  }
0x9: {  	v3 =	vimm.s32 $0x1180;
	v4 =	vimm.s32 $0x1200;
	v5 =	vimm.s32 $0x1280;
	s5 =	sshrl.u32 s1, $0x1;
	s30 =	smul.u32 $0x1E000, s4;
	[dreg:$0x6] =	wrdreg s3  }
0xa: {  	v6 =	vimm.s32 $0x1300;
	v7 =	vimm.s32 $0x1380;
	v8 =	vimm.s32 $0x2400;
	s1 =	ssub.s32 s1, s5;
	s25 =	smul.u32 $0x50, s4;
	[dreg:$0x5] =	wrdreg s9  }
0xb: {  	v9 =	vimm.s32 $0x2480;
	v10 =	vimm.s32 $0x2500;
	v11 =	vimm.s32 $0x2580;
	s24 =	sshrl.u32 s6, $0x3;
	s31 =	smax.u32 s1, $0x1;
	[dreg:$0xb] =	wrdreg s30  }
0xc: {  	v12 =	vimm.s32 $0x2600;
	v13 =	vimm.s32 $0x2680;
	v14 =	vimm.s32 $0x2700;
	s17 =	simm.s32 $0x6E80;
	s26 =	sadd.s32 s7, s24;
	[dreg:$0xc] =	wrdreg s31  }
0xd: {  	v15 =	vimm.s32 $0x2780;
	v16 =	vimm.s32 $0x3800;
	v17 =	vimm.s32 $0x3880;
	s28 =	sshrl.u32 s9, $0x3;
	s0 =	sadd.s32 s0, s25;
	[dreg:$0x7] =	wrdreg s26  }
0xe: {  	s18 =	simm.s32 $0xDA80;
	v18 =	vimm.s32 $0x3900;
	v19 =	vimm.s32 $0x3980;
	v20 =	vimm.s32 $0x3A00;
	[dreg:$0x9] =	wrdreg s0;
	s29 =	sadd.s32 s7, s28  }
0xf: {  	s20 =	simm.s32 $0x11680;
	v21 =	vimm.s32 $0x3A80;
	v22 =	vimm.s32 $0x3B00;
	v23 =	vimm.s32 $0x3B80;
	s2 =	simm.s32 $0x0;
	[dreg:$0xa] =	wrdreg s29  }
.LBB2_1:
0x10: {  	[dreg:$0xd] =	wrdreg s2  }
0x11: {  	s0 =	rddreg [dreg:$0x6];
	s30 =	simm.s32 $0x5  }
0x12: {  	[tilespmem:s8], [sflag:$0x5] =	stream.linear.gather [hbm4b:s0+s8], $0x280, $0x38;
	[tilespmem:$0x15280] =	vst v63  }
0x13: {  	_ =	swait.ge [sflag:s30], $0x280  }
0x14: {  	[sflag:s30] =	ssyncset.done $0x0  }
0x15: {  	s24 =	simm.s32 $0x0;
	s31 =	rddreg [dreg:$0x7];
	[sflag:s30] =	ssyncadd.s32 $0xFFFFFD80  }
0x16: {  	[tilespmem:s15], [sflag:$0x1] =	stream.linear.gather [hbm4b:s31+s8], $0x6C00, $0x38;
	[tilespmem:$0x15280] =	vst v63  }
.LBB2_2:
0x17: {  	s0 =	smul.u32 $0x30, s24;
	_ =	sdelay $0x1  }
0x18: {  	s0 =	sadd.s32 $0x18, s0  }
0x19: {  	s0 =	sshrl.u32 s0, $0x3  }
0x1a: {  	s2 =	simm.s32 $0x1;
	[dreg:$0xe] =	wrdreg s0  }
0x1b: {  	s0 =	smul.u32 $0x2400, s0;
	_ =	swait.ge [sflag:s2], $0x6C00  }
0x1c: {  	s1 =	rddreg [dreg:$0x4];
	[sflag:s2] =	ssyncset.done $0x0  }
0x1d: {  	s0 =	sadd.s32 s1, s0;
	[sflag:s2] =	ssyncadd.s32 $0xFFFF9400  }
0x1e: {  	p0 =	seq.s32 s24, $0x0;
	s0 =	sshrl.u32 s0, $0x3;
	s7 =	rddreg [dreg:$0x0]  }
0x1f: {  	s9 =	simm.s32 $0x0;
	s1 =	simm.s32 @!p0 $0x3;
	s0 =	sadd.s32 s7, s0  }
0x20: {  	[tilespmem:s17], [sflag:$0x2] =	stream.linear.gather [hbm4b:s0+s8], $0x6C00, $0x38;
	[tilespmem:$0x15280] =	vst v63  }
0x21: {  	s13 =	sand.u32 $0x60, s9;
	_ =	swait.ge @!p0 [sflag:s1], $0x3C00  }
0x22: {  	s10 =	sand.u32 $0x180, s9;
	s14 =	sor.u32 $0x10, s13;
	[sflag:s1] =	ssyncset.done @!p0 $0x0  }
0x23: {  	s11 =	sor.u32 s14, s10;
	[sflag:s1] =	ssyncadd.s32 @!p0 $0xFFFFC400  }
0x24: {  	v24 =	vld [tilespmem:s11+$0x0];
	_ =	sdelay $0x3  }
0x25: {  	v25 =	vld [tilespmem:s9+$0x0]  }
0x26: {  	v26 =	vshll.u32 v24, $0x3  }
0x27: {  	v24 =	vand.u32 $0x7F, v24;
	v26 =	vand.u32 $0xFFFFFC00, v26  }
0x28: {  	v31 =	vor.u32 v24, v26;
	_ =	sdelay $0x1  }
0x29: {  	v24 =	vshll.u32 v25, $0x3  }
0x2a: {  	v25 =	vand.u32 $0x7F, v25;
	v24 =	vand.u32 $0xFFFFFC00, v24  }
0x2b: {  	v26 =	vor.u32 v25, v24  }
0x2c: {  	v24 =	vld.idx.msk [tilespmem:v31+s15+$0x0], $0xffff  }
0x2d: {  	v25 =	vor.u32 $0x80, v31  }
0x2e: {  	s21 =	sand.u32 $0xC00, s9  }
0x2f: {  	s12 =	sadd.s32 $0xDA80, s21  }
0x30: {  	s16 =	sor.u32 s14, s12;
	v27 =	vld.idx.msk [tilespmem:v26+s15+$0x0], $0xffff  }
0x31: {  	[tilespmem:s16+$0x0] =	vst v24;
	v24 =	vor.u32 $0x80, v26  }
0x32: {  	v25 =	vld.idx.msk [tilespmem:v25+s15+$0x0], $0xffff  }
0x33: {  	v28 =	vor.u32 $0x100, v31  }
0x34: {  	s1 =	sor.u32 s13, s12  }
0x35: {  	[tilespmem:s1+$0x0] =	vst v27  }
0x36: {  	v24 =	vld.idx.msk [tilespmem:v24+s15+$0x0], $0xffff  }
0x37: {  	[tilespmem:s16+$0x80] =	vst v25;
	v25 =	vor.u32 $0x100, v26  }
0x38: {  	v27 =	vld.idx.msk [tilespmem:v28+s15+$0x0], $0xffff  }
0x39: {  	v28 =	vor.u32 $0x180, v31;
	_ =	sdelay $0x1  }
0x3a: {  	[tilespmem:s1+$0x80] =	vst v24  }
0x3b: {  	v24 =	vld.idx.msk [tilespmem:v25+s15+$0x0], $0xffff  }
0x3c: {  	v25 =	vor.u32 $0x180, v26;
	[tilespmem:s16+$0x100] =	vst v27  }
0x3d: {  	v27 =	vld.idx.msk [tilespmem:v28+s15+$0x0], $0xffff  }
0x3e: {  	v28 =	vor.u32 $0x200, v31;
	_ =	sdelay $0x1  }
0x3f: {  	[tilespmem:s1+$0x100] =	vst v24  }
0x40: {  	v24 =	vld.idx.msk [tilespmem:v25+s15+$0x0], $0xffff  }
0x41: {  	v25 =	vor.u32 $0x200, v26;
	[tilespmem:s16+$0x180] =	vst v27  }
0x42: {  	v27 =	vld.idx.msk [tilespmem:v28+s15+$0x0], $0xffff  }
0x43: {  	s3 =	simm.s32 $0x20;
	v28 =	vor.u32 $0x280, v31  }
0x44: {  	s26 =	sand.u32 $0x60, s3  }
0x45: {  	s4 =	sand.u32 $0x180, s3;
	s28 =	sor.u32 $0x10, s26;
	[tilespmem:s1+$0x180] =	vst v24  }
0x46: {  	s4 =	sor.u32 s28, s4;
	v24 =	vld.idx.msk [tilespmem:v25+s15+$0x0], $0xffff  }
0x47: {  	v29 =	vld [tilespmem:s4+$0x0];
	v25 =	vor.u32 $0x280, v26;
	[tilespmem:s16+$0x200] =	vst v27  }
0x48: {  	v27 =	vld.idx.msk [tilespmem:v28+s15+$0x0], $0xffff  }
0x49: {  	v28 =	vor.u32 $0x300, v31;
	_ =	sdelay $0x1  }
0x4a: {  	v30 =	vld [tilespmem:s3+$0x0];
	[tilespmem:s1+$0x200] =	vst v24  }
0x4b: {  	v24 =	vshll.u32 v29, $0x3;
	v25 =	vld.idx.msk [tilespmem:v25+s15+$0x0], $0xffff  }
0x4c: {  	v29 =	vand.u32 $0x7F, v29;
	v24 =	vand.u32 $0xFFFFFC00, v24;
	[tilespmem:s16+$0x280] =	vst v27;
	v27 =	vor.u32 $0x300, v26  }
0x4d: {  	s19 =	sand.u32 $0x3, s9;
	v24 =	vor.u32 v29, v24;
	v28 =	vld.idx.msk [tilespmem:v28+s15+$0x0], $0xffff  }
0x4e: {  	s2 =	sshll.u32 s19, $0x5;
	v32 =	vor.u32 $0x380, v31  }
0x4f: {  	s2 =	sadd.s32 $0x0, s2;
	v29 =	vshll.u32 v30, $0x3  }
0x50: {  	s5 =	sadd.s32 $0x10, s2;
	v30 =	vand.u32 $0x7F, v30;
	v29 =	vand.u32 $0xFFFFFC00, v29;
	[tilespmem:s1+$0x280] =	vst v25  }
0x51: {  	s22 =	sor.u32 $0x300, s5;
	v25 =	vor.u32 v30, v29;
	v27 =	vld.idx.msk [tilespmem:v27+s15+$0x0], $0xffff  }
0x52: {  	v30 =	vld.idx.msk [tilespmem:v24+s15+$0x0], $0xffff;
	[tilespmem:s22+$0xDA80] =	vst v28;
	v28 =	vor.u32 $0x380, v26  }
0x53: {  	s4 =	simm.s32 $0x100;
	v33 =	vor.u32 $0x80, v24;
	v29 =	vld.idx.msk [tilespmem:v32+s15+$0x0], $0xffff  }
0x54: {  	s29 =	sand.u32 $0xC00, s4;
	v53 =	vadd.s32 $0x2400, v31  }
0x55: {  	s23 =	sor.u32 $0x300, s2;
	s25 =	sadd.s32 $0xDA80, s29  }
0x56: {  	s2 =	sor.u32 s28, s25;
	v34 =	vld.idx.msk [tilespmem:v25+s15+$0x0], $0xffff;
	[tilespmem:s23+$0xDA80] =	vst v27  }
0x57: {  	s5 =	sor.u32 $0x380, s5;
	[tilespmem:s2+$0x0] =	vst v30;
	v27 =	vld.idx.msk [tilespmem:v28+s15+$0x0], $0xffff;
	v28 =	vor.u32 $0x80, v25  }
0x58: {  	v54 =	vld.idx.msk [tilespmem:v33+s15+$0x0], $0xffff;
	[tilespmem:s5+$0xDA80] =	vst v29;
	v29 =	vadd.s32 $0x2400, v26  }
0x59: {  	v35 =	vor.u32 $0x100, v24;
	v30 =	vld.idx.msk [tilespmem:v53+s15+$0x0], $0xffff  }
0x5a: {  	s6 =	sor.u32 s9, s9;
	s0 =	sor.u32 s26, s25;
	v55 =	vadd.s32 $0x2480, v31  }
0x5b: {  	s7 =	sor.u32 $0x380, s6;
	[tilespmem:s0+$0x0] =	vst v34  }
0x5c: {  	s8 =	sadd.s32 $0xEE80, s21;
	v28 =	vld.idx.msk [tilespmem:v28+s15+$0x0], $0xffff;
	[tilespmem:s7+$0xDA80] =	vst v27  }
0x5d: {  	s9 =	sor.u32 s14, s8;
	[tilespmem:s2+$0x80] =	vst v54;
	v27 =	vld.idx.msk [tilespmem:v29+s15+$0x0], $0xffff;
	v29 =	vor.u32 $0x100, v25  }
0x5e: {  	v57 =	vld.idx.msk [tilespmem:v35+s15+$0x0], $0xffff;
	[tilespmem:s9+$0x0] =	vst v30;
	v30 =	vadd.s32 $0x2480, v26  }
0x5f: {  	v59 =	vor.u32 $0x180, v24;
	v56 =	vld.idx.msk [tilespmem:v55+s15+$0x0], $0xffff  }
0x60: {  	v58 =	vadd.s32 $0x2500, v31  }
0x61: {  	s10 =	sor.u32 s13, s8;
	[tilespmem:s0+$0x80] =	vst v28  }
0x62: {  	s11 =	sadd.s32 $0xEF00, s21;
	v28 =	vld.idx.msk [tilespmem:v29+s15+$0x0], $0xffff;
	[tilespmem:s10+$0x0] =	vst v27  }
0x63: {  	s12 =	sor.u32 s14, s11;
	v29 =	vor.u32 $0x180, v25;
	[tilespmem:s2+$0x100] =	vst v57;
	v27 =	vld.idx.msk [tilespmem:v30+s15+$0x0], $0xffff  }
0x64: {  	v30 =	vadd.s32 $0x2500, v26;
	v33 =	vld.idx.msk [tilespmem:v59+s15+$0x0], $0xffff;
	[tilespmem:s12+$0x0] =	vst v56  }
0x65: {  	v61 =	vor.u32 $0x200, v24;
	v32 =	vld.idx.msk [tilespmem:v58+s15+$0x0], $0xffff  }
0x66: {  	v60 =	vadd.s32 $0x2580, v31  }
0x67: {  	s16 =	sor.u32 s13, s11;
	[tilespmem:s0+$0x100] =	vst v28  }
0x68: {  	s19 =	sadd.s32 $0xEF80, s21;
	v28 =	vld.idx.msk [tilespmem:v29+s15+$0x0], $0xffff;
	[tilespmem:s16+$0x0] =	vst v27  }
0x69: {  	s22 =	sor.u32 s14, s19;
	v29 =	vor.u32 $0x200, v25;
	[tilespmem:s2+$0x180] =	vst v33;
	v27 =	vld.idx.msk [tilespmem:v30+s15+$0x0], $0xffff  }
0x6a: {  	v30 =	vadd.s32 $0x2580, v26;
	v33 =	vld.idx.msk [tilespmem:v61+s15+$0x0], $0xffff;
	[tilespmem:s22+$0x0] =	vst v32  }
0x6b: {  	v63 =	vor.u32 $0x280, v24;
	v32 =	vld.idx.msk [tilespmem:v60+s15+$0x0], $0xffff  }
0x6c: {  	v62 =	vadd.s32 $0x2600, v31  }
0x6d: {  	s5 =	sor.u32 s13, s19;
	[tilespmem:s0+$0x180] =	vst v28  }
0x6e: {  	s6 =	sor.u32 $0xF000, s21;
	v28 =	vld.idx.msk [tilespmem:v29+s15+$0x0], $0xffff;
	[tilespmem:s5+$0x0] =	vst v27  }
0x6f: {  	s1 =	simm.s32 $0x40;
	s23 =	sor.u32 s14, s6;
	v29 =	vor.u32 $0x280, v25;
	[tilespmem:s2+$0x200] =	vst v33;
	v27 =	vld.idx.msk [tilespmem:v30+s15+$0x0], $0xffff  }
0x70: {  	s30 =	sand.u32 $0x60, s1;
	v30 =	vadd.s32 $0x2600, v26;
	v33 =	vld.idx.msk [tilespmem:v63+s15+$0x0], $0xffff;
	[tilespmem:s23+$0x0] =	vst v32  }
0x71: {  	v41 =	vor.u32 $0x300, v24;
	s25 =	sand.u32 $0x180, s1;
	s31 =	sor.u32 $0x10, s30;
	v32 =	vld.idx.msk [tilespmem:v62+s15+$0x0], $0xffff  }
0x72: {  	v40 =	vadd.s32 $0x2680, v31;
	v36 =	vld [tilespmem:s1+$0x0];
	s5 =	sor.u32 s31, s25  }
0x73: {  	s7 =	sor.u32 s13, s6;
	v37 =	vld [tilespmem:s5+$0x0];
	[tilespmem:s0+$0x200] =	vst v28  }
0x74: {  	s8 =	sor.u32 $0xF080, s21;
	v28 =	vld.idx.msk [tilespmem:v29+s15+$0x0], $0xffff;
	[tilespmem:s7+$0x0] =	vst v27  }
0x75: {  	s9 =	sor.u32 s14, s8;
	s10 =	simm.s32 $0x1;
	[tilespmem:s2+$0x280] =	vst v33;
	v29 =	vld.idx.msk [tilespmem:v30+s15+$0x0], $0xffff;
	v30 =	vor.u32 $0x300, v25  }
0x76: {  	v42 =	vadd.s32 $0x2680, v26;
	s2 =	sand.u32 $0x3, s10;
	v44 =	vld.idx.msk [tilespmem:v41+s15+$0x0], $0xffff;
	[tilespmem:s9+$0x0] =	vst v32  }
0x77: {  	v38 =	vadd.s32 $0x2700, v31;
	v39 =	vor.u32 $0x380, v24;
	v27 =	vshll.u32 v36, $0x3;
	s2 =	sshll.u32 s2, $0x5;
	v43 =	vld.idx.msk [tilespmem:v40+s15+$0x0], $0xffff  }
0x78: {  	v45 =	vshll.u32 v37, $0x3;
	v36 =	vand.u32 $0x7F, v36;
	v27 =	vand.u32 $0xFFFFFC00, v27;
	s12 =	sadd.s32 $0x100, s2  }
0x79: {  	s11 =	sor.u32 s13, s8;
	v37 =	vand.u32 $0x7F, v37;
	v35 =	vand.u32 $0xFFFFFC00, v45;
	v27 =	vor.u32 v36, v27;
	s19 =	sadd.s32 $0x10, s12;
	[tilespmem:s0+$0x280] =	vst v28  }
0x7a: {  	s16 =	sor.u32 $0xF100, s21;
	s7 =	sor.u32 $0x300, s19;
	v28 =	vor.u32 v37, v35;
	v30 =	vld.idx.msk [tilespmem:v30+s15+$0x0], $0xffff;
	[tilespmem:s11+$0x0] =	vst v29  }
0x7b: {  	v46 =	vor.u32 $0x380, v25;
	s22 =	sor.u32 s14, s16;
	[tilespmem:s7+$0xDA80] =	vst v44;
	v29 =	vld.idx.msk [tilespmem:v42+s15+$0x0], $0xffff  }
0x7c: {  	v47 =	vadd.s32 $0x2700, v26;
	v49 =	vld.idx.msk [tilespmem:v39+s15+$0x0], $0xffff;
	[tilespmem:s22+$0x0] =	vst v43  }
0x7d: {  	v51 =	vadd.s32 $0x2400, v24;
	v48 =	vld.idx.msk [tilespmem:v38+s15+$0x0], $0xffff  }
0x7e: {  	v50 =	vadd.s32 $0x2780, v31;
	s0 =	sor.u32 $0x300, s12;
	v52 =	vld.idx.msk [tilespmem:v27+s15+$0x0], $0xffff  }
0x7f: {  	s23 =	sor.u32 s13, s16;
	s2 =	simm.s32 $0x200;
	v53 =	vor.u32 $0x80, v27;
	v37 =	vld.idx.msk [tilespmem:v28+s15+$0x0], $0xffff;
	[tilespmem:s0+$0xDA80] =	vst v30  }
0x80: {  	s25 =	sor.u32 $0xF180, s21;
	s9 =	sor.u32 $0x380, s19;
	v30 =	vor.u32 $0x80, v28;
	s0 =	sand.u32 $0xC00, s2;
	[tilespmem:s23+$0x0] =	vst v29;
	v29 =	vld.idx.msk [tilespmem:v46+s15+$0x0], $0xffff  }
0x81: {  	s8 =	sor.u32 s14, s25;
	s10 =	sadd.s32 $0xDA80, s0;
	[tilespmem:s9+$0xDA80] =	vst v49;
	v33 =	vld.idx.msk [tilespmem:v47+s15+$0x0], $0xffff  }
0x82: {  	s4 =	sor.u32 s4, s3;
	v40 =	vadd.s32 $0x2400, v25;
	s3 =	sor.u32 s30, s10;
	v56 =	vld.idx.msk [tilespmem:v51+s15+$0x0], $0xffff;
	[tilespmem:s8+$0x0] =	vst v48  }
0x83: {  	v54 =	vadd.s32 $0x2780, v26;
	s5 =	sor.u32 s31, s10;
	[tilespmem:s3+$0x0] =	vst v52;
	v55 =	vld.idx.msk [tilespmem:v50+s15+$0x0], $0xffff  }
0x84: {  	s4 =	sor.u32 $0x380, s4;
	v57 =	vadd.s32 $0x4800, v31;
	[tilespmem:s5+$0x0] =	vst v37;
	v32 =	vld.idx.msk [tilespmem:v53+s15+$0x0], $0xffff  }
0x85: {  	v58 =	vadd.s32 $0x2480, v24;
	s16 =	sadd.s32 $0xEE80, s29;
	s11 =	sor.u32 s13, s25;
	v30 =	vld.idx.msk [tilespmem:v30+s15+$0x0], $0xffff;
	[tilespmem:s4+$0xDA80] =	vst v29  }
0x86: {  	v60 =	vor.u32 $0x100, v27;
	s12 =	sor.u32 $0xF200, s21;
	s22 =	sor.u32 s28, s16;
	[tilespmem:s11+$0x0] =	vst v33  }
0x87: {  	s19 =	sor.u32 s14, s12;
	v29 =	vor.u32 $0x100, v28;
	v59 =	vld.idx.msk [tilespmem:v40+s15+$0x0], $0xffff;
	[tilespmem:s22+$0x0] =	vst v56  }
0x88: {  	v34 =	vld.idx.msk [tilespmem:v54+s15+$0x0], $0xffff;
	[tilespmem:s19+$0x0] =	vst v55  }
0x89: {  	v61 =	vadd.s32 $0x2480, v25;
	[tilespmem:s3+$0x80] =	vst v32;
	v63 =	vld.idx.msk [tilespmem:v57+s15+$0x0], $0xffff  }
0x8a: {  	v62 =	vadd.s32 $0x4800, v26;
	[tilespmem:s5+$0x80] =	vst v30;
	v30 =	vld.idx.msk [tilespmem:v58+s15+$0x0], $0xffff  }
0x8b: {  	s6 =	sor.u32 s26, s16;
	v44 =	vadd.s32 $0x4880, v31;
	v33 =	vld.idx.msk [tilespmem:v60+s15+$0x0], $0xffff  }
0x8c: {  	v45 =	vadd.s32 $0x2500, v24;
	s23 =	sor.u32 $0x10280, s21;
	s4 =	sor.u32 s13, s12;
	s11 =	simm.s32 $0x60;
	v29 =	vld.idx.msk [tilespmem:v29+s15+$0x0], $0xffff;
	[tilespmem:s6+$0x0] =	vst v59  }
0x8d: {  	s25 =	sadd.s32 $0xEF00, s29;
	v47 =	vor.u32 $0x180, v27;
	s9 =	sor.u32 s14, s23;
	v48 =	vld [tilespmem:s11+$0x0];
	[tilespmem:s4+$0x0] =	vst v34  }
0x8e: {  	v46 =	vor.u32 $0x180, v28;
	s10 =	sor.u32 s28, s25;
	v39 =	vld.idx.msk [tilespmem:v61+s15+$0x0], $0xffff;
	[tilespmem:s9+$0x0] =	vst v63  }
0x8f: {  	v41 =	vadd.s32 $0x2500, v25;
	v35 =	vld.idx.msk [tilespmem:v62+s15+$0x0], $0xffff;
	[tilespmem:s10+$0x0] =	vst v30  }
0x90: {  	v30 =	vadd.s32 $0x4880, v26;
	[tilespmem:s3+$0x100] =	vst v33;
	v32 =	vld.idx.msk [tilespmem:v44+s15+$0x0], $0xffff  }
0x91: {  	[tilespmem:s5+$0x100] =	vst v29;
	v29 =	vld.idx.msk [tilespmem:v45+s15+$0x0], $0xffff  }
0x92: {  	s16 =	sadd.s32 $0xEF80, s29;
	v49 =	vadd.s32 $0x4900, v31;
	s12 =	sor.u32 $0x10300, s21;
	s6 =	sor.u32 s26, s25;
	v34 =	vld.idx.msk [tilespmem:v47+s15+$0x0], $0xffff  }
0x93: {  	v51 =	vadd.s32 $0x2580, v24;
	s7 =	sand.u32 $0x60, s11;
	s19 =	sor.u32 s14, s12;
	s4 =	sor.u32 s13, s23;
	v50 =	vld.idx.msk [tilespmem:v46+s15+$0x0], $0xffff;
	[tilespmem:s6+$0x0] =	vst v39  }
0x94: {  	v52 =	vor.u32 $0x200, v28;
	s8 =	sor.u32 $0x10, s7;
	s6 =	sor.u32 s13, s12;
	s12 =	sand.u32 $0x180, s11;
	v39 =	vld.idx.msk [tilespmem:v41+s15+$0x0], $0xffff;
	[tilespmem:s4+$0x0] =	vst v35  }
0x95: {  	v53 =	vor.u32 $0x200, v27;
	s22 =	sor.u32 s28, s16;
	s4 =	sor.u32 s26, s16;
	s16 =	sor.u32 s8, s12;
	v30 =	vld.idx.msk [tilespmem:v30+s15+$0x0], $0xffff  }
0x96: {  	v54 =	vadd.s32 $0x2580, v25;
	v42 =	vld [tilespmem:s16+$0x0];
	[tilespmem:s19+$0x0] =	vst v32  }
0x97: {  	[tilespmem:s22+$0x0] =	vst v29;
	v29 =	vadd.s32 $0x4900, v26;
	v32 =	vld.idx.msk [tilespmem:v49+s15+$0x0], $0xffff  }
0x98: {  	v56 =	vadd.s32 $0x4980, v31;
	[tilespmem:s5+$0x180] =	vst v50;
	v55 =	vld.idx.msk [tilespmem:v51+s15+$0x0], $0xffff  }
0x99: {  	v58 =	vadd.s32 $0x2600, v24;
	[tilespmem:s3+$0x180] =	vst v34;
	v57 =	vld.idx.msk [tilespmem:v52+s15+$0x0], $0xffff  }
0x9a: {  	v59 =	vor.u32 $0x280, v28;
	s23 =	sor.u32 $0x10380, s21;
	v35 =	vld.idx.msk [tilespmem:v53+s15+$0x0], $0xffff;
	[tilespmem:s4+$0x0] =	vst v39  }
0x9b: {  	s25 =	sor.u32 $0xF000, s29;
	s9 =	sor.u32 s14, s23;
	v39 =	vld.idx.msk [tilespmem:v54+s15+$0x0], $0xffff;
	[tilespmem:s6+$0x0] =	vst v30;
	v30 =	vor.u32 $0x280, v27  }
0x9c: {  	v60 =	vadd.s32 $0x2600, v25;
	s10 =	sor.u32 s28, s25;
	v29 =	vld.idx.msk [tilespmem:v29+s15+$0x0], $0xffff;
	[tilespmem:s9+$0x0] =	vst v32  }
0x9d: {  	v61 =	vadd.s32 $0x4980, v26;
	[tilespmem:s10+$0x0] =	vst v55;
	v32 =	vld.idx.msk [tilespmem:v56+s15+$0x0], $0xffff  }
0x9e: {  	v63 =	vadd.s32 $0x4A00, v31;
	[tilespmem:s5+$0x200] =	vst v57;
	v33 =	vld.idx.msk [tilespmem:v58+s15+$0x0], $0xffff  }
0x9f: {  	v46 =	vadd.s32 $0x2680, v24;
	s6 =	sor.u32 s26, s25;
	[tilespmem:s3+$0x200] =	vst v35;
	v62 =	vld.idx.msk [tilespmem:v59+s15+$0x0], $0xffff  }
0xa0: {  	v47 =	vor.u32 $0x300, v28;
	s19 =	sadd.s32 $0x10400, s21;
	s4 =	sor.u32 s13, s23;
	v45 =	vld.idx.msk [tilespmem:v30+s15+$0x0], $0xffff;
	[tilespmem:s6+$0x0] =	vst v39  }
0xa1: {  	v43 =	vor.u32 $0x300, v27;
	s23 =	sor.u32 $0xF080, s29;
	s25 =	sor.u32 s14, s19;
	v41 =	vld.idx.msk [tilespmem:v60+s15+$0x0], $0xffff;
	[tilespmem:s4+$0x0] =	vst v29;
	v29 =	vshll.u32 v48, $0x3  }
0xa2: {  	s10 =	sor.u32 s28, s23;
	v30 =	vand.u32 $0x7F, v48;
	v48 =	vadd.s32 $0x2680, v25;
	v29 =	vand.u32 $0xFFFFFC00, v29;
	v34 =	vld.idx.msk [tilespmem:v61+s15+$0x0], $0xffff;
	[tilespmem:s25+$0x0] =	vst v32  }
0xa3: {  	v30 =	vor.u32 v30, v29;
	[tilespmem:s10+$0x0] =	vst v33;
	v32 =	vld.idx.msk [tilespmem:v63+s15+$0x0], $0xffff  }
0xa4: {  	v49 =	vadd.s32 $0x4A00, v26;
	[tilespmem:s5+$0x280] =	vst v62;
	v33 =	vld.idx.msk [tilespmem:v46+s15+$0x0], $0xffff  }
0xa5: {  	s22 =	simm.s32 $0x2;
	v51 =	vadd.s32 $0x4A80, v31;
	s4 =	sor.u32 s26, s23;
	[tilespmem:s3+$0x280] =	vst v45;
	v50 =	vld.idx.msk [tilespmem:v47+s15+$0x0], $0xffff  }
0xa6: {  	v53 =	vadd.s32 $0x2700, v24;
	s6 =	sand.u32 $0x3, s22;
	v29 =	vshll.u32 v42, $0x3;
	v52 =	vld.idx.msk [tilespmem:v43+s15+$0x0], $0xffff;
	[tilespmem:s4+$0x0] =	vst v41  }
0xa7: {  	s12 =	sadd.s32 $0x10480, s21;
	v54 =	vand.u32 $0x7F, v42;
	v55 =	vor.u32 $0x380, v28;
	s10 =	sor.u32 s13, s19;
	v29 =	vand.u32 $0xFFFFFC00, v29;
	s3 =	sshll.u32 s6, $0x5;
	v40 =	vld.idx.msk [tilespmem:v48+s15+$0x0], $0xffff  }
0xa8: {  	s16 =	sor.u32 $0xF100, s29;
	s19 =	sor.u32 s14, s12;
	v29 =	vor.u32 v54, v29;
	s3 =	sadd.s32 $0x200, s3;
	[tilespmem:s10+$0x0] =	vst v34;
	v43 =	vld.idx.msk [tilespmem:v30+s15+$0x0], $0xffff  }
0xa9: {  	v56 =	vor.u32 $0x380, v27;
	s23 =	sor.u32 s28, s16;
	s9 =	sadd.s32 $0x10, s3;
	v35 =	vld.idx.msk [tilespmem:v49+s15+$0x0], $0xffff;
	[tilespmem:s19+$0x0] =	vst v32  }
0xaa: {  	v57 =	vadd.s32 $0x2700, v25;
	s25 =	sor.u32 $0x300, s9;
	[tilespmem:s23+$0x0] =	vst v33;
	v58 =	vld.idx.msk [tilespmem:v51+s15+$0x0], $0xffff  }
0xab: {  	v60 =	vadd.s32 $0x4A80, v26;
	s3 =	sor.u32 $0x300, s3;
	[tilespmem:s25+$0xDA80] =	vst v50;
	v59 =	vld.idx.msk [tilespmem:v53+s15+$0x0], $0xffff  }
0xac: {  	v62 =	vadd.s32 $0x4B00, v31;
	s6 =	sor.u32 s26, s16;
	v61 =	vld.idx.msk [tilespmem:v55+s15+$0x0], $0xffff;
	[tilespmem:s3+$0xDA80] =	vst v52  }
0xad: {  	s4 =	sadd.s32 $0x10500, s21;
	v48 =	vadd.s32 $0x2780, v24;
	s10 =	sor.u32 s13, s12;
	v63 =	vld.idx.msk [tilespmem:v29+s15+$0x0], $0xffff;
	[tilespmem:s6+$0x0] =	vst v40  }
0xae: {  	s12 =	sor.u32 $0xF180, s29;
	s16 =	sor.u32 s14, s4;
	v49 =	vadd.s32 $0x2400, v28;
	s23 =	simm.s32 $0x300;
	v34 =	vld.idx.msk [tilespmem:v56+s15+$0x0], $0xffff;
	[tilespmem:s10+$0x0] =	vst v35  }
0xaf: {  	v44 =	vor.u32 $0x80, v29;
	s19 =	sor.u32 s28, s12;
	v45 =	vld.idx.msk [tilespmem:v57+s15+$0x0], $0xffff;
	s10 =	sand.u32 $0xC00, s23;
	[tilespmem:s16+$0x0] =	vst v58  }
0xb0: {  	s9 =	sor.u32 $0x380, s9;
	v50 =	vor.u32 $0x80, v30;
	v32 =	vld.idx.msk [tilespmem:v60+s15+$0x0], $0xffff;
	s25 =	sadd.s32 $0xDA80, s10;
	[tilespmem:s19+$0x0] =	vst v59  }
0xb1: {  	v51 =	vadd.s32 $0x2400, v27;
	s16 =	sor.u32 s8, s25;
	v52 =	vld.idx.msk [tilespmem:v62+s15+$0x0], $0xffff;
	[tilespmem:s9+$0xDA80] =	vst v61  }
0xb2: {  	s1 =	sor.u32 s2, s1;
	v53 =	vadd.s32 $0x2780, v25;
	s19 =	sor.u32 s7, s25;
	v54 =	vld.idx.msk [tilespmem:v48+s15+$0x0], $0xffff;
	[tilespmem:s16+$0x0] =	vst v63  }
0xb3: {  	s1 =	sor.u32 $0x380, s1;
	v31 =	vadd.s32 $0x4B80, v31;
	[tilespmem:s19+$0x0] =	vst v43;
	v55 =	vld.idx.msk [tilespmem:v49+s15+$0x0], $0xffff  }
0xb4: {  	s3 =	sor.u32 s26, s12;
	v57 =	vadd.s32 $0x4800, v24;
	v56 =	vld.idx.msk [tilespmem:v44+s15+$0x0], $0xffff;
	[tilespmem:s1+$0xDA80] =	vst v34;
	s1 =	sadd.s32 $0x10580, s21  }
0xb5: {  	v58 =	vld.idx.msk [tilespmem:v50+s15+$0x0], $0xffff;
	[tilespmem:s3+$0x0] =	vst v45;
	s3 =	sor.u32 $0xF200, s29;
	s5 =	sor.u32 s14, s1  }
0xb6: {  	v59 =	vadd.s32 $0x2480, v28;
	s9 =	sadd.s32 $0xEE80, s0;
	v61 =	vld.idx.msk [tilespmem:v51+s15+$0x0], $0xffff;
	s6 =	sor.u32 s28, s3;
	[tilespmem:s5+$0x0] =	vst v52  }
0xb7: {  	v60 =	vor.u32 $0x100, v29;
	s12 =	sor.u32 s31, s9;
	v37 =	vld.idx.msk [tilespmem:v53+s15+$0x0], $0xffff;
	[tilespmem:s6+$0x0] =	vst v54  }
0xb8: {  	v62 =	vor.u32 $0x100, v30;
	s6 =	sshll.u32 s24, $0x1;
	v46 =	vld.idx.msk [tilespmem:v31+s15+$0x0], $0xffff;
	[tilespmem:s12+$0x0] =	vst v55  }
0xb9: {  	v63 =	vadd.s32 $0x2480, v27;
	v33 =	vld.idx.msk [tilespmem:v57+s15+$0x0], $0xffff;
	[dreg:$0x10] =	wrdreg s6  }
0xba: {  	v47 =	vadd.s32 $0x4800, v25;
	[tilespmem:s16+$0x80] =	vst v56  }
0xbb: {  	s25 =	sor.u32 s23, s11;
	s9 =	sor.u32 s30, s9;
	s21 =	sadd.s32 $0x10600, s21;
	v35 =	vld.idx.msk [tilespmem:v59+s15+$0x0], $0xffff;
	[tilespmem:s19+$0x80] =	vst v58  }
0xbc: {  	s1 =	sor.u32 s13, s1;
	s3 =	sor.u32 s26, s3;
	s5 =	sor.u32 $0x380, s25;
	v31 =	vadd.s32 $0x4880, v24;
	[tilespmem:s9+$0x0] =	vst v61;
	v39 =	vld.idx.msk [tilespmem:v60+s15+$0x0], $0xffff  }
0xbd: {  	s25 =	sor.u32 $0x10280, s29;
	s12 =	sor.u32 s13, s4;
	s4 =	sor.u32 s14, s21;
	[tilespmem:s3+$0x0] =	vst v37;
	v37 =	vadd.s32 $0x2500, v28;
	v38 =	vld.idx.msk [tilespmem:v62+s15+$0x0], $0xffff  }
0xbe: {  	v40 =	vor.u32 $0x180, v29;
	s14 =	sadd.s32 $0xEF00, s0;
	s6 =	simm.s32 $0x6;
	s9 =	simm.s32 $0x80;
	v36 =	vld.idx.msk [tilespmem:v63+s15+$0x0], $0xffff  }
0xbf: {  	v41 =	vor.u32 $0x180, v30;
	s3 =	sor.u32 s13, s21;
	s13 =	sor.u32 s28, s25;
	v34 =	vld.idx.msk [tilespmem:v47+s15+$0x0], $0xffff;
	[tilespmem:s4+$0x0] =	vst v46;
	s4 =	sor.u32 s26, s25  }
.LBB2_3:
0xc0: {  	v42 =	vld [tilespmem:s9+$0x0];
	s25 =	sor.u32 s30, s14;
	v43 =	vadd.s32 $0x2500, v27;
	s14 =	sor.u32 s31, s14;
	[tilespmem:s13+$0x0] =	vst v33;
	s13 =	smov.u32 s26  }
0xc1: {  	v33 =	vadd.s32 $0x4880, v25;
	s26 =	smov.u32 s30;
	s30 =	smov.u32 s7;
	[tilespmem:s14+$0x0] =	vst v35;
	v31 =	vld.idx.msk [tilespmem:v31+s15+$0x0], $0xffff;
	s14 =	smov.u32 s28  }
0xc2: {  	s21 =	smov.u32 s0;
	s28 =	smov.u32 s31;
	s31 =	smov.u32 s8;
	[tilespmem:s16+$0x100] =	vst v39;
	v35 =	vld.idx.msk [tilespmem:v37+s15+$0x0], $0xffff;
	v37 =	vadd.s32 $0x4B00, v26  }
0xc3: {  	s0 =	smov.u32 s10;
	v39 =	vadd.s32 $0x4900, v24;
	[tilespmem:s19+$0x100] =	vst v38;
	v38 =	vld.idx.msk [tilespmem:v40+s15+$0x0], $0xffff  }
0xc4: {  	v40 =	vld.idx.msk [tilespmem:v41+s15+$0x0], $0xffff;
	[tilespmem:s25+$0x0] =	vst v36;
	v36 =	vadd.s32 $0x2580, v28  }
0xc5: {  	v41 =	vor.u32 $0x200, v29;
	v43 =	vld.idx.msk [tilespmem:v43+s15+$0x0], $0xffff;
	[tilespmem:s4+$0x0] =	vst v34;
	s4 =	sor.u32 $0x10300, s29  }
0xc6: {  	s7 =	sadd.s32 $0xEF80, s21;
	v34 =	vor.u32 $0x200, v30;
	v33 =	vld.idx.msk [tilespmem:v33+s15+$0x0], $0xffff;
	s8 =	sor.u32 s13, s4;
	s4 =	sor.u32 s14, s4;
	[tilespmem:s12+$0x0] =	vst v32  }
0xc7: {  	s10 =	sor.u32 s26, s7;
	s7 =	sor.u32 s28, s7;
	v32 =	vadd.s32 $0x2580, v27;
	[tilespmem:s4+$0x0] =	vst v31;
	v31 =	vld.idx.msk [tilespmem:v37+s15+$0x0], $0xffff  }
0xc8: {  	[tilespmem:s7+$0x0] =	vst v35;
	v35 =	vadd.s32 $0x4900, v25;
	v37 =	vld.idx.msk [tilespmem:v39+s15+$0x0], $0xffff  }
0xc9: {  	[tilespmem:s16+$0x180] =	vst v38;
	v36 =	vld.idx.msk [tilespmem:v36+s15+$0x0], $0xffff;
	v38 =	vadd.s32 $0x4B80, v26;
	v26 =	vmovc v25;
	v25 =	vmov v27;
	v27 =	vmov v30  }
0xca: {  	v39 =	vadd.s32 $0x4980, v24;
	[tilespmem:s19+$0x180] =	vst v40;
	v30 =	vld.idx.msk [tilespmem:v41+s15+$0x0], $0xffff  }
0xcb: {  	v40 =	vadd.s32 $0x2600, v28;
	v34 =	vld.idx.msk [tilespmem:v34+s15+$0x0], $0xffff;
	[tilespmem:s10+$0x0] =	vst v43  }
0xcc: {  	s4 =	sor.u32 $0x10380, s29;
	v41 =	vor.u32 $0x280, v29;
	v32 =	vld.idx.msk [tilespmem:v32+s15+$0x0], $0xffff;
	[tilespmem:s8+$0x0] =	vst v33  }
0xcd: {  	s7 =	sor.u32 $0xF000, s21;
	s10 =	sor.u32 s13, s4;
	s4 =	sor.u32 s14, s4;
	v33 =	vor.u32 $0x280, v27;
	v35 =	vld.idx.msk [tilespmem:v35+s15+$0x0], $0xffff;
	[tilespmem:s1+$0x0] =	vst v31  }
0xce: {  	s1 =	sor.u32 s26, s7;
	v31 =	vadd.s32 $0x2600, v25;
	s7 =	sor.u32 s28, s7;
	[tilespmem:s4+$0x0] =	vst v37;
	v37 =	vld.idx.msk [tilespmem:v38+s15+$0x0], $0xffff  }
0xcf: {  	[tilespmem:s7+$0x0] =	vst v36;
	v36 =	vld.idx.msk [tilespmem:v39+s15+$0x0], $0xffff  }
0xd0: {  	s11 =	sadd.s32 $0x20, s11;
	[tilespmem:s16+$0x200] =	vst v30;
	v38 =	vld.idx.msk [tilespmem:v40+s15+$0x0], $0xffff;
	v30 =	vadd.s32 $0x4980, v26  }
0xd1: {  	s6 =	sadd.s32 $0x2, s6;
	s7 =	sand.u32 $0x60, s11;
	v39 =	vadd.s32 $0x4A00, v24;
	[tilespmem:s19+$0x200] =	vst v34;
	v34 =	vld.idx.msk [tilespmem:v41+s15+$0x0], $0xffff  }
0xd2: {  	p1 =	slt.u32 s6, $0x1E;
	s4 =	sand.u32 $0x180, s11;
	s8 =	sor.u32 $0x10, s7;
	v33 =	vld.idx.msk [tilespmem:v33+s15+$0x0], $0xffff;
	[tilespmem:s1+$0x0] =	vst v32;
	v32 =	vadd.s32 $0x2680, v28  }
0xd3: {  	v40 =	vor.u32 $0x300, v29;
	s1 =	sor.u32 s8, s4;
	s4 =	sadd.s32 $0x10400, s29;
	v31 =	vld.idx.msk [tilespmem:v31+s15+$0x0], $0xffff;
	[tilespmem:s10+$0x0] =	vst v35  }
0xd4: {  	v43 =	vor.u32 $0x300, v27;
	v35 =	vshll.u32 v42, $0x3;
	s10 =	sor.u32 s13, s4;
	s4 =	sor.u32 s14, s4;
	v41 =	vld [tilespmem:s1+$0x0];
	s1 =	sor.u32 $0xF080, s21;
	[tilespmem:s3+$0x0] =	vst v37  }
0xd5: {  	v37 =	vand.u32 $0x7F, v42;
	v35 =	vand.u32 $0xFFFFFC00, v35;
	v42 =	vadd.s32 $0x2680, v25;
	s3 =	sor.u32 s26, s1;
	s1 =	sor.u32 s28, s1;
	v44 =	vld.idx.msk [tilespmem:v30+s15+$0x0], $0xffff;
	[tilespmem:s4+$0x0] =	vst v36  }
0xd6: {  	v30 =	vor.u32 v37, v35;
	[tilespmem:s1+$0x0] =	vst v38;
	v35 =	vld.idx.msk [tilespmem:v39+s15+$0x0], $0xffff  }
0xd7: {  	[tilespmem:s16+$0x280] =	vst v34;
	v32 =	vld.idx.msk [tilespmem:v32+s15+$0x0], $0xffff;
	v34 =	vadd.s32 $0x4A00, v26  }
0xd8: {  	s22 =	sadd.s32 $0x1, s22;
	v36 =	vadd.s32 $0x4A80, v24;
	[tilespmem:s19+$0x280] =	vst v33;
	v33 =	vld.idx.msk [tilespmem:v40+s15+$0x0], $0xffff  }
0xd9: {  	s1 =	sand.u32 $0x3, s22;
	v37 =	vshll.u32 v41, $0x3;
	v38 =	vld.idx.msk [tilespmem:v43+s15+$0x0], $0xffff;
	[tilespmem:s3+$0x0] =	vst v31;
	v31 =	vadd.s32 $0x2700, v28  }
0xda: {  	s1 =	sshll.u32 s1, $0x5;
	v40 =	vor.u32 $0x380, v29;
	v39 =	vand.u32 $0x7F, v41;
	s3 =	sadd.s32 $0x10480, s29;
	v37 =	vand.u32 $0xFFFFFC00, v37;
	v41 =	vld.idx.msk [tilespmem:v42+s15+$0x0], $0xffff  }
0xdb: {  	s4 =	sor.u32 $0xF100, s21;
	s1 =	sadd.s32 s1, s23;
	v42 =	vld.idx.msk [tilespmem:v30+s15+$0x0], $0xffff;
	v37 =	vor.u32 v39, v37;
	[tilespmem:s10+$0x0] =	vst v44;
	s10 =	sor.u32 s14, s3  }
0xdc: {  	s16 =	sor.u32 s28, s4;
	s12 =	sor.u32 $0x300, s1;
	s1 =	sadd.s32 $0x10, s1;
	v39 =	vor.u32 $0x380, v27;
	v34 =	vld.idx.msk [tilespmem:v34+s15+$0x0], $0xffff;
	[tilespmem:s10+$0x0] =	vst v35  }
0xdd: {  	s4 =	sor.u32 s26, s4;
	s3 =	sor.u32 s13, s3;
	s10 =	sor.u32 $0x300, s1;
	v35 =	vadd.s32 $0x2700, v25;
	[tilespmem:s16+$0x0] =	vst v32;
	v36 =	vld.idx.msk [tilespmem:v36+s15+$0x0], $0xffff  }
0xde: {  	v32 =	vadd.s32 $0x4A80, v26;
	[tilespmem:s10+$0xDA80] =	vst v33;
	v31 =	vld.idx.msk [tilespmem:v31+s15+$0x0], $0xffff  }
0xdf: {  	[tilespmem:s12+$0xDA80] =	vst v38;
	v33 =	vld.idx.msk [tilespmem:v40+s15+$0x0], $0xffff;
	v38 =	vadd.s32 $0x4B00, v24  }
0xe0: {  	v40 =	vld.idx.msk [tilespmem:v37+s15+$0x0], $0xffff;
	[tilespmem:s4+$0x0] =	vst v41;
	v41 =	vadd.s32 $0x2780, v28  }
0xe1: {  	v43 =	vadd.s32 $0x2400, v29;
	s4 =	sadd.s32 $0x10500, s29;
	v39 =	vld.idx.msk [tilespmem:v39+s15+$0x0], $0xffff  }
0xe2: {  	s23 =	sadd.s32 $0x100, s23;
	v44 =	vor.u32 $0x80, v37;
	s12 =	sor.u32 $0xF180, s21;
	v35 =	vld.idx.msk [tilespmem:v35+s15+$0x0], $0xffff;
	[tilespmem:s3+$0x0] =	vst v34;
	s3 =	sor.u32 s14, s4  }
0xe3: {  	s16 =	sor.u32 s23, s11;
	s10 =	sand.u32 $0xC00, s23;
	s19 =	sor.u32 s28, s12;
	v34 =	vor.u32 $0x80, v30;
	v32 =	vld.idx.msk [tilespmem:v32+s15+$0x0], $0xffff;
	[tilespmem:s3+$0x0] =	vst v36  }
0xe4: {  	s1 =	sor.u32 $0x380, s1;
	s25 =	sor.u32 $0x380, s16;
	s3 =	sadd.s32 $0xDA80, s10;
	v36 =	vadd.s32 $0x2400, v27;
	[tilespmem:s19+$0x0] =	vst v31;
	v31 =	vld.idx.msk [tilespmem:v38+s15+$0x0], $0xffff  }
0xe5: {  	s19 =	sor.u32 s7, s3;
	s16 =	sor.u32 s8, s3;
	[tilespmem:s1+$0xDA80] =	vst v33;
	s1 =	sor.u32 s26, s12;
	v33 =	vadd.s32 $0x2780, v25;
	v38 =	vld.idx.msk [tilespmem:v41+s15+$0x0], $0xffff  }
0xe6: {  	s12 =	sor.u32 s13, s4;
	v41 =	vadd.s32 $0x4B80, v24;
	v24 =	vmovc v28;
	v28 =	vmov v29;
	v29 =	vmov v37;
	[tilespmem:s16+$0x0] =	vst v40;
	v40 =	vld.idx.msk [tilespmem:v43+s15+$0x0], $0xffff  }
0xe7: {  	[tilespmem:s19+$0x0] =	vst v42;
	v37 =	vld.idx.msk [tilespmem:v44+s15+$0x0], $0xffff;
	v42 =	vadd.s32 $0x4800, v24  }
0xe8: {  	s3 =	sadd.s32 $0x10580, s29;
	v34 =	vld.idx.msk [tilespmem:v34+s15+$0x0], $0xffff;
	[tilespmem:s5+$0xDA80] =	vst v39;
	v39 =	vadd.s32 $0x2480, v28;
	s5 =	smov.u32 s25  }
0xe9: {  	s4 =	sor.u32 $0xF200, s21;
	v43 =	vor.u32 $0x100, v29;
	v36 =	vld.idx.msk [tilespmem:v36+s15+$0x0], $0xffff;
	[tilespmem:s1+$0x0] =	vst v35;
	s1 =	sor.u32 s13, s3;
	s3 =	sor.u32 s14, s3  }
0xea: {  	s2 =	sor.u32 s26, s4;
	s4 =	sor.u32 s28, s4;
	v44 =	vor.u32 $0x100, v30;
	s25 =	sadd.s32 $0xEE80, s0;
	v45 =	vld.idx.msk [tilespmem:v33+s15+$0x0], $0xffff;
	[tilespmem:s3+$0x0] =	vst v31  }
0xeb: {  	v46 =	vadd.s32 $0x2480, v27;
	s3 =	sor.u32 s30, s25;
	s25 =	sor.u32 s31, s25;
	[tilespmem:s4+$0x0] =	vst v38;
	v47 =	vld.idx.msk [tilespmem:v41+s15+$0x0], $0xffff  }
0xec: {  	v48 =	vadd.s32 $0x4800, v25;
	[tilespmem:s25+$0x0] =	vst v40;
	v33 =	vld.idx.msk [tilespmem:v42+s15+$0x0], $0xffff  }
.Ltmp0:
0xed: {  	[tilespmem:s16+$0x80] =	vst v37;
	v35 =	vld.idx.msk [tilespmem:v39+s15+$0x0], $0xffff;
	(pc) =	sbr.rel @p1 .LBB2_3-.Ltmp0, $4  }
0xee: {  	v31 =	vadd.s32 $0x4880, v24;
	[tilespmem:s19+$0x80] =	vst v34;
	v39 =	vld.idx.msk [tilespmem:v43+s15+$0x0], $0xffff  }
0xef: {  	s9 =	sadd.s32 $0x20, s9;
	s4 =	sadd.s32 $0x10600, s29;
	s29 =	smov.u32 s21;
	v37 =	vadd.s32 $0x2500, v28;
	v38 =	vld.idx.msk [tilespmem:v44+s15+$0x0], $0xffff;
	[tilespmem:s3+$0x0] =	vst v36  }
0xf0: {  	v40 =	vor.u32 $0x180, v29;
	s21 =	sor.u32 s14, s4;
	s3 =	sor.u32 s13, s4;
	v36 =	vld.idx.msk [tilespmem:v46+s15+$0x0], $0xffff;
	[tilespmem:s2+$0x0] =	vst v45;
	s2 =	sor.u32 $0x10280, s29  }
0xf1: {  	v41 =	vor.u32 $0x180, v30;
	s14 =	sadd.s32 $0xEF00, s0;
	v34 =	vld.idx.msk [tilespmem:v48+s15+$0x0], $0xffff;
	s4 =	sor.u32 s26, s2;
	s13 =	sor.u32 s28, s2;
	[tilespmem:s21+$0x0] =	vst v47  }
0xf2: {  	_ =	sdelay $0x2  }
0xf3: {  	[tilespmem:s16+$0x100] =	vst v39  }
0xf4: {  	[tilespmem:s19+$0x100] =	vst v38;
	v61 =	vld.idx.msk [tilespmem:v40+s15+$0x0], $0xffff  }
0xf5: {  	v63 =	vor.u32 $0x200, v29;
	v62 =	vld.idx.msk [tilespmem:v41+s15+$0x0], $0xffff  }
0xf6: {  	v44 =	vor.u32 $0x200, v30;
	_ =	sdelay $0x2  }
0xf7: {  	[tilespmem:s16+$0x180] =	vst v61  }
0xf8: {  	[tilespmem:s19+$0x180] =	vst v62;
	v38 =	vld.idx.msk [tilespmem:v63+s15+$0x0], $0xffff  }
0xf9: {  	v45 =	vor.u32 $0x280, v29;
	v39 =	vld.idx.msk [tilespmem:v44+s15+$0x0], $0xffff  }
0xfa: {  	v46 =	vor.u32 $0x280, v30;
	_ =	sdelay $0x2  }
0xfb: {  	[tilespmem:s16+$0x200] =	vst v38  }
0xfc: {  	[tilespmem:s19+$0x200] =	vst v39;
	v38 =	vld.idx.msk [tilespmem:v45+s15+$0x0], $0xffff  }
0xfd: {  	v47 =	vor.u32 $0x300, v29;
	v39 =	vld.idx.msk [tilespmem:v46+s15+$0x0], $0xffff  }
0xfe: {  	v48 =	vor.u32 $0x300, v30;
	_ =	sdelay $0x2  }
0xff: {  	s2 =	sadd.s32 $0x1, s22;
	[tilespmem:s16+$0x280] =	vst v38  }
0x100: {  	s2 =	sand.u32 $0x3, s2;
	[tilespmem:s19+$0x280] =	vst v39;
	v38 =	vld.idx.msk [tilespmem:v47+s15+$0x0], $0xffff  }
0x101: {  	v49 =	vor.u32 $0x380, v29;
	s2 =	sshll.u32 s2, $0x5;
	v39 =	vld.idx.msk [tilespmem:v48+s15+$0x0], $0xffff  }
0x102: {  	v50 =	vor.u32 $0x380, v30;
	s2 =	sadd.s32 s2, s23  }
0x103: {  	s6 =	sadd.s32 $0x10, s2  }
0x104: {  	s9 =	sor.u32 $0x300, s6  }
0x105: {  	s2 =	sor.u32 $0x300, s2;
	[tilespmem:s9+$0xDA80] =	vst v38  }
0x106: {  	[tilespmem:s2+$0xDA80] =	vst v39;
	v38 =	vld.idx.msk [tilespmem:v49+s15+$0x0], $0xffff  }
0x107: {  	v51 =	vadd.s32 $0x2400, v29;
	v39 =	vld.idx.msk [tilespmem:v50+s15+$0x0], $0xffff  }
0x108: {  	v52 =	vadd.s32 $0x2400, v30;
	_ =	sdelay $0x1  }
0x109: {  	s25 =	sor.u32 $0x380, s6  }
0x10a: {  	[tilespmem:s25+$0xDA80] =	vst v38  }
0x10b: {  	v38 =	vld.idx.msk [tilespmem:v51+s15+$0x0], $0xffff;
	[tilespmem:s5+$0xDA80] =	vst v39  }
0x10c: {  	v53 =	vadd.s32 $0x2480, v29;
	v54 =	vld.idx.msk [tilespmem:v52+s15+$0x0], $0xffff  }
0x10d: {  	v55 =	vadd.s32 $0x2480, v30  }
0x10e: {  	s6 =	sadd.s32 $0xEE80, s10  }
0x10f: {  	s9 =	sor.u32 s8, s6  }
0x110: {  	s2 =	sor.u32 s7, s6;
	[tilespmem:s9+$0x0] =	vst v38  }
0x111: {  	v56 =	vadd.s32 $0x2500, v27;
	v39 =	vld.idx.msk [tilespmem:v53+s15+$0x0], $0xffff;
	[tilespmem:s2+$0x0] =	vst v54  }
0x112: {  	v57 =	vadd.s32 $0x2500, v29;
	v41 =	vld.idx.msk [tilespmem:v55+s15+$0x0], $0xffff  }
0x113: {  	s11 =	sor.u32 s31, s14;
	v42 =	vadd.s32 $0x2500, v30  }
0x114: {  	s14 =	sor.u32 s30, s14;
	[tilespmem:s11+$0x0] =	vst v35;
	s16 =	sadd.s32 $0xEF00, s10  }
0x115: {  	v35 =	vld.idx.msk [tilespmem:v37+s15+$0x0], $0xffff;
	[tilespmem:s14+$0x0] =	vst v36;
	s19 =	sor.u32 s8, s16  }
0x116: {  	v58 =	vadd.s32 $0x2580, v28;
	v59 =	vld.idx.msk [tilespmem:v56+s15+$0x0], $0xffff;
	s2 =	sor.u32 s7, s16;
	[tilespmem:s19+$0x0] =	vst v39  }
0x117: {  	v60 =	vadd.s32 $0x2580, v27;
	v39 =	vld.idx.msk [tilespmem:v57+s15+$0x0], $0xffff;
	[tilespmem:s2+$0x0] =	vst v41  }
0x118: {  	s21 =	sadd.s32 $0xEF80, s0;
	v61 =	vadd.s32 $0x2580, v29;
	v41 =	vld.idx.msk [tilespmem:v42+s15+$0x0], $0xffff  }
0x119: {  	s22 =	sor.u32 s31, s21;
	v62 =	vadd.s32 $0x2580, v30  }
0x11a: {  	s23 =	sadd.s32 $0xEF80, s10;
	[tilespmem:s22+$0x0] =	vst v35;
	s2 =	sor.u32 s30, s21  }
0x11b: {  	v35 =	vld.idx.msk [tilespmem:v58+s15+$0x0], $0xffff;
	s25 =	sor.u32 s8, s23;
	[tilespmem:s2+$0x0] =	vst v59  }
0x11c: {  	v63 =	vadd.s32 $0x2600, v28;
	s5 =	sor.u32 s7, s23;
	v37 =	vld.idx.msk [tilespmem:v60+s15+$0x0], $0xffff;
	[tilespmem:s25+$0x0] =	vst v39  }
0x11d: {  	v45 =	vadd.s32 $0x2600, v27;
	v39 =	vld.idx.msk [tilespmem:v61+s15+$0x0], $0xffff;
	[tilespmem:s5+$0x0] =	vst v41  }
0x11e: {  	v46 =	vadd.s32 $0x2600, v29;
	s5 =	sor.u32 $0xF000, s0;
	v41 =	vld.idx.msk [tilespmem:v62+s15+$0x0], $0xffff  }
0x11f: {  	v47 =	vadd.s32 $0x2600, v30;
	s6 =	sor.u32 s31, s5  }
0x120: {  	s9 =	sor.u32 $0xF000, s10;
	s2 =	sor.u32 s30, s5;
	[tilespmem:s6+$0x0] =	vst v35  }
0x121: {  	s11 =	sor.u32 s8, s9;
	[tilespmem:s2+$0x0] =	vst v37;
	v35 =	vld.idx.msk [tilespmem:v63+s15+$0x0], $0xffff  }
0x122: {  	v48 =	vadd.s32 $0x2680, v28;
	s5 =	sor.u32 s7, s9;
	v37 =	vld.idx.msk [tilespmem:v45+s15+$0x0], $0xffff;
	[tilespmem:s11+$0x0] =	vst v39  }
0x123: {  	v49 =	vadd.s32 $0x2680, v27;
	v39 =	vld.idx.msk [tilespmem:v46+s15+$0x0], $0xffff;
	[tilespmem:s5+$0x0] =	vst v41  }
0x124: {  	s14 =	sor.u32 $0xF080, s0;
	v50 =	vadd.s32 $0x2680, v29;
	v41 =	vld.idx.msk [tilespmem:v47+s15+$0x0], $0xffff  }
0x125: {  	v51 =	vadd.s32 $0x2680, v30;
	s16 =	sor.u32 s31, s14  }
0x126: {  	s19 =	sor.u32 $0xF080, s10;
	s2 =	sor.u32 s30, s14;
	[tilespmem:s16+$0x0] =	vst v35  }
0x127: {  	s21 =	sor.u32 s8, s19;
	[tilespmem:s2+$0x0] =	vst v37;
	v35 =	vld.idx.msk [tilespmem:v48+s15+$0x0], $0xffff  }
0x128: {  	v52 =	vadd.s32 $0x2700, v28;
	s5 =	sor.u32 s7, s19;
	v37 =	vld.idx.msk [tilespmem:v49+s15+$0x0], $0xffff;
	[tilespmem:s21+$0x0] =	vst v39  }
0x129: {  	v53 =	vadd.s32 $0x2700, v27;
	v39 =	vld.idx.msk [tilespmem:v50+s15+$0x0], $0xffff;
	[tilespmem:s5+$0x0] =	vst v41  }
0x12a: {  	s22 =	sor.u32 $0xF100, s0;
	v54 =	vadd.s32 $0x2700, v29;
	v41 =	vld.idx.msk [tilespmem:v51+s15+$0x0], $0xffff  }
0x12b: {  	s23 =	sor.u32 s31, s22;
	v55 =	vadd.s32 $0x2700, v30  }
0x12c: {  	s25 =	sor.u32 $0xF100, s10;
	s2 =	sor.u32 s30, s22;
	[tilespmem:s23+$0x0] =	vst v35  }
0x12d: {  	s6 =	sor.u32 s8, s25;
	v45 =	vadd.s32 $0x4B00, v26;
	[tilespmem:s2+$0x0] =	vst v37;
	v35 =	vld.idx.msk [tilespmem:v52+s15+$0x0], $0xffff  }
0x12e: {  	v56 =	vadd.s32 $0x2780, v28;
	s5 =	sor.u32 s7, s25;
	v37 =	vld.idx.msk [tilespmem:v53+s15+$0x0], $0xffff;
	[tilespmem:s6+$0x0] =	vst v39  }
0x12f: {  	v57 =	vadd.s32 $0x2780, v27;
	v39 =	vld.idx.msk [tilespmem:v54+s15+$0x0], $0xffff;
	[tilespmem:s5+$0x0] =	vst v41  }
0x130: {  	[tilespmem:s13+$0x0] =	vst v33;
	v58 =	vadd.s32 $0x2780, v29;
	s9 =	sor.u32 $0xF180, s0;
	v41 =	vld.idx.msk [tilespmem:v55+s15+$0x0], $0xffff  }
0x131: {  	[tilespmem:s12+$0x0] =	vst v32;
	v59 =	vadd.s32 $0x2780, v30;
	s11 =	sor.u32 s31, s9  }
0x132: {  	s13 =	sor.u32 $0xF180, s10;
	v49 =	vld.idx.msk [tilespmem:v45+s15+$0x0], $0xffff;
	s2 =	sor.u32 s30, s9;
	[tilespmem:s11+$0x0] =	vst v35  }
0x133: {  	s14 =	sor.u32 s8, s13;
	[tilespmem:s2+$0x0] =	vst v37;
	v36 =	vld.idx.msk [tilespmem:v56+s15+$0x0], $0xffff  }
0x134: {  	v61 =	vadd.s32 $0x4800, v28;
	s16 =	sor.u32 s7, s13;
	v38 =	vld.idx.msk [tilespmem:v57+s15+$0x0], $0xffff;
	[tilespmem:s14+$0x0] =	vst v39  }
0x135: {  	v62 =	vadd.s32 $0x4800, v27;
	v40 =	vld.idx.msk [tilespmem:v58+s15+$0x0], $0xffff;
	[tilespmem:s16+$0x0] =	vst v41  }
0x136: {  	[tilespmem:s4+$0x0] =	vst v34;
	v63 =	vadd.s32 $0x4800, v29;
	s19 =	sor.u32 $0xF200, s0;
	v33 =	vld.idx.msk [tilespmem:v59+s15+$0x0], $0xffff  }
0x137: {  	v31 =	vld.idx.msk [tilespmem:v31+s15+$0x0], $0xffff;
	v44 =	vadd.s32 $0x4800, v30;
	s21 =	sor.u32 s31, s19;
	[tilespmem:s1+$0x0] =	vst v49  }
0x138: {  	v26 =	vadd.s32 $0x4B80, v26;
	s22 =	sor.u32 $0xF200, s10;
	s2 =	sor.u32 s30, s19;
	[tilespmem:s21+$0x0] =	vst v36  }
0x139: {  	v60 =	vadd.s32 $0x4880, v25;
	s23 =	sor.u32 s8, s22;
	[tilespmem:s2+$0x0] =	vst v38;
	v37 =	vld.idx.msk [tilespmem:v61+s15+$0x0], $0xffff  }
0x13a: {  	v47 =	vadd.s32 $0x4880, v28;
	s4 =	sor.u32 s7, s22;
	s25 =	sor.u32 $0x10300, s29;
	v39 =	vld.idx.msk [tilespmem:v62+s15+$0x0], $0xffff;
	[tilespmem:s23+$0x0] =	vst v40  }
0x13b: {  	v48 =	vadd.s32 $0x4880, v27;
	s6 =	sor.u32 s28, s25;
	v34 =	vld.idx.msk [tilespmem:v63+s15+$0x0], $0xffff;
	[tilespmem:s4+$0x0] =	vst v33  }
0x13c: {  	[tilespmem:s6+$0x0] =	vst v31;
	v31 =	vadd.s32 $0x4880, v29;
	s11 =	sor.u32 $0x10280, s0;
	v32 =	vld.idx.msk [tilespmem:v44+s15+$0x0], $0xffff  }
0x13d: {  	v50 =	vadd.s32 $0x4880, v30;
	v26 =	vld.idx.msk [tilespmem:v26+s15+$0x0], $0xffff;
	s12 =	sor.u32 s31, s11  }
0x13e: {  	v46 =	vadd.s32 $0x4900, v24;
	s13 =	sor.u32 $0x10280, s10;
	v35 =	vld.idx.msk [tilespmem:v60+s15+$0x0], $0xffff;
	s2 =	sor.u32 s30, s11;
	[tilespmem:s12+$0x0] =	vst v37  }
0x13f: {  	v51 =	vadd.s32 $0x4900, v25;
	s14 =	sor.u32 s8, s13;
	[tilespmem:s2+$0x0] =	vst v39;
	v37 =	vld.idx.msk [tilespmem:v47+s15+$0x0], $0xffff  }
0x140: {  	v52 =	vadd.s32 $0x4900, v28;
	s4 =	sor.u32 s7, s13;
	v39 =	vld.idx.msk [tilespmem:v48+s15+$0x0], $0xffff;
	[tilespmem:s14+$0x0] =	vst v34  }
0x141: {  	v53 =	vadd.s32 $0x4900, v27;
	v31 =	vld.idx.msk [tilespmem:v31+s15+$0x0], $0xffff;
	[tilespmem:s4+$0x0] =	vst v32  }
0x142: {  	s9 =	sor.u32 s26, s25;
	v54 =	vadd.s32 $0x4900, v29;
	[tilespmem:s3+$0x0] =	vst v26;
	s21 =	sor.u32 $0x10300, s0;
	v55 =	vld.idx.msk [tilespmem:v50+s15+$0x0], $0xffff  }
0x143: {  	v57 =	vadd.s32 $0x4900, v30;
	[tilespmem:s9+$0x0] =	vst v35;
	v36 =	vld.idx.msk [tilespmem:v46+s15+$0x0], $0xffff;
	s22 =	sor.u32 s31, s21  }
0x144: {  	v58 =	vadd.s32 $0x4980, v24;
	v56 =	vld.idx.msk [tilespmem:v51+s15+$0x0], $0xffff;
	s1 =	sor.u32 s30, s21;
	s23 =	sor.u32 $0x10300, s10;
	[tilespmem:s22+$0x0] =	vst v37  }
0x145: {  	v59 =	vadd.s32 $0x4980, v25;
	s25 =	sor.u32 s8, s23;
	[tilespmem:s1+$0x0] =	vst v39;
	v38 =	vld.idx.msk [tilespmem:v52+s15+$0x0], $0xffff  }
0x146: {  	v60 =	vadd.s32 $0x4980, v28;
	s16 =	sor.u32 $0x10380, s29;
	s4 =	sor.u32 s7, s23;
	v34 =	vld.idx.msk [tilespmem:v53+s15+$0x0], $0xffff;
	[tilespmem:s25+$0x0] =	vst v31  }
0x147: {  	s19 =	sor.u32 s28, s16;
	v31 =	vadd.s32 $0x4980, v27;
	v32 =	vld.idx.msk [tilespmem:v54+s15+$0x0], $0xffff;
	[tilespmem:s4+$0x0] =	vst v55  }
0x148: {  	s5 =	sor.u32 $0x10380, s0;
	v61 =	vadd.s32 $0x4980, v29;
	[tilespmem:s19+$0x0] =	vst v36;
	s2 =	sor.u32 s26, s16;
	v62 =	vld.idx.msk [tilespmem:v57+s15+$0x0], $0xffff  }
0x149: {  	s6 =	sor.u32 s31, s5;
	v26 =	vadd.s32 $0x4980, v30;
	v63 =	vld.idx.msk [tilespmem:v58+s15+$0x0], $0xffff;
	[tilespmem:s2+$0x0] =	vst v56  }
0x14a: {  	s9 =	sor.u32 $0x10380, s10;
	v44 =	vadd.s32 $0x4A00, v24;
	v37 =	vld.idx.msk [tilespmem:v59+s15+$0x0], $0xffff;
	s1 =	sor.u32 s30, s5;
	[tilespmem:s6+$0x0] =	vst v38  }
0x14b: {  	v45 =	vadd.s32 $0x4A00, v25;
	s11 =	sor.u32 s8, s9;
	[tilespmem:s1+$0x0] =	vst v34;
	v39 =	vld.idx.msk [tilespmem:v60+s15+$0x0], $0xffff  }
0x14c: {  	v46 =	vadd.s32 $0x4A00, v28;
	s12 =	sadd.s32 $0x10400, s29;
	s2 =	sor.u32 s7, s9;
	v31 =	vld.idx.msk [tilespmem:v31+s15+$0x0], $0xffff;
	[tilespmem:s11+$0x0] =	vst v32  }
0x14d: {  	s13 =	sor.u32 s28, s12;
	v47 =	vadd.s32 $0x4A00, v27;
	v33 =	vld.idx.msk [tilespmem:v61+s15+$0x0], $0xffff;
	[tilespmem:s2+$0x0] =	vst v62  }
0x14e: {  	s16 =	sadd.s32 $0x10400, s0;
	v48 =	vadd.s32 $0x4A00, v29;
	s14 =	sor.u32 s26, s12;
	[tilespmem:s13+$0x0] =	vst v63;
	v26 =	vld.idx.msk [tilespmem:v26+s15+$0x0], $0xffff  }
0x14f: {  	v49 =	vadd.s32 $0x4A00, v30;
	s19 =	sor.u32 s31, s16;
	v36 =	vld.idx.msk [tilespmem:v44+s15+$0x0], $0xffff;
	[tilespmem:s14+$0x0] =	vst v37  }
0x150: {  	s21 =	sadd.s32 $0x10400, s10;
	v50 =	vadd.s32 $0x4A80, v24;
	v38 =	vld.idx.msk [tilespmem:v45+s15+$0x0], $0xffff;
	s1 =	sor.u32 s30, s16;
	[tilespmem:s19+$0x0] =	vst v39  }
0x151: {  	v51 =	vadd.s32 $0x4A80, v25;
	s22 =	sor.u32 s8, s21;
	v34 =	vld.idx.msk [tilespmem:v46+s15+$0x0], $0xffff;
	[tilespmem:s1+$0x0] =	vst v31  }
0x152: {  	s23 =	sadd.s32 $0x10480, s29;
	s2 =	sor.u32 s7, s21;
	v31 =	vadd.s32 $0x4A80, v28;
	v32 =	vld.idx.msk [tilespmem:v47+s15+$0x0], $0xffff;
	[tilespmem:s22+$0x0] =	vst v33  }
0x153: {  	v52 =	vadd.s32 $0x4A80, v27;
	s25 =	sor.u32 s28, s23;
	v35 =	vld.idx.msk [tilespmem:v48+s15+$0x0], $0xffff;
	[tilespmem:s2+$0x0] =	vst v26  }
0x154: {  	s3 =	sadd.s32 $0x10480, s0;
	[tilespmem:s25+$0x0] =	vst v36;
	s2 =	sor.u32 s26, s23;
	v26 =	vadd.s32 $0x4A80, v29;
	v53 =	vld.idx.msk [tilespmem:v49+s15+$0x0], $0xffff  }
0x155: {  	s4 =	sor.u32 s31, s3;
	v55 =	vadd.s32 $0x4A80, v30;
	v54 =	vld.idx.msk [tilespmem:v50+s15+$0x0], $0xffff;
	[tilespmem:s2+$0x0] =	vst v38  }
0x156: {  	v56 =	vadd.s32 $0x4B00, v24;
	s5 =	sor.u32 s30, s3;
	s6 =	sadd.s32 $0x10480, s10;
	v39 =	vld.idx.msk [tilespmem:v51+s15+$0x0], $0xffff;
	[tilespmem:s4+$0x0] =	vst v34  }
0x157: {  	v57 =	vadd.s32 $0x4B00, v25;
	s9 =	sor.u32 s8, s6;
	v31 =	vld.idx.msk [tilespmem:v31+s15+$0x0], $0xffff;
	[tilespmem:s5+$0x0] =	vst v32  }
0x158: {  	v58 =	vadd.s32 $0x4B00, v28;
	s12 =	sor.u32 s7, s6;
	s11 =	sadd.s32 $0x10500, s29;
	v33 =	vld.idx.msk [tilespmem:v52+s15+$0x0], $0xffff;
	[tilespmem:s9+$0x0] =	vst v35  }
0x159: {  	v59 =	vadd.s32 $0x4B00, v27;
	s13 =	sor.u32 s28, s11;
	v26 =	vld.idx.msk [tilespmem:v26+s15+$0x0], $0xffff;
	[tilespmem:s12+$0x0] =	vst v53  }
0x15a: {  	s16 =	sadd.s32 $0x10500, s0;
	v60 =	vadd.s32 $0x4B00, v29;
	s14 =	sor.u32 s26, s11;
	[tilespmem:s13+$0x0] =	vst v54;
	v61 =	vld.idx.msk [tilespmem:v55+s15+$0x0], $0xffff  }
0x15b: {  	v63 =	vadd.s32 $0x4B00, v30;
	v62 =	vld.idx.msk [tilespmem:v56+s15+$0x0], $0xffff;
	s19 =	sor.u32 s31, s16;
	[tilespmem:s14+$0x0] =	vst v39  }
0x15c: {  	v24 =	vadd.s32 $0x4B80, v24;
	s21 =	sor.u32 s30, s16;
	s22 =	sadd.s32 $0x10500, s10;
	v34 =	vld.idx.msk [tilespmem:v57+s15+$0x0], $0xffff;
	[tilespmem:s19+$0x0] =	vst v31  }
0x15d: {  	v25 =	vadd.s32 $0x4B80, v25;
	s23 =	sor.u32 s8, s22;
	v31 =	vld.idx.msk [tilespmem:v58+s15+$0x0], $0xffff;
	[tilespmem:s21+$0x0] =	vst v33  }
0x15e: {  	s25 =	sadd.s32 $0x10580, s29;
	v28 =	vadd.s32 $0x4B80, v28;
	s4 =	sor.u32 s7, s22;
	v40 =	vld.idx.msk [tilespmem:v59+s15+$0x0], $0xffff;
	[tilespmem:s23+$0x0] =	vst v26  }
0x15f: {  	s5 =	sor.u32 s28, s25;
	v26 =	vadd.s32 $0x4B80, v27;
	v27 =	vld.idx.msk [tilespmem:v60+s15+$0x0], $0xffff;
	[tilespmem:s4+$0x0] =	vst v61  }
0x160: {  	s6 =	sor.u32 s26, s25;
	v29 =	vadd.s32 $0x4B80, v29;
	[tilespmem:s5+$0x0] =	vst v62;
	s9 =	sadd.s32 $0x10580, s0;
	v41 =	vld.idx.msk [tilespmem:v63+s15+$0x0], $0xffff  }
0x161: {  	v30 =	vadd.s32 $0x4B80, v30;
	v24 =	vld.idx.msk [tilespmem:v24+s15+$0x0], $0xffff;
	s11 =	sor.u32 s31, s9;
	[tilespmem:s6+$0x0] =	vst v34  }
0x162: {  	s2 =	sor.u32 s30, s9;
	s12 =	sadd.s32 $0x10580, s10;
	v25 =	vld.idx.msk [tilespmem:v25+s15+$0x0], $0xffff;
	[tilespmem:s11+$0x0] =	vst v31  }
0x163: {  	s13 =	sor.u32 s8, s12;
	v28 =	vld.idx.msk [tilespmem:v28+s15+$0x0], $0xffff;
	[tilespmem:s2+$0x0] =	vst v40  }
0x164: {  	s14 =	sadd.s32 $0x10600, s29;
	s1 =	sor.u32 s7, s12;
	v26 =	vld.idx.msk [tilespmem:v26+s15+$0x0], $0xffff;
	[tilespmem:s13+$0x0] =	vst v27  }
0x165: {  	s16 =	sor.u32 s28, s14;
	v27 =	vld.idx.msk [tilespmem:v29+s15+$0x0], $0xffff;
	[tilespmem:s1+$0x0] =	vst v41  }
0x166: {  	s19 =	sor.u32 s26, s14;
	s21 =	sadd.s32 $0x10600, s0;
	[tilespmem:s16+$0x0] =	vst v24;
	v24 =	vld.idx.msk [tilespmem:v30+s15+$0x0], $0xffff  }
0x167: {  	s22 =	sor.u32 s31, s21;
	[tilespmem:s19+$0x0] =	vst v25  }
0x168: {  	s0 =	sor.u32 s30, s21;
	s23 =	sadd.s32 $0x10600, s10;
	[tilespmem:s22+$0x0] =	vst v28  }
0x169: {  	s25 =	sor.u32 s8, s23;
	[tilespmem:s0+$0x0] =	vst v26  }
0x16a: {  	s1 =	sor.u32 s7, s23;
	[tilespmem:s25+$0x0] =	vst v27  }
0x16b: {  	[tilespmem:s1+$0x0] =	vst v24  }
0x16c: {  	v24 =	vld [tilespmem:$0x200];
	_ =	sdelay $0x4  }
0x16d: {  	v25 =	vshll.u32 v24, $0x3  }
0x16e: {  	v24 =	vand.u32 $0x7F, v24;
	v25 =	vand.u32 $0xFFFFFC00, v25  }
0x16f: {  	v24 =	vor.u32 v24, v25;
	_ =	sdelay $0x4  }
0x170: {  	v25 =	vld.idx.msk [tilespmem:v24+s15+$0x0], $0xffff  }
0x171: {  	v26 =	vor.u32 $0x80, v24;
	_ =	sdelay $0x3  }
0x172: {  	[tilespmem:v0+s18+$0x0] =	vst.idx.msk $0x1, v25  }
0x173: {  	v25 =	vld.idx.msk [tilespmem:v26+s15+$0x0], $0xffff  }
0x174: {  	v26 =	vor.u32 $0x100, v24;
	_ =	sdelay $0x3  }
0x175: {  	[tilespmem:v1+s18+$0x0] =	vst.idx.msk $0x1, v25  }
0x176: {  	v25 =	vld.idx.msk [tilespmem:v26+s15+$0x0], $0xffff  }
0x177: {  	v26 =	vor.u32 $0x180, v24;
	_ =	sdelay $0x3  }
0x178: {  	[tilespmem:v2+s18+$0x0] =	vst.idx.msk $0x1, v25  }
0x179: {  	v25 =	vld.idx.msk [tilespmem:v26+s15+$0x0], $0xffff  }
0x17a: {  	v26 =	vor.u32 $0x200, v24;
	_ =	sdelay $0x3  }
0x17b: {  	[tilespmem:v3+s18+$0x0] =	vst.idx.msk $0x1, v25  }
0x17c: {  	v25 =	vld.idx.msk [tilespmem:v26+s15+$0x0], $0xffff  }
0x17d: {  	v26 =	vor.u32 $0x280, v24;
	_ =	sdelay $0x3  }
0x17e: {  	[tilespmem:v4+s18+$0x0] =	vst.idx.msk $0x1, v25  }
0x17f: {  	v25 =	vld.idx.msk [tilespmem:v26+s15+$0x0], $0xffff  }
0x180: {  	v26 =	vor.u32 $0x300, v24;
	_ =	sdelay $0x3  }
0x181: {  	[tilespmem:v5+s18+$0x0] =	vst.idx.msk $0x1, v25  }
0x182: {  	v25 =	vld.idx.msk [tilespmem:v26+s15+$0x0], $0xffff  }
0x183: {  	v26 =	vor.u32 $0x380, v24;
	_ =	sdelay $0x3  }
0x184: {  	[tilespmem:v6+s18+$0x0] =	vst.idx.msk $0x1, v25  }
0x185: {  	v25 =	vld.idx.msk [tilespmem:v26+s15+$0x0], $0xffff  }
0x186: {  	v26 =	vadd.s32 $0x2400, v24;
	_ =	sdelay $0x3  }
0x187: {  	[tilespmem:v7+s18+$0x0] =	vst.idx.msk $0x1, v25  }
0x188: {  	v25 =	vld.idx.msk [tilespmem:v26+s15+$0x0], $0xffff  }
0x189: {  	v26 =	vadd.s32 $0x2480, v24;
	_ =	sdelay $0x3  }
0x18a: {  	[tilespmem:v8+s18+$0x0] =	vst.idx.msk $0x1, v25  }
0x18b: {  	v25 =	vld.idx.msk [tilespmem:v26+s15+$0x0], $0xffff  }
0x18c: {  	v26 =	vadd.s32 $0x2500, v24;
	_ =	sdelay $0x3  }
0x18d: {  	[tilespmem:v9+s18+$0x0] =	vst.idx.msk $0x1, v25  }
0x18e: {  	v25 =	vld.idx.msk [tilespmem:v26+s15+$0x0], $0xffff  }
0x18f: {  	v26 =	vadd.s32 $0x2580, v24;
	_ =	sdelay $0x3  }
0x190: {  	[tilespmem:v10+s18+$0x0] =	vst.idx.msk $0x1, v25  }
0x191: {  	v25 =	vld.idx.msk [tilespmem:v26+s15+$0x0], $0xffff  }
0x192: {  	v26 =	vadd.s32 $0x2600, v24;
	_ =	sdelay $0x3  }
0x193: {  	[tilespmem:v11+s18+$0x0] =	vst.idx.msk $0x1, v25  }
0x194: {  	v25 =	vld.idx.msk [tilespmem:v26+s15+$0x0], $0xffff  }
0x195: {  	v26 =	vadd.s32 $0x2680, v24;
	_ =	sdelay $0x3  }
0x196: {  	[tilespmem:v12+s18+$0x0] =	vst.idx.msk $0x1, v25  }
0x197: {  	v25 =	vld.idx.msk [tilespmem:v26+s15+$0x0], $0xffff  }
0x198: {  	v26 =	vadd.s32 $0x2700, v24;
	_ =	sdelay $0x3  }
0x199: {  	[tilespmem:v13+s18+$0x0] =	vst.idx.msk $0x1, v25  }
0x19a: {  	v25 =	vld.idx.msk [tilespmem:v26+s15+$0x0], $0xffff  }
0x19b: {  	v26 =	vadd.s32 $0x2780, v24;
	_ =	sdelay $0x3  }
0x19c: {  	[tilespmem:v14+s18+$0x0] =	vst.idx.msk $0x1, v25  }
0x19d: {  	v25 =	vld.idx.msk [tilespmem:v26+s15+$0x0], $0xffff  }
0x19e: {  	v26 =	vadd.s32 $0x4800, v24;
	_ =	sdelay $0x3  }
0x19f: {  	[tilespmem:v15+s18+$0x0] =	vst.idx.msk $0x1, v25  }
0x1a0: {  	v25 =	vld.idx.msk [tilespmem:v26+s15+$0x0], $0xffff  }
0x1a1: {  	v26 =	vadd.s32 $0x4880, v24;
	_ =	sdelay $0x3  }
0x1a2: {  	[tilespmem:v16+s18+$0x0] =	vst.idx.msk $0x1, v25  }
0x1a3: {  	v25 =	vld.idx.msk [tilespmem:v26+s15+$0x0], $0xffff  }
0x1a4: {  	v26 =	vadd.s32 $0x4900, v24;
	_ =	sdelay $0x3  }
0x1a5: {  	[tilespmem:v17+s18+$0x0] =	vst.idx.msk $0x1, v25  }
0x1a6: {  	v25 =	vld.idx.msk [tilespmem:v26+s15+$0x0], $0xffff  }
0x1a7: {  	v26 =	vadd.s32 $0x4980, v24;
	_ =	sdelay $0x3  }
0x1a8: {  	[tilespmem:v18+s18+$0x0] =	vst.idx.msk $0x1, v25  }
0x1a9: {  	v25 =	vld.idx.msk [tilespmem:v26+s15+$0x0], $0xffff  }
0x1aa: {  	v26 =	vadd.s32 $0x4A00, v24;
	_ =	sdelay $0x3  }
0x1ab: {  	[tilespmem:v19+s18+$0x0] =	vst.idx.msk $0x1, v25  }
0x1ac: {  	v25 =	vld.idx.msk [tilespmem:v26+s15+$0x0], $0xffff  }
0x1ad: {  	v26 =	vadd.s32 $0x4A80, v24;
	_ =	sdelay $0x3  }
0x1ae: {  	[tilespmem:v20+s18+$0x0] =	vst.idx.msk $0x1, v25  }
0x1af: {  	v25 =	vld.idx.msk [tilespmem:v26+s15+$0x0], $0xffff  }
0x1b0: {  	v26 =	vadd.s32 $0x4B00, v24;
	_ =	sdelay $0x3  }
0x1b1: {  	[tilespmem:v21+s18+$0x0] =	vst.idx.msk $0x1, v25  }
0x1b2: {  	v25 =	vld.idx.msk [tilespmem:v26+s15+$0x0], $0xffff  }
0x1b3: {  	v24 =	vadd.s32 $0x4B80, v24;
	_ =	sdelay $0x3  }
0x1b4: {  	[tilespmem:v22+s18+$0x0] =	vst.idx.msk $0x1, v25  }
0x1b5: {  	s1 =	rddreg [dreg:$0x10];
	v24 =	vld.idx.msk [tilespmem:v24+s15+$0x0], $0xffff  }
0x1b6: {  	s26 =	smul.u32 $0x7800, s24;
	s1 =	smin.u32 s1, $0x5  }
0x1b7: {  	s2 =	rddreg [dreg:$0x8];
	s1 =	smul.u32 $0x18, s1  }
0x1b8: {  	s3 =	simm.s32 $0x0;
	s0 =	sadd.s32 s2, s26  }
0x1b9: {  	s31 =	rddreg [dreg:$0x2];
	s0 =	sshrl.u32 s0, $0x3;
	s1 =	sshrl.u32 s1, $0x3  }
0x1ba: {  	s5 =	simm.s32 $0x2;
	s0 =	sadd.s32 s31, s0;
	s1 =	smul.u32 $0x2400, s1;
	[tilespmem:v23+s18+$0x0] =	vst.idx.msk $0x1, v24  }
0x1bb: {  	[hbm4b:s0+s3] =	stream.linear.scatter [tilespmem:s18], [sflag:$0x3], $0x3C00, $0x38;
	[tilespmem:$0x15280] =	vst v63  }
0x1bc: {  	s4 =	rddreg [dreg:$0x4];
	_ =	swait.ge [sflag:s5], $0x6C00  }
0x1bd: {  	s0 =	sadd.s32 s4, s1;
	[sflag:s5] =	ssyncset.done $0x0  }
0x1be: {  	s0 =	sadd.s32 $0xD800, s0;
	[sflag:s5] =	ssyncadd.s32 $0xFFFF9400  }
0x1bf: {  	s0 =	sshrl.u32 s0, $0x3;
	s1 =	rddreg [dreg:$0x0]  }
0x1c0: {  	s6 =	simm.s32 $0x0;
	s0 =	sadd.s32 s1, s0;
	s1 =	simm.s32 @!p0 $0x4  }
0x1c1: {  	[tilespmem:s15], [sflag:$0x1] =	stream.linear.gather [hbm4b:s0+s3], $0x6C00, $0x38;
	[tilespmem:$0x15280] =	vst v63  }
0x1c2: {  	s13 =	sand.u32 $0x60, s6;
	_ =	swait.ge @!p0 [sflag:s1], $0x3C00  }
0x1c3: {  	s14 =	sor.u32 $0x10, s13;
	s7 =	sand.u32 $0x180, s6;
	[sflag:s1] =	ssyncset.done @!p0 $0x0  }
0x1c4: {  	s8 =	sor.u32 s14, s7;
	[sflag:s1] =	ssyncadd.s32 @!p0 $0xFFFFC400  }
0x1c5: {  	v24 =	vld [tilespmem:s8+$0x0];
	_ =	sdelay $0x3  }
0x1c6: {  	v25 =	vld [tilespmem:s6+$0x0]  }
0x1c7: {  	v26 =	vshll.u32 v24, $0x3  }
0x1c8: {  	v24 =	vand.u32 $0x7F, v24;
	v26 =	vand.u32 $0xFFFFFC00, v26  }
0x1c9: {  	v31 =	vor.u32 v24, v26;
	_ =	sdelay $0x1  }
0x1ca: {  	v24 =	vshll.u32 v25, $0x3  }
0x1cb: {  	v25 =	vand.u32 $0x7F, v25;
	v24 =	vand.u32 $0xFFFFFC00, v24  }
0x1cc: {  	v26 =	vor.u32 v25, v24  }
0x1cd: {  	v24 =	vld.idx.msk [tilespmem:v31+s17+$0x0], $0xffff  }
0x1ce: {  	v25 =	vor.u32 $0x80, v31  }
0x1cf: {  	s21 =	sand.u32 $0xC00, s6  }
0x1d0: {  	s9 =	sadd.s32 $0x11680, s21  }
0x1d1: {  	s10 =	sor.u32 s14, s9;
	v27 =	vld.idx.msk [tilespmem:v26+s17+$0x0], $0xffff  }
0x1d2: {  	[tilespmem:s10+$0x0] =	vst v24;
	v24 =	vor.u32 $0x80, v26  }
0x1d3: {  	v25 =	vld.idx.msk [tilespmem:v25+s17+$0x0], $0xffff  }
0x1d4: {  	v28 =	vor.u32 $0x100, v31  }
0x1d5: {  	s1 =	sor.u32 s13, s9  }
0x1d6: {  	[tilespmem:s1+$0x0] =	vst v27  }
0x1d7: {  	v24 =	vld.idx.msk [tilespmem:v24+s17+$0x0], $0xffff  }
0x1d8: {  	[tilespmem:s10+$0x80] =	vst v25;
	v25 =	vor.u32 $0x100, v26  }
0x1d9: {  	v27 =	vld.idx.msk [tilespmem:v28+s17+$0x0], $0xffff  }
0x1da: {  	v28 =	vor.u32 $0x180, v31;
	_ =	sdelay $0x1  }
0x1db: {  	[tilespmem:s1+$0x80] =	vst v24  }
0x1dc: {  	v24 =	vld.idx.msk [tilespmem:v25+s17+$0x0], $0xffff  }
0x1dd: {  	v25 =	vor.u32 $0x180, v26;
	[tilespmem:s10+$0x100] =	vst v27  }
0x1de: {  	v27 =	vld.idx.msk [tilespmem:v28+s17+$0x0], $0xffff  }
0x1df: {  	v28 =	vor.u32 $0x200, v31;
	_ =	sdelay $0x1  }
0x1e0: {  	[tilespmem:s1+$0x100] =	vst v24  }
0x1e1: {  	v24 =	vld.idx.msk [tilespmem:v25+s17+$0x0], $0xffff  }
0x1e2: {  	v25 =	vor.u32 $0x200, v26;
	[tilespmem:s10+$0x180] =	vst v27  }
0x1e3: {  	v27 =	vld.idx.msk [tilespmem:v28+s17+$0x0], $0xffff  }
0x1e4: {  	s3 =	simm.s32 $0x20;
	v28 =	vor.u32 $0x280, v31  }
0x1e5: {  	s26 =	sand.u32 $0x60, s3  }
0x1e6: {  	s11 =	sand.u32 $0x180, s3;
	s28 =	sor.u32 $0x10, s26;
	[tilespmem:s1+$0x180] =	vst v24  }
0x1e7: {  	s4 =	sor.u32 s28, s11;
	v24 =	vld.idx.msk [tilespmem:v25+s17+$0x0], $0xffff  }
0x1e8: {  	v29 =	vld [tilespmem:s4+$0x0];
	v25 =	vor.u32 $0x280, v26;
	[tilespmem:s10+$0x200] =	vst v27  }
0x1e9: {  	v27 =	vld.idx.msk [tilespmem:v28+s17+$0x0], $0xffff  }
0x1ea: {  	v28 =	vor.u32 $0x300, v31;
	_ =	sdelay $0x1  }
0x1eb: {  	v30 =	vld [tilespmem:s3+$0x0];
	[tilespmem:s1+$0x200] =	vst v24  }
0x1ec: {  	v24 =	vshll.u32 v29, $0x3;
	v25 =	vld.idx.msk [tilespmem:v25+s17+$0x0], $0xffff  }
0x1ed: {  	v29 =	vand.u32 $0x7F, v29;
	v24 =	vand.u32 $0xFFFFFC00, v24;
	[tilespmem:s10+$0x280] =	vst v27;
	v27 =	vor.u32 $0x300, v26  }
0x1ee: {  	s12 =	sand.u32 $0x3, s6;
	v24 =	vor.u32 v29, v24;
	v28 =	vld.idx.msk [tilespmem:v28+s17+$0x0], $0xffff  }
0x1ef: {  	s2 =	sshll.u32 s12, $0x5;
	v42 =	vor.u32 $0x380, v31  }
0x1f0: {  	s2 =	sadd.s32 $0x0, s2;
	v29 =	vshll.u32 v30, $0x3  }
0x1f1: {  	s16 =	sadd.s32 $0x10, s2;
	v30 =	vand.u32 $0x7F, v30;
	v29 =	vand.u32 $0xFFFFFC00, v29;
	[tilespmem:s1+$0x280] =	vst v25  }
0x1f2: {  	s19 =	sor.u32 $0x300, s16;
	v25 =	vor.u32 v30, v29;
	v27 =	vld.idx.msk [tilespmem:v27+s17+$0x0], $0xffff  }
0x1f3: {  	v30 =	vld.idx.msk [tilespmem:v24+s17+$0x0], $0xffff;
	[tilespmem:s19+$0x11680] =	vst v28;
	v28 =	vor.u32 $0x380, v26  }
0x1f4: {  	s5 =	simm.s32 $0x100;
	v44 =	vor.u32 $0x80, v24;
	v29 =	vld.idx.msk [tilespmem:v42+s17+$0x0], $0xffff  }
0x1f5: {  	s29 =	sand.u32 $0xC00, s5;
	v43 =	vadd.s32 $0x2400, v31  }
0x1f6: {  	s22 =	sor.u32 $0x300, s2;
	s23 =	sadd.s32 $0x11680, s29  }
0x1f7: {  	s4 =	sor.u32 s28, s23;
	v45 =	vld.idx.msk [tilespmem:v25+s17+$0x0], $0xffff;
	[tilespmem:s22+$0x11680] =	vst v27  }
0x1f8: {  	s25 =	sor.u32 $0x380, s16;
	[tilespmem:s4+$0x0] =	vst v30;
	v27 =	vld.idx.msk [tilespmem:v28+s17+$0x0], $0xffff;
	v28 =	vor.u32 $0x80, v25  }
0x1f9: {  	v46 =	vld.idx.msk [tilespmem:v44+s17+$0x0], $0xffff;
	[tilespmem:s25+$0x11680] =	vst v29;
	v29 =	vadd.s32 $0x2400, v26  }
0x1fa: {  	v48 =	vor.u32 $0x100, v24;
	v30 =	vld.idx.msk [tilespmem:v43+s17+$0x0], $0xffff  }
0x1fb: {  	s0 =	sor.u32 s6, s6;
	s2 =	sor.u32 s26, s23;
	v47 =	vadd.s32 $0x2480, v31  }
0x1fc: {  	s0 =	sor.u32 $0x380, s0;
	[tilespmem:s2+$0x0] =	vst v45  }
0x1fd: {  	s31 =	sadd.s32 $0x12A80, s21;
	v28 =	vld.idx.msk [tilespmem:v28+s17+$0x0], $0xffff;
	[tilespmem:s0+$0x11680] =	vst v27  }
0x1fe: {  	s6 =	sor.u32 s14, s31;
	[tilespmem:s4+$0x80] =	vst v46;
	v27 =	vld.idx.msk [tilespmem:v29+s17+$0x0], $0xffff;
	v29 =	vor.u32 $0x100, v25  }
0x1ff: {  	v50 =	vld.idx.msk [tilespmem:v48+s17+$0x0], $0xffff;
	[tilespmem:s6+$0x0] =	vst v30;
	v30 =	vadd.s32 $0x2480, v26  }
0x200: {  	v52 =	vor.u32 $0x180, v24;
	v49 =	vld.idx.msk [tilespmem:v47+s17+$0x0], $0xffff  }
0x201: {  	v51 =	vadd.s32 $0x2500, v31  }
0x202: {  	s7 =	sor.u32 s13, s31;
	[tilespmem:s2+$0x80] =	vst v28  }
0x203: {  	s8 =	sadd.s32 $0x12B00, s21;
	v28 =	vld.idx.msk [tilespmem:v29+s17+$0x0], $0xffff;
	[tilespmem:s7+$0x0] =	vst v27  }
0x204: {  	s9 =	sor.u32 s14, s8;
	v29 =	vor.u32 $0x180, v25;
	[tilespmem:s4+$0x100] =	vst v50;
	v27 =	vld.idx.msk [tilespmem:v30+s17+$0x0], $0xffff  }
0x205: {  	v30 =	vadd.s32 $0x2500, v26;
	v33 =	vld.idx.msk [tilespmem:v52+s17+$0x0], $0xffff;
	[tilespmem:s9+$0x0] =	vst v49  }
0x206: {  	v54 =	vor.u32 $0x200, v24;
	v32 =	vld.idx.msk [tilespmem:v51+s17+$0x0], $0xffff  }
0x207: {  	v53 =	vadd.s32 $0x2580, v31  }
0x208: {  	s10 =	sor.u32 s13, s8;
	[tilespmem:s2+$0x100] =	vst v28  }
0x209: {  	s11 =	sadd.s32 $0x12B80, s21;
	v28 =	vld.idx.msk [tilespmem:v29+s17+$0x0], $0xffff;
	[tilespmem:s10+$0x0] =	vst v27  }
0x20a: {  	s12 =	sor.u32 s14, s11;
	v29 =	vor.u32 $0x200, v25;
	[tilespmem:s4+$0x180] =	vst v33;
	v27 =	vld.idx.msk [tilespmem:v30+s17+$0x0], $0xffff  }
0x20b: {  	v30 =	vadd.s32 $0x2580, v26;
	v33 =	vld.idx.msk [tilespmem:v54+s17+$0x0], $0xffff;
	[tilespmem:s12+$0x0] =	vst v32  }
0x20c: {  	v56 =	vor.u32 $0x280, v24;
	v32 =	vld.idx.msk [tilespmem:v53+s17+$0x0], $0xffff  }
0x20d: {  	v55 =	vadd.s32 $0x2600, v31  }
0x20e: {  	s16 =	sor.u32 s13, s11;
	[tilespmem:s2+$0x180] =	vst v28  }
0x20f: {  	s19 =	sadd.s32 $0x12C00, s21;
	v28 =	vld.idx.msk [tilespmem:v29+s17+$0x0], $0xffff;
	[tilespmem:s16+$0x0] =	vst v27  }
0x210: {  	s1 =	simm.s32 $0x40;
	s22 =	sor.u32 s14, s19;
	v29 =	vor.u32 $0x280, v25;
	[tilespmem:s4+$0x200] =	vst v33;
	v27 =	vld.idx.msk [tilespmem:v30+s17+$0x0], $0xffff  }
0x211: {  	s30 =	sand.u32 $0x60, s1;
	v30 =	vadd.s32 $0x2600, v26;
	v33 =	vld.idx.msk [tilespmem:v56+s17+$0x0], $0xffff;
	[tilespmem:s22+$0x0] =	vst v32  }
0x212: {  	v59 =	vor.u32 $0x300, v24;
	s23 =	sand.u32 $0x180, s1;
	s0 =	sor.u32 $0x10, s30;
	v32 =	vld.idx.msk [tilespmem:v55+s17+$0x0], $0xffff  }
0x213: {  	v58 =	vadd.s32 $0x2680, v31;
	v57 =	vld [tilespmem:s1+$0x0];
	s7 =	sor.u32 s0, s23  }
0x214: {  	s6 =	sor.u32 s13, s19;
	v60 =	vld [tilespmem:s7+$0x0];
	[tilespmem:s2+$0x200] =	vst v28  }
0x215: {  	s25 =	sadd.s32 $0x12C80, s21;
	v28 =	vld.idx.msk [tilespmem:v29+s17+$0x0], $0xffff;
	[tilespmem:s6+$0x0] =	vst v27  }
0x216: {  	s31 =	sor.u32 s14, s25;
	[tilespmem:s4+$0x280] =	vst v33;
	s6 =	simm.s32 $0x1;
	v29 =	vld.idx.msk [tilespmem:v30+s17+$0x0], $0xffff;
	v30 =	vor.u32 $0x300, v25  }
0x217: {  	v61 =	vadd.s32 $0x2680, v26;
	v63 =	vld.idx.msk [tilespmem:v59+s17+$0x0], $0xffff;
	s4 =	sand.u32 $0x3, s6;
	[tilespmem:s31+$0x0] =	vst v32  }
0x218: {  	v42 =	vadd.s32 $0x2700, v31;
	v43 =	vor.u32 $0x380, v24;
	v27 =	vshll.u32 v57, $0x3;
	s4 =	sshll.u32 s4, $0x5;
	v62 =	vld.idx.msk [tilespmem:v58+s17+$0x0], $0xffff  }
0x219: {  	v36 =	vand.u32 $0x7F, v57;
	v41 =	vshll.u32 v60, $0x3;
	v27 =	vand.u32 $0xFFFFFC00, v27;
	s9 =	sadd.s32 $0x100, s4  }
0x21a: {  	s8 =	sor.u32 s13, s25;
	v37 =	vand.u32 $0x7F, v60;
	v35 =	vand.u32 $0xFFFFFC00, v41;
	v27 =	vor.u32 v36, v27;
	s11 =	sadd.s32 $0x10, s9;
	[tilespmem:s2+$0x280] =	vst v28  }
0x21b: {  	s10 =	sadd.s32 $0x12D00, s21;
	v28 =	vor.u32 v37, v35;
	s16 =	sor.u32 $0x300, s11;
	v30 =	vld.idx.msk [tilespmem:v30+s17+$0x0], $0xffff;
	[tilespmem:s8+$0x0] =	vst v29  }
0x21c: {  	v44 =	vor.u32 $0x380, v25;
	s12 =	sor.u32 s14, s10;
	[tilespmem:s16+$0x11680] =	vst v63;
	v29 =	vld.idx.msk [tilespmem:v61+s17+$0x0], $0xffff  }
0x21d: {  	v45 =	vadd.s32 $0x2700, v26;
	v47 =	vld.idx.msk [tilespmem:v43+s17+$0x0], $0xffff;
	[tilespmem:s12+$0x0] =	vst v62  }
0x21e: {  	v49 =	vadd.s32 $0x2400, v24;
	v46 =	vld.idx.msk [tilespmem:v42+s17+$0x0], $0xffff  }
0x21f: {  	v48 =	vadd.s32 $0x2780, v31;
	s2 =	sor.u32 $0x300, s9;
	v50 =	vld.idx.msk [tilespmem:v27+s17+$0x0], $0xffff  }
0x220: {  	s19 =	sor.u32 s13, s10;
	s4 =	simm.s32 $0x200;
	v51 =	vor.u32 $0x80, v27;
	v37 =	vld.idx.msk [tilespmem:v28+s17+$0x0], $0xffff;
	[tilespmem:s2+$0x11680] =	vst v30  }
0x221: {  	s22 =	sadd.s32 $0x12D80, s21;
	s31 =	sor.u32 $0x380, s11;
	v30 =	vor.u32 $0x80, v28;
	s2 =	sand.u32 $0xC00, s4;
	[tilespmem:s19+$0x0] =	vst v29;
	v29 =	vld.idx.msk [tilespmem:v44+s17+$0x0], $0xffff  }
0x222: {  	s23 =	sor.u32 s14, s22;
	s25 =	sadd.s32 $0x11680, s2;
	[tilespmem:s31+$0x11680] =	vst v47;
	v33 =	vld.idx.msk [tilespmem:v45+s17+$0x0], $0xffff  }
0x223: {  	s5 =	sor.u32 s5, s3;
	v52 =	vadd.s32 $0x2400, v25;
	s3 =	sor.u32 s30, s25;
	v55 =	vld.idx.msk [tilespmem:v49+s17+$0x0], $0xffff;
	[tilespmem:s23+$0x0] =	vst v46  }
0x224: {  	v53 =	vadd.s32 $0x2780, v26;
	s6 =	sor.u32 s0, s25;
	[tilespmem:s3+$0x0] =	vst v50;
	v54 =	vld.idx.msk [tilespmem:v48+s17+$0x0], $0xffff  }
0x225: {  	s5 =	sor.u32 $0x380, s5;
	v56 =	vadd.s32 $0x4800, v31;
	[tilespmem:s6+$0x0] =	vst v37;
	v32 =	vld.idx.msk [tilespmem:v51+s17+$0x0], $0xffff  }
0x226: {  	s10 =	sor.u32 s13, s22;
	v57 =	vadd.s32 $0x2480, v24;
	s12 =	sadd.s32 $0x12A80, s29;
	v30 =	vld.idx.msk [tilespmem:v30+s17+$0x0], $0xffff;
	[tilespmem:s5+$0x11680] =	vst v29  }
0x227: {  	v59 =	vor.u32 $0x100, v27;
	s11 =	sadd.s32 $0x12E00, s21;
	s19 =	sor.u32 s28, s12;
	[tilespmem:s10+$0x0] =	vst v33  }
0x228: {  	s16 =	sor.u32 s14, s11;
	v29 =	vor.u32 $0x100, v28;
	v58 =	vld.idx.msk [tilespmem:v52+s17+$0x0], $0xffff;
	[tilespmem:s19+$0x0] =	vst v55  }
0x229: {  	v34 =	vld.idx.msk [tilespmem:v53+s17+$0x0], $0xffff;
	[tilespmem:s16+$0x0] =	vst v54  }
0x22a: {  	v60 =	vadd.s32 $0x2480, v25;
	[tilespmem:s3+$0x80] =	vst v32;
	v62 =	vld.idx.msk [tilespmem:v56+s17+$0x0], $0xffff  }
0x22b: {  	v61 =	vadd.s32 $0x4800, v26;
	[tilespmem:s6+$0x80] =	vst v30;
	v30 =	vld.idx.msk [tilespmem:v57+s17+$0x0], $0xffff  }
0x22c: {  	v63 =	vadd.s32 $0x4880, v31;
	s7 =	sor.u32 s26, s12;
	v33 =	vld.idx.msk [tilespmem:v59+s17+$0x0], $0xffff  }
0x22d: {  	s22 =	sadd.s32 $0x13E80, s21;
	v44 =	vadd.s32 $0x2500, v24;
	s5 =	sor.u32 s13, s11;
	s11 =	simm.s32 $0x60;
	v29 =	vld.idx.msk [tilespmem:v29+s17+$0x0], $0xffff;
	[tilespmem:s7+$0x0] =	vst v58  }
0x22e: {  	s25 =	sor.u32 s14, s22;
	v46 =	vor.u32 $0x180, v27;
	s23 =	sadd.s32 $0x12B00, s29;
	v40 =	vld [tilespmem:s11+$0x0];
	[tilespmem:s5+$0x0] =	vst v34  }
0x22f: {  	v45 =	vor.u32 $0x180, v28;
	s31 =	sor.u32 s28, s23;
	v39 =	vld.idx.msk [tilespmem:v60+s17+$0x0], $0xffff;
	[tilespmem:s25+$0x0] =	vst v62  }
0x230: {  	v47 =	vadd.s32 $0x2500, v25;
	v35 =	vld.idx.msk [tilespmem:v61+s17+$0x0], $0xffff;
	[tilespmem:s31+$0x0] =	vst v30  }
0x231: {  	v30 =	vadd.s32 $0x4880, v26;
	[tilespmem:s3+$0x100] =	vst v33;
	v32 =	vld.idx.msk [tilespmem:v63+s17+$0x0], $0xffff  }
0x232: {  	v48 =	vadd.s32 $0x4900, v31;
	[tilespmem:s6+$0x100] =	vst v29;
	v29 =	vld.idx.msk [tilespmem:v44+s17+$0x0], $0xffff  }
0x233: {  	v50 =	vadd.s32 $0x2580, v24;
	s7 =	sor.u32 s26, s23;
	v34 =	vld.idx.msk [tilespmem:v46+s17+$0x0], $0xffff  }
0x234: {  	s10 =	sadd.s32 $0x13F00, s21;
	v52 =	vor.u32 $0x200, v27;
	s5 =	sor.u32 s13, s22;
	v49 =	vld.idx.msk [tilespmem:v45+s17+$0x0], $0xffff;
	[tilespmem:s7+$0x0] =	vst v39  }
0x235: {  	s12 =	sadd.s32 $0x12B80, s29;
	v51 =	vor.u32 $0x200, v28;
	s16 =	sor.u32 s14, s10;
	v39 =	vld.idx.msk [tilespmem:v47+s17+$0x0], $0xffff;
	[tilespmem:s5+$0x0] =	vst v35  }
0x236: {  	s19 =	sor.u32 s28, s12;
	v53 =	vadd.s32 $0x2580, v25;
	v30 =	vld.idx.msk [tilespmem:v30+s17+$0x0], $0xffff;
	[tilespmem:s16+$0x0] =	vst v32  }
0x237: {  	[tilespmem:s19+$0x0] =	vst v29;
	v29 =	vadd.s32 $0x4900, v26;
	v32 =	vld.idx.msk [tilespmem:v48+s17+$0x0], $0xffff  }
0x238: {  	v55 =	vadd.s32 $0x4980, v31;
	[tilespmem:s3+$0x180] =	vst v34;
	v54 =	vld.idx.msk [tilespmem:v50+s17+$0x0], $0xffff  }
0x239: {  	v57 =	vadd.s32 $0x2600, v24;
	s5 =	sor.u32 s26, s12;
	[tilespmem:s6+$0x180] =	vst v49;
	v35 =	vld.idx.msk [tilespmem:v52+s17+$0x0], $0xffff  }
0x23a: {  	s22 =	sadd.s32 $0x13F80, s21;
	s7 =	sor.u32 s13, s10;
	v56 =	vld.idx.msk [tilespmem:v51+s17+$0x0], $0xffff;
	[tilespmem:s5+$0x0] =	vst v39  }
0x23b: {  	v58 =	vor.u32 $0x280, v28;
	s23 =	sadd.s32 $0x12C00, s29;
	s25 =	sor.u32 s14, s22;
	v39 =	vld.idx.msk [tilespmem:v53+s17+$0x0], $0xffff;
	[tilespmem:s7+$0x0] =	vst v30  }
0x23c: {  	s31 =	sor.u32 s28, s23;
	v30 =	vor.u32 $0x280, v27;
	s7 =	sand.u32 $0x60, s11;
	v29 =	vld.idx.msk [tilespmem:v29+s17+$0x0], $0xffff;
	[tilespmem:s25+$0x0] =	vst v32  }
0x23d: {  	v59 =	vadd.s32 $0x2600, v25;
	s12 =	sand.u32 $0x180, s11;
	s8 =	sor.u32 $0x10, s7;
	[tilespmem:s31+$0x0] =	vst v54;
	v32 =	vld.idx.msk [tilespmem:v55+s17+$0x0], $0xffff  }
0x23e: {  	v60 =	vadd.s32 $0x4980, v26;
	s16 =	sor.u32 s8, s12;
	v33 =	vld.idx.msk [tilespmem:v57+s17+$0x0], $0xffff  }
0x23f: {  	v62 =	vadd.s32 $0x4A00, v31;
	[tilespmem:s6+$0x200] =	vst v56;
	v47 =	vld [tilespmem:s16+$0x0]  }
0x240: {  	v45 =	vadd.s32 $0x2680, v24;
	s10 =	sor.u32 s26, s23;
	[tilespmem:s3+$0x200] =	vst v35;
	v61 =	vld.idx.msk [tilespmem:v58+s17+$0x0], $0xffff  }
0x241: {  	v46 =	vor.u32 $0x300, v28;
	s19 =	sor.u32 $0x14000, s21;
	s5 =	sor.u32 s13, s22;
	v63 =	vld.idx.msk [tilespmem:v30+s17+$0x0], $0xffff;
	[tilespmem:s10+$0x0] =	vst v39  }
0x242: {  	v43 =	vor.u32 $0x300, v27;
	s23 =	sadd.s32 $0x12C80, s29;
	s25 =	sor.u32 s14, s19;
	v41 =	vld.idx.msk [tilespmem:v59+s17+$0x0], $0xffff;
	[tilespmem:s5+$0x0] =	vst v29;
	v29 =	vshll.u32 v40, $0x3  }
0x243: {  	v48 =	vadd.s32 $0x2680, v25;
	s31 =	sor.u32 s28, s23;
	v30 =	vand.u32 $0x7F, v40;
	v29 =	vand.u32 $0xFFFFFC00, v29;
	v34 =	vld.idx.msk [tilespmem:v60+s17+$0x0], $0xffff;
	[tilespmem:s25+$0x0] =	vst v32  }
0x244: {  	v30 =	vor.u32 v30, v29;
	[tilespmem:s31+$0x0] =	vst v33;
	v32 =	vld.idx.msk [tilespmem:v62+s17+$0x0], $0xffff  }
0x245: {  	v49 =	vadd.s32 $0x4A00, v26;
	[tilespmem:s6+$0x280] =	vst v61;
	v33 =	vld.idx.msk [tilespmem:v45+s17+$0x0], $0xffff  }
0x246: {  	v51 =	vadd.s32 $0x4A80, v31;
	s22 =	simm.s32 $0x2;
	s5 =	sor.u32 s26, s23;
	v29 =	vshll.u32 v47, $0x3;
	[tilespmem:s3+$0x280] =	vst v63;
	v50 =	vld.idx.msk [tilespmem:v46+s17+$0x0], $0xffff  }
0x247: {  	v53 =	vadd.s32 $0x2700, v24;
	s16 =	sand.u32 $0x3, s22;
	v54 =	vand.u32 $0x7F, v47;
	v29 =	vand.u32 $0xFFFFFC00, v29;
	v52 =	vld.idx.msk [tilespmem:v43+s17+$0x0], $0xffff;
	[tilespmem:s5+$0x0] =	vst v41  }
0x248: {  	s19 =	sor.u32 s13, s19;
	s6 =	sor.u32 $0x14080, s21;
	s3 =	sshll.u32 s16, $0x5;
	v29 =	vor.u32 v54, v29;
	v40 =	vld.idx.msk [tilespmem:v48+s17+$0x0], $0xffff  }
0x249: {  	v55 =	vor.u32 $0x380, v28;
	s23 =	sadd.s32 $0x12D00, s29;
	s25 =	sor.u32 s14, s6;
	s3 =	sadd.s32 $0x200, s3;
	[tilespmem:s19+$0x0] =	vst v34;
	v43 =	vld.idx.msk [tilespmem:v30+s17+$0x0], $0xffff  }
0x24a: {  	v56 =	vor.u32 $0x380, v27;
	s31 =	sor.u32 s28, s23;
	s12 =	sadd.s32 $0x10, s3;
	v35 =	vld.idx.msk [tilespmem:v49+s17+$0x0], $0xffff;
	[tilespmem:s25+$0x0] =	vst v32  }
0x24b: {  	v57 =	vadd.s32 $0x2700, v25;
	s16 =	sor.u32 $0x300, s12;
	[tilespmem:s31+$0x0] =	vst v33;
	v58 =	vld.idx.msk [tilespmem:v51+s17+$0x0], $0xffff  }
0x24c: {  	v60 =	vadd.s32 $0x4A80, v26;
	s3 =	sor.u32 $0x300, s3;
	[tilespmem:s16+$0x11680] =	vst v50;
	v59 =	vld.idx.msk [tilespmem:v53+s17+$0x0], $0xffff  }
0x24d: {  	v62 =	vadd.s32 $0x4B00, v31;
	s19 =	sor.u32 s26, s23;
	v63 =	vld.idx.msk [tilespmem:v29+s17+$0x0], $0xffff;
	[tilespmem:s3+$0x11680] =	vst v52  }
0x24e: {  	s9 =	sor.u32 $0x14100, s21;
	s6 =	sor.u32 s13, s6;
	v48 =	vadd.s32 $0x2780, v24;
	v61 =	vld.idx.msk [tilespmem:v55+s17+$0x0], $0xffff;
	s3 =	simm.s32 $0x300;
	[tilespmem:s19+$0x0] =	vst v40  }
0x24f: {  	v44 =	vor.u32 $0x80, v29;
	s5 =	sadd.s32 $0x12D80, s29;
	s23 =	sor.u32 s14, s9;
	v34 =	vld.idx.msk [tilespmem:v56+s17+$0x0], $0xffff;
	s10 =	sand.u32 $0xC00, s3;
	[tilespmem:s6+$0x0] =	vst v35  }
0x250: {  	s25 =	sor.u32 s28, s5;
	v50 =	vor.u32 $0x80, v30;
	v45 =	vld.idx.msk [tilespmem:v57+s17+$0x0], $0xffff;
	s31 =	sadd.s32 $0x11680, s10;
	[tilespmem:s23+$0x0] =	vst v58  }
0x251: {  	v49 =	vadd.s32 $0x2400, v28;
	v32 =	vld.idx.msk [tilespmem:v60+s17+$0x0], $0xffff;
	s16 =	sor.u32 s8, s31;
	[tilespmem:s25+$0x0] =	vst v59  }
0x252: {  	v51 =	vadd.s32 $0x2400, v27;
	s19 =	sor.u32 s7, s31;
	[tilespmem:s16+$0x0] =	vst v63;
	v52 =	vld.idx.msk [tilespmem:v62+s17+$0x0], $0xffff  }
0x253: {  	s1 =	sor.u32 s4, s1;
	s12 =	sor.u32 $0x380, s12;
	v53 =	vadd.s32 $0x2780, v25;
	[tilespmem:s19+$0x0] =	vst v43;
	v54 =	vld.idx.msk [tilespmem:v48+s17+$0x0], $0xffff  }
0x254: {  	s1 =	sor.u32 $0x380, s1;
	v31 =	vadd.s32 $0x4B80, v31;
	[tilespmem:s12+$0x11680] =	vst v61;
	v56 =	vld.idx.msk [tilespmem:v44+s17+$0x0], $0xffff  }
0x255: {  	s5 =	sor.u32 s26, s5;
	v57 =	vadd.s32 $0x4800, v24;
	v58 =	vld.idx.msk [tilespmem:v50+s17+$0x0], $0xffff;
	[tilespmem:s1+$0x11680] =	vst v34;
	s1 =	sor.u32 $0x14180, s21  }
0x256: {  	s4 =	sadd.s32 $0x12E00, s29;
	v60 =	vor.u32 $0x100, v29;
	v55 =	vld.idx.msk [tilespmem:v49+s17+$0x0], $0xffff;
	[tilespmem:s5+$0x0] =	vst v45;
	s6 =	sor.u32 s14, s1  }
0x257: {  	v59 =	vadd.s32 $0x2480, v28;
	s12 =	sor.u32 s28, s4;
	v61 =	vld.idx.msk [tilespmem:v51+s17+$0x0], $0xffff;
	[tilespmem:s6+$0x0] =	vst v52  }
0x258: {  	v62 =	vor.u32 $0x100, v30;
	v37 =	vld.idx.msk [tilespmem:v53+s17+$0x0], $0xffff;
	[tilespmem:s12+$0x0] =	vst v54  }
0x259: {  	s23 =	sadd.s32 $0x12A80, s2;
	v63 =	vadd.s32 $0x2480, v27;
	[tilespmem:s16+$0x80] =	vst v56;
	v46 =	vld.idx.msk [tilespmem:v31+s17+$0x0], $0xffff  }
0x25a: {  	v47 =	vadd.s32 $0x4800, v25;
	s25 =	sor.u32 s0, s23;
	[tilespmem:s19+$0x80] =	vst v58;
	v33 =	vld.idx.msk [tilespmem:v57+s17+$0x0], $0xffff  }
0x25b: {  	s31 =	sor.u32 s3, s11;
	s23 =	sor.u32 s30, s23;
	s4 =	sor.u32 s26, s4;
	[tilespmem:s25+$0x0] =	vst v55;
	v39 =	vld.idx.msk [tilespmem:v60+s17+$0x0], $0xffff  }
0x25c: {  	s21 =	sor.u32 $0x14200, s21;
	s5 =	sor.u32 $0x380, s31;
	s1 =	sor.u32 s13, s1;
	v31 =	vadd.s32 $0x4880, v24;
	v35 =	vld.idx.msk [tilespmem:v59+s17+$0x0], $0xffff;
	[tilespmem:s23+$0x0] =	vst v61  }
0x25d: {  	s31 =	sor.u32 s14, s21;
	s6 =	simm.s32 $0x6;
	s12 =	sor.u32 s13, s9;
	v38 =	vld.idx.msk [tilespmem:v62+s17+$0x0], $0xffff;
	[tilespmem:s4+$0x0] =	vst v37;
	v37 =	vadd.s32 $0x2500, v28  }
0x25e: {  	v40 =	vor.u32 $0x180, v29;
	s9 =	simm.s32 $0x80;
	s13 =	sor.u32 s13, s21;
	s25 =	sadd.s32 $0x13E80, s29;
	v36 =	vld.idx.msk [tilespmem:v63+s17+$0x0], $0xffff  }
0x25f: {  	v41 =	vor.u32 $0x180, v30;
	s21 =	sadd.s32 $0x12B00, s2;
	s14 =	sor.u32 s28, s25;
	s4 =	sor.u32 s26, s25;
	v34 =	vld.idx.msk [tilespmem:v47+s17+$0x0], $0xffff;
	[tilespmem:s31+$0x0] =	vst v46  }
.LBB2_5:
0x260: {  	v42 =	vld [tilespmem:s9+$0x0];
	s25 =	sor.u32 s30, s21;
	v43 =	vadd.s32 $0x2500, v27;
	s21 =	sor.u32 s0, s21;
	[tilespmem:s14+$0x0] =	vst v33;
	s14 =	smov.u32 s26  }
0x261: {  	v33 =	vadd.s32 $0x4880, v25;
	s26 =	smov.u32 s30;
	s30 =	smov.u32 s7;
	[tilespmem:s21+$0x0] =	vst v35;
	v31 =	vld.idx.msk [tilespmem:v31+s17+$0x0], $0xffff;
	s21 =	smov.u32 s28  }
0x262: {  	s23 =	smov.u32 s2;
	s28 =	smov.u32 s0;
	s0 =	smov.u32 s8;
	[tilespmem:s16+$0x100] =	vst v39;
	v35 =	vld.idx.msk [tilespmem:v37+s17+$0x0], $0xffff;
	v37 =	vadd.s32 $0x4B00, v26  }
0x263: {  	s2 =	smov.u32 s10;
	v39 =	vadd.s32 $0x4900, v24;
	[tilespmem:s19+$0x100] =	vst v38;
	v38 =	vld.idx.msk [tilespmem:v40+s17+$0x0], $0xffff  }
0x264: {  	v40 =	vld.idx.msk [tilespmem:v41+s17+$0x0], $0xffff;
	[tilespmem:s25+$0x0] =	vst v36;
	v36 =	vadd.s32 $0x2580, v28  }
0x265: {  	v41 =	vor.u32 $0x200, v29;
	v43 =	vld.idx.msk [tilespmem:v43+s17+$0x0], $0xffff;
	[tilespmem:s4+$0x0] =	vst v34;
	s4 =	sadd.s32 $0x13F00, s29  }
0x266: {  	s7 =	sadd.s32 $0x12B80, s23;
	v34 =	vor.u32 $0x200, v30;
	v33 =	vld.idx.msk [tilespmem:v33+s17+$0x0], $0xffff;
	s8 =	sor.u32 s14, s4;
	s4 =	sor.u32 s21, s4;
	[tilespmem:s12+$0x0] =	vst v32  }
0x267: {  	s10 =	sor.u32 s26, s7;
	s7 =	sor.u32 s28, s7;
	v32 =	vadd.s32 $0x2580, v27;
	[tilespmem:s4+$0x0] =	vst v31;
	v31 =	vld.idx.msk [tilespmem:v37+s17+$0x0], $0xffff  }
0x268: {  	[tilespmem:s7+$0x0] =	vst v35;
	v35 =	vadd.s32 $0x4900, v25;
	v37 =	vld.idx.msk [tilespmem:v39+s17+$0x0], $0xffff  }
0x269: {  	[tilespmem:s16+$0x180] =	vst v38;
	v36 =	vld.idx.msk [tilespmem:v36+s17+$0x0], $0xffff;
	v38 =	vadd.s32 $0x4B80, v26;
	v26 =	vmovc v25;
	v25 =	vmov v27;
	v27 =	vmov v30  }
0x26a: {  	v39 =	vadd.s32 $0x4980, v24;
	[tilespmem:s19+$0x180] =	vst v40;
	v30 =	vld.idx.msk [tilespmem:v41+s17+$0x0], $0xffff  }
0x26b: {  	v40 =	vadd.s32 $0x2600, v28;
	v34 =	vld.idx.msk [tilespmem:v34+s17+$0x0], $0xffff;
	[tilespmem:s10+$0x0] =	vst v43  }
0x26c: {  	s4 =	sadd.s32 $0x13F80, s29;
	v41 =	vor.u32 $0x280, v29;
	v32 =	vld.idx.msk [tilespmem:v32+s17+$0x0], $0xffff;
	[tilespmem:s8+$0x0] =	vst v33  }
0x26d: {  	s7 =	sadd.s32 $0x12C00, s23;
	s10 =	sor.u32 s14, s4;
	s4 =	sor.u32 s21, s4;
	v33 =	vor.u32 $0x280, v27;
	v35 =	vld.idx.msk [tilespmem:v35+s17+$0x0], $0xffff;
	[tilespmem:s1+$0x0] =	vst v31  }
0x26e: {  	s1 =	sor.u32 s26, s7;
	v31 =	vadd.s32 $0x2600, v25;
	s7 =	sor.u32 s28, s7;
	[tilespmem:s4+$0x0] =	vst v37;
	v37 =	vld.idx.msk [tilespmem:v38+s17+$0x0], $0xffff  }
0x26f: {  	[tilespmem:s7+$0x0] =	vst v36;
	v36 =	vld.idx.msk [tilespmem:v39+s17+$0x0], $0xffff  }
0x270: {  	s11 =	sadd.s32 $0x20, s11;
	[tilespmem:s16+$0x200] =	vst v30;
	v38 =	vld.idx.msk [tilespmem:v40+s17+$0x0], $0xffff;
	v30 =	vadd.s32 $0x4980, v26  }
0x271: {  	s6 =	sadd.s32 $0x2, s6;
	s7 =	sand.u32 $0x60, s11;
	v39 =	vadd.s32 $0x4A00, v24;
	[tilespmem:s19+$0x200] =	vst v34;
	v34 =	vld.idx.msk [tilespmem:v41+s17+$0x0], $0xffff  }
0x272: {  	p0 =	slt.u32 s6, $0x1E;
	s4 =	sand.u32 $0x180, s11;
	s8 =	sor.u32 $0x10, s7;
	v33 =	vld.idx.msk [tilespmem:v33+s17+$0x0], $0xffff;
	[tilespmem:s1+$0x0] =	vst v32;
	v32 =	vadd.s32 $0x2680, v28  }
0x273: {  	v40 =	vor.u32 $0x300, v29;
	s1 =	sor.u32 s8, s4;
	s4 =	sor.u32 $0x14000, s29;
	v31 =	vld.idx.msk [tilespmem:v31+s17+$0x0], $0xffff;
	[tilespmem:s10+$0x0] =	vst v35  }
0x274: {  	v43 =	vor.u32 $0x300, v27;
	v35 =	vshll.u32 v42, $0x3;
	s10 =	sor.u32 s14, s4;
	s4 =	sor.u32 s21, s4;
	v41 =	vld [tilespmem:s1+$0x0];
	s1 =	sadd.s32 $0x12C80, s23;
	[tilespmem:s13+$0x0] =	vst v37  }
0x275: {  	v37 =	vand.u32 $0x7F, v42;
	v35 =	vand.u32 $0xFFFFFC00, v35;
	v42 =	vadd.s32 $0x2680, v25;
	s12 =	sor.u32 s26, s1;
	s1 =	sor.u32 s28, s1;
	v44 =	vld.idx.msk [tilespmem:v30+s17+$0x0], $0xffff;
	[tilespmem:s4+$0x0] =	vst v36  }
0x276: {  	v30 =	vor.u32 v37, v35;
	[tilespmem:s1+$0x0] =	vst v38;
	v35 =	vld.idx.msk [tilespmem:v39+s17+$0x0], $0xffff  }
0x277: {  	[tilespmem:s16+$0x280] =	vst v34;
	v32 =	vld.idx.msk [tilespmem:v32+s17+$0x0], $0xffff;
	v34 =	vadd.s32 $0x4A00, v26  }
0x278: {  	s22 =	sadd.s32 $0x1, s22;
	v36 =	vadd.s32 $0x4A80, v24;
	[tilespmem:s19+$0x280] =	vst v33;
	v33 =	vld.idx.msk [tilespmem:v40+s17+$0x0], $0xffff  }
0x279: {  	s1 =	sand.u32 $0x3, s22;
	v37 =	vshll.u32 v41, $0x3;
	v38 =	vld.idx.msk [tilespmem:v43+s17+$0x0], $0xffff;
	[tilespmem:s12+$0x0] =	vst v31;
	v31 =	vadd.s32 $0x2700, v28  }
0x27a: {  	s4 =	sor.u32 $0x14080, s29;
	s1 =	sshll.u32 s1, $0x5;
	v40 =	vor.u32 $0x380, v29;
	v39 =	vand.u32 $0x7F, v41;
	v37 =	vand.u32 $0xFFFFFC00, v37;
	v41 =	vld.idx.msk [tilespmem:v42+s17+$0x0], $0xffff  }
0x27b: {  	s1 =	sadd.s32 s1, s3;
	s12 =	sadd.s32 $0x12D00, s23;
	v42 =	vld.idx.msk [tilespmem:v30+s17+$0x0], $0xffff;
	v37 =	vor.u32 v39, v37;
	[tilespmem:s10+$0x0] =	vst v44;
	s10 =	sor.u32 s21, s4  }
0x27c: {  	s13 =	sor.u32 $0x300, s1;
	s1 =	sadd.s32 $0x10, s1;
	s16 =	sor.u32 s28, s12;
	v39 =	vor.u32 $0x380, v27;
	v34 =	vld.idx.msk [tilespmem:v34+s17+$0x0], $0xffff;
	[tilespmem:s10+$0x0] =	vst v35  }
0x27d: {  	s12 =	sor.u32 s26, s12;
	s4 =	sor.u32 s14, s4;
	s10 =	sor.u32 $0x300, s1;
	v35 =	vadd.s32 $0x2700, v25;
	[tilespmem:s16+$0x0] =	vst v32;
	v36 =	vld.idx.msk [tilespmem:v36+s17+$0x0], $0xffff  }
0x27e: {  	v32 =	vadd.s32 $0x4A80, v26;
	[tilespmem:s10+$0x11680] =	vst v33;
	v31 =	vld.idx.msk [tilespmem:v31+s17+$0x0], $0xffff  }
0x27f: {  	[tilespmem:s13+$0x11680] =	vst v38;
	v33 =	vld.idx.msk [tilespmem:v40+s17+$0x0], $0xffff;
	v38 =	vadd.s32 $0x4B00, v24  }
0x280: {  	v40 =	vld.idx.msk [tilespmem:v37+s17+$0x0], $0xffff;
	[tilespmem:s12+$0x0] =	vst v41;
	v41 =	vadd.s32 $0x2780, v28  }
0x281: {  	v43 =	vadd.s32 $0x2400, v29;
	s12 =	sor.u32 $0x14100, s29;
	v39 =	vld.idx.msk [tilespmem:v39+s17+$0x0], $0xffff  }
0x282: {  	s3 =	sadd.s32 $0x100, s3;
	v44 =	vor.u32 $0x80, v37;
	s13 =	sadd.s32 $0x12D80, s23;
	v35 =	vld.idx.msk [tilespmem:v35+s17+$0x0], $0xffff;
	[tilespmem:s4+$0x0] =	vst v34;
	s4 =	sor.u32 s21, s12  }
0x283: {  	s16 =	sor.u32 s3, s11;
	s10 =	sand.u32 $0xC00, s3;
	s19 =	sor.u32 s28, s13;
	v34 =	vor.u32 $0x80, v30;
	v32 =	vld.idx.msk [tilespmem:v32+s17+$0x0], $0xffff;
	[tilespmem:s4+$0x0] =	vst v36  }
0x284: {  	s1 =	sor.u32 $0x380, s1;
	s25 =	sor.u32 $0x380, s16;
	s4 =	sadd.s32 $0x11680, s10;
	v36 =	vadd.s32 $0x2400, v27;
	[tilespmem:s19+$0x0] =	vst v31;
	v31 =	vld.idx.msk [tilespmem:v38+s17+$0x0], $0xffff  }
0x285: {  	s19 =	sor.u32 s7, s4;
	s16 =	sor.u32 s8, s4;
	[tilespmem:s1+$0x11680] =	vst v33;
	s1 =	sor.u32 s26, s13;
	v33 =	vadd.s32 $0x2780, v25;
	v38 =	vld.idx.msk [tilespmem:v41+s17+$0x0], $0xffff  }
0x286: {  	s12 =	sor.u32 s14, s12;
	v41 =	vadd.s32 $0x4B80, v24;
	v24 =	vmovc v28;
	v28 =	vmov v29;
	v29 =	vmov v37;
	[tilespmem:s16+$0x0] =	vst v40;
	v40 =	vld.idx.msk [tilespmem:v43+s17+$0x0], $0xffff  }
0x287: {  	[tilespmem:s19+$0x0] =	vst v42;
	v37 =	vld.idx.msk [tilespmem:v44+s17+$0x0], $0xffff;
	v42 =	vadd.s32 $0x4800, v24  }
0x288: {  	s4 =	sor.u32 $0x14180, s29;
	v34 =	vld.idx.msk [tilespmem:v34+s17+$0x0], $0xffff;
	[tilespmem:s5+$0x11680] =	vst v39;
	v39 =	vadd.s32 $0x2480, v28;
	s5 =	smov.u32 s25  }
0x289: {  	s13 =	sadd.s32 $0x12E00, s23;
	v43 =	vor.u32 $0x100, v29;
	v36 =	vld.idx.msk [tilespmem:v36+s17+$0x0], $0xffff;
	[tilespmem:s1+$0x0] =	vst v35;
	s1 =	sor.u32 s14, s4;
	s4 =	sor.u32 s21, s4  }
0x28a: {  	s31 =	sor.u32 s26, s13;
	s13 =	sor.u32 s28, s13;
	v44 =	vor.u32 $0x100, v30;
	s25 =	sadd.s32 $0x12A80, s2;
	v45 =	vld.idx.msk [tilespmem:v33+s17+$0x0], $0xffff;
	[tilespmem:s4+$0x0] =	vst v31  }
0x28b: {  	v46 =	vadd.s32 $0x2480, v27;
	s4 =	sor.u32 s30, s25;
	s25 =	sor.u32 s0, s25;
	[tilespmem:s13+$0x0] =	vst v38;
	v47 =	vld.idx.msk [tilespmem:v41+s17+$0x0], $0xffff  }
0x28c: {  	v48 =	vadd.s32 $0x4800, v25;
	[tilespmem:s25+$0x0] =	vst v40;
	v33 =	vld.idx.msk [tilespmem:v42+s17+$0x0], $0xffff  }
.Ltmp1:
0x28d: {  	[tilespmem:s16+$0x80] =	vst v37;
	v35 =	vld.idx.msk [tilespmem:v39+s17+$0x0], $0xffff;
	(pc) =	sbr.rel @p0 .LBB2_5-.Ltmp1, $4  }
0x28e: {  	v31 =	vadd.s32 $0x4880, v24;
	[tilespmem:s19+$0x80] =	vst v34;
	v39 =	vld.idx.msk [tilespmem:v43+s17+$0x0], $0xffff  }
0x28f: {  	s9 =	sadd.s32 $0x20, s9;
	v37 =	vadd.s32 $0x2500, v28;
	v38 =	vld.idx.msk [tilespmem:v44+s17+$0x0], $0xffff;
	[tilespmem:s4+$0x0] =	vst v36;
	s4 =	sor.u32 $0x14200, s29;
	s29 =	smov.u32 s23  }
0x290: {  	v40 =	vor.u32 $0x180, v29;
	v36 =	vld.idx.msk [tilespmem:v46+s17+$0x0], $0xffff;
	[tilespmem:s31+$0x0] =	vst v45;
	s23 =	sadd.s32 $0x13E80, s29;
	s13 =	sor.u32 s14, s4;
	s25 =	sor.u32 s21, s4  }
0x291: {  	v41 =	vor.u32 $0x180, v30;
	s21 =	sadd.s32 $0x12B00, s2;
	v34 =	vld.idx.msk [tilespmem:v48+s17+$0x0], $0xffff;
	s4 =	sor.u32 s26, s23;
	s14 =	sor.u32 s28, s23;
	[tilespmem:s25+$0x0] =	vst v47  }
0x292: {  	_ =	sdelay $0x2  }
0x293: {  	[tilespmem:s16+$0x100] =	vst v39  }
0x294: {  	[tilespmem:s19+$0x100] =	vst v38;
	v56 =	vld.idx.msk [tilespmem:v40+s17+$0x0], $0xffff  }
0x295: {  	v58 =	vor.u32 $0x200, v29;
	v57 =	vld.idx.msk [tilespmem:v41+s17+$0x0], $0xffff  }
0x296: {  	v59 =	vor.u32 $0x200, v30;
	_ =	sdelay $0x2  }
0x297: {  	[tilespmem:s16+$0x180] =	vst v56  }
0x298: {  	[tilespmem:s19+$0x180] =	vst v57;
	v38 =	vld.idx.msk [tilespmem:v58+s17+$0x0], $0xffff  }
0x299: {  	v60 =	vor.u32 $0x280, v29;
	v39 =	vld.idx.msk [tilespmem:v59+s17+$0x0], $0xffff  }
0x29a: {  	v61 =	vor.u32 $0x280, v30;
	_ =	sdelay $0x2  }
0x29b: {  	[tilespmem:s16+$0x200] =	vst v38  }
0x29c: {  	[tilespmem:s19+$0x200] =	vst v39;
	v38 =	vld.idx.msk [tilespmem:v60+s17+$0x0], $0xffff  }
0x29d: {  	v62 =	vor.u32 $0x300, v29;
	v39 =	vld.idx.msk [tilespmem:v61+s17+$0x0], $0xffff  }
0x29e: {  	v63 =	vor.u32 $0x300, v30;
	_ =	sdelay $0x2  }
0x29f: {  	s6 =	sadd.s32 $0x1, s22;
	[tilespmem:s16+$0x280] =	vst v38  }
0x2a0: {  	s6 =	sand.u32 $0x3, s6;
	[tilespmem:s19+$0x280] =	vst v39;
	v38 =	vld.idx.msk [tilespmem:v62+s17+$0x0], $0xffff  }
0x2a1: {  	v44 =	vor.u32 $0x380, v29;
	s6 =	sshll.u32 s6, $0x5;
	v39 =	vld.idx.msk [tilespmem:v63+s17+$0x0], $0xffff  }
0x2a2: {  	v45 =	vor.u32 $0x380, v30;
	s3 =	sadd.s32 s6, s3  }
0x2a3: {  	s6 =	sadd.s32 $0x10, s3  }
0x2a4: {  	s9 =	sor.u32 $0x300, s6  }
0x2a5: {  	s3 =	sor.u32 $0x300, s3;
	[tilespmem:s9+$0x11680] =	vst v38  }
0x2a6: {  	[tilespmem:s3+$0x11680] =	vst v39;
	v38 =	vld.idx.msk [tilespmem:v44+s17+$0x0], $0xffff  }
0x2a7: {  	v46 =	vadd.s32 $0x2400, v29;
	v39 =	vld.idx.msk [tilespmem:v45+s17+$0x0], $0xffff  }
0x2a8: {  	v47 =	vadd.s32 $0x2400, v30;
	_ =	sdelay $0x1  }
0x2a9: {  	s11 =	sor.u32 $0x380, s6  }
0x2aa: {  	[tilespmem:s11+$0x11680] =	vst v38  }
0x2ab: {  	v38 =	vld.idx.msk [tilespmem:v46+s17+$0x0], $0xffff;
	[tilespmem:s5+$0x11680] =	vst v39  }
0x2ac: {  	v48 =	vadd.s32 $0x2480, v29;
	v49 =	vld.idx.msk [tilespmem:v47+s17+$0x0], $0xffff  }
0x2ad: {  	v50 =	vadd.s32 $0x2480, v30  }
0x2ae: {  	s16 =	sadd.s32 $0x12A80, s10  }
0x2af: {  	s19 =	sor.u32 s8, s16  }
0x2b0: {  	s3 =	sor.u32 s7, s16;
	[tilespmem:s19+$0x0] =	vst v38  }
0x2b1: {  	v51 =	vadd.s32 $0x2500, v27;
	v39 =	vld.idx.msk [tilespmem:v48+s17+$0x0], $0xffff;
	[tilespmem:s3+$0x0] =	vst v49  }
0x2b2: {  	v52 =	vadd.s32 $0x2500, v29;
	s22 =	sor.u32 s0, s21;
	v41 =	vld.idx.msk [tilespmem:v50+s17+$0x0], $0xffff  }
0x2b3: {  	v42 =	vadd.s32 $0x2500, v30;
	[tilespmem:s22+$0x0] =	vst v35  }
0x2b4: {  	s23 =	sor.u32 s30, s21;
	s25 =	sadd.s32 $0x12B00, s10;
	v35 =	vld.idx.msk [tilespmem:v37+s17+$0x0], $0xffff  }
0x2b5: {  	v53 =	vadd.s32 $0x2580, v28;
	s31 =	sor.u32 s8, s25;
	[tilespmem:s23+$0x0] =	vst v36  }
0x2b6: {  	v54 =	vld.idx.msk [tilespmem:v51+s17+$0x0], $0xffff;
	s3 =	sor.u32 s7, s25;
	[tilespmem:s31+$0x0] =	vst v39  }
0x2b7: {  	v55 =	vadd.s32 $0x2580, v27;
	s6 =	sadd.s32 $0x12B80, s2;
	v39 =	vld.idx.msk [tilespmem:v52+s17+$0x0], $0xffff;
	[tilespmem:s3+$0x0] =	vst v41  }
0x2b8: {  	v56 =	vadd.s32 $0x2580, v29;
	s9 =	sor.u32 s0, s6;
	v41 =	vld.idx.msk [tilespmem:v42+s17+$0x0], $0xffff  }
0x2b9: {  	v57 =	vadd.s32 $0x2580, v30;
	[tilespmem:s9+$0x0] =	vst v35  }
0x2ba: {  	v35 =	vld.idx.msk [tilespmem:v53+s17+$0x0], $0xffff;
	s11 =	sadd.s32 $0x12B80, s10;
	s3 =	sor.u32 s30, s6  }
0x2bb: {  	v58 =	vadd.s32 $0x2600, v28;
	s16 =	sor.u32 s8, s11;
	[tilespmem:s3+$0x0] =	vst v54  }
0x2bc: {  	s5 =	sor.u32 s7, s11;
	v37 =	vld.idx.msk [tilespmem:v55+s17+$0x0], $0xffff;
	[tilespmem:s16+$0x0] =	vst v39  }
0x2bd: {  	v59 =	vadd.s32 $0x2600, v27;
	s19 =	sadd.s32 $0x12C00, s2;
	v39 =	vld.idx.msk [tilespmem:v56+s17+$0x0], $0xffff;
	[tilespmem:s5+$0x0] =	vst v41  }
0x2be: {  	v60 =	vadd.s32 $0x2600, v29;
	s21 =	sor.u32 s0, s19;
	v41 =	vld.idx.msk [tilespmem:v57+s17+$0x0], $0xffff  }
0x2bf: {  	v61 =	vadd.s32 $0x2600, v30;
	[tilespmem:s21+$0x0] =	vst v35  }
0x2c0: {  	s22 =	sadd.s32 $0x12C00, s10;
	v35 =	vld.idx.msk [tilespmem:v58+s17+$0x0], $0xffff;
	s3 =	sor.u32 s30, s19  }
0x2c1: {  	s23 =	sor.u32 s8, s22;
	v62 =	vadd.s32 $0x2680, v28;
	[tilespmem:s3+$0x0] =	vst v37  }
0x2c2: {  	s5 =	sor.u32 s7, s22;
	v37 =	vld.idx.msk [tilespmem:v59+s17+$0x0], $0xffff;
	[tilespmem:s23+$0x0] =	vst v39  }
0x2c3: {  	v63 =	vadd.s32 $0x2680, v27;
	s25 =	sadd.s32 $0x12C80, s2;
	v39 =	vld.idx.msk [tilespmem:v60+s17+$0x0], $0xffff;
	[tilespmem:s5+$0x0] =	vst v41  }
0x2c4: {  	v45 =	vadd.s32 $0x2680, v29;
	s31 =	sor.u32 s0, s25;
	v41 =	vld.idx.msk [tilespmem:v61+s17+$0x0], $0xffff  }
0x2c5: {  	v46 =	vadd.s32 $0x2680, v30;
	[tilespmem:s31+$0x0] =	vst v35  }
0x2c6: {  	s6 =	sadd.s32 $0x12C80, s10;
	v35 =	vld.idx.msk [tilespmem:v62+s17+$0x0], $0xffff;
	s3 =	sor.u32 s30, s25  }
0x2c7: {  	v47 =	vadd.s32 $0x2700, v28;
	s9 =	sor.u32 s8, s6;
	[tilespmem:s3+$0x0] =	vst v37  }
0x2c8: {  	s5 =	sor.u32 s7, s6;
	v37 =	vld.idx.msk [tilespmem:v63+s17+$0x0], $0xffff;
	[tilespmem:s9+$0x0] =	vst v39  }
0x2c9: {  	s11 =	sadd.s32 $0x12D00, s2;
	v48 =	vadd.s32 $0x2700, v27;
	v39 =	vld.idx.msk [tilespmem:v45+s17+$0x0], $0xffff;
	[tilespmem:s5+$0x0] =	vst v41  }
0x2ca: {  	v49 =	vadd.s32 $0x2700, v29;
	s16 =	sor.u32 s0, s11;
	v41 =	vld.idx.msk [tilespmem:v46+s17+$0x0], $0xffff  }
0x2cb: {  	v50 =	vadd.s32 $0x2700, v30;
	[tilespmem:s16+$0x0] =	vst v35  }
0x2cc: {  	s19 =	sadd.s32 $0x12D00, s10;
	v35 =	vld.idx.msk [tilespmem:v47+s17+$0x0], $0xffff;
	s3 =	sor.u32 s30, s11  }
0x2cd: {  	v51 =	vadd.s32 $0x2780, v28;
	s21 =	sor.u32 s8, s19;
	[tilespmem:s3+$0x0] =	vst v37  }
0x2ce: {  	s22 =	sor.u32 s7, s19;
	v60 =	vadd.s32 $0x4B00, v26;
	v37 =	vld.idx.msk [tilespmem:v48+s17+$0x0], $0xffff;
	[tilespmem:s21+$0x0] =	vst v39  }
0x2cf: {  	v52 =	vadd.s32 $0x2780, v27;
	s23 =	sadd.s32 $0x12D80, s2;
	v39 =	vld.idx.msk [tilespmem:v49+s17+$0x0], $0xffff;
	[tilespmem:s22+$0x0] =	vst v41  }
0x2d0: {  	[tilespmem:s14+$0x0] =	vst v33;
	v53 =	vadd.s32 $0x2780, v29;
	s25 =	sor.u32 s0, s23;
	v41 =	vld.idx.msk [tilespmem:v50+s17+$0x0], $0xffff  }
0x2d1: {  	v54 =	vadd.s32 $0x2780, v30;
	[tilespmem:s25+$0x0] =	vst v35  }
0x2d2: {  	[tilespmem:s12+$0x0] =	vst v32;
	s31 =	sadd.s32 $0x12D80, s10;
	v36 =	vld.idx.msk [tilespmem:v51+s17+$0x0], $0xffff;
	s3 =	sor.u32 s30, s23  }
0x2d3: {  	v56 =	vadd.s32 $0x4800, v28;
	s6 =	sor.u32 s8, s31;
	v45 =	vld.idx.msk [tilespmem:v60+s17+$0x0], $0xffff;
	[tilespmem:s3+$0x0] =	vst v37  }
0x2d4: {  	v55 =	vadd.s32 $0x4880, v25;
	s9 =	sor.u32 s7, s31;
	v38 =	vld.idx.msk [tilespmem:v52+s17+$0x0], $0xffff;
	[tilespmem:s6+$0x0] =	vst v39  }
0x2d5: {  	v57 =	vadd.s32 $0x4800, v27;
	s11 =	sadd.s32 $0x12E00, s2;
	[tilespmem:s9+$0x0] =	vst v41;
	v40 =	vld.idx.msk [tilespmem:v53+s17+$0x0], $0xffff  }
0x2d6: {  	[tilespmem:s4+$0x0] =	vst v34;
	v58 =	vadd.s32 $0x4800, v29;
	s14 =	sor.u32 s0, s11;
	v33 =	vld.idx.msk [tilespmem:v54+s17+$0x0], $0xffff  }
0x2d7: {  	v31 =	vld.idx.msk [tilespmem:v31+s17+$0x0], $0xffff;
	v59 =	vadd.s32 $0x4800, v30;
	[tilespmem:s14+$0x0] =	vst v36  }
0x2d8: {  	s16 =	sadd.s32 $0x12E00, s10;
	[tilespmem:s1+$0x0] =	vst v45;
	s3 =	sor.u32 s30, s11;
	v37 =	vld.idx.msk [tilespmem:v56+s17+$0x0], $0xffff  }
0x2d9: {  	s19 =	sor.u32 s8, s16;
	v35 =	vld.idx.msk [tilespmem:v55+s17+$0x0], $0xffff;
	v48 =	vadd.s32 $0x4B80, v26;
	[tilespmem:s3+$0x0] =	vst v38  }
0x2da: {  	v62 =	vadd.s32 $0x4880, v28;
	s4 =	sor.u32 s7, s16;
	s21 =	sadd.s32 $0x13F00, s29;
	v39 =	vld.idx.msk [tilespmem:v57+s17+$0x0], $0xffff;
	[tilespmem:s19+$0x0] =	vst v40  }
0x2db: {  	v63 =	vadd.s32 $0x4880, v27;
	s23 =	sadd.s32 $0x13E80, s2;
	s22 =	sor.u32 s28, s21;
	[tilespmem:s4+$0x0] =	vst v33;
	v34 =	vld.idx.msk [tilespmem:v58+s17+$0x0], $0xffff  }
0x2dc: {  	v44 =	vadd.s32 $0x4880, v29;
	s25 =	sor.u32 s0, s23;
	[tilespmem:s22+$0x0] =	vst v31;
	v32 =	vld.idx.msk [tilespmem:v59+s17+$0x0], $0xffff  }
0x2dd: {  	v46 =	vadd.s32 $0x4880, v30;
	[tilespmem:s25+$0x0] =	vst v37;
	s3 =	sor.u32 s26, s21  }
0x2de: {  	v61 =	vadd.s32 $0x4900, v24;
	s31 =	sadd.s32 $0x13E80, s10;
	v26 =	vld.idx.msk [tilespmem:v48+s17+$0x0], $0xffff;
	[tilespmem:s3+$0x0] =	vst v35;
	s4 =	sor.u32 s30, s23  }
0x2df: {  	v47 =	vadd.s32 $0x4900, v25;
	s5 =	sor.u32 s8, s31;
	v37 =	vld.idx.msk [tilespmem:v62+s17+$0x0], $0xffff;
	[tilespmem:s4+$0x0] =	vst v39  }
0x2e0: {  	v49 =	vadd.s32 $0x4900, v28;
	s3 =	sor.u32 s7, s31;
	v33 =	vld.idx.msk [tilespmem:v63+s17+$0x0], $0xffff;
	[tilespmem:s5+$0x0] =	vst v34  }
0x2e1: {  	v50 =	vadd.s32 $0x4900, v27;
	v31 =	vld.idx.msk [tilespmem:v44+s17+$0x0], $0xffff;
	[tilespmem:s3+$0x0] =	vst v32  }
0x2e2: {  	v51 =	vadd.s32 $0x4900, v29;
	s11 =	sadd.s32 $0x13F00, s2;
	v35 =	vld.idx.msk [tilespmem:v46+s17+$0x0], $0xffff  }
0x2e3: {  	v36 =	vld.idx.msk [tilespmem:v61+s17+$0x0], $0xffff;
	s12 =	sor.u32 s0, s11;
	v53 =	vadd.s32 $0x4900, v30;
	[tilespmem:s13+$0x0] =	vst v26  }
0x2e4: {  	s14 =	sadd.s32 $0x13F00, s10;
	s1 =	sor.u32 s30, s11;
	v54 =	vadd.s32 $0x4980, v24;
	v52 =	vld.idx.msk [tilespmem:v47+s17+$0x0], $0xffff;
	[tilespmem:s12+$0x0] =	vst v37  }
0x2e5: {  	v55 =	vadd.s32 $0x4980, v25;
	s16 =	sor.u32 s8, s14;
	v38 =	vld.idx.msk [tilespmem:v49+s17+$0x0], $0xffff;
	[tilespmem:s1+$0x0] =	vst v33  }
0x2e6: {  	v56 =	vadd.s32 $0x4980, v28;
	s6 =	sadd.s32 $0x13F80, s29;
	s19 =	sor.u32 s7, s14;
	v33 =	vld.idx.msk [tilespmem:v50+s17+$0x0], $0xffff;
	[tilespmem:s16+$0x0] =	vst v31  }
0x2e7: {  	s9 =	sor.u32 s28, s6;
	v57 =	vadd.s32 $0x4980, v27;
	[tilespmem:s19+$0x0] =	vst v35;
	v32 =	vld.idx.msk [tilespmem:v51+s17+$0x0], $0xffff  }
0x2e8: {  	s22 =	sadd.s32 $0x13F80, s2;
	[tilespmem:s9+$0x0] =	vst v36;
	s21 =	sor.u32 s26, s6;
	v58 =	vadd.s32 $0x4980, v29;
	v36 =	vld.idx.msk [tilespmem:v53+s17+$0x0], $0xffff  }
0x2e9: {  	v60 =	vadd.s32 $0x4980, v30;
	s23 =	sor.u32 s0, s22;
	v59 =	vld.idx.msk [tilespmem:v54+s17+$0x0], $0xffff;
	[tilespmem:s21+$0x0] =	vst v52  }
0x2ea: {  	v61 =	vadd.s32 $0x4A00, v24;
	s25 =	sadd.s32 $0x13F80, s10;
	v37 =	vld.idx.msk [tilespmem:v55+s17+$0x0], $0xffff;
	[tilespmem:s23+$0x0] =	vst v38;
	s1 =	sor.u32 s30, s22  }
0x2eb: {  	v62 =	vadd.s32 $0x4A00, v25;
	s31 =	sor.u32 s8, s25;
	v31 =	vld.idx.msk [tilespmem:v56+s17+$0x0], $0xffff;
	[tilespmem:s1+$0x0] =	vst v33  }
0x2ec: {  	s4 =	sor.u32 $0x14000, s29;
	v63 =	vadd.s32 $0x4A00, v28;
	s3 =	sor.u32 s7, s25;
	v33 =	vld.idx.msk [tilespmem:v57+s17+$0x0], $0xffff;
	[tilespmem:s31+$0x0] =	vst v32  }
0x2ed: {  	s5 =	sor.u32 s28, s4;
	v44 =	vadd.s32 $0x4A00, v27;
	[tilespmem:s3+$0x0] =	vst v36;
	v35 =	vld.idx.msk [tilespmem:v58+s17+$0x0], $0xffff  }
0x2ee: {  	v45 =	vadd.s32 $0x4A00, v29;
	s6 =	sor.u32 $0x14000, s2;
	[tilespmem:s5+$0x0] =	vst v59;
	s1 =	sor.u32 s26, s4;
	v26 =	vld.idx.msk [tilespmem:v60+s17+$0x0], $0xffff  }
0x2ef: {  	s9 =	sor.u32 s0, s6;
	v39 =	vld.idx.msk [tilespmem:v61+s17+$0x0], $0xffff;
	v46 =	vadd.s32 $0x4A00, v30;
	[tilespmem:s1+$0x0] =	vst v37  }
0x2f0: {  	s11 =	sor.u32 $0x14000, s10;
	v47 =	vadd.s32 $0x4A80, v24;
	v38 =	vld.idx.msk [tilespmem:v62+s17+$0x0], $0xffff;
	[tilespmem:s9+$0x0] =	vst v31;
	s3 =	sor.u32 s30, s6  }
0x2f1: {  	v48 =	vadd.s32 $0x4A80, v25;
	s12 =	sor.u32 s8, s11;
	v32 =	vld.idx.msk [tilespmem:v63+s17+$0x0], $0xffff;
	[tilespmem:s3+$0x0] =	vst v33  }
0x2f2: {  	s13 =	sor.u32 $0x14080, s29;
	v49 =	vadd.s32 $0x4A80, v28;
	s1 =	sor.u32 s7, s11;
	v34 =	vld.idx.msk [tilespmem:v44+s17+$0x0], $0xffff;
	[tilespmem:s12+$0x0] =	vst v35  }
0x2f3: {  	s14 =	sor.u32 s28, s13;
	v50 =	vadd.s32 $0x4A80, v27;
	[tilespmem:s1+$0x0] =	vst v26;
	v35 =	vld.idx.msk [tilespmem:v45+s17+$0x0], $0xffff  }
0x2f4: {  	s16 =	sor.u32 s26, s13;
	[tilespmem:s14+$0x0] =	vst v39;
	s19 =	sor.u32 $0x14080, s2;
	v51 =	vadd.s32 $0x4A80, v29;
	v37 =	vld.idx.msk [tilespmem:v46+s17+$0x0], $0xffff  }
0x2f5: {  	v52 =	vadd.s32 $0x4A80, v30;
	v39 =	vld.idx.msk [tilespmem:v47+s17+$0x0], $0xffff;
	s21 =	sor.u32 s0, s19;
	[tilespmem:s16+$0x0] =	vst v38  }
0x2f6: {  	s23 =	sor.u32 $0x14080, s10;
	v53 =	vadd.s32 $0x4B00, v24;
	s22 =	sor.u32 s30, s19;
	v31 =	vld.idx.msk [tilespmem:v48+s17+$0x0], $0xffff;
	[tilespmem:s21+$0x0] =	vst v32  }
0x2f7: {  	v54 =	vadd.s32 $0x4B00, v25;
	s25 =	sor.u32 s8, s23;
	v33 =	vld.idx.msk [tilespmem:v49+s17+$0x0], $0xffff;
	[tilespmem:s22+$0x0] =	vst v34  }
0x2f8: {  	v55 =	vadd.s32 $0x4B00, v28;
	s31 =	sor.u32 $0x14100, s29;
	s3 =	sor.u32 s7, s23;
	v26 =	vld.idx.msk [tilespmem:v50+s17+$0x0], $0xffff;
	[tilespmem:s25+$0x0] =	vst v35  }
0x2f9: {  	v56 =	vadd.s32 $0x4B00, v27;
	s4 =	sor.u32 s28, s31;
	[tilespmem:s3+$0x0] =	vst v37;
	v36 =	vld.idx.msk [tilespmem:v51+s17+$0x0], $0xffff  }
0x2fa: {  	s5 =	sor.u32 $0x14100, s2;
	v57 =	vadd.s32 $0x4B00, v29;
	[tilespmem:s4+$0x0] =	vst v39;
	s1 =	sor.u32 s26, s31;
	v38 =	vld.idx.msk [tilespmem:v52+s17+$0x0], $0xffff  }
0x2fb: {  	s6 =	sor.u32 s0, s5;
	v58 =	vadd.s32 $0x4B00, v30;
	v39 =	vld.idx.msk [tilespmem:v53+s17+$0x0], $0xffff;
	[tilespmem:s1+$0x0] =	vst v31  }
0x2fc: {  	v59 =	vadd.s32 $0x4B80, v24;
	s11 =	sor.u32 $0x14100, s10;
	s9 =	sor.u32 s30, s5;
	v32 =	vld.idx.msk [tilespmem:v54+s17+$0x0], $0xffff;
	[tilespmem:s6+$0x0] =	vst v33  }
0x2fd: {  	v60 =	vadd.s32 $0x4B80, v25;
	s12 =	sor.u32 s8, s11;
	v33 =	vld.idx.msk [tilespmem:v55+s17+$0x0], $0xffff;
	[tilespmem:s9+$0x0] =	vst v26  }
0x2fe: {  	v61 =	vadd.s32 $0x4B80, v28;
	s13 =	sor.u32 $0x14180, s29;
	s3 =	sor.u32 s7, s11;
	v62 =	vld.idx.msk [tilespmem:v56+s17+$0x0], $0xffff;
	[tilespmem:s12+$0x0] =	vst v36  }
0x2ff: {  	s14 =	sor.u32 s28, s13;
	v63 =	vadd.s32 $0x4B80, v27;
	[tilespmem:s3+$0x0] =	vst v38;
	v36 =	vld.idx.msk [tilespmem:v57+s17+$0x0], $0xffff  }
0x300: {  	s16 =	sor.u32 $0x14180, s2;
	[tilespmem:s14+$0x0] =	vst v39;
	s1 =	sor.u32 s26, s13;
	v37 =	vadd.s32 $0x4B80, v29;
	v31 =	vld.idx.msk [tilespmem:v58+s17+$0x0], $0xffff  }
0x301: {  	s19 =	sor.u32 s0, s16;
	v24 =	vld.idx.msk [tilespmem:v59+s17+$0x0], $0xffff;
	[tilespmem:s1+$0x0] =	vst v32;
	v38 =	vadd.s32 $0x4B80, v30  }
0x302: {  	s21 =	sor.u32 $0x14180, s10;
	v25 =	vld.idx.msk [tilespmem:v60+s17+$0x0], $0xffff;
	[tilespmem:s19+$0x0] =	vst v33;
	s3 =	sor.u32 s30, s16  }
0x303: {  	s22 =	sor.u32 s8, s21;
	v26 =	vld.idx.msk [tilespmem:v61+s17+$0x0], $0xffff;
	[tilespmem:s3+$0x0] =	vst v62  }
0x304: {  	s23 =	sor.u32 $0x14200, s29;
	s1 =	sor.u32 s7, s21;
	v27 =	vld.idx.msk [tilespmem:v63+s17+$0x0], $0xffff;
	[tilespmem:s22+$0x0] =	vst v36  }
0x305: {  	s25 =	sor.u32 s28, s23;
	[tilespmem:s1+$0x0] =	vst v31;
	v39 =	vld.idx.msk [tilespmem:v37+s17+$0x0], $0xffff  }
0x306: {  	[tilespmem:s25+$0x0] =	vst v24;
	s3 =	sor.u32 s26, s23;
	s26 =	sor.u32 $0x14200, s2;
	v40 =	vld.idx.msk [tilespmem:v38+s17+$0x0], $0xffff  }
0x307: {  	[tilespmem:s3+$0x0] =	vst v25;
	s28 =	sor.u32 s0, s26  }
0x308: {  	s29 =	sor.u32 $0x14200, s10;
	[tilespmem:s28+$0x0] =	vst v26;
	s1 =	sor.u32 s30, s26  }
0x309: {  	s30 =	sor.u32 s8, s29;
	[tilespmem:s1+$0x0] =	vst v27  }
0x30a: {  	s0 =	sor.u32 s7, s29;
	[tilespmem:s30+$0x0] =	vst v39  }
0x30b: {  	[tilespmem:s0+$0x0] =	vst v40  }
0x30c: {  	v24 =	vld [tilespmem:$0x200];
	_ =	sdelay $0x4  }
0x30d: {  	v41 =	vshll.u32 v24, $0x3  }
0x30e: {  	v24 =	vand.u32 $0x7F, v24;
	v25 =	vand.u32 $0xFFFFFC00, v41  }
0x30f: {  	v24 =	vor.u32 v24, v25;
	_ =	sdelay $0x4  }
0x310: {  	v25 =	vld.idx.msk [tilespmem:v24+s17+$0x0], $0xffff  }
0x311: {  	v42 =	vor.u32 $0x80, v24;
	_ =	sdelay $0x3  }
0x312: {  	[tilespmem:v0+s20+$0x0] =	vst.idx.msk $0x1, v25  }
0x313: {  	v25 =	vld.idx.msk [tilespmem:v42+s17+$0x0], $0xffff  }
0x314: {  	v43 =	vor.u32 $0x100, v24;
	_ =	sdelay $0x3  }
0x315: {  	[tilespmem:v1+s20+$0x0] =	vst.idx.msk $0x1, v25  }
0x316: {  	v25 =	vld.idx.msk [tilespmem:v43+s17+$0x0], $0xffff  }
0x317: {  	v44 =	vor.u32 $0x180, v24;
	_ =	sdelay $0x3  }
0x318: {  	[tilespmem:v2+s20+$0x0] =	vst.idx.msk $0x1, v25  }
0x319: {  	v25 =	vld.idx.msk [tilespmem:v44+s17+$0x0], $0xffff  }
0x31a: {  	v45 =	vor.u32 $0x200, v24;
	_ =	sdelay $0x3  }
0x31b: {  	[tilespmem:v3+s20+$0x0] =	vst.idx.msk $0x1, v25  }
0x31c: {  	v25 =	vld.idx.msk [tilespmem:v45+s17+$0x0], $0xffff  }
0x31d: {  	v46 =	vor.u32 $0x280, v24;
	_ =	sdelay $0x3  }
0x31e: {  	[tilespmem:v4+s20+$0x0] =	vst.idx.msk $0x1, v25  }
0x31f: {  	v25 =	vld.idx.msk [tilespmem:v46+s17+$0x0], $0xffff  }
0x320: {  	v47 =	vor.u32 $0x300, v24;
	_ =	sdelay $0x3  }
0x321: {  	[tilespmem:v5+s20+$0x0] =	vst.idx.msk $0x1, v25  }
0x322: {  	v25 =	vld.idx.msk [tilespmem:v47+s17+$0x0], $0xffff  }
0x323: {  	v48 =	vor.u32 $0x380, v24;
	_ =	sdelay $0x3  }
0x324: {  	[tilespmem:v6+s20+$0x0] =	vst.idx.msk $0x1, v25  }
0x325: {  	v25 =	vld.idx.msk [tilespmem:v48+s17+$0x0], $0xffff  }
0x326: {  	v49 =	vadd.s32 $0x2400, v24;
	_ =	sdelay $0x3  }
0x327: {  	[tilespmem:v7+s20+$0x0] =	vst.idx.msk $0x1, v25  }
0x328: {  	v25 =	vld.idx.msk [tilespmem:v49+s17+$0x0], $0xffff  }
0x329: {  	v50 =	vadd.s32 $0x2480, v24;
	_ =	sdelay $0x3  }
0x32a: {  	[tilespmem:v8+s20+$0x0] =	vst.idx.msk $0x1, v25  }
0x32b: {  	v25 =	vld.idx.msk [tilespmem:v50+s17+$0x0], $0xffff  }
0x32c: {  	v51 =	vadd.s32 $0x2500, v24;
	_ =	sdelay $0x3  }
0x32d: {  	[tilespmem:v9+s20+$0x0] =	vst.idx.msk $0x1, v25  }
0x32e: {  	v25 =	vld.idx.msk [tilespmem:v51+s17+$0x0], $0xffff  }
0x32f: {  	v52 =	vadd.s32 $0x2580, v24;
	_ =	sdelay $0x3  }
0x330: {  	[tilespmem:v10+s20+$0x0] =	vst.idx.msk $0x1, v25  }
0x331: {  	v25 =	vld.idx.msk [tilespmem:v52+s17+$0x0], $0xffff  }
0x332: {  	v53 =	vadd.s32 $0x2600, v24;
	_ =	sdelay $0x3  }
0x333: {  	[tilespmem:v11+s20+$0x0] =	vst.idx.msk $0x1, v25  }
0x334: {  	v25 =	vld.idx.msk [tilespmem:v53+s17+$0x0], $0xffff  }
0x335: {  	v54 =	vadd.s32 $0x2680, v24;
	_ =	sdelay $0x3  }
0x336: {  	[tilespmem:v12+s20+$0x0] =	vst.idx.msk $0x1, v25  }
0x337: {  	v25 =	vld.idx.msk [tilespmem:v54+s17+$0x0], $0xffff  }
0x338: {  	v55 =	vadd.s32 $0x2700, v24;
	_ =	sdelay $0x3  }
0x339: {  	[tilespmem:v13+s20+$0x0] =	vst.idx.msk $0x1, v25  }
0x33a: {  	v25 =	vld.idx.msk [tilespmem:v55+s17+$0x0], $0xffff  }
0x33b: {  	v56 =	vadd.s32 $0x2780, v24;
	_ =	sdelay $0x3  }
0x33c: {  	[tilespmem:v14+s20+$0x0] =	vst.idx.msk $0x1, v25  }
0x33d: {  	v25 =	vld.idx.msk [tilespmem:v56+s17+$0x0], $0xffff  }
0x33e: {  	v57 =	vadd.s32 $0x4800, v24;
	_ =	sdelay $0x3  }
0x33f: {  	[tilespmem:v15+s20+$0x0] =	vst.idx.msk $0x1, v25  }
0x340: {  	v25 =	vld.idx.msk [tilespmem:v57+s17+$0x0], $0xffff  }
0x341: {  	v58 =	vadd.s32 $0x4880, v24;
	_ =	sdelay $0x3  }
0x342: {  	[tilespmem:v16+s20+$0x0] =	vst.idx.msk $0x1, v25  }
0x343: {  	v25 =	vld.idx.msk [tilespmem:v58+s17+$0x0], $0xffff  }
0x344: {  	v59 =	vadd.s32 $0x4900, v24;
	_ =	sdelay $0x3  }
0x345: {  	[tilespmem:v17+s20+$0x0] =	vst.idx.msk $0x1, v25  }
0x346: {  	v25 =	vld.idx.msk [tilespmem:v59+s17+$0x0], $0xffff  }
0x347: {  	v60 =	vadd.s32 $0x4980, v24;
	_ =	sdelay $0x3  }
0x348: {  	[tilespmem:v18+s20+$0x0] =	vst.idx.msk $0x1, v25  }
0x349: {  	v25 =	vld.idx.msk [tilespmem:v60+s17+$0x0], $0xffff  }
0x34a: {  	v61 =	vadd.s32 $0x4A00, v24;
	_ =	sdelay $0x3  }
0x34b: {  	[tilespmem:v19+s20+$0x0] =	vst.idx.msk $0x1, v25  }
0x34c: {  	v25 =	vld.idx.msk [tilespmem:v61+s17+$0x0], $0xffff  }
0x34d: {  	v62 =	vadd.s32 $0x4A80, v24;
	_ =	sdelay $0x3  }
0x34e: {  	[tilespmem:v20+s20+$0x0] =	vst.idx.msk $0x1, v25  }
0x34f: {  	v25 =	vld.idx.msk [tilespmem:v62+s17+$0x0], $0xffff  }
0x350: {  	v63 =	vadd.s32 $0x4B00, v24;
	_ =	sdelay $0x3  }
0x351: {  	[tilespmem:v21+s20+$0x0] =	vst.idx.msk $0x1, v25  }
0x352: {  	v25 =	vld.idx.msk [tilespmem:v63+s17+$0x0], $0xffff  }
0x353: {  	v24 =	vadd.s32 $0x4B80, v24;
	_ =	sdelay $0x3  }
0x354: {  	[tilespmem:v22+s20+$0x0] =	vst.idx.msk $0x1, v25  }
0x355: {  	s24 =	sadd.s32 $0x1, s24;
	s0 =	rddreg [dreg:$0xe];
	v24 =	vld.idx.msk [tilespmem:v24+s17+$0x0], $0xffff  }
0x356: {  	p0 =	sne.s32 s24, $0x4;
	s0 =	smul.u32 $0x1400, s0  }
.Ltmp2:
0x357: {  	s1 =	rddreg [dreg:$0x8];
	(pc) =	sbr.rel @p0 .LBB2_2-.Ltmp2, $4  }
0x358: {  	s0 =	sadd.s32 s1, s0  }
0x359: {  	s31 =	rddreg [dreg:$0x2];
	s0 =	sshrl.u32 s0, $0x3  }
0x35a: {  	s8 =	simm.s32 $0x0;
	s0 =	sadd.s32 s31, s0;
	[tilespmem:v23+s20+$0x0] =	vst.idx.msk $0x1, v24  }
0x35b: {  	[hbm4b:s0+s8] =	stream.linear.scatter [tilespmem:s20], [sflag:$0x4], $0x3C00, $0x38;
	[tilespmem:$0x15280] =	vst v63  }
0x35c: {  	s0 =	simm.s32 $0x1  }
0x35d: {  	_ =	swait.ge [sflag:s0], $0x6C00  }
0x35e: {  	[sflag:s0] =	ssyncset.done $0x0  }
0x35f: {  	s26 =	simm.s32 $0x3;
	[sflag:s0] =	ssyncadd.s32 $0xFFFF9400  }
0x360: {  	_ =	swait.ge [sflag:s26], $0x3C00  }
0x361: {  	[sflag:s26] =	ssyncset.done $0x0  }
0x362: {  	s28 =	simm.s32 $0x4;
	[sflag:s26] =	ssyncadd.s32 $0xFFFFC400  }
0x363: {  	_ =	swait.ge [sflag:s28], $0x3C00  }
0x364: {  	s1 =	simm.s32 $0x0;
	[sflag:s28] =	ssyncset.done $0x0  }
0x365: {  	s30 =	simm.s32 $0x5;
	s29 =	rddreg [dreg:$0x9];
	[sflag:s28] =	ssyncadd.s32 $0xFFFFC400  }
0x366: {  	[tilespmem:s1], [sflag:$0x5] =	stream.linear.gather [hbm4b:s29+s1], $0x280, $0x38;
	[tilespmem:$0x15280] =	vst v63  }
0x367: {  	_ =	swait.ge [sflag:s30], $0x280  }
0x368: {  	[sflag:s30] =	ssyncset.done $0x0  }
0x369: {  	s25 =	simm.s32 $0x0;
	s31 =	rddreg [dreg:$0xa];
	[sflag:s30] =	ssyncadd.s32 $0xFFFFFD80  }
0x36a: {  	[tilespmem:s15], [sflag:$0x1] =	stream.linear.gather [hbm4b:s31+s1], $0x6C00, $0x38;
	[tilespmem:$0x15280] =	vst v63  }
.LBB2_8:
0x36b: {  	s0 =	smul.u32 $0x30, s25;
	_ =	sdelay $0x1  }
0x36c: {  	s0 =	sadd.s32 $0x18, s0  }
0x36d: {  	s0 =	sshrl.u32 s0, $0x3  }
0x36e: {  	s2 =	simm.s32 $0x1;
	[dreg:$0xf] =	wrdreg s0  }
0x36f: {  	s0 =	smul.u32 $0x2400, s0;
	_ =	swait.ge [sflag:s2], $0x6C00  }
0x370: {  	s1 =	rddreg [dreg:$0x5];
	[sflag:s2] =	ssyncset.done $0x0  }
0x371: {  	s0 =	sadd.s32 s1, s0;
	[sflag:s2] =	ssyncadd.s32 $0xFFFF9400  }
0x372: {  	s0 =	sshrl.u32 s0, $0x3;
	s7 =	rddreg [dreg:$0x0]  }
0x373: {  	p0 =	seq.s32 s25, $0x0;
	s0 =	sadd.s32 s7, s0  }
0x374: {  	[tilespmem:s17], [sflag:$0x2] =	stream.linear.gather [hbm4b:s0+s8], $0x6C00, $0x38;
	[tilespmem:$0x15280] =	vst v63  }
0x375: {  	s6 =	simm.s32 $0x0;
	s0 =	simm.s32 @!p0 $0x3  }
0x376: {  	s14 =	sand.u32 $0x60, s6;
	_ =	swait.ge @!p0 [sflag:s0], $0x3C00  }
0x377: {  	s9 =	sand.u32 $0x180, s6;
	s21 =	sor.u32 $0x10, s14;
	[sflag:s0] =	ssyncset.done @!p0 $0x0  }
0x378: {  	s10 =	sor.u32 s21, s9;
	[sflag:s0] =	ssyncadd.s32 @!p0 $0xFFFFC400  }
0x379: {  	v24 =	vld [tilespmem:s10+$0x0];
	_ =	sdelay $0x3  }
0x37a: {  	v25 =	vld [tilespmem:s6+$0x0]  }
0x37b: {  	v26 =	vshll.u32 v24, $0x3  }
0x37c: {  	v24 =	vand.u32 $0x7F, v24;
	v26 =	vand.u32 $0xFFFFFC00, v26  }
0x37d: {  	v31 =	vor.u32 v24, v26;
	_ =	sdelay $0x1  }
0x37e: {  	v24 =	vshll.u32 v25, $0x3  }
0x37f: {  	v25 =	vand.u32 $0x7F, v25;
	v24 =	vand.u32 $0xFFFFFC00, v24  }
0x380: {  	v26 =	vor.u32 v25, v24  }
0x381: {  	v24 =	vld.idx.msk [tilespmem:v31+s15+$0x0], $0xffff  }
0x382: {  	v25 =	vor.u32 $0x80, v31  }
0x383: {  	s22 =	sand.u32 $0xC00, s6  }
0x384: {  	s11 =	sadd.s32 $0xDA80, s22  }
0x385: {  	s12 =	sor.u32 s21, s11;
	v27 =	vld.idx.msk [tilespmem:v26+s15+$0x0], $0xffff  }
0x386: {  	[tilespmem:s12+$0x0] =	vst v24;
	v24 =	vor.u32 $0x80, v26  }
0x387: {  	v25 =	vld.idx.msk [tilespmem:v25+s15+$0x0], $0xffff  }
0x388: {  	v28 =	vor.u32 $0x100, v31  }
0x389: {  	s0 =	sor.u32 s14, s11  }
0x38a: {  	[tilespmem:s0+$0x0] =	vst v27  }
0x38b: {  	v24 =	vld.idx.msk [tilespmem:v24+s15+$0x0], $0xffff  }
0x38c: {  	[tilespmem:s12+$0x80] =	vst v25;
	v25 =	vor.u32 $0x100, v26  }
0x38d: {  	v27 =	vld.idx.msk [tilespmem:v28+s15+$0x0], $0xffff  }
0x38e: {  	v28 =	vor.u32 $0x180, v31;
	_ =	sdelay $0x1  }
0x38f: {  	[tilespmem:s0+$0x80] =	vst v24  }
0x390: {  	v24 =	vld.idx.msk [tilespmem:v25+s15+$0x0], $0xffff  }
0x391: {  	v25 =	vor.u32 $0x180, v26;
	[tilespmem:s12+$0x100] =	vst v27  }
0x392: {  	v27 =	vld.idx.msk [tilespmem:v28+s15+$0x0], $0xffff  }
0x393: {  	v28 =	vor.u32 $0x200, v31;
	_ =	sdelay $0x1  }
0x394: {  	[tilespmem:s0+$0x100] =	vst v24  }
0x395: {  	v24 =	vld.idx.msk [tilespmem:v25+s15+$0x0], $0xffff  }
0x396: {  	v25 =	vor.u32 $0x200, v26;
	[tilespmem:s12+$0x180] =	vst v27  }
0x397: {  	v27 =	vld.idx.msk [tilespmem:v28+s15+$0x0], $0xffff  }
0x398: {  	s3 =	simm.s32 $0x20;
	v28 =	vor.u32 $0x280, v31  }
0x399: {  	s28 =	sand.u32 $0x60, s3  }
0x39a: {  	s13 =	sand.u32 $0x180, s3;
	s29 =	sor.u32 $0x10, s28;
	[tilespmem:s0+$0x180] =	vst v24  }
0x39b: {  	s2 =	sor.u32 s29, s13;
	v24 =	vld.idx.msk [tilespmem:v25+s15+$0x0], $0xffff  }
0x39c: {  	v29 =	vld [tilespmem:s2+$0x0];
	v25 =	vor.u32 $0x280, v26;
	[tilespmem:s12+$0x200] =	vst v27  }
0x39d: {  	v27 =	vld.idx.msk [tilespmem:v28+s15+$0x0], $0xffff  }
0x39e: {  	v28 =	vor.u32 $0x300, v31;
	_ =	sdelay $0x1  }
0x39f: {  	v30 =	vld [tilespmem:s3+$0x0];
	[tilespmem:s0+$0x200] =	vst v24  }
0x3a0: {  	v24 =	vshll.u32 v29, $0x3;
	v25 =	vld.idx.msk [tilespmem:v25+s15+$0x0], $0xffff  }
0x3a1: {  	v29 =	vand.u32 $0x7F, v29;
	v24 =	vand.u32 $0xFFFFFC00, v24;
	[tilespmem:s12+$0x280] =	vst v27;
	v27 =	vor.u32 $0x300, v26  }
0x3a2: {  	s16 =	sand.u32 $0x3, s6;
	v24 =	vor.u32 v29, v24;
	v28 =	vld.idx.msk [tilespmem:v28+s15+$0x0], $0xffff  }
0x3a3: {  	s1 =	sshll.u32 s16, $0x5;
	v32 =	vor.u32 $0x380, v31  }
0x3a4: {  	s1 =	sadd.s32 $0x0, s1;
	v29 =	vshll.u32 v30, $0x3  }
0x3a5: {  	s19 =	sadd.s32 $0x10, s1;
	v30 =	vand.u32 $0x7F, v30;
	v29 =	vand.u32 $0xFFFFFC00, v29;
	[tilespmem:s0+$0x280] =	vst v25  }
0x3a6: {  	s23 =	sor.u32 $0x300, s19;
	v25 =	vor.u32 v30, v29;
	v27 =	vld.idx.msk [tilespmem:v27+s15+$0x0], $0xffff  }
0x3a7: {  	v30 =	vld.idx.msk [tilespmem:v24+s15+$0x0], $0xffff;
	[tilespmem:s23+$0xDA80] =	vst v28;
	v28 =	vor.u32 $0x380, v26  }
0x3a8: {  	s5 =	simm.s32 $0x100;
	v33 =	vor.u32 $0x80, v24;
	v29 =	vld.idx.msk [tilespmem:v32+s15+$0x0], $0xffff  }
0x3a9: {  	s30 =	sand.u32 $0xC00, s5;
	v53 =	vadd.s32 $0x2400, v31  }
0x3aa: {  	s26 =	sadd.s32 $0xDA80, s30;
	s24 =	sor.u32 $0x300, s1  }
0x3ab: {  	s4 =	sor.u32 s29, s26;
	v34 =	vld.idx.msk [tilespmem:v25+s15+$0x0], $0xffff;
	[tilespmem:s24+$0xDA80] =	vst v27  }
0x3ac: {  	s2 =	sor.u32 $0x380, s19;
	[tilespmem:s4+$0x0] =	vst v30;
	v27 =	vld.idx.msk [tilespmem:v28+s15+$0x0], $0xffff;
	v28 =	vor.u32 $0x80, v25  }
0x3ad: {  	v54 =	vld.idx.msk [tilespmem:v33+s15+$0x0], $0xffff;
	[tilespmem:s2+$0xDA80] =	vst v29;
	v29 =	vadd.s32 $0x2400, v26  }
0x3ae: {  	v35 =	vor.u32 $0x100, v24;
	v30 =	vld.idx.msk [tilespmem:v53+s15+$0x0], $0xffff  }
0x3af: {  	s7 =	sor.u32 s6, s6;
	v55 =	vadd.s32 $0x2480, v31;
	s2 =	sor.u32 s28, s26  }
0x3b0: {  	s8 =	sor.u32 $0x380, s7;
	[tilespmem:s2+$0x0] =	vst v34  }
0x3b1: {  	s9 =	sadd.s32 $0xEE80, s22;
	v28 =	vld.idx.msk [tilespmem:v28+s15+$0x0], $0xffff;
	[tilespmem:s8+$0xDA80] =	vst v27  }
0x3b2: {  	s10 =	sor.u32 s21, s9;
	[tilespmem:s4+$0x80] =	vst v54;
	v27 =	vld.idx.msk [tilespmem:v29+s15+$0x0], $0xffff;
	v29 =	vor.u32 $0x100, v25  }
0x3b3: {  	v57 =	vld.idx.msk [tilespmem:v35+s15+$0x0], $0xffff;
	[tilespmem:s10+$0x0] =	vst v30;
	v30 =	vadd.s32 $0x2480, v26  }
0x3b4: {  	v59 =	vor.u32 $0x180, v24;
	v56 =	vld.idx.msk [tilespmem:v55+s15+$0x0], $0xffff  }
0x3b5: {  	v58 =	vadd.s32 $0x2500, v31  }
0x3b6: {  	s11 =	sor.u32 s14, s9;
	[tilespmem:s2+$0x80] =	vst v28  }
0x3b7: {  	s12 =	sadd.s32 $0xEF00, s22;
	v28 =	vld.idx.msk [tilespmem:v29+s15+$0x0], $0xffff;
	[tilespmem:s11+$0x0] =	vst v27  }
0x3b8: {  	s13 =	sor.u32 s21, s12;
	v29 =	vor.u32 $0x180, v25;
	[tilespmem:s4+$0x100] =	vst v57;
	v27 =	vld.idx.msk [tilespmem:v30+s15+$0x0], $0xffff  }
0x3b9: {  	v30 =	vadd.s32 $0x2500, v26;
	v33 =	vld.idx.msk [tilespmem:v59+s15+$0x0], $0xffff;
	[tilespmem:s13+$0x0] =	vst v56  }
0x3ba: {  	v61 =	vor.u32 $0x200, v24;
	v32 =	vld.idx.msk [tilespmem:v58+s15+$0x0], $0xffff  }
0x3bb: {  	v60 =	vadd.s32 $0x2580, v31  }
0x3bc: {  	s16 =	sor.u32 s14, s12;
	[tilespmem:s2+$0x100] =	vst v28  }
0x3bd: {  	s19 =	sadd.s32 $0xEF80, s22;
	v28 =	vld.idx.msk [tilespmem:v29+s15+$0x0], $0xffff;
	[tilespmem:s16+$0x0] =	vst v27  }
0x3be: {  	s23 =	sor.u32 s21, s19;
	v29 =	vor.u32 $0x200, v25;
	[tilespmem:s4+$0x180] =	vst v33;
	v27 =	vld.idx.msk [tilespmem:v30+s15+$0x0], $0xffff  }
0x3bf: {  	v30 =	vadd.s32 $0x2580, v26;
	v33 =	vld.idx.msk [tilespmem:v61+s15+$0x0], $0xffff;
	[tilespmem:s23+$0x0] =	vst v32  }
0x3c0: {  	v63 =	vor.u32 $0x280, v24;
	v32 =	vld.idx.msk [tilespmem:v60+s15+$0x0], $0xffff  }
0x3c1: {  	v62 =	vadd.s32 $0x2600, v31  }
0x3c2: {  	s24 =	sor.u32 s14, s19;
	[tilespmem:s2+$0x180] =	vst v28  }
0x3c3: {  	s26 =	sor.u32 $0xF000, s22;
	v28 =	vld.idx.msk [tilespmem:v29+s15+$0x0], $0xffff;
	[tilespmem:s24+$0x0] =	vst v27  }
0x3c4: {  	s1 =	simm.s32 $0x40;
	s7 =	sor.u32 s21, s26;
	v29 =	vor.u32 $0x280, v25;
	[tilespmem:s4+$0x200] =	vst v33;
	v27 =	vld.idx.msk [tilespmem:v30+s15+$0x0], $0xffff  }
0x3c5: {  	s31 =	sand.u32 $0x60, s1;
	v30 =	vadd.s32 $0x2600, v26;
	v33 =	vld.idx.msk [tilespmem:v63+s15+$0x0], $0xffff;
	[tilespmem:s7+$0x0] =	vst v32  }
0x3c6: {  	v41 =	vor.u32 $0x300, v24;
	s0 =	sor.u32 $0x10, s31;
	s7 =	sand.u32 $0x180, s1;
	v32 =	vld.idx.msk [tilespmem:v62+s15+$0x0], $0xffff  }
0x3c7: {  	v36 =	vld [tilespmem:s1+$0x0];
	v40 =	vadd.s32 $0x2680, v31;
	s7 =	sor.u32 s0, s7  }
0x3c8: {  	s6 =	sor.u32 s14, s26;
	v37 =	vld [tilespmem:s7+$0x0];
	[tilespmem:s2+$0x200] =	vst v28  }
0x3c9: {  	s8 =	sor.u32 $0xF080, s22;
	v28 =	vld.idx.msk [tilespmem:v29+s15+$0x0], $0xffff;
	[tilespmem:s6+$0x0] =	vst v27  }
0x3ca: {  	s9 =	sor.u32 s21, s8;
	s10 =	simm.s32 $0x1;
	[tilespmem:s4+$0x280] =	vst v33;
	v29 =	vld.idx.msk [tilespmem:v30+s15+$0x0], $0xffff;
	v30 =	vor.u32 $0x300, v25  }
0x3cb: {  	v42 =	vadd.s32 $0x2680, v26;
	s4 =	sand.u32 $0x3, s10;
	v44 =	vld.idx.msk [tilespmem:v41+s15+$0x0], $0xffff;
	[tilespmem:s9+$0x0] =	vst v32  }
0x3cc: {  	v38 =	vadd.s32 $0x2700, v31;
	v39 =	vor.u32 $0x380, v24;
	v27 =	vshll.u32 v36, $0x3;
	s4 =	sshll.u32 s4, $0x5;
	v43 =	vld.idx.msk [tilespmem:v40+s15+$0x0], $0xffff  }
0x3cd: {  	v36 =	vand.u32 $0x7F, v36;
	v27 =	vand.u32 $0xFFFFFC00, v27;
	s12 =	sadd.s32 $0x100, s4;
	v45 =	vshll.u32 v37, $0x3  }
0x3ce: {  	s11 =	sor.u32 s14, s8;
	v27 =	vor.u32 v36, v27;
	v37 =	vand.u32 $0x7F, v37;
	s16 =	sadd.s32 $0x10, s12;
	v35 =	vand.u32 $0xFFFFFC00, v45;
	[tilespmem:s2+$0x280] =	vst v28  }
0x3cf: {  	s13 =	sor.u32 $0xF100, s22;
	s23 =	sor.u32 $0x300, s16;
	v28 =	vor.u32 v37, v35;
	v30 =	vld.idx.msk [tilespmem:v30+s15+$0x0], $0xffff;
	[tilespmem:s11+$0x0] =	vst v29  }
0x3d0: {  	v46 =	vor.u32 $0x380, v25;
	s19 =	sor.u32 s21, s13;
	[tilespmem:s23+$0xDA80] =	vst v44;
	v29 =	vld.idx.msk [tilespmem:v42+s15+$0x0], $0xffff  }
0x3d1: {  	v47 =	vadd.s32 $0x2700, v26;
	v49 =	vld.idx.msk [tilespmem:v39+s15+$0x0], $0xffff;
	[tilespmem:s19+$0x0] =	vst v43  }
0x3d2: {  	v51 =	vadd.s32 $0x2400, v24;
	v48 =	vld.idx.msk [tilespmem:v38+s15+$0x0], $0xffff  }
0x3d3: {  	v50 =	vadd.s32 $0x2780, v31;
	s2 =	sor.u32 $0x300, s12;
	v52 =	vld.idx.msk [tilespmem:v27+s15+$0x0], $0xffff  }
0x3d4: {  	s24 =	sor.u32 s14, s13;
	s4 =	simm.s32 $0x200;
	v53 =	vor.u32 $0x80, v27;
	v37 =	vld.idx.msk [tilespmem:v28+s15+$0x0], $0xffff;
	[tilespmem:s2+$0xDA80] =	vst v30  }
0x3d5: {  	s26 =	sor.u32 $0xF180, s22;
	s10 =	sor.u32 $0x380, s16;
	v30 =	vor.u32 $0x80, v28;
	s2 =	sand.u32 $0xC00, s4;
	[tilespmem:s24+$0x0] =	vst v29;
	v29 =	vld.idx.msk [tilespmem:v46+s15+$0x0], $0xffff  }
0x3d6: {  	v40 =	vadd.s32 $0x2400, v25;
	s11 =	sor.u32 s21, s26;
	s9 =	sadd.s32 $0xDA80, s2;
	[tilespmem:s10+$0xDA80] =	vst v49;
	v33 =	vld.idx.msk [tilespmem:v47+s15+$0x0], $0xffff  }
0x3d7: {  	s5 =	sor.u32 s5, s3;
	s3 =	sor.u32 s31, s9;
	v56 =	vld.idx.msk [tilespmem:v51+s15+$0x0], $0xffff;
	[tilespmem:s11+$0x0] =	vst v48  }
0x3d8: {  	v54 =	vadd.s32 $0x2780, v26;
	s6 =	sor.u32 s0, s9;
	[tilespmem:s3+$0x0] =	vst v52;
	v55 =	vld.idx.msk [tilespmem:v50+s15+$0x0], $0xffff  }
0x3d9: {  	s5 =	sor.u32 $0x380, s5;
	v57 =	vadd.s32 $0x4800, v31;
	[tilespmem:s6+$0x0] =	vst v37;
	v32 =	vld.idx.msk [tilespmem:v53+s15+$0x0], $0xffff  }
0x3da: {  	v58 =	vadd.s32 $0x2480, v24;
	s13 =	sor.u32 $0xF200, s22;
	s12 =	sor.u32 s14, s26;
	v30 =	vld.idx.msk [tilespmem:v30+s15+$0x0], $0xffff;
	[tilespmem:s5+$0xDA80] =	vst v29  }
0x3db: {  	s19 =	sor.u32 s21, s13;
	v29 =	vor.u32 $0x100, v28;
	s5 =	sor.u32 s14, s13;
	s13 =	simm.s32 $0x60;
	v59 =	vld.idx.msk [tilespmem:v40+s15+$0x0], $0xffff  }
0x3dc: {  	v60 =	vor.u32 $0x100, v27;
	s16 =	sadd.s32 $0xEE80, s30;
	[tilespmem:s12+$0x0] =	vst v33;
	v48 =	vld [tilespmem:s13+$0x0]  }
0x3dd: {  	v61 =	vadd.s32 $0x2480, v25;
	s23 =	sor.u32 s29, s16;
	v34 =	vld.idx.msk [tilespmem:v54+s15+$0x0], $0xffff;
	[tilespmem:s19+$0x0] =	vst v55  }
0x3de: {  	v62 =	vadd.s32 $0x4800, v26;
	[tilespmem:s23+$0x0] =	vst v56;
	v63 =	vld.idx.msk [tilespmem:v57+s15+$0x0], $0xffff  }
0x3df: {  	v44 =	vadd.s32 $0x4880, v31;
	[tilespmem:s6+$0x80] =	vst v30;
	v30 =	vld.idx.msk [tilespmem:v58+s15+$0x0], $0xffff  }
0x3e0: {  	v45 =	vadd.s32 $0x2500, v24;
	s7 =	sor.u32 s28, s16;
	[tilespmem:s3+$0x80] =	vst v32;
	v29 =	vld.idx.msk [tilespmem:v29+s15+$0x0], $0xffff  }
0x3e1: {  	v46 =	vor.u32 $0x180, v28;
	s24 =	sor.u32 $0x10280, s22;
	v33 =	vld.idx.msk [tilespmem:v60+s15+$0x0], $0xffff;
	[tilespmem:s7+$0x0] =	vst v59  }
0x3e2: {  	s26 =	sadd.s32 $0xEF00, s30;
	v47 =	vor.u32 $0x180, v27;
	s10 =	sor.u32 s21, s24;
	v39 =	vld.idx.msk [tilespmem:v61+s15+$0x0], $0xffff;
	[tilespmem:s5+$0x0] =	vst v34  }
0x3e3: {  	v41 =	vadd.s32 $0x2500, v25;
	s11 =	sor.u32 s29, s26;
	v35 =	vld.idx.msk [tilespmem:v62+s15+$0x0], $0xffff;
	[tilespmem:s10+$0x0] =	vst v63  }
0x3e4: {  	[tilespmem:s11+$0x0] =	vst v30;
	v30 =	vadd.s32 $0x4880, v26;
	v32 =	vld.idx.msk [tilespmem:v44+s15+$0x0], $0xffff  }
0x3e5: {  	v49 =	vadd.s32 $0x4900, v31;
	[tilespmem:s6+$0x100] =	vst v29;
	v29 =	vld.idx.msk [tilespmem:v45+s15+$0x0], $0xffff  }
0x3e6: {  	v51 =	vadd.s32 $0x2580, v24;
	s7 =	sor.u32 s28, s26;
	[tilespmem:s3+$0x100] =	vst v33;
	v50 =	vld.idx.msk [tilespmem:v46+s15+$0x0], $0xffff  }
0x3e7: {  	v52 =	vor.u32 $0x200, v28;
	s12 =	sor.u32 $0x10300, s22;
	s5 =	sor.u32 s14, s24;
	v34 =	vld.idx.msk [tilespmem:v47+s15+$0x0], $0xffff;
	[tilespmem:s7+$0x0] =	vst v39  }
0x3e8: {  	s16 =	sadd.s32 $0xEF80, s30;
	v53 =	vor.u32 $0x200, v27;
	s19 =	sor.u32 s21, s12;
	v39 =	vld.idx.msk [tilespmem:v41+s15+$0x0], $0xffff;
	[tilespmem:s5+$0x0] =	vst v35  }
0x3e9: {  	s23 =	sor.u32 s29, s16;
	v54 =	vadd.s32 $0x2580, v25;
	v30 =	vld.idx.msk [tilespmem:v30+s15+$0x0], $0xffff;
	[tilespmem:s19+$0x0] =	vst v32  }
0x3ea: {  	[tilespmem:s23+$0x0] =	vst v29;
	v29 =	vadd.s32 $0x4900, v26;
	v32 =	vld.idx.msk [tilespmem:v49+s15+$0x0], $0xffff  }
0x3eb: {  	v56 =	vadd.s32 $0x4980, v31;
	[tilespmem:s6+$0x180] =	vst v50;
	v55 =	vld.idx.msk [tilespmem:v51+s15+$0x0], $0xffff  }
0x3ec: {  	v58 =	vadd.s32 $0x2600, v24;
	s5 =	sor.u32 s28, s16;
	[tilespmem:s3+$0x180] =	vst v34;
	v57 =	vld.idx.msk [tilespmem:v52+s15+$0x0], $0xffff  }
0x3ed: {  	v59 =	vor.u32 $0x280, v28;
	s24 =	sor.u32 $0x10380, s22;
	s7 =	sor.u32 s14, s12;
	v35 =	vld.idx.msk [tilespmem:v53+s15+$0x0], $0xffff;
	[tilespmem:s5+$0x0] =	vst v39  }
0x3ee: {  	s26 =	sor.u32 $0xF000, s30;
	s10 =	sor.u32 s21, s24;
	v39 =	vld.idx.msk [tilespmem:v54+s15+$0x0], $0xffff;
	[tilespmem:s7+$0x0] =	vst v30  }
0x3ef: {  	s11 =	sor.u32 s29, s26;
	v30 =	vor.u32 $0x280, v27;
	v29 =	vld.idx.msk [tilespmem:v29+s15+$0x0], $0xffff;
	[tilespmem:s10+$0x0] =	vst v32  }
0x3f0: {  	s8 =	sand.u32 $0x60, s13;
	v60 =	vadd.s32 $0x2600, v25;
	[tilespmem:s11+$0x0] =	vst v55;
	v32 =	vld.idx.msk [tilespmem:v56+s15+$0x0], $0xffff  }
0x3f1: {  	v61 =	vadd.s32 $0x4980, v26;
	s12 =	sand.u32 $0x180, s13;
	s10 =	sor.u32 $0x10, s8;
	[tilespmem:s6+$0x200] =	vst v57;
	v33 =	vld.idx.msk [tilespmem:v58+s15+$0x0], $0xffff  }
0x3f2: {  	v63 =	vadd.s32 $0x4A00, v31;
	s16 =	sor.u32 s10, s12;
	v62 =	vld.idx.msk [tilespmem:v59+s15+$0x0], $0xffff  }
0x3f3: {  	v46 =	vadd.s32 $0x2680, v24;
	s7 =	sor.u32 s28, s26;
	[tilespmem:s3+$0x200] =	vst v35;
	v42 =	vld [tilespmem:s16+$0x0]  }
0x3f4: {  	v47 =	vor.u32 $0x300, v28;
	s19 =	sadd.s32 $0x10400, s22;
	s5 =	sor.u32 s14, s24;
	v45 =	vld.idx.msk [tilespmem:v30+s15+$0x0], $0xffff;
	[tilespmem:s7+$0x0] =	vst v39  }
0x3f5: {  	v43 =	vor.u32 $0x300, v27;
	s24 =	sor.u32 $0xF080, s30;
	s26 =	sor.u32 s21, s19;
	v41 =	vld.idx.msk [tilespmem:v60+s15+$0x0], $0xffff;
	[tilespmem:s5+$0x0] =	vst v29;
	v29 =	vshll.u32 v48, $0x3  }
0x3f6: {  	s11 =	sor.u32 s29, s24;
	v30 =	vand.u32 $0x7F, v48;
	v48 =	vadd.s32 $0x2680, v25;
	v29 =	vand.u32 $0xFFFFFC00, v29;
	v34 =	vld.idx.msk [tilespmem:v61+s15+$0x0], $0xffff;
	[tilespmem:s26+$0x0] =	vst v32  }
0x3f7: {  	v30 =	vor.u32 v30, v29;
	[tilespmem:s11+$0x0] =	vst v33;
	v32 =	vld.idx.msk [tilespmem:v63+s15+$0x0], $0xffff  }
0x3f8: {  	v49 =	vadd.s32 $0x4A00, v26;
	[tilespmem:s6+$0x280] =	vst v62;
	v33 =	vld.idx.msk [tilespmem:v46+s15+$0x0], $0xffff  }
0x3f9: {  	s23 =	simm.s32 $0x2;
	v51 =	vadd.s32 $0x4A80, v31;
	s5 =	sor.u32 s28, s24;
	[tilespmem:s3+$0x280] =	vst v45;
	v50 =	vld.idx.msk [tilespmem:v47+s15+$0x0], $0xffff  }
0x3fa: {  	v53 =	vadd.s32 $0x2700, v24;
	s12 =	sand.u32 $0x3, s23;
	v29 =	vshll.u32 v42, $0x3;
	v52 =	vld.idx.msk [tilespmem:v43+s15+$0x0], $0xffff;
	[tilespmem:s5+$0x0] =	vst v41  }
0x3fb: {  	v55 =	vor.u32 $0x380, v28;
	s16 =	sor.u32 s14, s19;
	v54 =	vand.u32 $0x7F, v42;
	s6 =	sadd.s32 $0x10480, s22;
	v29 =	vand.u32 $0xFFFFFC00, v29;
	s3 =	sshll.u32 s12, $0x5;
	v40 =	vld.idx.msk [tilespmem:v48+s15+$0x0], $0xffff  }
0x3fc: {  	s19 =	sor.u32 $0xF100, s30;
	s24 =	sor.u32 s21, s6;
	v29 =	vor.u32 v54, v29;
	s3 =	sadd.s32 $0x200, s3;
	[tilespmem:s16+$0x0] =	vst v34;
	v43 =	vld.idx.msk [tilespmem:v30+s15+$0x0], $0xffff  }
0x3fd: {  	v56 =	vor.u32 $0x380, v27;
	s26 =	sor.u32 s29, s19;
	s9 =	sadd.s32 $0x10, s3;
	v35 =	vld.idx.msk [tilespmem:v49+s15+$0x0], $0xffff;
	[tilespmem:s24+$0x0] =	vst v32  }
0x3fe: {  	v57 =	vadd.s32 $0x2700, v25;
	s12 =	sor.u32 $0x300, s9;
	[tilespmem:s26+$0x0] =	vst v33;
	v58 =	vld.idx.msk [tilespmem:v51+s15+$0x0], $0xffff  }
0x3ff: {  	v60 =	vadd.s32 $0x4A80, v26;
	s3 =	sor.u32 $0x300, s3;
	[tilespmem:s12+$0xDA80] =	vst v50;
	v59 =	vld.idx.msk [tilespmem:v53+s15+$0x0], $0xffff  }
0x400: {  	v62 =	vadd.s32 $0x4B00, v31;
	s16 =	sor.u32 s28, s19;
	v61 =	vld.idx.msk [tilespmem:v55+s15+$0x0], $0xffff;
	[tilespmem:s3+$0xDA80] =	vst v52  }
0x401: {  	s6 =	sor.u32 s14, s6;
	v48 =	vadd.s32 $0x2780, v24;
	s12 =	sadd.s32 $0x10500, s22;
	v63 =	vld.idx.msk [tilespmem:v29+s15+$0x0], $0xffff;
	[tilespmem:s16+$0x0] =	vst v40  }
0x402: {  	s5 =	sor.u32 $0xF180, s30;
	v49 =	vadd.s32 $0x2400, v28;
	s3 =	simm.s32 $0x300;
	s19 =	sor.u32 s21, s12;
	v34 =	vld.idx.msk [tilespmem:v56+s15+$0x0], $0xffff;
	[tilespmem:s6+$0x0] =	vst v35  }
0x403: {  	v44 =	vor.u32 $0x80, v29;
	s24 =	sor.u32 s29, s5;
	s11 =	sand.u32 $0xC00, s3;
	v45 =	vld.idx.msk [tilespmem:v57+s15+$0x0], $0xffff;
	[tilespmem:s19+$0x0] =	vst v58  }
0x404: {  	s9 =	sor.u32 $0x380, s9;
	v50 =	vor.u32 $0x80, v30;
	s26 =	sadd.s32 $0xDA80, s11;
	v32 =	vld.idx.msk [tilespmem:v60+s15+$0x0], $0xffff;
	[tilespmem:s24+$0x0] =	vst v59  }
0x405: {  	v51 =	vadd.s32 $0x2400, v27;
	s16 =	sor.u32 s10, s26;
	v52 =	vld.idx.msk [tilespmem:v62+s15+$0x0], $0xffff;
	[tilespmem:s9+$0xDA80] =	vst v61  }
0x406: {  	s1 =	sor.u32 s4, s1;
	v53 =	vadd.s32 $0x2780, v25;
	s19 =	sor.u32 s8, s26;
	v54 =	vld.idx.msk [tilespmem:v48+s15+$0x0], $0xffff;
	[tilespmem:s16+$0x0] =	vst v63  }
0x407: {  	s1 =	sor.u32 $0x380, s1;
	v31 =	vadd.s32 $0x4B80, v31;
	[tilespmem:s19+$0x0] =	vst v43;
	v55 =	vld.idx.msk [tilespmem:v49+s15+$0x0], $0xffff  }
0x408: {  	s5 =	sor.u32 s28, s5;
	v57 =	vadd.s32 $0x4800, v24;
	v56 =	vld.idx.msk [tilespmem:v44+s15+$0x0], $0xffff;
	[tilespmem:s1+$0xDA80] =	vst v34;
	s1 =	sadd.s32 $0x10580, s22  }
0x409: {  	s4 =	sor.u32 $0xF200, s30;
	v58 =	vld.idx.msk [tilespmem:v50+s15+$0x0], $0xffff;
	[tilespmem:s5+$0x0] =	vst v45;
	s6 =	sor.u32 s21, s1  }
0x40a: {  	s7 =	sor.u32 s29, s4;
	v59 =	vadd.s32 $0x2480, v28;
	s9 =	sadd.s32 $0xEE80, s2;
	v61 =	vld.idx.msk [tilespmem:v51+s15+$0x0], $0xffff;
	[tilespmem:s6+$0x0] =	vst v52  }
0x40b: {  	v60 =	vor.u32 $0x100, v29;
	s24 =	sor.u32 s0, s9;
	v37 =	vld.idx.msk [tilespmem:v53+s15+$0x0], $0xffff;
	[tilespmem:s7+$0x0] =	vst v54  }
0x40c: {  	v62 =	vor.u32 $0x100, v30;
	s7 =	sshll.u32 s25, $0x1;
	v46 =	vld.idx.msk [tilespmem:v31+s15+$0x0], $0xffff;
	[tilespmem:s24+$0x0] =	vst v55  }
0x40d: {  	v63 =	vadd.s32 $0x2480, v27;
	v33 =	vld.idx.msk [tilespmem:v57+s15+$0x0], $0xffff;
	[dreg:$0x11] =	wrdreg s7  }
0x40e: {  	v47 =	vadd.s32 $0x4800, v25;
	[tilespmem:s16+$0x80] =	vst v56  }
0x40f: {  	s4 =	sor.u32 s28, s4;
	s26 =	sor.u32 s3, s13;
	s9 =	sor.u32 s31, s9;
	v35 =	vld.idx.msk [tilespmem:v59+s15+$0x0], $0xffff;
	[tilespmem:s19+$0x80] =	vst v58  }
0x410: {  	s12 =	sor.u32 s14, s12;
	s22 =	sadd.s32 $0x10600, s22;
	s5 =	sor.u32 $0x380, s26;
	v31 =	vadd.s32 $0x4880, v24;
	[tilespmem:s9+$0x0] =	vst v61;
	v39 =	vld.idx.msk [tilespmem:v60+s15+$0x0], $0xffff  }
0x411: {  	s1 =	sor.u32 s14, s1;
	s14 =	sor.u32 s14, s22;
	s22 =	sor.u32 s21, s22;
	[tilespmem:s4+$0x0] =	vst v37;
	v37 =	vadd.s32 $0x2500, v28;
	v38 =	vld.idx.msk [tilespmem:v62+s15+$0x0], $0xffff  }
0x412: {  	v40 =	vor.u32 $0x180, v29;
	s21 =	sadd.s32 $0xEF00, s2;
	s6 =	simm.s32 $0x6;
	s24 =	sor.u32 $0x10280, s30;
	v36 =	vld.idx.msk [tilespmem:v63+s15+$0x0], $0xffff  }
0x413: {  	v41 =	vor.u32 $0x180, v30;
	s26 =	sor.u32 s28, s24;
	s9 =	simm.s32 $0x80;
	s4 =	sor.u32 s29, s24;
	v34 =	vld.idx.msk [tilespmem:v47+s15+$0x0], $0xffff;
	[tilespmem:s22+$0x0] =	vst v46  }
.LBB2_9:
0x414: {  	v42 =	vld [tilespmem:s9+$0x0];
	s24 =	sor.u32 s31, s21;
	v43 =	vadd.s32 $0x2500, v27;
	s22 =	sor.u32 s0, s21;
	[tilespmem:s4+$0x0] =	vst v33;
	s21 =	smov.u32 s28  }
0x415: {  	v33 =	vadd.s32 $0x4880, v25;
	s28 =	smov.u32 s31;
	s31 =	smov.u32 s8;
	[tilespmem:s22+$0x0] =	vst v35;
	v31 =	vld.idx.msk [tilespmem:v31+s15+$0x0], $0xffff;
	s22 =	smov.u32 s29  }
0x416: {  	s4 =	smov.u32 s2;
	s29 =	smov.u32 s0;
	s0 =	smov.u32 s10;
	[tilespmem:s16+$0x100] =	vst v39;
	v35 =	vld.idx.msk [tilespmem:v37+s15+$0x0], $0xffff;
	v37 =	vadd.s32 $0x4B00, v26  }
0x417: {  	s2 =	smov.u32 s11;
	v39 =	vadd.s32 $0x4900, v24;
	[tilespmem:s19+$0x100] =	vst v38;
	v38 =	vld.idx.msk [tilespmem:v40+s15+$0x0], $0xffff  }
0x418: {  	v40 =	vld.idx.msk [tilespmem:v41+s15+$0x0], $0xffff;
	[tilespmem:s24+$0x0] =	vst v36;
	v36 =	vadd.s32 $0x2580, v28  }
0x419: {  	s8 =	sor.u32 $0x10300, s30;
	v41 =	vor.u32 $0x200, v29;
	v43 =	vld.idx.msk [tilespmem:v43+s15+$0x0], $0xffff;
	[tilespmem:s26+$0x0] =	vst v34  }
0x41a: {  	s10 =	sadd.s32 $0xEF80, s4;
	s11 =	sor.u32 s21, s8;
	s8 =	sor.u32 s22, s8;
	v34 =	vor.u32 $0x200, v30;
	v33 =	vld.idx.msk [tilespmem:v33+s15+$0x0], $0xffff;
	[tilespmem:s12+$0x0] =	vst v32  }
0x41b: {  	s12 =	sor.u32 s28, s10;
	v32 =	vadd.s32 $0x2580, v27;
	s10 =	sor.u32 s29, s10;
	[tilespmem:s8+$0x0] =	vst v31;
	v31 =	vld.idx.msk [tilespmem:v37+s15+$0x0], $0xffff  }
0x41c: {  	[tilespmem:s10+$0x0] =	vst v35;
	v35 =	vadd.s32 $0x4900, v25;
	v37 =	vld.idx.msk [tilespmem:v39+s15+$0x0], $0xffff  }
0x41d: {  	[tilespmem:s16+$0x180] =	vst v38;
	v36 =	vld.idx.msk [tilespmem:v36+s15+$0x0], $0xffff;
	v38 =	vadd.s32 $0x4B80, v26;
	v26 =	vmovc v25;
	v25 =	vmov v27;
	v27 =	vmov v30  }
0x41e: {  	v39 =	vadd.s32 $0x4980, v24;
	[tilespmem:s19+$0x180] =	vst v40;
	v30 =	vld.idx.msk [tilespmem:v41+s15+$0x0], $0xffff  }
0x41f: {  	v40 =	vadd.s32 $0x2600, v28;
	v34 =	vld.idx.msk [tilespmem:v34+s15+$0x0], $0xffff;
	[tilespmem:s12+$0x0] =	vst v43  }
0x420: {  	s8 =	sor.u32 $0x10380, s30;
	v41 =	vor.u32 $0x280, v29;
	v32 =	vld.idx.msk [tilespmem:v32+s15+$0x0], $0xffff;
	[tilespmem:s11+$0x0] =	vst v33  }
0x421: {  	s10 =	sor.u32 $0xF000, s4;
	v33 =	vor.u32 $0x280, v27;
	s11 =	sor.u32 s21, s8;
	s8 =	sor.u32 s22, s8;
	v35 =	vld.idx.msk [tilespmem:v35+s15+$0x0], $0xffff;
	[tilespmem:s1+$0x0] =	vst v31  }
0x422: {  	s1 =	sor.u32 s28, s10;
	v31 =	vadd.s32 $0x2600, v25;
	s10 =	sor.u32 s29, s10;
	[tilespmem:s8+$0x0] =	vst v37;
	v37 =	vld.idx.msk [tilespmem:v38+s15+$0x0], $0xffff  }
0x423: {  	[tilespmem:s10+$0x0] =	vst v36;
	v36 =	vld.idx.msk [tilespmem:v39+s15+$0x0], $0xffff  }
0x424: {  	s13 =	sadd.s32 $0x20, s13;
	[tilespmem:s16+$0x200] =	vst v30;
	v38 =	vld.idx.msk [tilespmem:v40+s15+$0x0], $0xffff;
	v30 =	vadd.s32 $0x4980, v26  }
0x425: {  	s6 =	sadd.s32 $0x2, s6;
	s8 =	sand.u32 $0x60, s13;
	v39 =	vadd.s32 $0x4A00, v24;
	[tilespmem:s19+$0x200] =	vst v34;
	v34 =	vld.idx.msk [tilespmem:v41+s15+$0x0], $0xffff  }
0x426: {  	p1 =	slt.u32 s6, $0x1E;
	s12 =	sand.u32 $0x180, s13;
	s10 =	sor.u32 $0x10, s8;
	v33 =	vld.idx.msk [tilespmem:v33+s15+$0x0], $0xffff;
	[tilespmem:s1+$0x0] =	vst v32;
	v32 =	vadd.s32 $0x2680, v28  }
0x427: {  	v40 =	vor.u32 $0x300, v29;
	s1 =	sor.u32 s10, s12;
	v31 =	vld.idx.msk [tilespmem:v31+s15+$0x0], $0xffff;
	[tilespmem:s11+$0x0] =	vst v35;
	s11 =	sadd.s32 $0x10400, s30  }
0x428: {  	v43 =	vor.u32 $0x300, v27;
	v35 =	vshll.u32 v42, $0x3;
	v41 =	vld [tilespmem:s1+$0x0];
	s1 =	sor.u32 $0xF080, s4;
	s12 =	sor.u32 s21, s11;
	s11 =	sor.u32 s22, s11;
	[tilespmem:s14+$0x0] =	vst v37  }
0x429: {  	v37 =	vand.u32 $0x7F, v42;
	v35 =	vand.u32 $0xFFFFFC00, v35;
	v42 =	vadd.s32 $0x2680, v25;
	s14 =	sor.u32 s28, s1;
	s1 =	sor.u32 s29, s1;
	v44 =	vld.idx.msk [tilespmem:v30+s15+$0x0], $0xffff;
	[tilespmem:s11+$0x0] =	vst v36  }
0x42a: {  	v30 =	vor.u32 v37, v35;
	[tilespmem:s1+$0x0] =	vst v38;
	v35 =	vld.idx.msk [tilespmem:v39+s15+$0x0], $0xffff  }
0x42b: {  	[tilespmem:s16+$0x280] =	vst v34;
	v32 =	vld.idx.msk [tilespmem:v32+s15+$0x0], $0xffff;
	v34 =	vadd.s32 $0x4A00, v26  }
0x42c: {  	s23 =	sadd.s32 $0x1, s23;
	v36 =	vadd.s32 $0x4A80, v24;
	[tilespmem:s19+$0x280] =	vst v33;
	v33 =	vld.idx.msk [tilespmem:v40+s15+$0x0], $0xffff  }
0x42d: {  	s1 =	sand.u32 $0x3, s23;
	v37 =	vshll.u32 v41, $0x3;
	v38 =	vld.idx.msk [tilespmem:v43+s15+$0x0], $0xffff;
	[tilespmem:s14+$0x0] =	vst v31;
	v31 =	vadd.s32 $0x2700, v28  }
0x42e: {  	s11 =	sadd.s32 $0x10480, s30;
	s1 =	sshll.u32 s1, $0x5;
	v40 =	vor.u32 $0x380, v29;
	v39 =	vand.u32 $0x7F, v41;
	v37 =	vand.u32 $0xFFFFFC00, v37;
	v41 =	vld.idx.msk [tilespmem:v42+s15+$0x0], $0xffff  }
0x42f: {  	s1 =	sadd.s32 s1, s3;
	s14 =	sor.u32 $0xF100, s4;
	v42 =	vld.idx.msk [tilespmem:v30+s15+$0x0], $0xffff;
	v37 =	vor.u32 v39, v37;
	[tilespmem:s12+$0x0] =	vst v44;
	s12 =	sor.u32 s22, s11  }
0x430: {  	s16 =	sor.u32 $0x300, s1;
	s1 =	sadd.s32 $0x10, s1;
	s19 =	sor.u32 s29, s14;
	v39 =	vor.u32 $0x380, v27;
	v34 =	vld.idx.msk [tilespmem:v34+s15+$0x0], $0xffff;
	[tilespmem:s12+$0x0] =	vst v35  }
0x431: {  	s14 =	sor.u32 s28, s14;
	s11 =	sor.u32 s21, s11;
	s12 =	sor.u32 $0x300, s1;
	v35 =	vadd.s32 $0x2700, v25;
	[tilespmem:s19+$0x0] =	vst v32;
	v36 =	vld.idx.msk [tilespmem:v36+s15+$0x0], $0xffff  }
0x432: {  	v32 =	vadd.s32 $0x4A80, v26;
	[tilespmem:s12+$0xDA80] =	vst v33;
	v31 =	vld.idx.msk [tilespmem:v31+s15+$0x0], $0xffff  }
0x433: {  	[tilespmem:s16+$0xDA80] =	vst v38;
	v33 =	vld.idx.msk [tilespmem:v40+s15+$0x0], $0xffff;
	v38 =	vadd.s32 $0x4B00, v24  }
0x434: {  	v40 =	vld.idx.msk [tilespmem:v37+s15+$0x0], $0xffff;
	[tilespmem:s14+$0x0] =	vst v41;
	v41 =	vadd.s32 $0x2780, v28  }
0x435: {  	v43 =	vadd.s32 $0x2400, v29;
	s12 =	sadd.s32 $0x10500, s30;
	v39 =	vld.idx.msk [tilespmem:v39+s15+$0x0], $0xffff  }
0x436: {  	s3 =	sadd.s32 $0x100, s3;
	v44 =	vor.u32 $0x80, v37;
	s16 =	sor.u32 s22, s12;
	s14 =	sor.u32 $0xF180, s4;
	v35 =	vld.idx.msk [tilespmem:v35+s15+$0x0], $0xffff;
	[tilespmem:s11+$0x0] =	vst v34  }
0x437: {  	s19 =	sor.u32 s3, s13;
	s24 =	sor.u32 s29, s14;
	s11 =	sand.u32 $0xC00, s3;
	v34 =	vor.u32 $0x80, v30;
	v32 =	vld.idx.msk [tilespmem:v32+s15+$0x0], $0xffff;
	[tilespmem:s16+$0x0] =	vst v36  }
0x438: {  	s1 =	sor.u32 $0x380, s1;
	s26 =	sor.u32 $0x380, s19;
	s16 =	sadd.s32 $0xDA80, s11;
	v36 =	vadd.s32 $0x2400, v27;
	[tilespmem:s24+$0x0] =	vst v31;
	v31 =	vld.idx.msk [tilespmem:v38+s15+$0x0], $0xffff  }
0x439: {  	s19 =	sor.u32 s8, s16;
	s16 =	sor.u32 s10, s16;
	[tilespmem:s1+$0xDA80] =	vst v33;
	s1 =	sor.u32 s28, s14;
	v33 =	vadd.s32 $0x2780, v25;
	v38 =	vld.idx.msk [tilespmem:v41+s15+$0x0], $0xffff  }
0x43a: {  	s12 =	sor.u32 s21, s12;
	v41 =	vadd.s32 $0x4B80, v24;
	v24 =	vmovc v28;
	v28 =	vmov v29;
	v29 =	vmov v37;
	[tilespmem:s16+$0x0] =	vst v40;
	v40 =	vld.idx.msk [tilespmem:v43+s15+$0x0], $0xffff  }
0x43b: {  	[tilespmem:s19+$0x0] =	vst v42;
	v37 =	vld.idx.msk [tilespmem:v44+s15+$0x0], $0xffff;
	v42 =	vadd.s32 $0x4800, v24  }
0x43c: {  	s14 =	sadd.s32 $0x10580, s30;
	v34 =	vld.idx.msk [tilespmem:v34+s15+$0x0], $0xffff;
	[tilespmem:s5+$0xDA80] =	vst v39;
	v39 =	vadd.s32 $0x2480, v28;
	s5 =	smov.u32 s26  }
0x43d: {  	s24 =	sor.u32 $0xF200, s4;
	v43 =	vor.u32 $0x100, v29;
	v36 =	vld.idx.msk [tilespmem:v36+s15+$0x0], $0xffff;
	[tilespmem:s1+$0x0] =	vst v35;
	s1 =	sor.u32 s21, s14;
	s14 =	sor.u32 s22, s14  }
0x43e: {  	s7 =	sor.u32 s28, s24;
	s24 =	sor.u32 s29, s24;
	v44 =	vor.u32 $0x100, v30;
	s26 =	sadd.s32 $0xEE80, s2;
	v45 =	vld.idx.msk [tilespmem:v33+s15+$0x0], $0xffff;
	[tilespmem:s14+$0x0] =	vst v31  }
0x43f: {  	v46 =	vadd.s32 $0x2480, v27;
	s14 =	sor.u32 s31, s26;
	s26 =	sor.u32 s0, s26;
	[tilespmem:s24+$0x0] =	vst v38;
	v47 =	vld.idx.msk [tilespmem:v41+s15+$0x0], $0xffff  }
0x440: {  	v48 =	vadd.s32 $0x4800, v25;
	[tilespmem:s26+$0x0] =	vst v40;
	v33 =	vld.idx.msk [tilespmem:v42+s15+$0x0], $0xffff  }
.Ltmp3:
0x441: {  	[tilespmem:s16+$0x80] =	vst v37;
	v35 =	vld.idx.msk [tilespmem:v39+s15+$0x0], $0xffff;
	(pc) =	sbr.rel @p1 .LBB2_9-.Ltmp3, $4  }
0x442: {  	v31 =	vadd.s32 $0x4880, v24;
	[tilespmem:s19+$0x80] =	vst v34;
	v39 =	vld.idx.msk [tilespmem:v43+s15+$0x0], $0xffff  }
0x443: {  	s9 =	sadd.s32 $0x20, s9;
	s24 =	sadd.s32 $0x10600, s30;
	s30 =	smov.u32 s4;
	v37 =	vadd.s32 $0x2500, v28;
	v38 =	vld.idx.msk [tilespmem:v44+s15+$0x0], $0xffff;
	[tilespmem:s14+$0x0] =	vst v36  }
0x444: {  	v40 =	vor.u32 $0x180, v29;
	s4 =	sor.u32 $0x10280, s30;
	s14 =	sor.u32 s21, s24;
	v36 =	vld.idx.msk [tilespmem:v46+s15+$0x0], $0xffff;
	[tilespmem:s7+$0x0] =	vst v45;
	s7 =	sor.u32 s22, s24  }
0x445: {  	v41 =	vor.u32 $0x180, v30;
	s26 =	sor.u32 s28, s4;
	s4 =	sor.u32 s29, s4;
	s21 =	sadd.s32 $0xEF00, s2;
	v34 =	vld.idx.msk [tilespmem:v48+s15+$0x0], $0xffff;
	[tilespmem:s7+$0x0] =	vst v47  }
0x446: {  	_ =	sdelay $0x2  }
0x447: {  	[tilespmem:s16+$0x100] =	vst v39  }
0x448: {  	[tilespmem:s19+$0x100] =	vst v38;
	v61 =	vld.idx.msk [tilespmem:v40+s15+$0x0], $0xffff  }
0x449: {  	v63 =	vor.u32 $0x200, v29;
	v62 =	vld.idx.msk [tilespmem:v41+s15+$0x0], $0xffff  }
0x44a: {  	v44 =	vor.u32 $0x200, v30;
	_ =	sdelay $0x2  }
0x44b: {  	[tilespmem:s16+$0x180] =	vst v61  }
0x44c: {  	[tilespmem:s19+$0x180] =	vst v62;
	v38 =	vld.idx.msk [tilespmem:v63+s15+$0x0], $0xffff  }
0x44d: {  	v45 =	vor.u32 $0x280, v29;
	v39 =	vld.idx.msk [tilespmem:v44+s15+$0x0], $0xffff  }
0x44e: {  	v46 =	vor.u32 $0x280, v30;
	_ =	sdelay $0x2  }
0x44f: {  	[tilespmem:s16+$0x200] =	vst v38  }
0x450: {  	[tilespmem:s19+$0x200] =	vst v39;
	v38 =	vld.idx.msk [tilespmem:v45+s15+$0x0], $0xffff  }
0x451: {  	v47 =	vor.u32 $0x300, v29;
	v39 =	vld.idx.msk [tilespmem:v46+s15+$0x0], $0xffff  }
0x452: {  	v48 =	vor.u32 $0x300, v30;
	_ =	sdelay $0x2  }
0x453: {  	s6 =	sadd.s32 $0x1, s23;
	[tilespmem:s16+$0x280] =	vst v38  }
0x454: {  	s6 =	sand.u32 $0x3, s6;
	[tilespmem:s19+$0x280] =	vst v39;
	v38 =	vld.idx.msk [tilespmem:v47+s15+$0x0], $0xffff  }
0x455: {  	v49 =	vor.u32 $0x380, v29;
	s6 =	sshll.u32 s6, $0x5;
	v39 =	vld.idx.msk [tilespmem:v48+s15+$0x0], $0xffff  }
0x456: {  	v50 =	vor.u32 $0x380, v30;
	s3 =	sadd.s32 s6, s3  }
0x457: {  	s6 =	sadd.s32 $0x10, s3  }
0x458: {  	s7 =	sor.u32 $0x300, s6  }
0x459: {  	s3 =	sor.u32 $0x300, s3;
	[tilespmem:s7+$0xDA80] =	vst v38  }
0x45a: {  	[tilespmem:s3+$0xDA80] =	vst v39;
	v38 =	vld.idx.msk [tilespmem:v49+s15+$0x0], $0xffff  }
0x45b: {  	v51 =	vadd.s32 $0x2400, v29;
	v39 =	vld.idx.msk [tilespmem:v50+s15+$0x0], $0xffff  }
0x45c: {  	v52 =	vadd.s32 $0x2400, v30;
	_ =	sdelay $0x1  }
0x45d: {  	s22 =	sor.u32 $0x380, s6  }
0x45e: {  	[tilespmem:s22+$0xDA80] =	vst v38  }
0x45f: {  	v38 =	vld.idx.msk [tilespmem:v51+s15+$0x0], $0xffff;
	[tilespmem:s5+$0xDA80] =	vst v39  }
0x460: {  	v53 =	vadd.s32 $0x2480, v29;
	v54 =	vld.idx.msk [tilespmem:v52+s15+$0x0], $0xffff  }
0x461: {  	v55 =	vadd.s32 $0x2480, v30  }
0x462: {  	s23 =	sadd.s32 $0xEE80, s11  }
0x463: {  	s24 =	sor.u32 s10, s23  }
0x464: {  	s3 =	sor.u32 s8, s23;
	[tilespmem:s24+$0x0] =	vst v38  }
0x465: {  	v56 =	vadd.s32 $0x2500, v27;
	v39 =	vld.idx.msk [tilespmem:v53+s15+$0x0], $0xffff;
	[tilespmem:s3+$0x0] =	vst v54  }
0x466: {  	v57 =	vadd.s32 $0x2500, v29;
	v41 =	vld.idx.msk [tilespmem:v55+s15+$0x0], $0xffff  }
0x467: {  	v42 =	vadd.s32 $0x2500, v30;
	s6 =	sor.u32 s0, s21  }
0x468: {  	s9 =	sadd.s32 $0xEF00, s11;
	[tilespmem:s6+$0x0] =	vst v35;
	s7 =	sor.u32 s31, s21  }
0x469: {  	s13 =	sor.u32 s10, s9;
	v35 =	vld.idx.msk [tilespmem:v37+s15+$0x0], $0xffff;
	[tilespmem:s7+$0x0] =	vst v36  }
0x46a: {  	v58 =	vadd.s32 $0x2580, v28;
	v59 =	vld.idx.msk [tilespmem:v56+s15+$0x0], $0xffff;
	s3 =	sor.u32 s8, s9;
	[tilespmem:s13+$0x0] =	vst v39  }
0x46b: {  	v60 =	vadd.s32 $0x2580, v27;
	v39 =	vld.idx.msk [tilespmem:v57+s15+$0x0], $0xffff;
	[tilespmem:s3+$0x0] =	vst v41  }
0x46c: {  	v61 =	vadd.s32 $0x2580, v29;
	s16 =	sadd.s32 $0xEF80, s2;
	v41 =	vld.idx.msk [tilespmem:v42+s15+$0x0], $0xffff  }
0x46d: {  	v62 =	vadd.s32 $0x2580, v30;
	s19 =	sor.u32 s0, s16  }
0x46e: {  	[tilespmem:s19+$0x0] =	vst v35;
	s21 =	sadd.s32 $0xEF80, s11;
	s3 =	sor.u32 s31, s16  }
0x46f: {  	v35 =	vld.idx.msk [tilespmem:v58+s15+$0x0], $0xffff;
	s22 =	sor.u32 s10, s21;
	[tilespmem:s3+$0x0] =	vst v59  }
0x470: {  	v63 =	vadd.s32 $0x2600, v28;
	s5 =	sor.u32 s8, s21;
	v37 =	vld.idx.msk [tilespmem:v60+s15+$0x0], $0xffff;
	[tilespmem:s22+$0x0] =	vst v39  }
0x471: {  	v45 =	vadd.s32 $0x2600, v27;
	v39 =	vld.idx.msk [tilespmem:v61+s15+$0x0], $0xffff;
	[tilespmem:s5+$0x0] =	vst v41  }
0x472: {  	v46 =	vadd.s32 $0x2600, v29;
	s23 =	sor.u32 $0xF000, s2;
	v41 =	vld.idx.msk [tilespmem:v62+s15+$0x0], $0xffff  }
0x473: {  	v47 =	vadd.s32 $0x2600, v30;
	s24 =	sor.u32 s0, s23  }
0x474: {  	s6 =	sor.u32 $0xF000, s11;
	[tilespmem:s24+$0x0] =	vst v35;
	s3 =	sor.u32 s31, s23  }
0x475: {  	s7 =	sor.u32 s10, s6;
	v35 =	vld.idx.msk [tilespmem:v63+s15+$0x0], $0xffff;
	[tilespmem:s3+$0x0] =	vst v37  }
0x476: {  	v48 =	vadd.s32 $0x2680, v28;
	s5 =	sor.u32 s8, s6;
	v37 =	vld.idx.msk [tilespmem:v45+s15+$0x0], $0xffff;
	[tilespmem:s7+$0x0] =	vst v39  }
0x477: {  	v49 =	vadd.s32 $0x2680, v27;
	v39 =	vld.idx.msk [tilespmem:v46+s15+$0x0], $0xffff;
	[tilespmem:s5+$0x0] =	vst v41  }
0x478: {  	v50 =	vadd.s32 $0x2680, v29;
	s9 =	sor.u32 $0xF080, s2;
	v41 =	vld.idx.msk [tilespmem:v47+s15+$0x0], $0xffff  }
0x479: {  	v51 =	vadd.s32 $0x2680, v30;
	s13 =	sor.u32 s0, s9  }
0x47a: {  	[tilespmem:s13+$0x0] =	vst v35;
	s16 =	sor.u32 $0xF080, s11;
	s3 =	sor.u32 s31, s9  }
0x47b: {  	v35 =	vld.idx.msk [tilespmem:v48+s15+$0x0], $0xffff;
	s19 =	sor.u32 s10, s16;
	[tilespmem:s3+$0x0] =	vst v37  }
0x47c: {  	v52 =	vadd.s32 $0x2700, v28;
	s5 =	sor.u32 s8, s16;
	v37 =	vld.idx.msk [tilespmem:v49+s15+$0x0], $0xffff;
	[tilespmem:s19+$0x0] =	vst v39  }
0x47d: {  	v53 =	vadd.s32 $0x2700, v27;
	v39 =	vld.idx.msk [tilespmem:v50+s15+$0x0], $0xffff;
	[tilespmem:s5+$0x0] =	vst v41  }
0x47e: {  	s21 =	sor.u32 $0xF100, s2;
	v54 =	vadd.s32 $0x2700, v29;
	v41 =	vld.idx.msk [tilespmem:v51+s15+$0x0], $0xffff  }
0x47f: {  	v55 =	vadd.s32 $0x2700, v30;
	s22 =	sor.u32 s0, s21  }
0x480: {  	s23 =	sor.u32 $0xF100, s11;
	[tilespmem:s22+$0x0] =	vst v35;
	s3 =	sor.u32 s31, s21  }
0x481: {  	s24 =	sor.u32 s10, s23;
	v35 =	vld.idx.msk [tilespmem:v52+s15+$0x0], $0xffff;
	[tilespmem:s3+$0x0] =	vst v37  }
0x482: {  	v56 =	vadd.s32 $0x2780, v28;
	s5 =	sor.u32 s8, s23;
	v37 =	vld.idx.msk [tilespmem:v53+s15+$0x0], $0xffff;
	[tilespmem:s24+$0x0] =	vst v39  }
0x483: {  	v57 =	vadd.s32 $0x2780, v27;
	v39 =	vld.idx.msk [tilespmem:v54+s15+$0x0], $0xffff;
	[tilespmem:s5+$0x0] =	vst v41  }
0x484: {  	v58 =	vadd.s32 $0x2780, v29;
	s6 =	sor.u32 $0xF180, s2;
	v41 =	vld.idx.msk [tilespmem:v55+s15+$0x0], $0xffff  }
0x485: {  	[tilespmem:s4+$0x0] =	vst v33;
	v59 =	vadd.s32 $0x2780, v30;
	s7 =	sor.u32 s0, s6  }
0x486: {  	s9 =	sor.u32 $0xF180, s11;
	[tilespmem:s7+$0x0] =	vst v35;
	s3 =	sor.u32 s31, s6  }
0x487: {  	s13 =	sor.u32 s10, s9;
	v45 =	vadd.s32 $0x4B00, v26;
	v36 =	vld.idx.msk [tilespmem:v56+s15+$0x0], $0xffff;
	[tilespmem:s3+$0x0] =	vst v37  }
0x488: {  	v61 =	vadd.s32 $0x4800, v28;
	s16 =	sor.u32 s8, s9;
	v38 =	vld.idx.msk [tilespmem:v57+s15+$0x0], $0xffff;
	[tilespmem:s13+$0x0] =	vst v39  }
0x489: {  	v62 =	vadd.s32 $0x4800, v27;
	v40 =	vld.idx.msk [tilespmem:v58+s15+$0x0], $0xffff;
	[tilespmem:s16+$0x0] =	vst v41  }
0x48a: {  	[tilespmem:s12+$0x0] =	vst v32;
	v63 =	vadd.s32 $0x4800, v29;
	s19 =	sor.u32 $0xF200, s2;
	v33 =	vld.idx.msk [tilespmem:v59+s15+$0x0], $0xffff  }
0x48b: {  	v31 =	vld.idx.msk [tilespmem:v31+s15+$0x0], $0xffff;
	[tilespmem:s26+$0x0] =	vst v34;
	v44 =	vadd.s32 $0x4800, v30;
	s21 =	sor.u32 s0, s19  }
0x48c: {  	v60 =	vadd.s32 $0x4880, v25;
	s22 =	sor.u32 $0xF200, s11;
	v49 =	vld.idx.msk [tilespmem:v45+s15+$0x0], $0xffff;
	[tilespmem:s21+$0x0] =	vst v36;
	s3 =	sor.u32 s31, s19  }
0x48d: {  	v26 =	vadd.s32 $0x4B80, v26;
	s23 =	sor.u32 s10, s22;
	v37 =	vld.idx.msk [tilespmem:v61+s15+$0x0], $0xffff;
	[tilespmem:s3+$0x0] =	vst v38  }
0x48e: {  	s4 =	sor.u32 s8, s22;
	v47 =	vadd.s32 $0x4880, v28;
	s24 =	sor.u32 $0x10300, s30;
	v39 =	vld.idx.msk [tilespmem:v62+s15+$0x0], $0xffff;
	[tilespmem:s23+$0x0] =	vst v40  }
0x48f: {  	v48 =	vadd.s32 $0x4880, v27;
	s26 =	sor.u32 s29, s24;
	v34 =	vld.idx.msk [tilespmem:v63+s15+$0x0], $0xffff;
	[tilespmem:s4+$0x0] =	vst v33  }
0x490: {  	s7 =	sor.u32 $0x10280, s2;
	[tilespmem:s26+$0x0] =	vst v31;
	v31 =	vadd.s32 $0x4880, v29;
	v32 =	vld.idx.msk [tilespmem:v44+s15+$0x0], $0xffff  }
0x491: {  	v35 =	vld.idx.msk [tilespmem:v60+s15+$0x0], $0xffff;
	s9 =	sor.u32 s0, s7;
	v50 =	vadd.s32 $0x4880, v30;
	[tilespmem:s1+$0x0] =	vst v49  }
0x492: {  	s12 =	sor.u32 $0x10280, s11;
	v46 =	vadd.s32 $0x4900, v24;
	v26 =	vld.idx.msk [tilespmem:v26+s15+$0x0], $0xffff;
	[tilespmem:s9+$0x0] =	vst v37;
	s3 =	sor.u32 s31, s7  }
0x493: {  	v51 =	vadd.s32 $0x4900, v25;
	s13 =	sor.u32 s10, s12;
	v37 =	vld.idx.msk [tilespmem:v47+s15+$0x0], $0xffff;
	[tilespmem:s3+$0x0] =	vst v39  }
0x494: {  	v52 =	vadd.s32 $0x4900, v28;
	s4 =	sor.u32 s8, s12;
	v39 =	vld.idx.msk [tilespmem:v48+s15+$0x0], $0xffff;
	[tilespmem:s13+$0x0] =	vst v34  }
0x495: {  	v53 =	vadd.s32 $0x4900, v27;
	s6 =	sor.u32 s28, s24;
	v31 =	vld.idx.msk [tilespmem:v31+s15+$0x0], $0xffff;
	[tilespmem:s4+$0x0] =	vst v32  }
0x496: {  	s21 =	sor.u32 $0x10300, s2;
	v54 =	vadd.s32 $0x4900, v29;
	[tilespmem:s6+$0x0] =	vst v35;
	v55 =	vld.idx.msk [tilespmem:v50+s15+$0x0], $0xffff  }
0x497: {  	s22 =	sor.u32 s0, s21;
	[tilespmem:s14+$0x0] =	vst v26;
	v36 =	vld.idx.msk [tilespmem:v46+s15+$0x0], $0xffff;
	v57 =	vadd.s32 $0x4900, v30  }
0x498: {  	s1 =	sor.u32 s31, s21;
	v56 =	vld.idx.msk [tilespmem:v51+s15+$0x0], $0xffff;
	v58 =	vadd.s32 $0x4980, v24;
	s23 =	sor.u32 $0x10300, s11;
	[tilespmem:s22+$0x0] =	vst v37  }
0x499: {  	v59 =	vadd.s32 $0x4980, v25;
	s24 =	sor.u32 s10, s23;
	v38 =	vld.idx.msk [tilespmem:v52+s15+$0x0], $0xffff;
	[tilespmem:s1+$0x0] =	vst v39  }
0x49a: {  	v60 =	vadd.s32 $0x4980, v28;
	s16 =	sor.u32 $0x10380, s30;
	s4 =	sor.u32 s8, s23;
	v34 =	vld.idx.msk [tilespmem:v53+s15+$0x0], $0xffff;
	[tilespmem:s24+$0x0] =	vst v31  }
0x49b: {  	s19 =	sor.u32 s29, s16;
	v31 =	vadd.s32 $0x4980, v27;
	v32 =	vld.idx.msk [tilespmem:v54+s15+$0x0], $0xffff;
	[tilespmem:s4+$0x0] =	vst v55  }
0x49c: {  	v61 =	vadd.s32 $0x4980, v29;
	s26 =	sor.u32 s28, s16;
	[tilespmem:s19+$0x0] =	vst v36;
	s3 =	sor.u32 $0x10380, s2;
	v62 =	vld.idx.msk [tilespmem:v57+s15+$0x0], $0xffff  }
0x49d: {  	v26 =	vadd.s32 $0x4980, v30;
	[tilespmem:s26+$0x0] =	vst v56;
	v63 =	vld.idx.msk [tilespmem:v58+s15+$0x0], $0xffff;
	s4 =	sor.u32 s0, s3  }
0x49e: {  	s5 =	sor.u32 $0x10380, s11;
	v37 =	vld.idx.msk [tilespmem:v59+s15+$0x0], $0xffff;
	v44 =	vadd.s32 $0x4A00, v24;
	s1 =	sor.u32 s31, s3;
	[tilespmem:s4+$0x0] =	vst v38  }
0x49f: {  	v45 =	vadd.s32 $0x4A00, v25;
	s6 =	sor.u32 s10, s5;
	[tilespmem:s1+$0x0] =	vst v34;
	v39 =	vld.idx.msk [tilespmem:v60+s15+$0x0], $0xffff  }
0x4a0: {  	v46 =	vadd.s32 $0x4A00, v28;
	s7 =	sadd.s32 $0x10400, s30;
	s3 =	sor.u32 s8, s5;
	v31 =	vld.idx.msk [tilespmem:v31+s15+$0x0], $0xffff;
	[tilespmem:s6+$0x0] =	vst v32  }
0x4a1: {  	v47 =	vadd.s32 $0x4A00, v27;
	s9 =	sor.u32 s29, s7;
	v33 =	vld.idx.msk [tilespmem:v61+s15+$0x0], $0xffff;
	[tilespmem:s3+$0x0] =	vst v62  }
0x4a2: {  	s12 =	sor.u32 s28, s7;
	v48 =	vadd.s32 $0x4A00, v29;
	[tilespmem:s9+$0x0] =	vst v63;
	s13 =	sadd.s32 $0x10400, s2;
	v26 =	vld.idx.msk [tilespmem:v26+s15+$0x0], $0xffff  }
0x4a3: {  	v49 =	vadd.s32 $0x4A00, v30;
	[tilespmem:s12+$0x0] =	vst v37;
	v36 =	vld.idx.msk [tilespmem:v44+s15+$0x0], $0xffff;
	s14 =	sor.u32 s0, s13  }
0x4a4: {  	s16 =	sadd.s32 $0x10400, s11;
	v50 =	vadd.s32 $0x4A80, v24;
	v38 =	vld.idx.msk [tilespmem:v45+s15+$0x0], $0xffff;
	s1 =	sor.u32 s31, s13;
	[tilespmem:s14+$0x0] =	vst v39  }
0x4a5: {  	v51 =	vadd.s32 $0x4A80, v25;
	s19 =	sor.u32 s10, s16;
	v34 =	vld.idx.msk [tilespmem:v46+s15+$0x0], $0xffff;
	[tilespmem:s1+$0x0] =	vst v31  }
0x4a6: {  	s21 =	sadd.s32 $0x10480, s30;
	s3 =	sor.u32 s8, s16;
	v31 =	vadd.s32 $0x4A80, v28;
	v32 =	vld.idx.msk [tilespmem:v47+s15+$0x0], $0xffff;
	[tilespmem:s19+$0x0] =	vst v33  }
0x4a7: {  	s22 =	sor.u32 s29, s21;
	v52 =	vadd.s32 $0x4A80, v27;
	v35 =	vld.idx.msk [tilespmem:v48+s15+$0x0], $0xffff;
	[tilespmem:s3+$0x0] =	vst v26  }
0x4a8: {  	s23 =	sor.u32 s28, s21;
	[tilespmem:s22+$0x0] =	vst v36;
	s24 =	sadd.s32 $0x10480, s2;
	v26 =	vadd.s32 $0x4A80, v29;
	v53 =	vld.idx.msk [tilespmem:v49+s15+$0x0], $0xffff  }
0x4a9: {  	v54 =	vld.idx.msk [tilespmem:v50+s15+$0x0], $0xffff;
	s26 =	sor.u32 s0, s24;
	v55 =	vadd.s32 $0x4A80, v30;
	[tilespmem:s23+$0x0] =	vst v38  }
0x4aa: {  	v56 =	vadd.s32 $0x4B00, v24;
	s4 =	sadd.s32 $0x10480, s11;
	v39 =	vld.idx.msk [tilespmem:v51+s15+$0x0], $0xffff;
	s3 =	sor.u32 s31, s24;
	[tilespmem:s26+$0x0] =	vst v34  }
0x4ab: {  	v57 =	vadd.s32 $0x4B00, v25;
	s5 =	sor.u32 s10, s4;
	v31 =	vld.idx.msk [tilespmem:v31+s15+$0x0], $0xffff;
	[tilespmem:s3+$0x0] =	vst v32  }
0x4ac: {  	v58 =	vadd.s32 $0x4B00, v28;
	s7 =	sor.u32 s8, s4;
	s6 =	sadd.s32 $0x10500, s30;
	v33 =	vld.idx.msk [tilespmem:v52+s15+$0x0], $0xffff;
	[tilespmem:s5+$0x0] =	vst v35  }
0x4ad: {  	v59 =	vadd.s32 $0x4B00, v27;
	s9 =	sor.u32 s29, s6;
	v26 =	vld.idx.msk [tilespmem:v26+s15+$0x0], $0xffff;
	[tilespmem:s7+$0x0] =	vst v53  }
0x4ae: {  	s13 =	sadd.s32 $0x10500, s2;
	v60 =	vadd.s32 $0x4B00, v29;
	s12 =	sor.u32 s28, s6;
	[tilespmem:s9+$0x0] =	vst v54;
	v61 =	vld.idx.msk [tilespmem:v55+s15+$0x0], $0xffff  }
0x4af: {  	v63 =	vadd.s32 $0x4B00, v30;
	s14 =	sor.u32 s0, s13;
	v62 =	vld.idx.msk [tilespmem:v56+s15+$0x0], $0xffff;
	[tilespmem:s12+$0x0] =	vst v39  }
0x4b0: {  	v24 =	vadd.s32 $0x4B80, v24;
	s16 =	sor.u32 s31, s13;
	s19 =	sadd.s32 $0x10500, s11;
	v34 =	vld.idx.msk [tilespmem:v57+s15+$0x0], $0xffff;
	[tilespmem:s14+$0x0] =	vst v31  }
0x4b1: {  	v25 =	vadd.s32 $0x4B80, v25;
	s21 =	sor.u32 s10, s19;
	v31 =	vld.idx.msk [tilespmem:v58+s15+$0x0], $0xffff;
	[tilespmem:s16+$0x0] =	vst v33  }
0x4b2: {  	s22 =	sadd.s32 $0x10580, s30;
	v28 =	vadd.s32 $0x4B80, v28;
	s23 =	sor.u32 s8, s19;
	v40 =	vld.idx.msk [tilespmem:v59+s15+$0x0], $0xffff;
	[tilespmem:s21+$0x0] =	vst v26  }
0x4b3: {  	s24 =	sor.u32 s29, s22;
	v26 =	vadd.s32 $0x4B80, v27;
	v27 =	vld.idx.msk [tilespmem:v60+s15+$0x0], $0xffff;
	[tilespmem:s23+$0x0] =	vst v61  }
0x4b4: {  	s4 =	sadd.s32 $0x10580, s2;
	v29 =	vadd.s32 $0x4B80, v29;
	s26 =	sor.u32 s28, s22;
	[tilespmem:s24+$0x0] =	vst v62;
	v41 =	vld.idx.msk [tilespmem:v63+s15+$0x0], $0xffff  }
0x4b5: {  	v30 =	vadd.s32 $0x4B80, v30;
	v24 =	vld.idx.msk [tilespmem:v24+s15+$0x0], $0xffff;
	s5 =	sor.u32 s0, s4;
	[tilespmem:s26+$0x0] =	vst v34  }
0x4b6: {  	s6 =	sadd.s32 $0x10580, s11;
	s3 =	sor.u32 s31, s4;
	v25 =	vld.idx.msk [tilespmem:v25+s15+$0x0], $0xffff;
	[tilespmem:s5+$0x0] =	vst v31  }
0x4b7: {  	s7 =	sor.u32 s10, s6;
	v28 =	vld.idx.msk [tilespmem:v28+s15+$0x0], $0xffff;
	[tilespmem:s3+$0x0] =	vst v40  }
0x4b8: {  	s9 =	sadd.s32 $0x10600, s30;
	s1 =	sor.u32 s8, s6;
	v26 =	vld.idx.msk [tilespmem:v26+s15+$0x0], $0xffff;
	[tilespmem:s7+$0x0] =	vst v27  }
0x4b9: {  	s12 =	sor.u32 s29, s9;
	v27 =	vld.idx.msk [tilespmem:v29+s15+$0x0], $0xffff;
	[tilespmem:s1+$0x0] =	vst v41  }
0x4ba: {  	s13 =	sor.u32 s28, s9;
	[tilespmem:s12+$0x0] =	vst v24;
	s14 =	sadd.s32 $0x10600, s2;
	v24 =	vld.idx.msk [tilespmem:v30+s15+$0x0], $0xffff  }
0x4bb: {  	s16 =	sor.u32 s0, s14;
	[tilespmem:s13+$0x0] =	vst v25  }
0x4bc: {  	s19 =	sor.u32 s31, s14;
	s21 =	sadd.s32 $0x10600, s11;
	[tilespmem:s16+$0x0] =	vst v28  }
0x4bd: {  	s22 =	sor.u32 s10, s21;
	[tilespmem:s19+$0x0] =	vst v26  }
0x4be: {  	s0 =	sor.u32 s8, s21;
	[tilespmem:s22+$0x0] =	vst v27  }
0x4bf: {  	[tilespmem:s0+$0x0] =	vst v24  }
0x4c0: {  	v24 =	vld [tilespmem:$0x200];
	_ =	sdelay $0x4  }
0x4c1: {  	v25 =	vshll.u32 v24, $0x3  }
0x4c2: {  	v24 =	vand.u32 $0x7F, v24;
	v25 =	vand.u32 $0xFFFFFC00, v25  }
0x4c3: {  	v24 =	vor.u32 v24, v25;
	_ =	sdelay $0x4  }
0x4c4: {  	v25 =	vld.idx.msk [tilespmem:v24+s15+$0x0], $0xffff  }
0x4c5: {  	v26 =	vor.u32 $0x80, v24;
	_ =	sdelay $0x3  }
0x4c6: {  	[tilespmem:v0+s18+$0x0] =	vst.idx.msk $0x1, v25  }
0x4c7: {  	v25 =	vld.idx.msk [tilespmem:v26+s15+$0x0], $0xffff  }
0x4c8: {  	v26 =	vor.u32 $0x100, v24;
	_ =	sdelay $0x3  }
0x4c9: {  	[tilespmem:v1+s18+$0x0] =	vst.idx.msk $0x1, v25  }
0x4ca: {  	v25 =	vld.idx.msk [tilespmem:v26+s15+$0x0], $0xffff  }
0x4cb: {  	v26 =	vor.u32 $0x180, v24;
	_ =	sdelay $0x3  }
0x4cc: {  	[tilespmem:v2+s18+$0x0] =	vst.idx.msk $0x1, v25  }
0x4cd: {  	v25 =	vld.idx.msk [tilespmem:v26+s15+$0x0], $0xffff  }
0x4ce: {  	v26 =	vor.u32 $0x200, v24;
	_ =	sdelay $0x3  }
0x4cf: {  	[tilespmem:v3+s18+$0x0] =	vst.idx.msk $0x1, v25  }
0x4d0: {  	v25 =	vld.idx.msk [tilespmem:v26+s15+$0x0], $0xffff  }
0x4d1: {  	v26 =	vor.u32 $0x280, v24;
	_ =	sdelay $0x3  }
0x4d2: {  	[tilespmem:v4+s18+$0x0] =	vst.idx.msk $0x1, v25  }
0x4d3: {  	v25 =	vld.idx.msk [tilespmem:v26+s15+$0x0], $0xffff  }
0x4d4: {  	v26 =	vor.u32 $0x300, v24;
	_ =	sdelay $0x3  }
0x4d5: {  	[tilespmem:v5+s18+$0x0] =	vst.idx.msk $0x1, v25  }
0x4d6: {  	v25 =	vld.idx.msk [tilespmem:v26+s15+$0x0], $0xffff  }
0x4d7: {  	v26 =	vor.u32 $0x380, v24;
	_ =	sdelay $0x3  }
0x4d8: {  	[tilespmem:v6+s18+$0x0] =	vst.idx.msk $0x1, v25  }
0x4d9: {  	v25 =	vld.idx.msk [tilespmem:v26+s15+$0x0], $0xffff  }
0x4da: {  	v26 =	vadd.s32 $0x2400, v24;
	_ =	sdelay $0x3  }
0x4db: {  	[tilespmem:v7+s18+$0x0] =	vst.idx.msk $0x1, v25  }
0x4dc: {  	v25 =	vld.idx.msk [tilespmem:v26+s15+$0x0], $0xffff  }
0x4dd: {  	v26 =	vadd.s32 $0x2480, v24;
	_ =	sdelay $0x3  }
0x4de: {  	[tilespmem:v8+s18+$0x0] =	vst.idx.msk $0x1, v25  }
0x4df: {  	v25 =	vld.idx.msk [tilespmem:v26+s15+$0x0], $0xffff  }
0x4e0: {  	v26 =	vadd.s32 $0x2500, v24;
	_ =	sdelay $0x3  }
0x4e1: {  	[tilespmem:v9+s18+$0x0] =	vst.idx.msk $0x1, v25  }
0x4e2: {  	v25 =	vld.idx.msk [tilespmem:v26+s15+$0x0], $0xffff  }
0x4e3: {  	v26 =	vadd.s32 $0x2580, v24;
	_ =	sdelay $0x3  }
0x4e4: {  	[tilespmem:v10+s18+$0x0] =	vst.idx.msk $0x1, v25  }
0x4e5: {  	v25 =	vld.idx.msk [tilespmem:v26+s15+$0x0], $0xffff  }
0x4e6: {  	v26 =	vadd.s32 $0x2600, v24;
	_ =	sdelay $0x3  }
0x4e7: {  	[tilespmem:v11+s18+$0x0] =	vst.idx.msk $0x1, v25  }
0x4e8: {  	v25 =	vld.idx.msk [tilespmem:v26+s15+$0x0], $0xffff  }
0x4e9: {  	v26 =	vadd.s32 $0x2680, v24;
	_ =	sdelay $0x3  }
0x4ea: {  	[tilespmem:v12+s18+$0x0] =	vst.idx.msk $0x1, v25  }
0x4eb: {  	v25 =	vld.idx.msk [tilespmem:v26+s15+$0x0], $0xffff  }
0x4ec: {  	v26 =	vadd.s32 $0x2700, v24;
	_ =	sdelay $0x3  }
0x4ed: {  	[tilespmem:v13+s18+$0x0] =	vst.idx.msk $0x1, v25  }
0x4ee: {  	v25 =	vld.idx.msk [tilespmem:v26+s15+$0x0], $0xffff  }
0x4ef: {  	v26 =	vadd.s32 $0x2780, v24;
	_ =	sdelay $0x3  }
0x4f0: {  	[tilespmem:v14+s18+$0x0] =	vst.idx.msk $0x1, v25  }
0x4f1: {  	v25 =	vld.idx.msk [tilespmem:v26+s15+$0x0], $0xffff  }
0x4f2: {  	v26 =	vadd.s32 $0x4800, v24;
	_ =	sdelay $0x3  }
0x4f3: {  	[tilespmem:v15+s18+$0x0] =	vst.idx.msk $0x1, v25  }
0x4f4: {  	v25 =	vld.idx.msk [tilespmem:v26+s15+$0x0], $0xffff  }
0x4f5: {  	v26 =	vadd.s32 $0x4880, v24;
	_ =	sdelay $0x3  }
0x4f6: {  	[tilespmem:v16+s18+$0x0] =	vst.idx.msk $0x1, v25  }
0x4f7: {  	v25 =	vld.idx.msk [tilespmem:v26+s15+$0x0], $0xffff  }
0x4f8: {  	v26 =	vadd.s32 $0x4900, v24;
	_ =	sdelay $0x3  }
0x4f9: {  	[tilespmem:v17+s18+$0x0] =	vst.idx.msk $0x1, v25  }
0x4fa: {  	v25 =	vld.idx.msk [tilespmem:v26+s15+$0x0], $0xffff  }
0x4fb: {  	v26 =	vadd.s32 $0x4980, v24;
	_ =	sdelay $0x3  }
0x4fc: {  	[tilespmem:v18+s18+$0x0] =	vst.idx.msk $0x1, v25  }
0x4fd: {  	v25 =	vld.idx.msk [tilespmem:v26+s15+$0x0], $0xffff  }
0x4fe: {  	v26 =	vadd.s32 $0x4A00, v24;
	_ =	sdelay $0x3  }
0x4ff: {  	[tilespmem:v19+s18+$0x0] =	vst.idx.msk $0x1, v25  }
0x500: {  	v25 =	vld.idx.msk [tilespmem:v26+s15+$0x0], $0xffff  }
0x501: {  	v26 =	vadd.s32 $0x4A80, v24;
	_ =	sdelay $0x3  }
0x502: {  	[tilespmem:v20+s18+$0x0] =	vst.idx.msk $0x1, v25  }
0x503: {  	v25 =	vld.idx.msk [tilespmem:v26+s15+$0x0], $0xffff  }
0x504: {  	v26 =	vadd.s32 $0x4B00, v24;
	_ =	sdelay $0x3  }
0x505: {  	[tilespmem:v21+s18+$0x0] =	vst.idx.msk $0x1, v25  }
0x506: {  	v25 =	vld.idx.msk [tilespmem:v26+s15+$0x0], $0xffff  }
0x507: {  	v24 =	vadd.s32 $0x4B80, v24;
	_ =	sdelay $0x3  }
0x508: {  	[tilespmem:v22+s18+$0x0] =	vst.idx.msk $0x1, v25  }
0x509: {  	s1 =	rddreg [dreg:$0x11];
	v24 =	vld.idx.msk [tilespmem:v24+s15+$0x0], $0xffff  }
0x50a: {  	s23 =	smul.u32 $0x7800, s25;
	s1 =	smin.u32 s1, $0x5  }
0x50b: {  	s24 =	rddreg [dreg:$0xb];
	s1 =	smul.u32 $0x18, s1  }
0x50c: {  	s26 =	rddreg [dreg:$0x2];
	s0 =	sadd.s32 s24, s23  }
0x50d: {  	s5 =	simm.s32 $0x2;
	s0 =	sshrl.u32 s0, $0x3;
	s1 =	sshrl.u32 s1, $0x3  }
0x50e: {  	s3 =	simm.s32 $0x0;
	s0 =	sadd.s32 s26, s0;
	s1 =	smul.u32 $0x2400, s1;
	[tilespmem:v23+s18+$0x0] =	vst.idx.msk $0x1, v24  }
0x50f: {  	[hbm4b:s0+s3] =	stream.linear.scatter [tilespmem:s18], [sflag:$0x3], $0x3C00, $0x38;
	[tilespmem:$0x15280] =	vst v63  }
0x510: {  	s4 =	rddreg [dreg:$0x5];
	_ =	swait.ge [sflag:s5], $0x6C00  }
0x511: {  	s0 =	sadd.s32 s4, s1;
	[sflag:s5] =	ssyncset.done $0x0  }
0x512: {  	s0 =	sadd.s32 $0xD800, s0;
	[sflag:s5] =	ssyncadd.s32 $0xFFFF9400  }
0x513: {  	s0 =	sshrl.u32 s0, $0x3;
	s1 =	rddreg [dreg:$0x0]  }
0x514: {  	s6 =	simm.s32 $0x0;
	s0 =	sadd.s32 s1, s0;
	s1 =	simm.s32 @!p0 $0x4  }
0x515: {  	[tilespmem:s15], [sflag:$0x1] =	stream.linear.gather [hbm4b:s0+s3], $0x6C00, $0x38;
	[tilespmem:$0x15280] =	vst v63  }
0x516: {  	s13 =	sand.u32 $0x60, s6;
	_ =	swait.ge @!p0 [sflag:s1], $0x3C00  }
0x517: {  	s14 =	sor.u32 $0x10, s13;
	s7 =	sand.u32 $0x180, s6;
	[sflag:s1] =	ssyncset.done @!p0 $0x0  }
0x518: {  	s8 =	sor.u32 s14, s7;
	[sflag:s1] =	ssyncadd.s32 @!p0 $0xFFFFC400  }
0x519: {  	v24 =	vld [tilespmem:s8+$0x0];
	_ =	sdelay $0x3  }
0x51a: {  	v25 =	vld [tilespmem:s6+$0x0]  }
0x51b: {  	v26 =	vshll.u32 v24, $0x3  }
0x51c: {  	v24 =	vand.u32 $0x7F, v24;
	v26 =	vand.u32 $0xFFFFFC00, v26  }
0x51d: {  	v31 =	vor.u32 v24, v26;
	_ =	sdelay $0x1  }
0x51e: {  	v24 =	vshll.u32 v25, $0x3  }
0x51f: {  	v25 =	vand.u32 $0x7F, v25;
	v24 =	vand.u32 $0xFFFFFC00, v24  }
0x520: {  	v26 =	vor.u32 v25, v24  }
0x521: {  	v24 =	vld.idx.msk [tilespmem:v31+s17+$0x0], $0xffff  }
0x522: {  	v25 =	vor.u32 $0x80, v31  }
0x523: {  	s21 =	sand.u32 $0xC00, s6  }
0x524: {  	s9 =	sadd.s32 $0x11680, s21  }
0x525: {  	s10 =	sor.u32 s14, s9;
	v27 =	vld.idx.msk [tilespmem:v26+s17+$0x0], $0xffff  }
0x526: {  	[tilespmem:s10+$0x0] =	vst v24;
	v24 =	vor.u32 $0x80, v26  }
0x527: {  	v25 =	vld.idx.msk [tilespmem:v25+s17+$0x0], $0xffff  }
0x528: {  	v28 =	vor.u32 $0x100, v31  }
0x529: {  	s1 =	sor.u32 s13, s9  }
0x52a: {  	[tilespmem:s1+$0x0] =	vst v27  }
0x52b: {  	v24 =	vld.idx.msk [tilespmem:v24+s17+$0x0], $0xffff  }
0x52c: {  	[tilespmem:s10+$0x80] =	vst v25;
	v25 =	vor.u32 $0x100, v26  }
0x52d: {  	v27 =	vld.idx.msk [tilespmem:v28+s17+$0x0], $0xffff  }
0x52e: {  	v28 =	vor.u32 $0x180, v31;
	_ =	sdelay $0x1  }
0x52f: {  	[tilespmem:s1+$0x80] =	vst v24  }
0x530: {  	v24 =	vld.idx.msk [tilespmem:v25+s17+$0x0], $0xffff  }
0x531: {  	v25 =	vor.u32 $0x180, v26;
	[tilespmem:s10+$0x100] =	vst v27  }
0x532: {  	v27 =	vld.idx.msk [tilespmem:v28+s17+$0x0], $0xffff  }
0x533: {  	v28 =	vor.u32 $0x200, v31;
	_ =	sdelay $0x1  }
0x534: {  	[tilespmem:s1+$0x100] =	vst v24  }
0x535: {  	v24 =	vld.idx.msk [tilespmem:v25+s17+$0x0], $0xffff  }
0x536: {  	v25 =	vor.u32 $0x200, v26;
	[tilespmem:s10+$0x180] =	vst v27  }
0x537: {  	v27 =	vld.idx.msk [tilespmem:v28+s17+$0x0], $0xffff  }
0x538: {  	s3 =	simm.s32 $0x20;
	v28 =	vor.u32 $0x280, v31  }
0x539: {  	s28 =	sand.u32 $0x60, s3  }
0x53a: {  	s11 =	sand.u32 $0x180, s3;
	s29 =	sor.u32 $0x10, s28;
	[tilespmem:s1+$0x180] =	vst v24  }
0x53b: {  	s4 =	sor.u32 s29, s11;
	v24 =	vld.idx.msk [tilespmem:v25+s17+$0x0], $0xffff  }
0x53c: {  	v29 =	vld [tilespmem:s4+$0x0];
	v25 =	vor.u32 $0x280, v26;
	[tilespmem:s10+$0x200] =	vst v27  }
0x53d: {  	v27 =	vld.idx.msk [tilespmem:v28+s17+$0x0], $0xffff  }
0x53e: {  	v28 =	vor.u32 $0x300, v31;
	_ =	sdelay $0x1  }
0x53f: {  	v30 =	vld [tilespmem:s3+$0x0];
	[tilespmem:s1+$0x200] =	vst v24  }
0x540: {  	v24 =	vshll.u32 v29, $0x3;
	v25 =	vld.idx.msk [tilespmem:v25+s17+$0x0], $0xffff  }
0x541: {  	v29 =	vand.u32 $0x7F, v29;
	v24 =	vand.u32 $0xFFFFFC00, v24;
	[tilespmem:s10+$0x280] =	vst v27;
	v27 =	vor.u32 $0x300, v26  }
0x542: {  	s12 =	sand.u32 $0x3, s6;
	v24 =	vor.u32 v29, v24;
	v28 =	vld.idx.msk [tilespmem:v28+s17+$0x0], $0xffff  }
0x543: {  	s2 =	sshll.u32 s12, $0x5;
	v42 =	vor.u32 $0x380, v31  }
0x544: {  	s2 =	sadd.s32 $0x0, s2;
	v29 =	vshll.u32 v30, $0x3  }
0x545: {  	s16 =	sadd.s32 $0x10, s2;
	v30 =	vand.u32 $0x7F, v30;
	v29 =	vand.u32 $0xFFFFFC00, v29;
	[tilespmem:s1+$0x280] =	vst v25  }
0x546: {  	s19 =	sor.u32 $0x300, s16;
	v25 =	vor.u32 v30, v29;
	v27 =	vld.idx.msk [tilespmem:v27+s17+$0x0], $0xffff  }
0x547: {  	v30 =	vld.idx.msk [tilespmem:v24+s17+$0x0], $0xffff;
	[tilespmem:s19+$0x11680] =	vst v28;
	v28 =	vor.u32 $0x380, v26  }
0x548: {  	s5 =	simm.s32 $0x100;
	v44 =	vor.u32 $0x80, v24;
	v29 =	vld.idx.msk [tilespmem:v42+s17+$0x0], $0xffff  }
0x549: {  	s30 =	sand.u32 $0xC00, s5;
	v43 =	vadd.s32 $0x2400, v31  }
0x54a: {  	s22 =	sor.u32 $0x300, s2;
	s23 =	sadd.s32 $0x11680, s30  }
0x54b: {  	s4 =	sor.u32 s29, s23;
	v45 =	vld.idx.msk [tilespmem:v25+s17+$0x0], $0xffff;
	[tilespmem:s22+$0x11680] =	vst v27  }
0x54c: {  	s24 =	sor.u32 $0x380, s16;
	[tilespmem:s4+$0x0] =	vst v30;
	v27 =	vld.idx.msk [tilespmem:v28+s17+$0x0], $0xffff;
	v28 =	vor.u32 $0x80, v25  }
0x54d: {  	v46 =	vld.idx.msk [tilespmem:v44+s17+$0x0], $0xffff;
	[tilespmem:s24+$0x11680] =	vst v29;
	v29 =	vadd.s32 $0x2400, v26  }
0x54e: {  	v48 =	vor.u32 $0x100, v24;
	v30 =	vld.idx.msk [tilespmem:v43+s17+$0x0], $0xffff  }
0x54f: {  	s0 =	sor.u32 s6, s6;
	s2 =	sor.u32 s28, s23;
	v47 =	vadd.s32 $0x2480, v31  }
0x550: {  	s0 =	sor.u32 $0x380, s0;
	[tilespmem:s2+$0x0] =	vst v45  }
0x551: {  	s26 =	sadd.s32 $0x12A80, s21;
	v28 =	vld.idx.msk [tilespmem:v28+s17+$0x0], $0xffff;
	[tilespmem:s0+$0x11680] =	vst v27  }
0x552: {  	s6 =	sor.u32 s14, s26;
	[tilespmem:s4+$0x80] =	vst v46;
	v27 =	vld.idx.msk [tilespmem:v29+s17+$0x0], $0xffff;
	v29 =	vor.u32 $0x100, v25  }
0x553: {  	v50 =	vld.idx.msk [tilespmem:v48+s17+$0x0], $0xffff;
	[tilespmem:s6+$0x0] =	vst v30;
	v30 =	vadd.s32 $0x2480, v26  }
0x554: {  	v52 =	vor.u32 $0x180, v24;
	v49 =	vld.idx.msk [tilespmem:v47+s17+$0x0], $0xffff  }
0x555: {  	v51 =	vadd.s32 $0x2500, v31  }
0x556: {  	s7 =	sor.u32 s13, s26;
	[tilespmem:s2+$0x80] =	vst v28  }
0x557: {  	s8 =	sadd.s32 $0x12B00, s21;
	v28 =	vld.idx.msk [tilespmem:v29+s17+$0x0], $0xffff;
	[tilespmem:s7+$0x0] =	vst v27  }
0x558: {  	s9 =	sor.u32 s14, s8;
	v29 =	vor.u32 $0x180, v25;
	[tilespmem:s4+$0x100] =	vst v50;
	v27 =	vld.idx.msk [tilespmem:v30+s17+$0x0], $0xffff  }
0x559: {  	v30 =	vadd.s32 $0x2500, v26;
	v33 =	vld.idx.msk [tilespmem:v52+s17+$0x0], $0xffff;
	[tilespmem:s9+$0x0] =	vst v49  }
0x55a: {  	v54 =	vor.u32 $0x200, v24;
	v32 =	vld.idx.msk [tilespmem:v51+s17+$0x0], $0xffff  }
0x55b: {  	v53 =	vadd.s32 $0x2580, v31  }
0x55c: {  	s10 =	sor.u32 s13, s8;
	[tilespmem:s2+$0x100] =	vst v28  }
0x55d: {  	s11 =	sadd.s32 $0x12B80, s21;
	v28 =	vld.idx.msk [tilespmem:v29+s17+$0x0], $0xffff;
	[tilespmem:s10+$0x0] =	vst v27  }
0x55e: {  	s12 =	sor.u32 s14, s11;
	v29 =	vor.u32 $0x200, v25;
	[tilespmem:s4+$0x180] =	vst v33;
	v27 =	vld.idx.msk [tilespmem:v30+s17+$0x0], $0xffff  }
0x55f: {  	v30 =	vadd.s32 $0x2580, v26;
	v33 =	vld.idx.msk [tilespmem:v54+s17+$0x0], $0xffff;
	[tilespmem:s12+$0x0] =	vst v32  }
0x560: {  	v56 =	vor.u32 $0x280, v24;
	v32 =	vld.idx.msk [tilespmem:v53+s17+$0x0], $0xffff  }
0x561: {  	v55 =	vadd.s32 $0x2600, v31  }
0x562: {  	s16 =	sor.u32 s13, s11;
	[tilespmem:s2+$0x180] =	vst v28  }
0x563: {  	s19 =	sadd.s32 $0x12C00, s21;
	v28 =	vld.idx.msk [tilespmem:v29+s17+$0x0], $0xffff;
	[tilespmem:s16+$0x0] =	vst v27  }
0x564: {  	s1 =	simm.s32 $0x40;
	s22 =	sor.u32 s14, s19;
	v29 =	vor.u32 $0x280, v25;
	[tilespmem:s4+$0x200] =	vst v33;
	v27 =	vld.idx.msk [tilespmem:v30+s17+$0x0], $0xffff  }
0x565: {  	s31 =	sand.u32 $0x60, s1;
	v30 =	vadd.s32 $0x2600, v26;
	v33 =	vld.idx.msk [tilespmem:v56+s17+$0x0], $0xffff;
	[tilespmem:s22+$0x0] =	vst v32  }
0x566: {  	v59 =	vor.u32 $0x300, v24;
	s23 =	sand.u32 $0x180, s1;
	s0 =	sor.u32 $0x10, s31;
	v32 =	vld.idx.msk [tilespmem:v55+s17+$0x0], $0xffff  }
0x567: {  	v58 =	vadd.s32 $0x2680, v31;
	v57 =	vld [tilespmem:s1+$0x0];
	s7 =	sor.u32 s0, s23  }
0x568: {  	s6 =	sor.u32 s13, s19;
	v60 =	vld [tilespmem:s7+$0x0];
	[tilespmem:s2+$0x200] =	vst v28  }
0x569: {  	s24 =	sadd.s32 $0x12C80, s21;
	v28 =	vld.idx.msk [tilespmem:v29+s17+$0x0], $0xffff;
	[tilespmem:s6+$0x0] =	vst v27  }
0x56a: {  	s8 =	simm.s32 $0x1;
	s26 =	sor.u32 s14, s24;
	[tilespmem:s4+$0x280] =	vst v33;
	v29 =	vld.idx.msk [tilespmem:v30+s17+$0x0], $0xffff;
	v30 =	vor.u32 $0x300, v25  }
0x56b: {  	v61 =	vadd.s32 $0x2680, v26;
	s4 =	sand.u32 $0x3, s8;
	v63 =	vld.idx.msk [tilespmem:v59+s17+$0x0], $0xffff;
	[tilespmem:s26+$0x0] =	vst v32  }
0x56c: {  	v42 =	vadd.s32 $0x2700, v31;
	v43 =	vor.u32 $0x380, v24;
	v27 =	vshll.u32 v57, $0x3;
	s4 =	sshll.u32 s4, $0x5;
	v62 =	vld.idx.msk [tilespmem:v58+s17+$0x0], $0xffff  }
0x56d: {  	v36 =	vand.u32 $0x7F, v57;
	v41 =	vshll.u32 v60, $0x3;
	v27 =	vand.u32 $0xFFFFFC00, v27;
	s10 =	sadd.s32 $0x100, s4  }
0x56e: {  	s9 =	sor.u32 s13, s24;
	v37 =	vand.u32 $0x7F, v60;
	v35 =	vand.u32 $0xFFFFFC00, v41;
	v27 =	vor.u32 v36, v27;
	s12 =	sadd.s32 $0x10, s10;
	[tilespmem:s2+$0x280] =	vst v28  }
0x56f: {  	s11 =	sadd.s32 $0x12D00, s21;
	s19 =	sor.u32 $0x300, s12;
	v28 =	vor.u32 v37, v35;
	v30 =	vld.idx.msk [tilespmem:v30+s17+$0x0], $0xffff;
	[tilespmem:s9+$0x0] =	vst v29  }
0x570: {  	v44 =	vor.u32 $0x380, v25;
	s16 =	sor.u32 s14, s11;
	[tilespmem:s19+$0x11680] =	vst v63;
	v29 =	vld.idx.msk [tilespmem:v61+s17+$0x0], $0xffff  }
0x571: {  	v45 =	vadd.s32 $0x2700, v26;
	v47 =	vld.idx.msk [tilespmem:v43+s17+$0x0], $0xffff;
	[tilespmem:s16+$0x0] =	vst v62  }
0x572: {  	v49 =	vadd.s32 $0x2400, v24;
	v46 =	vld.idx.msk [tilespmem:v42+s17+$0x0], $0xffff  }
0x573: {  	v48 =	vadd.s32 $0x2780, v31;
	s2 =	sor.u32 $0x300, s10;
	v50 =	vld.idx.msk [tilespmem:v27+s17+$0x0], $0xffff  }
0x574: {  	s22 =	sor.u32 s13, s11;
	s4 =	simm.s32 $0x200;
	v51 =	vor.u32 $0x80, v27;
	v37 =	vld.idx.msk [tilespmem:v28+s17+$0x0], $0xffff;
	[tilespmem:s2+$0x11680] =	vst v30  }
0x575: {  	s23 =	sadd.s32 $0x12D80, s21;
	s26 =	sor.u32 $0x380, s12;
	v30 =	vor.u32 $0x80, v28;
	s2 =	sand.u32 $0xC00, s4;
	[tilespmem:s22+$0x0] =	vst v29;
	v29 =	vld.idx.msk [tilespmem:v44+s17+$0x0], $0xffff  }
0x576: {  	s24 =	sor.u32 s14, s23;
	s9 =	sadd.s32 $0x11680, s2;
	[tilespmem:s26+$0x11680] =	vst v47;
	v33 =	vld.idx.msk [tilespmem:v45+s17+$0x0], $0xffff  }
0x577: {  	s5 =	sor.u32 s5, s3;
	v52 =	vadd.s32 $0x2400, v25;
	s3 =	sor.u32 s31, s9;
	v55 =	vld.idx.msk [tilespmem:v49+s17+$0x0], $0xffff;
	[tilespmem:s24+$0x0] =	vst v46  }
0x578: {  	v53 =	vadd.s32 $0x2780, v26;
	s6 =	sor.u32 s0, s9;
	[tilespmem:s3+$0x0] =	vst v50;
	v54 =	vld.idx.msk [tilespmem:v48+s17+$0x0], $0xffff  }
0x579: {  	s5 =	sor.u32 $0x380, s5;
	v56 =	vadd.s32 $0x4800, v31;
	[tilespmem:s6+$0x0] =	vst v37;
	v32 =	vld.idx.msk [tilespmem:v51+s17+$0x0], $0xffff  }
0x57a: {  	v57 =	vadd.s32 $0x2480, v24;
	s12 =	sadd.s32 $0x12A80, s30;
	s10 =	sor.u32 s13, s23;
	v30 =	vld.idx.msk [tilespmem:v30+s17+$0x0], $0xffff;
	[tilespmem:s5+$0x11680] =	vst v29  }
0x57b: {  	s11 =	sadd.s32 $0x12E00, s21;
	v59 =	vor.u32 $0x100, v27;
	s19 =	sor.u32 s29, s12;
	[tilespmem:s10+$0x0] =	vst v33  }
0x57c: {  	s16 =	sor.u32 s14, s11;
	v29 =	vor.u32 $0x100, v28;
	v58 =	vld.idx.msk [tilespmem:v52+s17+$0x0], $0xffff;
	[tilespmem:s19+$0x0] =	vst v55  }
0x57d: {  	v34 =	vld.idx.msk [tilespmem:v53+s17+$0x0], $0xffff;
	[tilespmem:s16+$0x0] =	vst v54  }
0x57e: {  	v60 =	vadd.s32 $0x2480, v25;
	[tilespmem:s3+$0x80] =	vst v32;
	v62 =	vld.idx.msk [tilespmem:v56+s17+$0x0], $0xffff  }
0x57f: {  	v61 =	vadd.s32 $0x4800, v26;
	[tilespmem:s6+$0x80] =	vst v30;
	v30 =	vld.idx.msk [tilespmem:v57+s17+$0x0], $0xffff  }
0x580: {  	s7 =	sor.u32 s28, s12;
	v63 =	vadd.s32 $0x4880, v31;
	v33 =	vld.idx.msk [tilespmem:v59+s17+$0x0], $0xffff  }
0x581: {  	v44 =	vadd.s32 $0x2500, v24;
	s22 =	sadd.s32 $0x13E80, s21;
	s5 =	sor.u32 s13, s11;
	s11 =	simm.s32 $0x60;
	v29 =	vld.idx.msk [tilespmem:v29+s17+$0x0], $0xffff;
	[tilespmem:s7+$0x0] =	vst v58  }
0x582: {  	s23 =	sadd.s32 $0x12B00, s30;
	v46 =	vor.u32 $0x180, v27;
	s24 =	sor.u32 s14, s22;
	v40 =	vld [tilespmem:s11+$0x0];
	[tilespmem:s5+$0x0] =	vst v34  }
0x583: {  	s26 =	sor.u32 s29, s23;
	v45 =	vor.u32 $0x180, v28;
	v39 =	vld.idx.msk [tilespmem:v60+s17+$0x0], $0xffff;
	[tilespmem:s24+$0x0] =	vst v62  }
0x584: {  	v47 =	vadd.s32 $0x2500, v25;
	v35 =	vld.idx.msk [tilespmem:v61+s17+$0x0], $0xffff;
	[tilespmem:s26+$0x0] =	vst v30  }
0x585: {  	v30 =	vadd.s32 $0x4880, v26;
	[tilespmem:s3+$0x100] =	vst v33;
	v32 =	vld.idx.msk [tilespmem:v63+s17+$0x0], $0xffff  }
0x586: {  	v48 =	vadd.s32 $0x4900, v31;
	[tilespmem:s6+$0x100] =	vst v29;
	v29 =	vld.idx.msk [tilespmem:v44+s17+$0x0], $0xffff  }
0x587: {  	v50 =	vadd.s32 $0x2580, v24;
	s7 =	sor.u32 s28, s23;
	v34 =	vld.idx.msk [tilespmem:v46+s17+$0x0], $0xffff  }
0x588: {  	s10 =	sadd.s32 $0x13F00, s21;
	v52 =	vor.u32 $0x200, v27;
	s5 =	sor.u32 s13, s22;
	v49 =	vld.idx.msk [tilespmem:v45+s17+$0x0], $0xffff;
	[tilespmem:s7+$0x0] =	vst v39  }
0x589: {  	s12 =	sadd.s32 $0x12B80, s30;
	v51 =	vor.u32 $0x200, v28;
	s16 =	sor.u32 s14, s10;
	v39 =	vld.idx.msk [tilespmem:v47+s17+$0x0], $0xffff;
	[tilespmem:s5+$0x0] =	vst v35  }
0x58a: {  	s19 =	sor.u32 s29, s12;
	v53 =	vadd.s32 $0x2580, v25;
	v30 =	vld.idx.msk [tilespmem:v30+s17+$0x0], $0xffff;
	[tilespmem:s16+$0x0] =	vst v32  }
0x58b: {  	[tilespmem:s19+$0x0] =	vst v29;
	v29 =	vadd.s32 $0x4900, v26;
	v32 =	vld.idx.msk [tilespmem:v48+s17+$0x0], $0xffff  }
0x58c: {  	v55 =	vadd.s32 $0x4980, v31;
	[tilespmem:s3+$0x180] =	vst v34;
	v54 =	vld.idx.msk [tilespmem:v50+s17+$0x0], $0xffff  }
0x58d: {  	v57 =	vadd.s32 $0x2600, v24;
	s5 =	sor.u32 s28, s12;
	[tilespmem:s6+$0x180] =	vst v49;
	v35 =	vld.idx.msk [tilespmem:v52+s17+$0x0], $0xffff  }
0x58e: {  	s22 =	sadd.s32 $0x13F80, s21;
	s7 =	sor.u32 s13, s10;
	v56 =	vld.idx.msk [tilespmem:v51+s17+$0x0], $0xffff;
	[tilespmem:s5+$0x0] =	vst v39  }
0x58f: {  	v58 =	vor.u32 $0x280, v28;
	s23 =	sadd.s32 $0x12C00, s30;
	s24 =	sor.u32 s14, s22;
	v39 =	vld.idx.msk [tilespmem:v53+s17+$0x0], $0xffff;
	[tilespmem:s7+$0x0] =	vst v30  }
0x590: {  	s26 =	sor.u32 s29, s23;
	v30 =	vor.u32 $0x280, v27;
	s7 =	sand.u32 $0x60, s11;
	v29 =	vld.idx.msk [tilespmem:v29+s17+$0x0], $0xffff;
	[tilespmem:s24+$0x0] =	vst v32  }
0x591: {  	v59 =	vadd.s32 $0x2600, v25;
	s12 =	sand.u32 $0x180, s11;
	s8 =	sor.u32 $0x10, s7;
	[tilespmem:s26+$0x0] =	vst v54;
	v32 =	vld.idx.msk [tilespmem:v55+s17+$0x0], $0xffff  }
0x592: {  	v60 =	vadd.s32 $0x4980, v26;
	s16 =	sor.u32 s8, s12;
	v33 =	vld.idx.msk [tilespmem:v57+s17+$0x0], $0xffff  }
0x593: {  	v62 =	vadd.s32 $0x4A00, v31;
	[tilespmem:s6+$0x200] =	vst v56;
	v47 =	vld [tilespmem:s16+$0x0]  }
0x594: {  	v45 =	vadd.s32 $0x2680, v24;
	s10 =	sor.u32 s28, s23;
	[tilespmem:s3+$0x200] =	vst v35;
	v61 =	vld.idx.msk [tilespmem:v58+s17+$0x0], $0xffff  }
0x595: {  	v46 =	vor.u32 $0x300, v28;
	s19 =	sor.u32 $0x14000, s21;
	s5 =	sor.u32 s13, s22;
	v63 =	vld.idx.msk [tilespmem:v30+s17+$0x0], $0xffff;
	[tilespmem:s10+$0x0] =	vst v39  }
0x596: {  	v43 =	vor.u32 $0x300, v27;
	s23 =	sadd.s32 $0x12C80, s30;
	s24 =	sor.u32 s14, s19;
	v41 =	vld.idx.msk [tilespmem:v59+s17+$0x0], $0xffff;
	[tilespmem:s5+$0x0] =	vst v29;
	v29 =	vshll.u32 v40, $0x3  }
0x597: {  	v48 =	vadd.s32 $0x2680, v25;
	s26 =	sor.u32 s29, s23;
	v30 =	vand.u32 $0x7F, v40;
	v29 =	vand.u32 $0xFFFFFC00, v29;
	v34 =	vld.idx.msk [tilespmem:v60+s17+$0x0], $0xffff;
	[tilespmem:s24+$0x0] =	vst v32  }
0x598: {  	v30 =	vor.u32 v30, v29;
	[tilespmem:s26+$0x0] =	vst v33;
	v32 =	vld.idx.msk [tilespmem:v62+s17+$0x0], $0xffff  }
0x599: {  	v49 =	vadd.s32 $0x4A00, v26;
	[tilespmem:s6+$0x280] =	vst v61;
	v33 =	vld.idx.msk [tilespmem:v45+s17+$0x0], $0xffff  }
0x59a: {  	v51 =	vadd.s32 $0x4A80, v31;
	s22 =	simm.s32 $0x2;
	s5 =	sor.u32 s28, s23;
	v29 =	vshll.u32 v47, $0x3;
	[tilespmem:s3+$0x280] =	vst v63;
	v50 =	vld.idx.msk [tilespmem:v46+s17+$0x0], $0xffff  }
0x59b: {  	v53 =	vadd.s32 $0x2700, v24;
	s16 =	sand.u32 $0x3, s22;
	v54 =	vand.u32 $0x7F, v47;
	v29 =	vand.u32 $0xFFFFFC00, v29;
	v52 =	vld.idx.msk [tilespmem:v43+s17+$0x0], $0xffff;
	[tilespmem:s5+$0x0] =	vst v41  }
0x59c: {  	s19 =	sor.u32 s13, s19;
	s6 =	sor.u32 $0x14080, s21;
	s3 =	sshll.u32 s16, $0x5;
	v29 =	vor.u32 v54, v29;
	v40 =	vld.idx.msk [tilespmem:v48+s17+$0x0], $0xffff  }
0x59d: {  	v55 =	vor.u32 $0x380, v28;
	s23 =	sadd.s32 $0x12D00, s30;
	s24 =	sor.u32 s14, s6;
	s3 =	sadd.s32 $0x200, s3;
	[tilespmem:s19+$0x0] =	vst v34;
	v43 =	vld.idx.msk [tilespmem:v30+s17+$0x0], $0xffff  }
0x59e: {  	v56 =	vor.u32 $0x380, v27;
	s26 =	sor.u32 s29, s23;
	s12 =	sadd.s32 $0x10, s3;
	v35 =	vld.idx.msk [tilespmem:v49+s17+$0x0], $0xffff;
	[tilespmem:s24+$0x0] =	vst v32  }
0x59f: {  	v57 =	vadd.s32 $0x2700, v25;
	s16 =	sor.u32 $0x300, s12;
	[tilespmem:s26+$0x0] =	vst v33;
	v58 =	vld.idx.msk [tilespmem:v51+s17+$0x0], $0xffff  }
0x5a0: {  	v60 =	vadd.s32 $0x4A80, v26;
	s3 =	sor.u32 $0x300, s3;
	[tilespmem:s16+$0x11680] =	vst v50;
	v59 =	vld.idx.msk [tilespmem:v53+s17+$0x0], $0xffff  }
0x5a1: {  	v62 =	vadd.s32 $0x4B00, v31;
	s19 =	sor.u32 s28, s23;
	v63 =	vld.idx.msk [tilespmem:v29+s17+$0x0], $0xffff;
	[tilespmem:s3+$0x11680] =	vst v52  }
0x5a2: {  	s9 =	sor.u32 $0x14100, s21;
	s6 =	sor.u32 s13, s6;
	v48 =	vadd.s32 $0x2780, v24;
	v61 =	vld.idx.msk [tilespmem:v55+s17+$0x0], $0xffff;
	s3 =	simm.s32 $0x300;
	[tilespmem:s19+$0x0] =	vst v40  }
0x5a3: {  	v44 =	vor.u32 $0x80, v29;
	s5 =	sadd.s32 $0x12D80, s30;
	s23 =	sor.u32 s14, s9;
	v34 =	vld.idx.msk [tilespmem:v56+s17+$0x0], $0xffff;
	s10 =	sand.u32 $0xC00, s3;
	[tilespmem:s6+$0x0] =	vst v35  }
0x5a4: {  	s24 =	sor.u32 s29, s5;
	v50 =	vor.u32 $0x80, v30;
	v45 =	vld.idx.msk [tilespmem:v57+s17+$0x0], $0xffff;
	s26 =	sadd.s32 $0x11680, s10;
	[tilespmem:s23+$0x0] =	vst v58  }
0x5a5: {  	v49 =	vadd.s32 $0x2400, v28;
	v32 =	vld.idx.msk [tilespmem:v60+s17+$0x0], $0xffff;
	s16 =	sor.u32 s8, s26;
	[tilespmem:s24+$0x0] =	vst v59  }
0x5a6: {  	v51 =	vadd.s32 $0x2400, v27;
	s19 =	sor.u32 s7, s26;
	[tilespmem:s16+$0x0] =	vst v63;
	v52 =	vld.idx.msk [tilespmem:v62+s17+$0x0], $0xffff  }
0x5a7: {  	s1 =	sor.u32 s4, s1;
	s12 =	sor.u32 $0x380, s12;
	v53 =	vadd.s32 $0x2780, v25;
	[tilespmem:s19+$0x0] =	vst v43;
	v54 =	vld.idx.msk [tilespmem:v48+s17+$0x0], $0xffff  }
0x5a8: {  	s1 =	sor.u32 $0x380, s1;
	v31 =	vadd.s32 $0x4B80, v31;
	[tilespmem:s12+$0x11680] =	vst v61;
	v56 =	vld.idx.msk [tilespmem:v44+s17+$0x0], $0xffff  }
0x5a9: {  	s5 =	sor.u32 s28, s5;
	v57 =	vadd.s32 $0x4800, v24;
	v58 =	vld.idx.msk [tilespmem:v50+s17+$0x0], $0xffff;
	[tilespmem:s1+$0x11680] =	vst v34;
	s1 =	sor.u32 $0x14180, s21  }
0x5aa: {  	s4 =	sadd.s32 $0x12E00, s30;
	v60 =	vor.u32 $0x100, v29;
	v55 =	vld.idx.msk [tilespmem:v49+s17+$0x0], $0xffff;
	[tilespmem:s5+$0x0] =	vst v45;
	s6 =	sor.u32 s14, s1  }
0x5ab: {  	v59 =	vadd.s32 $0x2480, v28;
	s12 =	sor.u32 s29, s4;
	v61 =	vld.idx.msk [tilespmem:v51+s17+$0x0], $0xffff;
	[tilespmem:s6+$0x0] =	vst v52  }
0x5ac: {  	v62 =	vor.u32 $0x100, v30;
	v37 =	vld.idx.msk [tilespmem:v53+s17+$0x0], $0xffff;
	[tilespmem:s12+$0x0] =	vst v54  }
0x5ad: {  	s23 =	sadd.s32 $0x12A80, s2;
	v63 =	vadd.s32 $0x2480, v27;
	[tilespmem:s16+$0x80] =	vst v56;
	v46 =	vld.idx.msk [tilespmem:v31+s17+$0x0], $0xffff  }
0x5ae: {  	v47 =	vadd.s32 $0x4800, v25;
	s24 =	sor.u32 s0, s23;
	[tilespmem:s19+$0x80] =	vst v58;
	v33 =	vld.idx.msk [tilespmem:v57+s17+$0x0], $0xffff  }
0x5af: {  	s26 =	sor.u32 s3, s11;
	s4 =	sor.u32 s28, s4;
	[tilespmem:s24+$0x0] =	vst v55;
	s24 =	sor.u32 s31, s23;
	v39 =	vld.idx.msk [tilespmem:v60+s17+$0x0], $0xffff  }
0x5b0: {  	s21 =	sor.u32 $0x14200, s21;
	s5 =	sor.u32 $0x380, s26;
	s1 =	sor.u32 s13, s1;
	v31 =	vadd.s32 $0x4880, v24;
	v35 =	vld.idx.msk [tilespmem:v59+s17+$0x0], $0xffff;
	[tilespmem:s24+$0x0] =	vst v61  }
0x5b1: {  	s26 =	sadd.s32 $0x13E80, s30;
	s6 =	simm.s32 $0x6;
	s12 =	sor.u32 s13, s9;
	v38 =	vld.idx.msk [tilespmem:v62+s17+$0x0], $0xffff;
	[tilespmem:s4+$0x0] =	vst v37;
	v37 =	vadd.s32 $0x2500, v28  }
0x5b2: {  	v40 =	vor.u32 $0x180, v29;
	s9 =	simm.s32 $0x80;
	s13 =	sor.u32 s13, s21;
	s21 =	sor.u32 s14, s21;
	v36 =	vld.idx.msk [tilespmem:v63+s17+$0x0], $0xffff  }
0x5b3: {  	v41 =	vor.u32 $0x180, v30;
	s14 =	sadd.s32 $0x12B00, s2;
	s23 =	sor.u32 s28, s26;
	s4 =	sor.u32 s29, s26;
	v34 =	vld.idx.msk [tilespmem:v47+s17+$0x0], $0xffff;
	[tilespmem:s21+$0x0] =	vst v46  }
.LBB2_11:
0x5b4: {  	v42 =	vld [tilespmem:s9+$0x0];
	s24 =	sor.u32 s31, s14;
	v43 =	vadd.s32 $0x2500, v27;
	s21 =	sor.u32 s0, s14;
	[tilespmem:s4+$0x0] =	vst v33;
	s14 =	smov.u32 s28  }
0x5b5: {  	v33 =	vadd.s32 $0x4880, v25;
	s28 =	smov.u32 s31;
	s31 =	smov.u32 s7;
	[tilespmem:s21+$0x0] =	vst v35;
	v31 =	vld.idx.msk [tilespmem:v31+s17+$0x0], $0xffff;
	s21 =	smov.u32 s29  }
0x5b6: {  	s4 =	smov.u32 s2;
	s29 =	smov.u32 s0;
	s0 =	smov.u32 s8;
	[tilespmem:s16+$0x100] =	vst v39;
	v35 =	vld.idx.msk [tilespmem:v37+s17+$0x0], $0xffff;
	v37 =	vadd.s32 $0x4B00, v26  }
0x5b7: {  	s2 =	smov.u32 s10;
	v39 =	vadd.s32 $0x4900, v24;
	[tilespmem:s19+$0x100] =	vst v38;
	v38 =	vld.idx.msk [tilespmem:v40+s17+$0x0], $0xffff  }
0x5b8: {  	v40 =	vld.idx.msk [tilespmem:v41+s17+$0x0], $0xffff;
	[tilespmem:s24+$0x0] =	vst v36;
	v36 =	vadd.s32 $0x2580, v28  }
0x5b9: {  	s7 =	sadd.s32 $0x13F00, s30;
	v41 =	vor.u32 $0x200, v29;
	v43 =	vld.idx.msk [tilespmem:v43+s17+$0x0], $0xffff;
	[tilespmem:s23+$0x0] =	vst v34  }
0x5ba: {  	s8 =	sadd.s32 $0x12B80, s4;
	s10 =	sor.u32 s14, s7;
	s7 =	sor.u32 s21, s7;
	v34 =	vor.u32 $0x200, v30;
	v33 =	vld.idx.msk [tilespmem:v33+s17+$0x0], $0xffff;
	[tilespmem:s12+$0x0] =	vst v32  }
0x5bb: {  	s12 =	sor.u32 s28, s8;
	v32 =	vadd.s32 $0x2580, v27;
	s8 =	sor.u32 s29, s8;
	[tilespmem:s7+$0x0] =	vst v31;
	v31 =	vld.idx.msk [tilespmem:v37+s17+$0x0], $0xffff  }
0x5bc: {  	[tilespmem:s8+$0x0] =	vst v35;
	v35 =	vadd.s32 $0x4900, v25;
	v37 =	vld.idx.msk [tilespmem:v39+s17+$0x0], $0xffff  }
0x5bd: {  	[tilespmem:s16+$0x180] =	vst v38;
	v36 =	vld.idx.msk [tilespmem:v36+s17+$0x0], $0xffff;
	v38 =	vadd.s32 $0x4B80, v26;
	v26 =	vmovc v25;
	v25 =	vmov v27;
	v27 =	vmov v30  }
0x5be: {  	v39 =	vadd.s32 $0x4980, v24;
	[tilespmem:s19+$0x180] =	vst v40;
	v30 =	vld.idx.msk [tilespmem:v41+s17+$0x0], $0xffff  }
0x5bf: {  	v40 =	vadd.s32 $0x2600, v28;
	v34 =	vld.idx.msk [tilespmem:v34+s17+$0x0], $0xffff;
	[tilespmem:s12+$0x0] =	vst v43  }
0x5c0: {  	s7 =	sadd.s32 $0x13F80, s30;
	v41 =	vor.u32 $0x280, v29;
	v32 =	vld.idx.msk [tilespmem:v32+s17+$0x0], $0xffff;
	[tilespmem:s10+$0x0] =	vst v33  }
0x5c1: {  	s8 =	sadd.s32 $0x12C00, s4;
	v33 =	vor.u32 $0x280, v27;
	s10 =	sor.u32 s14, s7;
	s7 =	sor.u32 s21, s7;
	v35 =	vld.idx.msk [tilespmem:v35+s17+$0x0], $0xffff;
	[tilespmem:s1+$0x0] =	vst v31  }
0x5c2: {  	s1 =	sor.u32 s28, s8;
	v31 =	vadd.s32 $0x2600, v25;
	s8 =	sor.u32 s29, s8;
	[tilespmem:s7+$0x0] =	vst v37;
	v37 =	vld.idx.msk [tilespmem:v38+s17+$0x0], $0xffff  }
0x5c3: {  	[tilespmem:s8+$0x0] =	vst v36;
	v36 =	vld.idx.msk [tilespmem:v39+s17+$0x0], $0xffff  }
0x5c4: {  	s11 =	sadd.s32 $0x20, s11;
	[tilespmem:s16+$0x200] =	vst v30;
	v38 =	vld.idx.msk [tilespmem:v40+s17+$0x0], $0xffff;
	v30 =	vadd.s32 $0x4980, v26  }
0x5c5: {  	s6 =	sadd.s32 $0x2, s6;
	s7 =	sand.u32 $0x60, s11;
	v39 =	vadd.s32 $0x4A00, v24;
	[tilespmem:s19+$0x200] =	vst v34;
	v34 =	vld.idx.msk [tilespmem:v41+s17+$0x0], $0xffff  }
0x5c6: {  	p0 =	slt.u32 s6, $0x1E;
	s12 =	sand.u32 $0x180, s11;
	s8 =	sor.u32 $0x10, s7;
	v33 =	vld.idx.msk [tilespmem:v33+s17+$0x0], $0xffff;
	[tilespmem:s1+$0x0] =	vst v32;
	v32 =	vadd.s32 $0x2680, v28  }
0x5c7: {  	v40 =	vor.u32 $0x300, v29;
	s1 =	sor.u32 s8, s12;
	v31 =	vld.idx.msk [tilespmem:v31+s17+$0x0], $0xffff;
	[tilespmem:s10+$0x0] =	vst v35;
	s10 =	sor.u32 $0x14000, s30  }
0x5c8: {  	v43 =	vor.u32 $0x300, v27;
	v35 =	vshll.u32 v42, $0x3;
	v41 =	vld [tilespmem:s1+$0x0];
	s1 =	sadd.s32 $0x12C80, s4;
	s12 =	sor.u32 s14, s10;
	s10 =	sor.u32 s21, s10;
	[tilespmem:s13+$0x0] =	vst v37  }
0x5c9: {  	v37 =	vand.u32 $0x7F, v42;
	v35 =	vand.u32 $0xFFFFFC00, v35;
	v42 =	vadd.s32 $0x2680, v25;
	s13 =	sor.u32 s28, s1;
	s1 =	sor.u32 s29, s1;
	v44 =	vld.idx.msk [tilespmem:v30+s17+$0x0], $0xffff;
	[tilespmem:s10+$0x0] =	vst v36  }
0x5ca: {  	v30 =	vor.u32 v37, v35;
	[tilespmem:s1+$0x0] =	vst v38;
	v35 =	vld.idx.msk [tilespmem:v39+s17+$0x0], $0xffff  }
0x5cb: {  	[tilespmem:s16+$0x280] =	vst v34;
	v32 =	vld.idx.msk [tilespmem:v32+s17+$0x0], $0xffff;
	v34 =	vadd.s32 $0x4A00, v26  }
0x5cc: {  	s22 =	sadd.s32 $0x1, s22;
	v36 =	vadd.s32 $0x4A80, v24;
	[tilespmem:s19+$0x280] =	vst v33;
	v33 =	vld.idx.msk [tilespmem:v40+s17+$0x0], $0xffff  }
0x5cd: {  	s1 =	sand.u32 $0x3, s22;
	v37 =	vshll.u32 v41, $0x3;
	v38 =	vld.idx.msk [tilespmem:v43+s17+$0x0], $0xffff;
	[tilespmem:s13+$0x0] =	vst v31;
	v31 =	vadd.s32 $0x2700, v28  }
0x5ce: {  	s10 =	sor.u32 $0x14080, s30;
	s1 =	sshll.u32 s1, $0x5;
	v40 =	vor.u32 $0x380, v29;
	v39 =	vand.u32 $0x7F, v41;
	v37 =	vand.u32 $0xFFFFFC00, v37;
	v41 =	vld.idx.msk [tilespmem:v42+s17+$0x0], $0xffff  }
0x5cf: {  	s1 =	sadd.s32 s1, s3;
	s13 =	sadd.s32 $0x12D00, s4;
	v42 =	vld.idx.msk [tilespmem:v30+s17+$0x0], $0xffff;
	v37 =	vor.u32 v39, v37;
	[tilespmem:s12+$0x0] =	vst v44;
	s12 =	sor.u32 s21, s10  }
0x5d0: {  	s16 =	sor.u32 $0x300, s1;
	s1 =	sadd.s32 $0x10, s1;
	s19 =	sor.u32 s29, s13;
	v39 =	vor.u32 $0x380, v27;
	v34 =	vld.idx.msk [tilespmem:v34+s17+$0x0], $0xffff;
	[tilespmem:s12+$0x0] =	vst v35  }
0x5d1: {  	s13 =	sor.u32 s28, s13;
	s10 =	sor.u32 s14, s10;
	s12 =	sor.u32 $0x300, s1;
	v35 =	vadd.s32 $0x2700, v25;
	[tilespmem:s19+$0x0] =	vst v32;
	v36 =	vld.idx.msk [tilespmem:v36+s17+$0x0], $0xffff  }
0x5d2: {  	v32 =	vadd.s32 $0x4A80, v26;
	[tilespmem:s12+$0x11680] =	vst v33;
	v31 =	vld.idx.msk [tilespmem:v31+s17+$0x0], $0xffff  }
0x5d3: {  	[tilespmem:s16+$0x11680] =	vst v38;
	v33 =	vld.idx.msk [tilespmem:v40+s17+$0x0], $0xffff;
	v38 =	vadd.s32 $0x4B00, v24  }
0x5d4: {  	v40 =	vld.idx.msk [tilespmem:v37+s17+$0x0], $0xffff;
	[tilespmem:s13+$0x0] =	vst v41;
	v41 =	vadd.s32 $0x2780, v28  }
0x5d5: {  	v43 =	vadd.s32 $0x2400, v29;
	s12 =	sor.u32 $0x14100, s30;
	v39 =	vld.idx.msk [tilespmem:v39+s17+$0x0], $0xffff  }
0x5d6: {  	s3 =	sadd.s32 $0x100, s3;
	v44 =	vor.u32 $0x80, v37;
	s16 =	sor.u32 s21, s12;
	s13 =	sadd.s32 $0x12D80, s4;
	v35 =	vld.idx.msk [tilespmem:v35+s17+$0x0], $0xffff;
	[tilespmem:s10+$0x0] =	vst v34  }
0x5d7: {  	s19 =	sor.u32 s3, s11;
	s23 =	sor.u32 s29, s13;
	s10 =	sand.u32 $0xC00, s3;
	v34 =	vor.u32 $0x80, v30;
	v32 =	vld.idx.msk [tilespmem:v32+s17+$0x0], $0xffff;
	[tilespmem:s16+$0x0] =	vst v36  }
0x5d8: {  	s1 =	sor.u32 $0x380, s1;
	s24 =	sor.u32 $0x380, s19;
	s16 =	sadd.s32 $0x11680, s10;
	v36 =	vadd.s32 $0x2400, v27;
	[tilespmem:s23+$0x0] =	vst v31;
	v31 =	vld.idx.msk [tilespmem:v38+s17+$0x0], $0xffff  }
0x5d9: {  	s19 =	sor.u32 s7, s16;
	s16 =	sor.u32 s8, s16;
	[tilespmem:s1+$0x11680] =	vst v33;
	s1 =	sor.u32 s28, s13;
	v33 =	vadd.s32 $0x2780, v25;
	v38 =	vld.idx.msk [tilespmem:v41+s17+$0x0], $0xffff  }
0x5da: {  	s12 =	sor.u32 s14, s12;
	v41 =	vadd.s32 $0x4B80, v24;
	v24 =	vmovc v28;
	v28 =	vmov v29;
	v29 =	vmov v37;
	[tilespmem:s16+$0x0] =	vst v40;
	v40 =	vld.idx.msk [tilespmem:v43+s17+$0x0], $0xffff  }
0x5db: {  	[tilespmem:s19+$0x0] =	vst v42;
	v37 =	vld.idx.msk [tilespmem:v44+s17+$0x0], $0xffff;
	v42 =	vadd.s32 $0x4800, v24  }
0x5dc: {  	s13 =	sor.u32 $0x14180, s30;
	v34 =	vld.idx.msk [tilespmem:v34+s17+$0x0], $0xffff;
	[tilespmem:s5+$0x11680] =	vst v39;
	v39 =	vadd.s32 $0x2480, v28;
	s5 =	smov.u32 s24  }
0x5dd: {  	s23 =	sadd.s32 $0x12E00, s4;
	v43 =	vor.u32 $0x100, v29;
	v36 =	vld.idx.msk [tilespmem:v36+s17+$0x0], $0xffff;
	[tilespmem:s1+$0x0] =	vst v35;
	s1 =	sor.u32 s14, s13;
	s13 =	sor.u32 s21, s13  }
0x5de: {  	s26 =	sor.u32 s28, s23;
	s23 =	sor.u32 s29, s23;
	v44 =	vor.u32 $0x100, v30;
	s24 =	sadd.s32 $0x12A80, s2;
	v45 =	vld.idx.msk [tilespmem:v33+s17+$0x0], $0xffff;
	[tilespmem:s13+$0x0] =	vst v31  }
0x5df: {  	v46 =	vadd.s32 $0x2480, v27;
	s13 =	sor.u32 s31, s24;
	s24 =	sor.u32 s0, s24;
	[tilespmem:s23+$0x0] =	vst v38;
	v47 =	vld.idx.msk [tilespmem:v41+s17+$0x0], $0xffff  }
0x5e0: {  	v48 =	vadd.s32 $0x4800, v25;
	[tilespmem:s24+$0x0] =	vst v40;
	v33 =	vld.idx.msk [tilespmem:v42+s17+$0x0], $0xffff  }
.Ltmp4:
0x5e1: {  	[tilespmem:s16+$0x80] =	vst v37;
	v35 =	vld.idx.msk [tilespmem:v39+s17+$0x0], $0xffff;
	(pc) =	sbr.rel @p0 .LBB2_11-.Ltmp4, $4  }
0x5e2: {  	v31 =	vadd.s32 $0x4880, v24;
	[tilespmem:s19+$0x80] =	vst v34;
	v39 =	vld.idx.msk [tilespmem:v43+s17+$0x0], $0xffff  }
0x5e3: {  	s9 =	sadd.s32 $0x20, s9;
	s23 =	sor.u32 $0x14200, s30;
	s30 =	smov.u32 s4;
	v37 =	vadd.s32 $0x2500, v28;
	v38 =	vld.idx.msk [tilespmem:v44+s17+$0x0], $0xffff;
	[tilespmem:s13+$0x0] =	vst v36  }
0x5e4: {  	v40 =	vor.u32 $0x180, v29;
	s4 =	sadd.s32 $0x13E80, s30;
	s21 =	sor.u32 s21, s23;
	s13 =	sor.u32 s14, s23;
	v36 =	vld.idx.msk [tilespmem:v46+s17+$0x0], $0xffff;
	[tilespmem:s26+$0x0] =	vst v45  }
0x5e5: {  	v41 =	vor.u32 $0x180, v30;
	s14 =	sadd.s32 $0x12B00, s2;
	s23 =	sor.u32 s28, s4;
	s4 =	sor.u32 s29, s4;
	v34 =	vld.idx.msk [tilespmem:v48+s17+$0x0], $0xffff;
	[tilespmem:s21+$0x0] =	vst v47  }
0x5e6: {  	_ =	sdelay $0x2  }
0x5e7: {  	[tilespmem:s16+$0x100] =	vst v39  }
0x5e8: {  	[tilespmem:s19+$0x100] =	vst v38;
	v56 =	vld.idx.msk [tilespmem:v40+s17+$0x0], $0xffff  }
0x5e9: {  	v58 =	vor.u32 $0x200, v29;
	v57 =	vld.idx.msk [tilespmem:v41+s17+$0x0], $0xffff  }
0x5ea: {  	v59 =	vor.u32 $0x200, v30;
	_ =	sdelay $0x2  }
0x5eb: {  	[tilespmem:s16+$0x180] =	vst v56  }
0x5ec: {  	[tilespmem:s19+$0x180] =	vst v57;
	v38 =	vld.idx.msk [tilespmem:v58+s17+$0x0], $0xffff  }
0x5ed: {  	v60 =	vor.u32 $0x280, v29;
	v39 =	vld.idx.msk [tilespmem:v59+s17+$0x0], $0xffff  }
0x5ee: {  	v61 =	vor.u32 $0x280, v30;
	_ =	sdelay $0x2  }
0x5ef: {  	[tilespmem:s16+$0x200] =	vst v38  }
0x5f0: {  	[tilespmem:s19+$0x200] =	vst v39;
	v38 =	vld.idx.msk [tilespmem:v60+s17+$0x0], $0xffff  }
0x5f1: {  	v62 =	vor.u32 $0x300, v29;
	v39 =	vld.idx.msk [tilespmem:v61+s17+$0x0], $0xffff  }
0x5f2: {  	v63 =	vor.u32 $0x300, v30;
	_ =	sdelay $0x2  }
0x5f3: {  	s6 =	sadd.s32 $0x1, s22;
	[tilespmem:s16+$0x280] =	vst v38  }
0x5f4: {  	s6 =	sand.u32 $0x3, s6;
	[tilespmem:s19+$0x280] =	vst v39;
	v38 =	vld.idx.msk [tilespmem:v62+s17+$0x0], $0xffff  }
0x5f5: {  	v44 =	vor.u32 $0x380, v29;
	s6 =	sshll.u32 s6, $0x5;
	v39 =	vld.idx.msk [tilespmem:v63+s17+$0x0], $0xffff  }
0x5f6: {  	v45 =	vor.u32 $0x380, v30;
	s3 =	sadd.s32 s6, s3  }
0x5f7: {  	s6 =	sadd.s32 $0x10, s3  }
0x5f8: {  	s9 =	sor.u32 $0x300, s6  }
0x5f9: {  	s3 =	sor.u32 $0x300, s3;
	[tilespmem:s9+$0x11680] =	vst v38  }
0x5fa: {  	[tilespmem:s3+$0x11680] =	vst v39;
	v38 =	vld.idx.msk [tilespmem:v44+s17+$0x0], $0xffff  }
0x5fb: {  	v46 =	vadd.s32 $0x2400, v29;
	v39 =	vld.idx.msk [tilespmem:v45+s17+$0x0], $0xffff  }
0x5fc: {  	v47 =	vadd.s32 $0x2400, v30;
	_ =	sdelay $0x1  }
0x5fd: {  	s19 =	sor.u32 $0x380, s6  }
0x5fe: {  	[tilespmem:s19+$0x11680] =	vst v38  }
0x5ff: {  	v38 =	vld.idx.msk [tilespmem:v46+s17+$0x0], $0xffff;
	[tilespmem:s5+$0x11680] =	vst v39  }
0x600: {  	v48 =	vadd.s32 $0x2480, v29;
	v49 =	vld.idx.msk [tilespmem:v47+s17+$0x0], $0xffff  }
0x601: {  	v50 =	vadd.s32 $0x2480, v30  }
0x602: {  	s21 =	sadd.s32 $0x12A80, s10  }
0x603: {  	s22 =	sor.u32 s8, s21  }
0x604: {  	s3 =	sor.u32 s7, s21;
	[tilespmem:s22+$0x0] =	vst v38  }
0x605: {  	v51 =	vadd.s32 $0x2500, v27;
	v39 =	vld.idx.msk [tilespmem:v48+s17+$0x0], $0xffff;
	[tilespmem:s3+$0x0] =	vst v49  }
0x606: {  	v52 =	vadd.s32 $0x2500, v29;
	v41 =	vld.idx.msk [tilespmem:v50+s17+$0x0], $0xffff  }
0x607: {  	s24 =	sor.u32 s0, s14;
	v42 =	vadd.s32 $0x2500, v30  }
0x608: {  	s26 =	sor.u32 s31, s14;
	[tilespmem:s24+$0x0] =	vst v35;
	s6 =	sadd.s32 $0x12B00, s10  }
0x609: {  	v35 =	vld.idx.msk [tilespmem:v37+s17+$0x0], $0xffff;
	[tilespmem:s26+$0x0] =	vst v36;
	s9 =	sor.u32 s8, s6  }
0x60a: {  	v53 =	vadd.s32 $0x2580, v28;
	v54 =	vld.idx.msk [tilespmem:v51+s17+$0x0], $0xffff;
	s3 =	sor.u32 s7, s6;
	[tilespmem:s9+$0x0] =	vst v39  }
0x60b: {  	v55 =	vadd.s32 $0x2580, v27;
	v39 =	vld.idx.msk [tilespmem:v52+s17+$0x0], $0xffff;
	[tilespmem:s3+$0x0] =	vst v41  }
0x60c: {  	s11 =	sadd.s32 $0x12B80, s2;
	v56 =	vadd.s32 $0x2580, v29;
	v41 =	vld.idx.msk [tilespmem:v42+s17+$0x0], $0xffff  }
0x60d: {  	s14 =	sor.u32 s0, s11;
	v57 =	vadd.s32 $0x2580, v30  }
0x60e: {  	[tilespmem:s14+$0x0] =	vst v35;
	s16 =	sadd.s32 $0x12B80, s10;
	s3 =	sor.u32 s31, s11  }
0x60f: {  	v35 =	vld.idx.msk [tilespmem:v53+s17+$0x0], $0xffff;
	s19 =	sor.u32 s8, s16;
	[tilespmem:s3+$0x0] =	vst v54  }
0x610: {  	v58 =	vadd.s32 $0x2600, v28;
	s5 =	sor.u32 s7, s16;
	v37 =	vld.idx.msk [tilespmem:v55+s17+$0x0], $0xffff;
	[tilespmem:s19+$0x0] =	vst v39  }
0x611: {  	v59 =	vadd.s32 $0x2600, v27;
	v39 =	vld.idx.msk [tilespmem:v56+s17+$0x0], $0xffff;
	[tilespmem:s5+$0x0] =	vst v41  }
0x612: {  	v60 =	vadd.s32 $0x2600, v29;
	s21 =	sadd.s32 $0x12C00, s2;
	v41 =	vld.idx.msk [tilespmem:v57+s17+$0x0], $0xffff  }
0x613: {  	v61 =	vadd.s32 $0x2600, v30;
	s22 =	sor.u32 s0, s21  }
0x614: {  	s24 =	sadd.s32 $0x12C00, s10;
	[tilespmem:s22+$0x0] =	vst v35;
	s3 =	sor.u32 s31, s21  }
0x615: {  	s26 =	sor.u32 s8, s24;
	v35 =	vld.idx.msk [tilespmem:v58+s17+$0x0], $0xffff;
	[tilespmem:s3+$0x0] =	vst v37  }
0x616: {  	v62 =	vadd.s32 $0x2680, v28;
	s5 =	sor.u32 s7, s24;
	v37 =	vld.idx.msk [tilespmem:v59+s17+$0x0], $0xffff;
	[tilespmem:s26+$0x0] =	vst v39  }
0x617: {  	v63 =	vadd.s32 $0x2680, v27;
	v39 =	vld.idx.msk [tilespmem:v60+s17+$0x0], $0xffff;
	[tilespmem:s5+$0x0] =	vst v41  }
0x618: {  	v45 =	vadd.s32 $0x2680, v29;
	s5 =	sadd.s32 $0x12C80, s2;
	v41 =	vld.idx.msk [tilespmem:v61+s17+$0x0], $0xffff  }
0x619: {  	v46 =	vadd.s32 $0x2680, v30;
	s6 =	sor.u32 s0, s5  }
0x61a: {  	s9 =	sadd.s32 $0x12C80, s10;
	s3 =	sor.u32 s31, s5;
	[tilespmem:s6+$0x0] =	vst v35  }
0x61b: {  	s11 =	sor.u32 s8, s9;
	[tilespmem:s3+$0x0] =	vst v37;
	v35 =	vld.idx.msk [tilespmem:v62+s17+$0x0], $0xffff  }
0x61c: {  	v47 =	vadd.s32 $0x2700, v28;
	s5 =	sor.u32 s7, s9;
	v37 =	vld.idx.msk [tilespmem:v63+s17+$0x0], $0xffff;
	[tilespmem:s11+$0x0] =	vst v39  }
0x61d: {  	v48 =	vadd.s32 $0x2700, v27;
	v39 =	vld.idx.msk [tilespmem:v45+s17+$0x0], $0xffff;
	[tilespmem:s5+$0x0] =	vst v41  }
0x61e: {  	s14 =	sadd.s32 $0x12D00, s2;
	v49 =	vadd.s32 $0x2700, v29;
	v41 =	vld.idx.msk [tilespmem:v46+s17+$0x0], $0xffff  }
0x61f: {  	s16 =	sor.u32 s0, s14;
	v50 =	vadd.s32 $0x2700, v30  }
0x620: {  	s19 =	sadd.s32 $0x12D00, s10;
	s3 =	sor.u32 s31, s14;
	[tilespmem:s16+$0x0] =	vst v35  }
0x621: {  	s21 =	sor.u32 s8, s19;
	v60 =	vadd.s32 $0x4B00, v26;
	[tilespmem:s3+$0x0] =	vst v37;
	v35 =	vld.idx.msk [tilespmem:v47+s17+$0x0], $0xffff  }
0x622: {  	v51 =	vadd.s32 $0x2780, v28;
	s22 =	sor.u32 s7, s19;
	v37 =	vld.idx.msk [tilespmem:v48+s17+$0x0], $0xffff;
	[tilespmem:s21+$0x0] =	vst v39  }
0x623: {  	v52 =	vadd.s32 $0x2780, v27;
	v39 =	vld.idx.msk [tilespmem:v49+s17+$0x0], $0xffff;
	[tilespmem:s22+$0x0] =	vst v41  }
0x624: {  	[tilespmem:s4+$0x0] =	vst v33;
	v53 =	vadd.s32 $0x2780, v29;
	s24 =	sadd.s32 $0x12D80, s2;
	v41 =	vld.idx.msk [tilespmem:v50+s17+$0x0], $0xffff  }
0x625: {  	[tilespmem:s12+$0x0] =	vst v32;
	v54 =	vadd.s32 $0x2780, v30;
	s26 =	sor.u32 s0, s24  }
0x626: {  	s5 =	sadd.s32 $0x12D80, s10;
	v45 =	vld.idx.msk [tilespmem:v60+s17+$0x0], $0xffff;
	s3 =	sor.u32 s31, s24;
	[tilespmem:s26+$0x0] =	vst v35  }
0x627: {  	v55 =	vadd.s32 $0x4880, v25;
	s6 =	sor.u32 s8, s5;
	[tilespmem:s3+$0x0] =	vst v37;
	v36 =	vld.idx.msk [tilespmem:v51+s17+$0x0], $0xffff  }
0x628: {  	v56 =	vadd.s32 $0x4800, v28;
	s9 =	sor.u32 s7, s5;
	v38 =	vld.idx.msk [tilespmem:v52+s17+$0x0], $0xffff;
	[tilespmem:s6+$0x0] =	vst v39  }
0x629: {  	v57 =	vadd.s32 $0x4800, v27;
	[tilespmem:s9+$0x0] =	vst v41;
	v40 =	vld.idx.msk [tilespmem:v53+s17+$0x0], $0xffff  }
0x62a: {  	[tilespmem:s23+$0x0] =	vst v34;
	v58 =	vadd.s32 $0x4800, v29;
	s11 =	sadd.s32 $0x12E00, s2;
	v33 =	vld.idx.msk [tilespmem:v54+s17+$0x0], $0xffff  }
0x62b: {  	v31 =	vld.idx.msk [tilespmem:v31+s17+$0x0], $0xffff;
	v59 =	vadd.s32 $0x4800, v30;
	s14 =	sor.u32 s0, s11;
	[tilespmem:s1+$0x0] =	vst v45  }
0x62c: {  	s16 =	sadd.s32 $0x12E00, s10;
	v35 =	vld.idx.msk [tilespmem:v55+s17+$0x0], $0xffff;
	s3 =	sor.u32 s31, s11;
	[tilespmem:s14+$0x0] =	vst v36  }
0x62d: {  	s19 =	sor.u32 s8, s16;
	v48 =	vadd.s32 $0x4B80, v26;
	[tilespmem:s3+$0x0] =	vst v38;
	v37 =	vld.idx.msk [tilespmem:v56+s17+$0x0], $0xffff  }
0x62e: {  	v62 =	vadd.s32 $0x4880, v28;
	s4 =	sor.u32 s7, s16;
	s21 =	sadd.s32 $0x13F00, s30;
	v39 =	vld.idx.msk [tilespmem:v57+s17+$0x0], $0xffff;
	[tilespmem:s19+$0x0] =	vst v40  }
0x62f: {  	v63 =	vadd.s32 $0x4880, v27;
	s22 =	sor.u32 s29, s21;
	[tilespmem:s4+$0x0] =	vst v33;
	v34 =	vld.idx.msk [tilespmem:v58+s17+$0x0], $0xffff  }
0x630: {  	s23 =	sadd.s32 $0x13E80, s2;
	v44 =	vadd.s32 $0x4880, v29;
	[tilespmem:s22+$0x0] =	vst v31;
	s3 =	sor.u32 s28, s21;
	v32 =	vld.idx.msk [tilespmem:v59+s17+$0x0], $0xffff  }
0x631: {  	v46 =	vadd.s32 $0x4880, v30;
	s24 =	sor.u32 s0, s23;
	[tilespmem:s3+$0x0] =	vst v35  }
0x632: {  	v61 =	vadd.s32 $0x4900, v24;
	s26 =	sadd.s32 $0x13E80, s10;
	v26 =	vld.idx.msk [tilespmem:v48+s17+$0x0], $0xffff;
	s4 =	sor.u32 s31, s23;
	[tilespmem:s24+$0x0] =	vst v37  }
0x633: {  	v47 =	vadd.s32 $0x4900, v25;
	s5 =	sor.u32 s8, s26;
	[tilespmem:s4+$0x0] =	vst v39;
	v37 =	vld.idx.msk [tilespmem:v62+s17+$0x0], $0xffff  }
0x634: {  	v49 =	vadd.s32 $0x4900, v28;
	s3 =	sor.u32 s7, s26;
	v33 =	vld.idx.msk [tilespmem:v63+s17+$0x0], $0xffff;
	[tilespmem:s5+$0x0] =	vst v34  }
0x635: {  	v50 =	vadd.s32 $0x4900, v27;
	v31 =	vld.idx.msk [tilespmem:v44+s17+$0x0], $0xffff;
	[tilespmem:s3+$0x0] =	vst v32  }
0x636: {  	s11 =	sadd.s32 $0x13F00, s2;
	v51 =	vadd.s32 $0x4900, v29;
	v35 =	vld.idx.msk [tilespmem:v46+s17+$0x0], $0xffff  }
0x637: {  	s12 =	sor.u32 s0, s11;
	v53 =	vadd.s32 $0x4900, v30;
	[tilespmem:s13+$0x0] =	vst v26;
	v36 =	vld.idx.msk [tilespmem:v61+s17+$0x0], $0xffff  }
0x638: {  	s1 =	sor.u32 s31, s11;
	v54 =	vadd.s32 $0x4980, v24;
	s14 =	sadd.s32 $0x13F00, s10;
	v52 =	vld.idx.msk [tilespmem:v47+s17+$0x0], $0xffff;
	[tilespmem:s12+$0x0] =	vst v37  }
0x639: {  	v55 =	vadd.s32 $0x4980, v25;
	s16 =	sor.u32 s8, s14;
	[tilespmem:s1+$0x0] =	vst v33;
	v38 =	vld.idx.msk [tilespmem:v49+s17+$0x0], $0xffff  }
0x63a: {  	s6 =	sadd.s32 $0x13F80, s30;
	v56 =	vadd.s32 $0x4980, v28;
	s19 =	sor.u32 s7, s14;
	v33 =	vld.idx.msk [tilespmem:v50+s17+$0x0], $0xffff;
	[tilespmem:s16+$0x0] =	vst v31  }
0x63b: {  	s9 =	sor.u32 s29, s6;
	v57 =	vadd.s32 $0x4980, v27;
	[tilespmem:s19+$0x0] =	vst v35;
	v32 =	vld.idx.msk [tilespmem:v51+s17+$0x0], $0xffff  }
0x63c: {  	s22 =	sadd.s32 $0x13F80, s2;
	s21 =	sor.u32 s28, s6;
	v58 =	vadd.s32 $0x4980, v29;
	[tilespmem:s9+$0x0] =	vst v36;
	v36 =	vld.idx.msk [tilespmem:v53+s17+$0x0], $0xffff  }
0x63d: {  	v60 =	vadd.s32 $0x4980, v30;
	s23 =	sor.u32 s0, s22;
	v59 =	vld.idx.msk [tilespmem:v54+s17+$0x0], $0xffff;
	[tilespmem:s21+$0x0] =	vst v52  }
0x63e: {  	v61 =	vadd.s32 $0x4A00, v24;
	s24 =	sadd.s32 $0x13F80, s10;
	v37 =	vld.idx.msk [tilespmem:v55+s17+$0x0], $0xffff;
	s1 =	sor.u32 s31, s22;
	[tilespmem:s23+$0x0] =	vst v38  }
0x63f: {  	v62 =	vadd.s32 $0x4A00, v25;
	s26 =	sor.u32 s8, s24;
	[tilespmem:s1+$0x0] =	vst v33;
	v31 =	vld.idx.msk [tilespmem:v56+s17+$0x0], $0xffff  }
0x640: {  	s4 =	sor.u32 $0x14000, s30;
	v63 =	vadd.s32 $0x4A00, v28;
	s3 =	sor.u32 s7, s24;
	v33 =	vld.idx.msk [tilespmem:v57+s17+$0x0], $0xffff;
	[tilespmem:s26+$0x0] =	vst v32  }
0x641: {  	s5 =	sor.u32 s29, s4;
	v44 =	vadd.s32 $0x4A00, v27;
	[tilespmem:s3+$0x0] =	vst v36;
	v35 =	vld.idx.msk [tilespmem:v58+s17+$0x0], $0xffff  }
0x642: {  	v45 =	vadd.s32 $0x4A00, v29;
	s6 =	sor.u32 $0x14000, s2;
	[tilespmem:s5+$0x0] =	vst v59;
	s1 =	sor.u32 s28, s4;
	v26 =	vld.idx.msk [tilespmem:v60+s17+$0x0], $0xffff  }
0x643: {  	s9 =	sor.u32 s0, s6;
	v46 =	vadd.s32 $0x4A00, v30;
	v39 =	vld.idx.msk [tilespmem:v61+s17+$0x0], $0xffff;
	[tilespmem:s1+$0x0] =	vst v37  }
0x644: {  	s11 =	sor.u32 $0x14000, s10;
	v47 =	vadd.s32 $0x4A80, v24;
	v38 =	vld.idx.msk [tilespmem:v62+s17+$0x0], $0xffff;
	s3 =	sor.u32 s31, s6;
	[tilespmem:s9+$0x0] =	vst v31  }
0x645: {  	v48 =	vadd.s32 $0x4A80, v25;
	s12 =	sor.u32 s8, s11;
	[tilespmem:s3+$0x0] =	vst v33;
	v32 =	vld.idx.msk [tilespmem:v63+s17+$0x0], $0xffff  }
0x646: {  	s13 =	sor.u32 $0x14080, s30;
	v49 =	vadd.s32 $0x4A80, v28;
	s1 =	sor.u32 s7, s11;
	v34 =	vld.idx.msk [tilespmem:v44+s17+$0x0], $0xffff;
	[tilespmem:s12+$0x0] =	vst v35  }
0x647: {  	s14 =	sor.u32 s29, s13;
	v50 =	vadd.s32 $0x4A80, v27;
	[tilespmem:s1+$0x0] =	vst v26;
	v35 =	vld.idx.msk [tilespmem:v45+s17+$0x0], $0xffff  }
0x648: {  	s16 =	sor.u32 s28, s13;
	s19 =	sor.u32 $0x14080, s2;
	v51 =	vadd.s32 $0x4A80, v29;
	[tilespmem:s14+$0x0] =	vst v39;
	v37 =	vld.idx.msk [tilespmem:v46+s17+$0x0], $0xffff  }
0x649: {  	v52 =	vadd.s32 $0x4A80, v30;
	s21 =	sor.u32 s0, s19;
	v39 =	vld.idx.msk [tilespmem:v47+s17+$0x0], $0xffff;
	[tilespmem:s16+$0x0] =	vst v38  }
0x64a: {  	v53 =	vadd.s32 $0x4B00, v24;
	s22 =	sor.u32 s31, s19;
	s23 =	sor.u32 $0x14080, s10;
	v31 =	vld.idx.msk [tilespmem:v48+s17+$0x0], $0xffff;
	[tilespmem:s21+$0x0] =	vst v32  }
0x64b: {  	v54 =	vadd.s32 $0x4B00, v25;
	s24 =	sor.u32 s8, s23;
	[tilespmem:s22+$0x0] =	vst v34;
	v33 =	vld.idx.msk [tilespmem:v49+s17+$0x0], $0xffff  }
0x64c: {  	v55 =	vadd.s32 $0x4B00, v28;
	s26 =	sor.u32 $0x14100, s30;
	s3 =	sor.u32 s7, s23;
	v26 =	vld.idx.msk [tilespmem:v50+s17+$0x0], $0xffff;
	[tilespmem:s24+$0x0] =	vst v35  }
0x64d: {  	v56 =	vadd.s32 $0x4B00, v27;
	s4 =	sor.u32 s29, s26;
	[tilespmem:s3+$0x0] =	vst v37;
	v36 =	vld.idx.msk [tilespmem:v51+s17+$0x0], $0xffff  }
0x64e: {  	s5 =	sor.u32 $0x14100, s2;
	v57 =	vadd.s32 $0x4B00, v29;
	[tilespmem:s4+$0x0] =	vst v39;
	s1 =	sor.u32 s28, s26;
	v38 =	vld.idx.msk [tilespmem:v52+s17+$0x0], $0xffff  }
0x64f: {  	s6 =	sor.u32 s0, s5;
	v58 =	vadd.s32 $0x4B00, v30;
	v39 =	vld.idx.msk [tilespmem:v53+s17+$0x0], $0xffff;
	[tilespmem:s1+$0x0] =	vst v31  }
0x650: {  	v59 =	vadd.s32 $0x4B80, v24;
	s11 =	sor.u32 $0x14100, s10;
	s9 =	sor.u32 s31, s5;
	v32 =	vld.idx.msk [tilespmem:v54+s17+$0x0], $0xffff;
	[tilespmem:s6+$0x0] =	vst v33  }
0x651: {  	v60 =	vadd.s32 $0x4B80, v25;
	s12 =	sor.u32 s8, s11;
	[tilespmem:s9+$0x0] =	vst v26;
	v33 =	vld.idx.msk [tilespmem:v55+s17+$0x0], $0xffff  }
0x652: {  	v61 =	vadd.s32 $0x4B80, v28;
	s13 =	sor.u32 $0x14180, s30;
	s3 =	sor.u32 s7, s11;
	v62 =	vld.idx.msk [tilespmem:v56+s17+$0x0], $0xffff;
	[tilespmem:s12+$0x0] =	vst v36  }
0x653: {  	s14 =	sor.u32 s29, s13;
	v63 =	vadd.s32 $0x4B80, v27;
	[tilespmem:s3+$0x0] =	vst v38;
	v36 =	vld.idx.msk [tilespmem:v57+s17+$0x0], $0xffff  }
0x654: {  	s16 =	sor.u32 $0x14180, s2;
	[tilespmem:s14+$0x0] =	vst v39;
	s1 =	sor.u32 s28, s13;
	v37 =	vadd.s32 $0x4B80, v29;
	v31 =	vld.idx.msk [tilespmem:v58+s17+$0x0], $0xffff  }
0x655: {  	s19 =	sor.u32 s0, s16;
	v24 =	vld.idx.msk [tilespmem:v59+s17+$0x0], $0xffff;
	[tilespmem:s1+$0x0] =	vst v32;
	v38 =	vadd.s32 $0x4B80, v30  }
0x656: {  	s21 =	sor.u32 $0x14180, s10;
	v25 =	vld.idx.msk [tilespmem:v60+s17+$0x0], $0xffff;
	s3 =	sor.u32 s31, s16;
	[tilespmem:s19+$0x0] =	vst v33  }
0x657: {  	s22 =	sor.u32 s8, s21;
	[tilespmem:s3+$0x0] =	vst v62;
	v26 =	vld.idx.msk [tilespmem:v61+s17+$0x0], $0xffff  }
0x658: {  	s23 =	sor.u32 $0x14200, s30;
	s1 =	sor.u32 s7, s21;
	v27 =	vld.idx.msk [tilespmem:v63+s17+$0x0], $0xffff;
	[tilespmem:s22+$0x0] =	vst v36  }
0x659: {  	s24 =	sor.u32 s29, s23;
	[tilespmem:s1+$0x0] =	vst v31;
	v39 =	vld.idx.msk [tilespmem:v37+s17+$0x0], $0xffff  }
0x65a: {  	s26 =	sor.u32 $0x14200, s2;
	[tilespmem:s24+$0x0] =	vst v24;
	s3 =	sor.u32 s28, s23;
	v40 =	vld.idx.msk [tilespmem:v38+s17+$0x0], $0xffff  }
0x65b: {  	s28 =	sor.u32 s0, s26;
	[tilespmem:s3+$0x0] =	vst v25  }
0x65c: {  	s29 =	sor.u32 $0x14200, s10;
	s1 =	sor.u32 s31, s26;
	[tilespmem:s28+$0x0] =	vst v26  }
0x65d: {  	s30 =	sor.u32 s8, s29;
	[tilespmem:s1+$0x0] =	vst v27  }
0x65e: {  	s0 =	sor.u32 s7, s29;
	[tilespmem:s30+$0x0] =	vst v39  }
0x65f: {  	[tilespmem:s0+$0x0] =	vst v40  }
0x660: {  	v24 =	vld [tilespmem:$0x200];
	_ =	sdelay $0x4  }
0x661: {  	v41 =	vshll.u32 v24, $0x3  }
0x662: {  	v24 =	vand.u32 $0x7F, v24;
	v25 =	vand.u32 $0xFFFFFC00, v41  }
0x663: {  	v24 =	vor.u32 v24, v25;
	_ =	sdelay $0x4  }
0x664: {  	v25 =	vld.idx.msk [tilespmem:v24+s17+$0x0], $0xffff  }
0x665: {  	v42 =	vor.u32 $0x80, v24;
	_ =	sdelay $0x3  }
0x666: {  	[tilespmem:v0+s20+$0x0] =	vst.idx.msk $0x1, v25  }
0x667: {  	v25 =	vld.idx.msk [tilespmem:v42+s17+$0x0], $0xffff  }
0x668: {  	v43 =	vor.u32 $0x100, v24;
	_ =	sdelay $0x3  }
0x669: {  	[tilespmem:v1+s20+$0x0] =	vst.idx.msk $0x1, v25  }
0x66a: {  	v25 =	vld.idx.msk [tilespmem:v43+s17+$0x0], $0xffff  }
0x66b: {  	v44 =	vor.u32 $0x180, v24;
	_ =	sdelay $0x3  }
0x66c: {  	[tilespmem:v2+s20+$0x0] =	vst.idx.msk $0x1, v25  }
0x66d: {  	v25 =	vld.idx.msk [tilespmem:v44+s17+$0x0], $0xffff  }
0x66e: {  	v45 =	vor.u32 $0x200, v24;
	_ =	sdelay $0x3  }
0x66f: {  	[tilespmem:v3+s20+$0x0] =	vst.idx.msk $0x1, v25  }
0x670: {  	v25 =	vld.idx.msk [tilespmem:v45+s17+$0x0], $0xffff  }
0x671: {  	v46 =	vor.u32 $0x280, v24;
	_ =	sdelay $0x3  }
0x672: {  	[tilespmem:v4+s20+$0x0] =	vst.idx.msk $0x1, v25  }
0x673: {  	v25 =	vld.idx.msk [tilespmem:v46+s17+$0x0], $0xffff  }
0x674: {  	v47 =	vor.u32 $0x300, v24;
	_ =	sdelay $0x3  }
0x675: {  	[tilespmem:v5+s20+$0x0] =	vst.idx.msk $0x1, v25  }
0x676: {  	v25 =	vld.idx.msk [tilespmem:v47+s17+$0x0], $0xffff  }
0x677: {  	v48 =	vor.u32 $0x380, v24;
	_ =	sdelay $0x3  }
0x678: {  	[tilespmem:v6+s20+$0x0] =	vst.idx.msk $0x1, v25  }
0x679: {  	v25 =	vld.idx.msk [tilespmem:v48+s17+$0x0], $0xffff  }
0x67a: {  	v49 =	vadd.s32 $0x2400, v24;
	_ =	sdelay $0x3  }
0x67b: {  	[tilespmem:v7+s20+$0x0] =	vst.idx.msk $0x1, v25  }
0x67c: {  	v25 =	vld.idx.msk [tilespmem:v49+s17+$0x0], $0xffff  }
0x67d: {  	v50 =	vadd.s32 $0x2480, v24;
	_ =	sdelay $0x3  }
0x67e: {  	[tilespmem:v8+s20+$0x0] =	vst.idx.msk $0x1, v25  }
0x67f: {  	v25 =	vld.idx.msk [tilespmem:v50+s17+$0x0], $0xffff  }
0x680: {  	v51 =	vadd.s32 $0x2500, v24;
	_ =	sdelay $0x3  }
0x681: {  	[tilespmem:v9+s20+$0x0] =	vst.idx.msk $0x1, v25  }
0x682: {  	v25 =	vld.idx.msk [tilespmem:v51+s17+$0x0], $0xffff  }
0x683: {  	v52 =	vadd.s32 $0x2580, v24;
	_ =	sdelay $0x3  }
0x684: {  	[tilespmem:v10+s20+$0x0] =	vst.idx.msk $0x1, v25  }
0x685: {  	v25 =	vld.idx.msk [tilespmem:v52+s17+$0x0], $0xffff  }
0x686: {  	v53 =	vadd.s32 $0x2600, v24;
	_ =	sdelay $0x3  }
0x687: {  	[tilespmem:v11+s20+$0x0] =	vst.idx.msk $0x1, v25  }
0x688: {  	v25 =	vld.idx.msk [tilespmem:v53+s17+$0x0], $0xffff  }
0x689: {  	v54 =	vadd.s32 $0x2680, v24;
	_ =	sdelay $0x3  }
0x68a: {  	[tilespmem:v12+s20+$0x0] =	vst.idx.msk $0x1, v25  }
0x68b: {  	v25 =	vld.idx.msk [tilespmem:v54+s17+$0x0], $0xffff  }
0x68c: {  	v55 =	vadd.s32 $0x2700, v24;
	_ =	sdelay $0x3  }
0x68d: {  	[tilespmem:v13+s20+$0x0] =	vst.idx.msk $0x1, v25  }
0x68e: {  	v25 =	vld.idx.msk [tilespmem:v55+s17+$0x0], $0xffff  }
0x68f: {  	v56 =	vadd.s32 $0x2780, v24;
	_ =	sdelay $0x3  }
0x690: {  	[tilespmem:v14+s20+$0x0] =	vst.idx.msk $0x1, v25  }
0x691: {  	v25 =	vld.idx.msk [tilespmem:v56+s17+$0x0], $0xffff  }
0x692: {  	v57 =	vadd.s32 $0x4800, v24;
	_ =	sdelay $0x3  }
0x693: {  	[tilespmem:v15+s20+$0x0] =	vst.idx.msk $0x1, v25  }
0x694: {  	v25 =	vld.idx.msk [tilespmem:v57+s17+$0x0], $0xffff  }
0x695: {  	v58 =	vadd.s32 $0x4880, v24;
	_ =	sdelay $0x3  }
0x696: {  	[tilespmem:v16+s20+$0x0] =	vst.idx.msk $0x1, v25  }
0x697: {  	v25 =	vld.idx.msk [tilespmem:v58+s17+$0x0], $0xffff  }
0x698: {  	v59 =	vadd.s32 $0x4900, v24;
	_ =	sdelay $0x3  }
0x699: {  	[tilespmem:v17+s20+$0x0] =	vst.idx.msk $0x1, v25  }
0x69a: {  	v25 =	vld.idx.msk [tilespmem:v59+s17+$0x0], $0xffff  }
0x69b: {  	v60 =	vadd.s32 $0x4980, v24;
	_ =	sdelay $0x3  }
0x69c: {  	[tilespmem:v18+s20+$0x0] =	vst.idx.msk $0x1, v25  }
0x69d: {  	v25 =	vld.idx.msk [tilespmem:v60+s17+$0x0], $0xffff  }
0x69e: {  	v61 =	vadd.s32 $0x4A00, v24;
	_ =	sdelay $0x3  }
0x69f: {  	[tilespmem:v19+s20+$0x0] =	vst.idx.msk $0x1, v25  }
0x6a0: {  	v25 =	vld.idx.msk [tilespmem:v61+s17+$0x0], $0xffff  }
0x6a1: {  	v62 =	vadd.s32 $0x4A80, v24;
	_ =	sdelay $0x3  }
0x6a2: {  	[tilespmem:v20+s20+$0x0] =	vst.idx.msk $0x1, v25  }
0x6a3: {  	v25 =	vld.idx.msk [tilespmem:v62+s17+$0x0], $0xffff  }
0x6a4: {  	v63 =	vadd.s32 $0x4B00, v24;
	_ =	sdelay $0x3  }
0x6a5: {  	[tilespmem:v21+s20+$0x0] =	vst.idx.msk $0x1, v25  }
0x6a6: {  	v25 =	vld.idx.msk [tilespmem:v63+s17+$0x0], $0xffff  }
0x6a7: {  	v24 =	vadd.s32 $0x4B80, v24;
	_ =	sdelay $0x3  }
0x6a8: {  	[tilespmem:v22+s20+$0x0] =	vst.idx.msk $0x1, v25  }
0x6a9: {  	s25 =	sadd.s32 $0x1, s25;
	s0 =	rddreg [dreg:$0xf];
	v24 =	vld.idx.msk [tilespmem:v24+s17+$0x0], $0xffff  }
0x6aa: {  	p0 =	sne.s32 s25, $0x4;
	s0 =	smul.u32 $0x1400, s0  }
.Ltmp5:
0x6ab: {  	s1 =	rddreg [dreg:$0xb];
	(pc) =	sbr.rel @p0 .LBB2_8-.Ltmp5, $4  }
0x6ac: {  	s0 =	sadd.s32 s1, s0  }
0x6ad: {  	s31 =	rddreg [dreg:$0x2];
	s0 =	sshrl.u32 s0, $0x3  }
0x6ae: {  	s8 =	simm.s32 $0x0;
	s0 =	sadd.s32 s31, s0;
	[tilespmem:v23+s20+$0x0] =	vst.idx.msk $0x1, v24  }
0x6af: {  	[hbm4b:s0+s8] =	stream.linear.scatter [tilespmem:s20], [sflag:$0x4], $0x3C00, $0x38;
	[tilespmem:$0x15280] =	vst v63  }
0x6b0: {  	s0 =	simm.s32 $0x1  }
0x6b1: {  	_ =	swait.ge [sflag:s0], $0x6C00  }
0x6b2: {  	[sflag:s0] =	ssyncset.done $0x0  }
0x6b3: {  	s30 =	simm.s32 $0x3;
	[sflag:s0] =	ssyncadd.s32 $0xFFFF9400  }
0x6b4: {  	_ =	swait.ge [sflag:s30], $0x3C00  }
0x6b5: {  	[sflag:s30] =	ssyncset.done $0x0  }
0x6b6: {  	s1 =	simm.s32 $0x4;
	[sflag:s30] =	ssyncadd.s32 $0xFFFFC400  }
0x6b7: {  	_ =	swait.ge [sflag:s1], $0x3C00  }
0x6b8: {  	s2 =	rddreg [dreg:$0xd]  }
0x6b9: {  	s31 =	rddreg [dreg:$0xc];
	s2 =	sadd.s32 $0x1, s2  }
0x6ba: {  	p0 =	sne.s32 s2, s31  }
.Ltmp6:
0x6bb: {  	_ = 	snop;
	(pc) =	sbr.rel @p0 .LBB2_1-.Ltmp6, $3  }
0x6bc: {  	_ =	sdelay $0x1  }
0x6bd: {  	[sflag:s1] =	ssyncset.done $0x0  }
0x6be: {  	[sflag:s1] =	ssyncadd.s32 $0xFFFFC400  }
0x6bf: {  	_ =	sfence.sel $0x180000  }
0x6c0: {  	[bflag:$0x0] =	sbarrier.arrive $0xFFFF  }
0x6c1: {  	_ =	strace $0x90000047  }
0x6c2: {  	s0 =	stileid.u32;
	[bflag:$0x2] =	sbarrier.arrive $0xFFFF  }
0x6c3: {  	p0 =	sne.s32 s0, $0x0;
	s0 =	rddreg [dreg:$0x3]  }
0x6c4: {  	s0 =	sadd.s32 @!p0 $0x100000, s0  }
0x6c5: {  	[sflag:s0] =	ssyncadd.tile.s32 @!p0 $0x1;
	_ =	shalt  }
.Lfunc_end2:
_tile_overlayer_lowered:
.L_overlay_start_2:
0x6c6: {  	(tag) =	ssettag $0x2  }
0x6c7: {  	s0 =	rddreg [dreg:$0x0];
	s2 =	stileid.u32  }
0x6c8: {  	s1 =	rddreg [dreg:$0x1];
	p0 =	sne.s32 s2, $0x0  }
0x6c9: {  	s3 =	rddreg [dreg:$0x2];
	[bflag:$0x3] =	sbarrier.arrive $0xFFFF;
	s2 =	simm.s32 @!p0 $0x1C05  }
0x6ca: {  	[timem:s3], [sflag:s2] =	dma.local @!p0 [hbm:s0], s1  }
0x6cb: {  	s0 =	simm.s32 @!p0 $0x5  }
0x6cc: {  	_ =	swait.ge @!p0 [sflag:s0], s1  }
0x6cd: {  	s1 =	ssub.s32 @!p0 $0x0, s1;
	[sflag:s0] =	ssyncset.done @!p0 $0x0  }
0x6ce: {  	[sflag:s0] =	ssyncadd.s32 @!p0 s1  }
0x6cf: {  	[bflag:$0x3] =	sbarrier.arrive $0xFFFF  }
0x6d0: {  	_ =	shalt  }

</sc_bundles>
